<compile_context>
chip_gen: v7x
topology: tpu7x:2x2x1
jax: 0.10.2.dev20260603
libtpu: 0.0.44.dev20260713+nightly
codegen_flags: <defaults>
</compile_context>

<pallas_src>
import functools

import jax
import jax.numpy as jnp
from jax import lax
from jax.experimental import pallas as pl
from jax.experimental.pallas import tpu as pltpu
from jax.experimental.pallas import tpu_sc as plsc

N = 10000
E = 320000
H = 128
OUT = 128
L = 3
G = 64
VPAD = 104

NC = 2
NS = 16
NW = NC * NS
FPT = H // NW
CH = 1024
NCH = E // CH
NG = CH // 16

_F32 = jnp.float32



def _feat_major(x, w, b_col):
    r = lax.dot_general(w, x, (((0,), (1,)), ((), ())),
                        preferred_element_type=jnp.float32)
    return r if b_col is None else r + b_col


def _tc_init_body(z_ref, emb_ref, w1a_ref, w1b_ref, b1_ref,
                  h_ref, at_ref, bt_ref):
    iota = lax.broadcasted_iota(jnp.int32, (N, VPAD), 1)
    oh = (z_ref[...] == iota).astype(jnp.float32)
    h = jnp.dot(oh, emb_ref[...], preferred_element_type=jnp.float32)
    h_ref[...] = h
    at_ref[...] = _feat_major(h, w1a_ref[...], b1_ref[...])
    bt_ref[...] = _feat_major(h, w1b_ref[...], None)


def _tc_update_core(h, st_ref, deg_ref, w2_ref, b2_ref, u1a_ref, u1b_ref,
                    ub1_ref, u2_ref, ub2_ref):
    agg = lax.dot_general(st_ref[...], w2_ref[...], (((0,), (0,)), ((), ())),
                          preferred_element_type=jnp.float32)
    deg_col = lax.dot_general(deg_ref[...], jnp.ones((NW, 1), jnp.float32),
                              (((0,), (0,)), ((), ())),
                              preferred_element_type=jnp.float32)
    agg = agg + deg_col * b2_ref[...]
    t = jnp.maximum(
        jnp.dot(h, u1a_ref[...], preferred_element_type=jnp.float32)
        + jnp.dot(agg, u1b_ref[...], preferred_element_type=jnp.float32)
        + ub1_ref[...], 0.0)
    return h + jnp.dot(t, u2_ref[...],
                       preferred_element_type=jnp.float32) + ub2_ref[...]


def _tc_update_body(h_ref, st_ref, deg_ref, w2_ref, b2_ref, u1a_ref, u1b_ref,
                    ub1_ref, u2_ref, ub2_ref, w1a_ref, w1b_ref, b1_ref,
                    hn_ref, at_ref, bt_ref):
    hn = _tc_update_core(h_ref[...], st_ref, deg_ref, w2_ref, b2_ref,
                         u1a_ref, u1b_ref, ub1_ref, u2_ref, ub2_ref)
    hn_ref[...] = hn
    at_ref[...] = _feat_major(hn, w1a_ref[...], b1_ref[...])
    bt_ref[...] = _feat_major(hn, w1b_ref[...], None)


def _tc_final_body(h_ref, st_ref, deg_ref, w2_ref, b2_ref, u1a_ref, u1b_ref,
                   ub1_ref, u2_ref, ub2_ref, batch_ref, hw1_ref, hb1_ref,
                   hw2_ref, hb2_ref, out_ref):
    hn = _tc_update_core(h_ref[...], st_ref, deg_ref, w2_ref, b2_ref,
                         u1a_ref, u1b_ref, ub1_ref, u2_ref, ub2_ref)
    iota = lax.broadcasted_iota(jnp.int32, (N, G), 1)
    oh = (batch_ref[...] == iota).astype(jnp.float32)
    dimnum = (((0,), (0,)), ((), ()))
    pooled = lax.dot_general(oh, hn, dimnum,
                             preferred_element_type=jnp.float32)
    cnt = lax.dot_general(oh, jnp.ones((N, 1), jnp.float32), dimnum,
                          preferred_element_type=jnp.float32)
    pm = pooled / jnp.maximum(cnt, 1.0)
    t = jnp.maximum(
        jnp.dot(pm, hw1_ref[...], preferred_element_type=jnp.float32)
        + hb1_ref[...], 0.0)
    out_ref[...] = jnp.dot(t, hw2_ref[...],
                           preferred_element_type=jnp.float32) + hb2_ref[...]


_nd = jax.ShapeDtypeStruct((N, H), _F32)
_fm = jax.ShapeDtypeStruct((H, N), _F32)

_tc_init = pl.pallas_call(_tc_init_body, out_shape=[_nd, _fm, _fm])
_tc_update = pl.pallas_call(_tc_update_body, out_shape=[_nd, _fm, _fm])
_tc_final = pl.pallas_call(_tc_final_body,
                           out_shape=jax.ShapeDtypeStruct((G, OUT), _F32))



def _sc_edge_body(a3_hbm, b3_hbm, src_hbm, dst_hbm, ea_hbm, w1e_hbm,
                  st_out,
                  idx_sv, idx_dv, ea_v, a_rows, b_rows, acc, w1e_v,
                  sem0, sem1):
    c = lax.axis_index("c")
    s = lax.axis_index("s")
    wid = s * NC + c
    zero16 = jnp.zeros((16,), _F32)
    one16 = jnp.ones((16,), _F32)
    sems = [sem0, sem1]

    def zrow(i, _):
        for f in range(FPT):
            acc[f, pl.ds(i * 16, 16)] = zero16
        return 0
    lax.fori_loop(0, N // 16, zrow, 0)

    pltpu.sync_copy(a3_hbm.at[wid], a_rows)
    pltpu.sync_copy(b3_hbm.at[wid], b_rows)
    pltpu.sync_copy(w1e_hbm, w1e_v)
    w1ef = [plsc.load_gather(w1e_v, [jnp.full((16,), 0, jnp.int32)
                                     + (wid * FPT + f)])
            for f in range(FPT)]
    rowf = [jnp.full((16,), f, jnp.int32) for f in range(FPT)]

    def issue(slot, g):
        base = g * CH
        pltpu.make_async_copy(src_hbm.at[pl.ds(base, CH)],
                              idx_sv.at[slot], sems[0]).start()
        pltpu.make_async_copy(dst_hbm.at[pl.ds(base, CH)],
                              idx_dv.at[slot], sems[0]).start()
        pltpu.make_async_copy(ea_hbm.at[pl.ds(base, CH)],
                              ea_v.at[slot], sems[1]).start()

    def drain(slot, g):
        base = g * CH
        pltpu.make_async_copy(src_hbm.at[pl.ds(base, CH)],
                              idx_sv.at[slot], sems[0]).wait()
        pltpu.make_async_copy(dst_hbm.at[pl.ds(base, CH)],
                              idx_dv.at[slot], sems[0]).wait()
        pltpu.make_async_copy(ea_hbm.at[pl.ds(base, CH)],
                              ea_v.at[slot], sems[1]).wait()

    issue(0, 0)

    def chunk(g, _):
        slot = lax.rem(g, 2)

        @pl.when(g + 1 < NCH)
        def _pref():
            issue(1 - slot, g + 1)
        drain(slot, g)

        @plsc.parallel_loop(0, NG, unroll=8)
        def group(i):
            sl = pl.ds(i * 16, 16)
            src16 = idx_sv[slot, sl]
            dst16 = idx_dv[slot, sl]
            ea16 = ea_v[slot, sl]
            for f in range(FPT):
                a16 = plsc.load_gather(a_rows, [rowf[f], src16])
                b16 = plsc.load_gather(b_rows, [rowf[f], dst16])
                r = jnp.maximum(a16 + b16 + ea16 * w1ef[f], 0.0)
                plsc.addupdate_scatter(acc, [rowf[f], dst16], r)
        return 0
    lax.fori_loop(0, NCH, chunk, 0)

    pltpu.sync_copy(acc, st_out.at[wid])


@functools.cache
def _sc_edge():
  return pl.kernel(
    _sc_edge_body,
    out_type=jax.ShapeDtypeStruct((NW, FPT, N), _F32),
    mesh=plsc.VectorSubcoreMesh(core_axis_name="c", subcore_axis_name="s",
                                num_cores=NC, num_subcores=NS),
    compiler_params=pltpu.CompilerParams(needs_layout_passes=False,
                                         internal_scratch_in_bytes=16 * 1024),
    scratch_types=[
        pltpu.VMEM((2, CH), jnp.int32),
        pltpu.VMEM((2, CH), jnp.int32),
        pltpu.VMEM((2, CH), _F32),
        pltpu.VMEM((FPT, N), _F32),
        pltpu.VMEM((FPT, N), _F32),
        pltpu.VMEM((FPT, N), _F32),
        pltpu.VMEM((H,), _F32),
        pltpu.SemaphoreType.DMA,
        pltpu.SemaphoreType.DMA,
    ],
  )


CHD = 2000
EPW = E // NW


def _sc_deg_body(dst_hbm, deg_out, idxd_v, dacc):
    c = lax.axis_index("c")
    s = lax.axis_index("s")
    wid = s * NC + c
    zero16 = jnp.zeros((16,), _F32)
    one16 = jnp.ones((16,), _F32)
    row0 = jnp.full((16,), 0, jnp.int32)

    def zrow(i, _):
        dacc[0, pl.ds(i * 16, 16)] = zero16
        return 0
    lax.fori_loop(0, N // 16, zrow, 0)

    def chunk(q, _):
        pltpu.sync_copy(dst_hbm.at[pl.ds(wid * EPW + q * CHD, CHD)], idxd_v)

        def group(i, _):
            dst16 = idxd_v[pl.ds(i * 16, 16)]
            plsc.addupdate_scatter(dacc, [row0, dst16], one16)
            return 0
        lax.fori_loop(0, CHD // 16, group, 0)
        return 0
    lax.fori_loop(0, EPW // CHD, chunk, 0)
    pltpu.sync_copy(dacc, deg_out.at[wid])


@functools.cache
def _sc_deg():
  return pl.kernel(
    _sc_deg_body,
    out_type=jax.ShapeDtypeStruct((NW, 1, N), _F32),
    mesh=plsc.VectorSubcoreMesh(core_axis_name="c", subcore_axis_name="s",
                                num_cores=NC, num_subcores=NS),
    compiler_params=pltpu.CompilerParams(needs_layout_passes=False,
                                         internal_scratch_in_bytes=32 * 1024),
    scratch_types=[
        pltpu.VMEM((CHD,), jnp.int32),
        pltpu.VMEM((1, N), _F32),
    ],
  )



def kernel(z, edge_index, edge_attr, batch, embed,
           msg_w1, msg_b1, msg_w2, msg_b2,
           upd_w1, upd_b1, upd_w2, upd_b2,
           head_w1, head_b1, head_w2, head_b2):
    z2 = z.astype(jnp.int32).reshape(N, 1)
    src = edge_index[0].astype(jnp.int32)
    dst = edge_index[1].astype(jnp.int32)
    ea = edge_attr.reshape(E).astype(jnp.float32)
    batch2 = batch.astype(jnp.int32).reshape(N, 1)
    emb_p = jnp.pad(embed, ((0, VPAD - embed.shape[0]), (0, 0)))

    w1a = [msg_w1[l, :H] for l in range(L)]
    w1b = [msg_w1[l, H:2 * H] for l in range(L)]
    w1e = [msg_w1[l, 2 * H] for l in range(L)]
    b1c = [msg_b1[l].reshape(H, 1) for l in range(L)]
    w2 = [msg_w2[l] for l in range(L)]
    b2 = [msg_b2[l].reshape(1, H) for l in range(L)]
    u1a = [upd_w1[l, :H] for l in range(L)]
    u1b = [upd_w1[l, H:] for l in range(L)]
    ub1 = [upd_b1[l].reshape(1, H) for l in range(L)]
    u2 = [upd_w2[l] for l in range(L)]
    ub2 = [upd_b2[l].reshape(1, H) for l in range(L)]

    h, at, bt = _tc_init(z2, emb_p, w1a[0], w1b[0], b1c[0])
    deg32 = _sc_deg()(dst).reshape(NW, N)
    out = None
    for l in range(L):
        st3 = _sc_edge()(at.reshape(NW, FPT, N), bt.reshape(NW, FPT, N),
                         src, dst, ea, w1e[l])
        st = st3.reshape(H, N)
        if l + 1 < L:
            h, at, bt = _tc_update(h, st, deg32, w2[l], b2[l], u1a[l], u1b[l],
                                   ub1[l], u2[l], ub2[l],
                                   w1a[l + 1], w1b[l + 1], b1c[l + 1])
        else:
            out = _tc_final(h, st, deg32, w2[l], b2[l], u1a[l], u1b[l],
                            ub1[l], u2[l], ub2[l], batch2,
                            head_w1, head_b1.reshape(1, H),
                            head_w2, head_b2.reshape(1, OUT))
    return out

# --- scband reference (transcript-rebuilt; emitter-appended) ---
"""Pipeline reference for scband-simple-mpnn-16939351015862 (READ-ONLY COPY).

The authoritative reference and input builder live on the scoring server;
editing this copy changes nothing except your own understanding.
"""

import jax, jax.numpy as jnp
import numpy as np

N = 10000
E = 320000
H = 128
OUT = 128
L = 3
G = 64
V = 101


def setup_inputs(seed: int = 0) -> dict:
    key = jax.random.key(seed)
    ks = jax.random.split(key, 16)
    s = 0.05
    z = jax.random.randint(ks[0], (N,), 0, V)
    edge_index = jax.random.randint(ks[1], (2, E), 0, N)
    edge_attr = jax.random.normal(ks[2], (E, 1), dtype=jnp.float32)
    batch = jnp.sort(jax.random.randint(ks[3], (N,), 0, G))
    embed = jax.random.normal(ks[4], (V, H), dtype=jnp.float32) * s
    msg_w1 = jax.random.normal(ks[5], (L, 2 * H + 1, H), dtype=jnp.float32) * s
    msg_b1 = jnp.zeros((L, H), dtype=jnp.float32)
    msg_w2 = jax.random.normal(ks[6], (L, H, H), dtype=jnp.float32) * s
    msg_b2 = jnp.zeros((L, H), dtype=jnp.float32)
    upd_w1 = jax.random.normal(ks[7], (L, 2 * H, H), dtype=jnp.float32) * s
    upd_b1 = jnp.zeros((L, H), dtype=jnp.float32)
    upd_w2 = jax.random.normal(ks[8], (L, H, H), dtype=jnp.float32) * s
    upd_b2 = jnp.zeros((L, H), dtype=jnp.float32)
    head_w1 = jax.random.normal(ks[9], (H, H), dtype=jnp.float32) * s
    head_b1 = jnp.zeros((H,), dtype=jnp.float32)
    head_w2 = jax.random.normal(ks[10], (H, OUT), dtype=jnp.float32) * s
    head_b2 = jnp.zeros((OUT,), dtype=jnp.float32)
    return {
        "z": z, "edge_index": edge_index, "edge_attr": edge_attr, "batch": batch,
        "embed": embed,
        "msg_w1": msg_w1, "msg_b1": msg_b1, "msg_w2": msg_w2, "msg_b2": msg_b2,
        "upd_w1": upd_w1, "upd_b1": upd_b1, "upd_w2": upd_w2, "upd_b2": upd_b2,
        "head_w1": head_w1, "head_b1": head_b1, "head_w2": head_w2, "head_b2": head_b2,
    }


def reference(z, edge_index, edge_attr, batch, embed,
              msg_w1, msg_b1, msg_w2, msg_b2,
              upd_w1, upd_b1, upd_w2, upd_b2,
              head_w1, head_b1, head_w2, head_b2):
    h = jnp.take(embed, z, axis=0)
    src = edge_index[0]
    dst = edge_index[1]
    for l in range(L):
        m_in = jnp.concatenate([h[src], h[dst], edge_attr], axis=1)
        msg = jnp.maximum(m_in @ msg_w1[l] + msg_b1[l], 0.0) @ msg_w2[l] + msg_b2[l]
        agg = jnp.zeros_like(h).at[dst].add(msg)
        upd_in = jnp.concatenate([h, agg], axis=1)
        h = h + (jnp.maximum(upd_in @ upd_w1[l] + upd_b1[l], 0.0) @ upd_w2[l] + upd_b2[l])
    pooled = jax.ops.segment_sum(h, batch, num_segments=G)
    counts = jax.ops.segment_sum(jnp.ones((h.shape[0], 1), dtype=h.dtype), batch, num_segments=G)
    pooled = pooled / jnp.maximum(counts, 1.0)
    out = jnp.maximum(pooled @ head_w1 + head_b1, 0.0) @ head_w2 + head_b2
    return out

if __name__ == "__main__":
    import jax
    _d = setup_inputs()
    print(jax.jit(kernel)(*tuple(_d.values())))

</pallas_src>

<mosaic_0001>
#map = affine_map<(d0, d1) -> (0, 0, 0)>
#map1 = affine_map<(d0, d1) -> (0)>
module attributes {stable_mosaic.version = 14 : i64} {
  func.func @_sc_edge_body(%arg0: i32, %arg1: i32, %arg2: memref<32x4x10000xf32, #tpu.memory_space<hbm>>, %arg3: memref<32x4x10000xf32, #tpu.memory_space<hbm>>, %arg4: memref<320000xi32, #tpu.memory_space<hbm>>, %arg5: memref<320000xi32, #tpu.memory_space<hbm>>, %arg6: memref<320000xf32, #tpu.memory_space<hbm>>, %arg7: memref<128xf32, #tpu.memory_space<hbm>>, %arg8: memref<32x4x10000xf32, #tpu.memory_space<hbm>>, %arg9: memref<2x1024xi32, #tpu.memory_space<vmem>>, %arg10: memref<2x1024xi32, #tpu.memory_space<vmem>>, %arg11: memref<2x1024xf32, #tpu.memory_space<vmem>>, %arg12: memref<4x10000xf32, #tpu.memory_space<vmem>>, %arg13: memref<4x10000xf32, #tpu.memory_space<vmem>>, %arg14: memref<4x10000xf32, #tpu.memory_space<vmem>>, %arg15: memref<128xf32, #tpu.memory_space<vmem>>, %arg16: memref<!tpu.dma_semaphore, #tpu.memory_space<semaphore_mem>>, %arg17: memref<!tpu.dma_semaphore, #tpu.memory_space<semaphore_mem>>) attributes {dimension_semantics = [#tpu.dimension_semantics<core_parallel>, #tpu.dimension_semantics<subcore_parallel>], iteration_bounds = array<i64: 2, 16>, scalar_prefetch = 0 : i64, scratch_operands = 9 : i64, tpu.core_type = #tpu.core_type<sc_vector_subcore>, window_params = [{transform_indices = #map}, {transform_indices = #map}, {transform_indices = #map1}, {transform_indices = #map1}, {transform_indices = #map1}, {transform_indices = #map1}, {transform_indices = #map}]} {
    %mul3A = arith.constant 2 : i32
    %mul3A_0 = arith.muli %arg1, %mul3A : i32
    %add3A = arith.addi %mul3A_0, %arg0 : i32
    %broadcast_in_dim3A = arith.constant 0.000000e+00 : f32
    %broadcast_in_dim3A_1 = vector.broadcast %broadcast_in_dim3A : f32 to vector<16xf32>
    %broadcast_in_dim3A_2 = arith.constant 1.000000e+00 : f32
    %broadcast_in_dim3A_3 = vector.broadcast %broadcast_in_dim3A_2 : f32 to vector<16xf32>
    %scan3A = arith.constant 0 : i32
    %scan3A_4 = arith.constant 0 : i32
    %scan3A_5 = arith.constant 625 : i32
    %scan3A_6 = arith.addi %scan3A_4, %scan3A_5 : i32
    %scan3A_7 = arith.constant 1 : i32
    %scan3A_8 = scf.for %scan3A_92 = %scan3A_4 to %scan3A_6 step %scan3A_7 iter_args(%scan3A_93 = %scan3A) -> (i32)  : i32 {
      %mul3A_94 = arith.constant 16 : i32
      %mul3A_95 = arith.muli %scan3A_92, %mul3A_94 : i32
      %swap3A = arith.constant 0 : i32
      %swap3A_96 = arith.index_cast %swap3A : i32 to index
      %swap3A_97 = arith.index_cast %mul3A_95 : i32 to index
      %swap3A_98 = tpu.vector_load %arg14[%swap3A_96, %swap3A_97] {strides = array<i32>} : memref<4x10000xf32, #tpu.memory_space<vmem>>, vector<16xf32>,
      tpu.vector_store %arg14[%swap3A_96, %swap3A_97], %broadcast_in_dim3A_1 {strides = array<i32>} : memref<4x10000xf32, #tpu.memory_space<vmem>>, vector<16xf32>,
      %mul3A_99 = arith.constant 16 : i32
      %mul3A_100 = arith.muli %scan3A_92, %mul3A_99 : i32
      %swap3A_101 = arith.constant 1 : i32
      %swap3A_102 = arith.index_cast %swap3A_101 : i32 to index
      %swap3A_103 = arith.index_cast %mul3A_100 : i32 to index
      %swap3A_104 = tpu.vector_load %arg14[%swap3A_102, %swap3A_103] {strides = array<i32>} : memref<4x10000xf32, #tpu.memory_space<vmem>>, vector<16xf32>,
      tpu.vector_store %arg14[%swap3A_102, %swap3A_103], %broadcast_in_dim3A_1 {strides = array<i32>} : memref<4x10000xf32, #tpu.memory_space<vmem>>, vector<16xf32>,
      %mul3A_105 = arith.constant 16 : i32
      %mul3A_106 = arith.muli %scan3A_92, %mul3A_105 : i32
      %swap3A_107 = arith.constant 2 : i32
      %swap3A_108 = arith.index_cast %swap3A_107 : i32 to index
      %swap3A_109 = arith.index_cast %mul3A_106 : i32 to index
      %swap3A_110 = tpu.vector_load %arg14[%swap3A_108, %swap3A_109] {strides = array<i32>} : memref<4x10000xf32, #tpu.memory_space<vmem>>, vector<16xf32>,
      tpu.vector_store %arg14[%swap3A_108, %swap3A_109], %broadcast_in_dim3A_1 {strides = array<i32>} : memref<4x10000xf32, #tpu.memory_space<vmem>>, vector<16xf32>,
      %mul3A_111 = arith.constant 16 : i32
      %mul3A_112 = arith.muli %scan3A_92, %mul3A_111 : i32
      %swap3A_113 = arith.constant 3 : i32
      %swap3A_114 = arith.index_cast %swap3A_113 : i32 to index
      %swap3A_115 = arith.index_cast %mul3A_112 : i32 to index
      %swap3A_116 = tpu.vector_load %arg14[%swap3A_114, %swap3A_115] {strides = array<i32>} : memref<4x10000xf32, #tpu.memory_space<vmem>>, vector<16xf32>,
      tpu.vector_store %arg14[%swap3A_114, %swap3A_115], %broadcast_in_dim3A_1 {strides = array<i32>} : memref<4x10000xf32, #tpu.memory_space<vmem>>, vector<16xf32>,
      %scan3A_117 = arith.constant 0 : i32
      scf.yield %scan3A_117 : i32
    }
    %scan3A_9 = arith.constant 625 : i32
    "tpu.region"() ({
      %run_scoped3A = tpu.sem_alloc : memref<!tpu.dma_semaphore, #tpu.memory_space<semaphore_mem>>
      %dma_start3A_92 = arith.constant 0 : i32
      %dma_start3A_93 = arith.constant 0 : i32
      %dma_start3A_94 = tpu.memref_slice %arg2[%add3A, %dma_start3A_92, %dma_start3A_93] : memref<32x4x10000xf32, #tpu.memory_space<hbm>> -> memref<1x4x10000xf32, #tpu.memory_space<hbm>>
      %dma_start3A_95 = tpu.memref_squeeze %dma_start3A_94 : memref<1x4x10000xf32, #tpu.memory_space<hbm>> -> memref<4x10000xf32, #tpu.memory_space<hbm>>
      %dma_start3A_96 = arith.constant 0 : i32
      %dma_start3A_97 = arith.constant 0 : i32
      %dma_start3A_98 = tpu.memref_slice %arg2[%add3A, %dma_start3A_96, %dma_start3A_97] : memref<32x4x10000xf32, #tpu.memory_space<hbm>> -> memref<1x4x10000xf32, #tpu.memory_space<hbm>>
      %dma_start3A_99 = tpu.memref_squeeze %dma_start3A_98 : memref<1x4x10000xf32, #tpu.memory_space<hbm>> -> memref<4x10000xf32, #tpu.memory_space<hbm>>
      tpu.enqueue_dma source(%dma_start3A_99 : memref<4x10000xf32, #tpu.memory_space<hbm>>) target(%arg12 : memref<4x10000xf32, #tpu.memory_space<vmem>>) target_semaphore(%run_scoped3A : memref<!tpu.dma_semaphore, #tpu.memory_space<semaphore_mem>>)
      %dma_wait3A = arith.constant 0 : i32
      %dma_wait3A_100 = arith.constant 0 : i32
      %dma_wait3A_101 = tpu.memref_slice %arg2[%add3A, %dma_wait3A, %dma_wait3A_100] : memref<32x4x10000xf32, #tpu.memory_space<hbm>> -> memref<1x4x10000xf32, #tpu.memory_space<hbm>>
      %dma_wait3A_102 = tpu.memref_squeeze %dma_wait3A_101 : memref<1x4x10000xf32, #tpu.memory_space<hbm>> -> memref<4x10000xf32, #tpu.memory_space<hbm>>
      %dma_wait3A_103 = arith.constant 0 : i32
      %dma_wait3A_104 = arith.constant 0 : i32
      %dma_wait3A_105 = tpu.memref_slice %arg2[%add3A, %dma_wait3A_103, %dma_wait3A_104] : memref<32x4x10000xf32, #tpu.memory_space<hbm>> -> memref<1x4x10000xf32, #tpu.memory_space<hbm>>
      %dma_wait3A_106 = tpu.memref_squeeze %dma_wait3A_105 : memref<1x4x10000xf32, #tpu.memory_space<hbm>> -> memref<4x10000xf32, #tpu.memory_space<hbm>>
      tpu.wait_dma2 semaphore(%run_scoped3A : memref<!tpu.dma_semaphore, #tpu.memory_space<semaphore_mem>>) src(%dma_wait3A_106 : memref<4x10000xf32, #tpu.memory_space<hbm>>) dst(%arg12 : memref<4x10000xf32, #tpu.memory_space<vmem>>)
      tpu.yield
    }) : () -> ()
    "tpu.region"() ({
      %run_scoped3A = tpu.sem_alloc : memref<!tpu.dma_semaphore, #tpu.memory_space<semaphore_mem>>
      %dma_start3A_92 = arith.constant 0 : i32
      %dma_start3A_93 = arith.constant 0 : i32
      %dma_start3A_94 = tpu.memref_slice %arg3[%add3A, %dma_start3A_92, %dma_start3A_93] : memref<32x4x10000xf32, #tpu.memory_space<hbm>> -> memref<1x4x10000xf32, #tpu.memory_space<hbm>>
      %dma_start3A_95 = tpu.memref_squeeze %dma_start3A_94 : memref<1x4x10000xf32, #tpu.memory_space<hbm>> -> memref<4x10000xf32, #tpu.memory_space<hbm>>
      %dma_start3A_96 = arith.constant 0 : i32
      %dma_start3A_97 = arith.constant 0 : i32
      %dma_start3A_98 = tpu.memref_slice %arg3[%add3A, %dma_start3A_96, %dma_start3A_97] : memref<32x4x10000xf32, #tpu.memory_space<hbm>> -> memref<1x4x10000xf32, #tpu.memory_space<hbm>>
      %dma_start3A_99 = tpu.memref_squeeze %dma_start3A_98 : memref<1x4x10000xf32, #tpu.memory_space<hbm>> -> memref<4x10000xf32, #tpu.memory_space<hbm>>
      tpu.enqueue_dma source(%dma_start3A_99 : memref<4x10000xf32, #tpu.memory_space<hbm>>) target(%arg13 : memref<4x10000xf32, #tpu.memory_space<vmem>>) target_semaphore(%run_scoped3A : memref<!tpu.dma_semaphore, #tpu.memory_space<semaphore_mem>>)
      %dma_wait3A = arith.constant 0 : i32
      %dma_wait3A_100 = arith.constant 0 : i32
      %dma_wait3A_101 = tpu.memref_slice %arg3[%add3A, %dma_wait3A, %dma_wait3A_100] : memref<32x4x10000xf32, #tpu.memory_space<hbm>> -> memref<1x4x10000xf32, #tpu.memory_space<hbm>>
      %dma_wait3A_102 = tpu.memref_squeeze %dma_wait3A_101 : memref<1x4x10000xf32, #tpu.memory_space<hbm>> -> memref<4x10000xf32, #tpu.memory_space<hbm>>
      %dma_wait3A_103 = arith.constant 0 : i32
      %dma_wait3A_104 = arith.constant 0 : i32
      %dma_wait3A_105 = tpu.memref_slice %arg3[%add3A, %dma_wait3A_103, %dma_wait3A_104] : memref<32x4x10000xf32, #tpu.memory_space<hbm>> -> memref<1x4x10000xf32, #tpu.memory_space<hbm>>
      %dma_wait3A_106 = tpu.memref_squeeze %dma_wait3A_105 : memref<1x4x10000xf32, #tpu.memory_space<hbm>> -> memref<4x10000xf32, #tpu.memory_space<hbm>>
      tpu.wait_dma2 semaphore(%run_scoped3A : memref<!tpu.dma_semaphore, #tpu.memory_space<semaphore_mem>>) src(%dma_wait3A_106 : memref<4x10000xf32, #tpu.memory_space<hbm>>) dst(%arg13 : memref<4x10000xf32, #tpu.memory_space<vmem>>)
      tpu.yield
    }) : () -> ()
    "tpu.region"() ({
      %run_scoped3A = tpu.sem_alloc : memref<!tpu.dma_semaphore, #tpu.memory_space<semaphore_mem>>
      tpu.enqueue_dma source(%arg7 : memref<128xf32, #tpu.memory_space<hbm>>) target(%arg15 : memref<128xf32, #tpu.memory_space<vmem>>) target_semaphore(%run_scoped3A : memref<!tpu.dma_semaphore, #tpu.memory_space<semaphore_mem>>)
      tpu.wait_dma2 semaphore(%run_scoped3A : memref<!tpu.dma_semaphore, #tpu.memory_space<semaphore_mem>>) src(%arg7 : memref<128xf32, #tpu.memory_space<hbm>>) dst(%arg15 : memref<128xf32, #tpu.memory_space<vmem>>)
      tpu.yield
    }) : () -> ()
    %broadcast_in_dim3A_10 = arith.constant 0 : i32
    %broadcast_in_dim3A_11 = vector.broadcast %broadcast_in_dim3A_10 : i32 to vector<16xi32>
    %mul3A_12 = arith.constant 4 : i32
    %mul3A_13 = arith.muli %add3A, %mul3A_12 : i32
    %add3A_14 = arith.constant 0 : i32
    %add3A_15 = arith.addi %mul3A_13, %add3A_14 : i32
    %add3A_16 = vector.broadcast %add3A_15 : i32 to vector<16xi32>
    %add3A_17 = arith.addi %broadcast_in_dim3A_11, %add3A_16 : vector<16xi32>
    %gather3A = tpu.vector_load_idx %arg15[%add3A_17] : memref<128xf32, #tpu.memory_space<vmem>>[vector<16xi32>], vector<16xf32>,
    %broadcast_in_dim3A_18 = arith.constant 0 : i32
    %broadcast_in_dim3A_19 = vector.broadcast %broadcast_in_dim3A_18 : i32 to vector<16xi32>
    %mul3A_20 = arith.constant 4 : i32
    %mul3A_21 = arith.muli %add3A, %mul3A_20 : i32
    %add3A_22 = arith.constant 1 : i32
    %add3A_23 = arith.addi %mul3A_21, %add3A_22 : i32
    %add3A_24 = vector.broadcast %add3A_23 : i32 to vector<16xi32>
    %add3A_25 = arith.addi %broadcast_in_dim3A_19, %add3A_24 : vector<16xi32>
    %gather3A_26 = tpu.vector_load_idx %arg15[%add3A_25] : memref<128xf32, #tpu.memory_space<vmem>>[vector<16xi32>], vector<16xf32>,
    %broadcast_in_dim3A_27 = arith.constant 0 : i32
    %broadcast_in_dim3A_28 = vector.broadcast %broadcast_in_dim3A_27 : i32 to vector<16xi32>
    %mul3A_29 = arith.constant 4 : i32
    %mul3A_30 = arith.muli %add3A, %mul3A_29 : i32
    %add3A_31 = arith.constant 2 : i32
    %add3A_32 = arith.addi %mul3A_30, %add3A_31 : i32
    %add3A_33 = vector.broadcast %add3A_32 : i32 to vector<16xi32>
    %add3A_34 = arith.addi %broadcast_in_dim3A_28, %add3A_33 : vector<16xi32>
    %gather3A_35 = tpu.vector_load_idx %arg15[%add3A_34] : memref<128xf32, #tpu.memory_space<vmem>>[vector<16xi32>], vector<16xf32>,
    %broadcast_in_dim3A_36 = arith.constant 0 : i32
    %broadcast_in_dim3A_37 = vector.broadcast %broadcast_in_dim3A_36 : i32 to vector<16xi32>
    %mul3A_38 = arith.constant 4 : i32
    %mul3A_39 = arith.muli %add3A, %mul3A_38 : i32
    %add3A_40 = arith.constant 3 : i32
    %add3A_41 = arith.addi %mul3A_39, %add3A_40 : i32
    %add3A_42 = vector.broadcast %add3A_41 : i32 to vector<16xi32>
    %add3A_43 = arith.addi %broadcast_in_dim3A_37, %add3A_42 : vector<16xi32>
    %gather3A_44 = tpu.vector_load_idx %arg15[%add3A_43] : memref<128xf32, #tpu.memory_space<vmem>>[vector<16xi32>], vector<16xf32>,
    %broadcast_in_dim3A_45 = arith.constant 0 : i32
    %broadcast_in_dim3A_46 = vector.broadcast %broadcast_in_dim3A_45 : i32 to vector<16xi32>
    %broadcast_in_dim3A_47 = arith.constant 1 : i32
    %broadcast_in_dim3A_48 = vector.broadcast %broadcast_in_dim3A_47 : i32 to vector<16xi32>
    %broadcast_in_dim3A_49 = arith.constant 2 : i32
    %broadcast_in_dim3A_50 = vector.broadcast %broadcast_in_dim3A_49 : i32 to vector<16xi32>
    %broadcast_in_dim3A_51 = arith.constant 3 : i32
    %broadcast_in_dim3A_52 = vector.broadcast %broadcast_in_dim3A_51 : i32 to vector<16xi32>
    %dma_start3A = arith.constant 0 : i32
    %dma_start3A_53 = arith.constant 0 : i32
    %dma_start3A_54 = tpu.memref_slice %arg9[%dma_start3A, %dma_start3A_53] : memref<2x1024xi32, #tpu.memory_space<vmem>> -> memref<1x1024xi32, #tpu.memory_space<vmem>>
    %dma_start3A_55 = tpu.memref_squeeze %dma_start3A_54 : memref<1x1024xi32, #tpu.memory_space<vmem>> -> memref<1024xi32, #tpu.memory_space<vmem>>
    %dma_start3A_56 = arith.constant 0 : i32
    %dma_start3A_57 = tpu.memref_slice %arg4[%dma_start3A_56] : memref<320000xi32, #tpu.memory_space<hbm>> -> memref<1024xi32, #tpu.memory_space<hbm>>
    %dma_start3A_58 = arith.constant 0 : i32
    %dma_start3A_59 = tpu.memref_slice %arg9[%dma_start3A, %dma_start3A_58] : memref<2x1024xi32, #tpu.memory_space<vmem>> -> memref<1x1024xi32, #tpu.memory_space<vmem>>
    %dma_start3A_60 = tpu.memref_squeeze %dma_start3A_59 : memref<1x1024xi32, #tpu.memory_space<vmem>> -> memref<1024xi32, #tpu.memory_space<vmem>>
    %dma_start3A_61 = arith.constant 0 : i32
    %dma_start3A_62 = tpu.memref_slice %arg4[%dma_start3A_61] : memref<320000xi32, #tpu.memory_space<hbm>> -> memref<1024xi32, #tpu.memory_space<hbm>>
    tpu.enqueue_dma source(%dma_start3A_62 : memref<1024xi32, #tpu.memory_space<hbm>>) target(%dma_start3A_60 : memref<1024xi32, #tpu.memory_space<vmem>>) target_semaphore(%arg16 : memref<!tpu.dma_semaphore, #tpu.memory_space<semaphore_mem>>)
    %dma_start3A_63 = arith.constant 0 : i32
    %dma_start3A_64 = arith.constant 0 : i32
    %dma_start3A_65 = tpu.memref_slice %arg10[%dma_start3A_63, %dma_start3A_64] : memref<2x1024xi32, #tpu.memory_space<vmem>> -> memref<1x1024xi32, #tpu.memory_space<vmem>>
    %dma_start3A_66 = tpu.memref_squeeze %dma_start3A_65 : memref<1x1024xi32, #tpu.memory_space<vmem>> -> memref<1024xi32, #tpu.memory_space<vmem>>
    %dma_start3A_67 = arith.constant 0 : i32
    %dma_start3A_68 = tpu.memref_slice %arg5[%dma_start3A_67] : memref<320000xi32, #tpu.memory_space<hbm>> -> memref<1024xi32, #tpu.memory_space<hbm>>
    %dma_start3A_69 = arith.constant 0 : i32
    %dma_start3A_70 = tpu.memref_slice %arg10[%dma_start3A_63, %dma_start3A_69] : memref<2x1024xi32, #tpu.memory_space<vmem>> -> memref<1x1024xi32, #tpu.memory_space<vmem>>
    %dma_start3A_71 = tpu.memref_squeeze %dma_start3A_70 : memref<1x1024xi32, #tpu.memory_space<vmem>> -> memref<1024xi32, #tpu.memory_space<vmem>>
    %dma_start3A_72 = arith.constant 0 : i32
    %dma_start3A_73 = tpu.memref_slice %arg5[%dma_start3A_72] : memref<320000xi32, #tpu.memory_space<hbm>> -> memref<1024xi32, #tpu.memory_space<hbm>>
    tpu.enqueue_dma source(%dma_start3A_73 : memref<1024xi32, #tpu.memory_space<hbm>>) target(%dma_start3A_71 : memref<1024xi32, #tpu.memory_space<vmem>>) target_semaphore(%arg16 : memref<!tpu.dma_semaphore, #tpu.memory_space<semaphore_mem>>)
    %dma_start3A_74 = arith.constant 0 : i32
    %dma_start3A_75 = arith.constant 0 : i32
    %dma_start3A_76 = tpu.memref_slice %arg11[%dma_start3A_74, %dma_start3A_75] : memref<2x1024xf32, #tpu.memory_space<vmem>> -> memref<1x1024xf32, #tpu.memory_space<vmem>>
    %dma_start3A_77 = tpu.memref_squeeze %dma_start3A_76 : memref<1x1024xf32, #tpu.memory_space<vmem>> -> memref<1024xf32, #tpu.memory_space<vmem>>
    %dma_start3A_78 = arith.constant 0 : i32
    %dma_start3A_79 = tpu.memref_slice %arg6[%dma_start3A_78] : memref<320000xf32, #tpu.memory_space<hbm>> -> memref<1024xf32, #tpu.memory_space<hbm>>
    %dma_start3A_80 = arith.constant 0 : i32
    %dma_start3A_81 = tpu.memref_slice %arg11[%dma_start3A_74, %dma_start3A_80] : memref<2x1024xf32, #tpu.memory_space<vmem>> -> memref<1x1024xf32, #tpu.memory_space<vmem>>
    %dma_start3A_82 = tpu.memref_squeeze %dma_start3A_81 : memref<1x1024xf32, #tpu.memory_space<vmem>> -> memref<1024xf32, #tpu.memory_space<vmem>>
    %dma_start3A_83 = arith.constant 0 : i32
    %dma_start3A_84 = tpu.memref_slice %arg6[%dma_start3A_83] : memref<320000xf32, #tpu.memory_space<hbm>> -> memref<1024xf32, #tpu.memory_space<hbm>>
    tpu.enqueue_dma source(%dma_start3A_84 : memref<1024xf32, #tpu.memory_space<hbm>>) target(%dma_start3A_82 : memref<1024xf32, #tpu.memory_space<vmem>>) target_semaphore(%arg17 : memref<!tpu.dma_semaphore, #tpu.memory_space<semaphore_mem>>)
    %scan3A_85 = arith.constant 0 : i32
    %scan3A_86 = arith.constant 0 : i32
    %scan3A_87 = arith.constant 312 : i32
    %scan3A_88 = arith.addi %scan3A_86, %scan3A_87 : i32
    %scan3A_89 = arith.constant 1 : i32
    %scan3A_90 = scf.for %scan3A_92 = %scan3A_86 to %scan3A_88 step %scan3A_89 iter_args(%scan3A_93 = %scan3A_85) -> (i32)  : i32 {
      %rem3A = arith.constant 2 : i32
      %rem3A_94 = arith.remsi %scan3A_92, %rem3A : i32
      %add3A_95 = arith.constant 1 : i32
      %add3A_96 = arith.addi %scan3A_92, %add3A_95 : i32
      %lt3A = arith.constant 312 : i32
      %lt3A_97 = arith.cmpi slt, %add3A_96, %lt3A : i32
      %convert_element_type3A = arith.extui %lt3A_97 : i1 to i32
      %cond3A = arith.constant 0 : i32
      %cond3A_98 = arith.cmpi ne, %convert_element_type3A, %cond3A : i32
      scf.if %cond3A_98 {
        %sub3A = arith.constant 1 : i32
        %sub3A_127 = arith.subi %sub3A, %rem3A_94 : i32
        %add3A_128 = arith.constant 1 : i32
        %add3A_129 = arith.addi %scan3A_92, %add3A_128 : i32
        %mul3A_130 = arith.constant 1024 : i32
        %mul3A_131 = arith.muli %add3A_129, %mul3A_130 : i32
        %dma_start3A_132 = arith.constant 0 : i32
        %dma_start3A_133 = tpu.memref_slice %arg9[%sub3A_127, %dma_start3A_132] : memref<2x1024xi32, #tpu.memory_space<vmem>> -> memref<1x1024xi32, #tpu.memory_space<vmem>>
        %dma_start3A_134 = tpu.memref_squeeze %dma_start3A_133 : memref<1x1024xi32, #tpu.memory_space<vmem>> -> memref<1024xi32, #tpu.memory_space<vmem>>
        %dma_start3A_135 = tpu.memref_slice %arg4[%mul3A_131] : memref<320000xi32, #tpu.memory_space<hbm>> -> memref<1024xi32, #tpu.memory_space<hbm>>
        %dma_start3A_136 = arith.constant 0 : i32
        %dma_start3A_137 = tpu.memref_slice %arg9[%sub3A_127, %dma_start3A_136] : memref<2x1024xi32, #tpu.memory_space<vmem>> -> memref<1x1024xi32, #tpu.memory_space<vmem>>
        %dma_start3A_138 = tpu.memref_squeeze %dma_start3A_137 : memref<1x1024xi32, #tpu.memory_space<vmem>> -> memref<1024xi32, #tpu.memory_space<vmem>>
        %dma_start3A_139 = tpu.memref_slice %arg4[%mul3A_131] : memref<320000xi32, #tpu.memory_space<hbm>> -> memref<1024xi32, #tpu.memory_space<hbm>>
        tpu.enqueue_dma source(%dma_start3A_139 : memref<1024xi32, #tpu.memory_space<hbm>>) target(%dma_start3A_138 : memref<1024xi32, #tpu.memory_space<vmem>>) target_semaphore(%arg16 : memref<!tpu.dma_semaphore, #tpu.memory_space<semaphore_mem>>)
        %dma_start3A_140 = arith.constant 0 : i32
        %dma_start3A_141 = tpu.memref_slice %arg10[%sub3A_127, %dma_start3A_140] : memref<2x1024xi32, #tpu.memory_space<vmem>> -> memref<1x1024xi32, #tpu.memory_space<vmem>>
        %dma_start3A_142 = tpu.memref_squeeze %dma_start3A_141 : memref<1x1024xi32, #tpu.memory_space<vmem>> -> memref<1024xi32, #tpu.memory_space<vmem>>
        %dma_start3A_143 = tpu.memref_slice %arg5[%mul3A_131] : memref<320000xi32, #tpu.memory_space<hbm>> -> memref<1024xi32, #tpu.memory_space<hbm>>
        %dma_start3A_144 = arith.constant 0 : i32
        %dma_start3A_145 = tpu.memref_slice %arg10[%sub3A_127, %dma_start3A_144] : memref<2x1024xi32, #tpu.memory_space<vmem>> -> memref<1x1024xi32, #tpu.memory_space<vmem>>
        %dma_start3A_146 = tpu.memref_squeeze %dma_start3A_145 : memref<1x1024xi32, #tpu.memory_space<vmem>> -> memref<1024xi32, #tpu.memory_space<vmem>>
        %dma_start3A_147 = tpu.memref_slice %arg5[%mul3A_131] : memref<320000xi32, #tpu.memory_space<hbm>> -> memref<1024xi32, #tpu.memory_space<hbm>>
        tpu.enqueue_dma source(%dma_start3A_147 : memref<1024xi32, #tpu.memory_space<hbm>>) target(%dma_start3A_146 : memref<1024xi32, #tpu.memory_space<vmem>>) target_semaphore(%arg16 : memref<!tpu.dma_semaphore, #tpu.memory_space<semaphore_mem>>)
        %dma_start3A_148 = arith.constant 0 : i32
        %dma_start3A_149 = tpu.memref_slice %arg11[%sub3A_127, %dma_start3A_148] : memref<2x1024xf32, #tpu.memory_space<vmem>> -> memref<1x1024xf32, #tpu.memory_space<vmem>>
        %dma_start3A_150 = tpu.memref_squeeze %dma_start3A_149 : memref<1x1024xf32, #tpu.memory_space<vmem>> -> memref<1024xf32, #tpu.memory_space<vmem>>
        %dma_start3A_151 = tpu.memref_slice %arg6[%mul3A_131] : memref<320000xf32, #tpu.memory_space<hbm>> -> memref<1024xf32, #tpu.memory_space<hbm>>
        %dma_start3A_152 = arith.constant 0 : i32
        %dma_start3A_153 = tpu.memref_slice %arg11[%sub3A_127, %dma_start3A_152] : memref<2x1024xf32, #tpu.memory_space<vmem>> -> memref<1x1024xf32, #tpu.memory_space<vmem>>
        %dma_start3A_154 = tpu.memref_squeeze %dma_start3A_153 : memref<1x1024xf32, #tpu.memory_space<vmem>> -> memref<1024xf32, #tpu.memory_space<vmem>>
        %dma_start3A_155 = tpu.memref_slice %arg6[%mul3A_131] : memref<320000xf32, #tpu.memory_space<hbm>> -> memref<1024xf32, #tpu.memory_space<hbm>>
        tpu.enqueue_dma source(%dma_start3A_155 : memref<1024xf32, #tpu.memory_space<hbm>>) target(%dma_start3A_154 : memref<1024xf32, #tpu.memory_space<vmem>>) target_semaphore(%arg17 : memref<!tpu.dma_semaphore, #tpu.memory_space<semaphore_mem>>)
      } else {
      }
      %mul3A_99 = arith.constant 1024 : i32
      %mul3A_100 = arith.muli %scan3A_92, %mul3A_99 : i32
      %dma_wait3A = arith.constant 0 : i32
      %dma_wait3A_101 = tpu.memref_slice %arg9[%rem3A_94, %dma_wait3A] : memref<2x1024xi32, #tpu.memory_space<vmem>> -> memref<1x1024xi32, #tpu.memory_space<vmem>>
      %dma_wait3A_102 = tpu.memref_squeeze %dma_wait3A_101 : memref<1x1024xi32, #tpu.memory_space<vmem>> -> memref<1024xi32, #tpu.memory_space<vmem>>
      %dma_wait3A_103 = tpu.memref_slice %arg4[%mul3A_100] : memref<320000xi32, #tpu.memory_space<hbm>> -> memref<1024xi32, #tpu.memory_space<hbm>>
      %dma_wait3A_104 = arith.constant 0 : i32
      %dma_wait3A_105 = tpu.memref_slice %arg9[%rem3A_94, %dma_wait3A_104] : memref<2x1024xi32, #tpu.memory_space<vmem>> -> memref<1x1024xi32, #tpu.memory_space<vmem>>
      %dma_wait3A_106 = tpu.memref_squeeze %dma_wait3A_105 : memref<1x1024xi32, #tpu.memory_space<vmem>> -> memref<1024xi32, #tpu.memory_space<vmem>>
      %dma_wait3A_107 = tpu.memref_slice %arg4[%mul3A_100] : memref<320000xi32, #tpu.memory_space<hbm>> -> memref<1024xi32, #tpu.memory_space<hbm>>
      tpu.wait_dma2 semaphore(%arg16 : memref<!tpu.dma_semaphore, #tpu.memory_space<semaphore_mem>>) src(%dma_wait3A_107 : memref<1024xi32, #tpu.memory_space<hbm>>) dst(%dma_wait3A_106 : memref<1024xi32, #tpu.memory_space<vmem>>)
      %dma_wait3A_108 = arith.constant 0 : i32
      %dma_wait3A_109 = tpu.memref_slice %arg10[%rem3A_94, %dma_wait3A_108] : memref<2x1024xi32, #tpu.memory_space<vmem>> -> memref<1x1024xi32, #tpu.memory_space<vmem>>
      %dma_wait3A_110 = tpu.memref_squeeze %dma_wait3A_109 : memref<1x1024xi32, #tpu.memory_space<vmem>> -> memref<1024xi32, #tpu.memory_space<vmem>>
      %dma_wait3A_111 = tpu.memref_slice %arg5[%mul3A_100] : memref<320000xi32, #tpu.memory_space<hbm>> -> memref<1024xi32, #tpu.memory_space<hbm>>
      %dma_wait3A_112 = arith.constant 0 : i32
      %dma_wait3A_113 = tpu.memref_slice %arg10[%rem3A_94, %dma_wait3A_112] : memref<2x1024xi32, #tpu.memory_space<vmem>> -> memref<1x1024xi32, #tpu.memory_space<vmem>>
      %dma_wait3A_114 = tpu.memref_squeeze %dma_wait3A_113 : memref<1x1024xi32, #tpu.memory_space<vmem>> -> memref<1024xi32, #tpu.memory_space<vmem>>
      %dma_wait3A_115 = tpu.memref_slice %arg5[%mul3A_100] : memref<320000xi32, #tpu.memory_space<hbm>> -> memref<1024xi32, #tpu.memory_space<hbm>>
      tpu.wait_dma2 semaphore(%arg16 : memref<!tpu.dma_semaphore, #tpu.memory_space<semaphore_mem>>) src(%dma_wait3A_115 : memref<1024xi32, #tpu.memory_space<hbm>>) dst(%dma_wait3A_114 : memref<1024xi32, #tpu.memory_space<vmem>>)
      %dma_wait3A_116 = arith.constant 0 : i32
      %dma_wait3A_117 = tpu.memref_slice %arg11[%rem3A_94, %dma_wait3A_116] : memref<2x1024xf32, #tpu.memory_space<vmem>> -> memref<1x1024xf32, #tpu.memory_space<vmem>>
      %dma_wait3A_118 = tpu.memref_squeeze %dma_wait3A_117 : memref<1x1024xf32, #tpu.memory_space<vmem>> -> memref<1024xf32, #tpu.memory_space<vmem>>
      %dma_wait3A_119 = tpu.memref_slice %arg6[%mul3A_100] : memref<320000xf32, #tpu.memory_space<hbm>> -> memref<1024xf32, #tpu.memory_space<hbm>>
      %dma_wait3A_120 = arith.constant 0 : i32
      %dma_wait3A_121 = tpu.memref_slice %arg11[%rem3A_94, %dma_wait3A_120] : memref<2x1024xf32, #tpu.memory_space<vmem>> -> memref<1x1024xf32, #tpu.memory_space<vmem>>
      %dma_wait3A_122 = tpu.memref_squeeze %dma_wait3A_121 : memref<1x1024xf32, #tpu.memory_space<vmem>> -> memref<1024xf32, #tpu.memory_space<vmem>>
      %dma_wait3A_123 = tpu.memref_slice %arg6[%mul3A_100] : memref<320000xf32, #tpu.memory_space<hbm>> -> memref<1024xf32, #tpu.memory_space<hbm>>
      tpu.wait_dma2 semaphore(%arg17 : memref<!tpu.dma_semaphore, #tpu.memory_space<semaphore_mem>>) src(%dma_wait3A_123 : memref<1024xf32, #tpu.memory_space<hbm>>) dst(%dma_wait3A_122 : memref<1024xf32, #tpu.memory_space<vmem>>)
      %parallel_loop3A = arith.constant 0 : i32
      %parallel_loop3A_124 = arith.constant 64 : i32
      %parallel_loop3A_125 = arith.constant 1 : i32
      scf.for %parallel_loop3A_127 = %parallel_loop3A to %parallel_loop3A_124 step %parallel_loop3A_125  : i32 {
        %parallel_loop3A_128 = arith.constant 16 : i32
        %parallel_loop3A_129 = arith.muli %parallel_loop3A_127, %parallel_loop3A_128 : i32
        %parallel_loop3A_130 = arith.index_cast %rem3A_94 : i32 to index
        %parallel_loop3A_131 = arith.index_cast %parallel_loop3A_129 : i32 to index
        %parallel_loop3A_132 = tpu.vector_load %arg9[%parallel_loop3A_130, %parallel_loop3A_131] {strides = array<i32>} : memref<2x1024xi32, #tpu.memory_space<vmem>>, vector<16xi32>,
        %parallel_loop3A_133 = arith.index_cast %rem3A_94 : i32 to index
        %parallel_loop3A_134 = arith.index_cast %parallel_loop3A_129 : i32 to index
        %parallel_loop3A_135 = tpu.vector_load %arg10[%parallel_loop3A_133, %parallel_loop3A_134] {strides = array<i32>} : memref<2x1024xi32, #tpu.memory_space<vmem>>, vector<16xi32>,
        %parallel_loop3A_136 = arith.index_cast %rem3A_94 : i32 to index
        %parallel_loop3A_137 = arith.index_cast %parallel_loop3A_129 : i32 to index
        %parallel_loop3A_138 = tpu.vector_load %arg11[%parallel_loop3A_136, %parallel_loop3A_137] {strides = array<i32>} : memref<2x1024xf32, #tpu.memory_space<vmem>>, vector<16xf32>,
        %parallel_loop3A_139 = tpu.vector_load_idx %arg12[%broadcast_in_dim3A_46, %parallel_loop3A_132] : memref<4x10000xf32, #tpu.memory_space<vmem>>[vector<16xi32>, vector<16xi32>], vector<16xf32>,
        %parallel_loop3A_140 = tpu.vector_load_idx %arg13[%broadcast_in_dim3A_46, %parallel_loop3A_135] : memref<4x10000xf32, #tpu.memory_space<vmem>>[vector<16xi32>, vector<16xi32>], vector<16xf32>,
        %parallel_loop3A_141 = arith.addf %parallel_loop3A_139, %parallel_loop3A_140 : vector<16xf32>
        %parallel_loop3A_142 = arith.mulf %parallel_loop3A_138, %gather3A : vector<16xf32>
        %parallel_loop3A_143 = arith.addf %parallel_loop3A_141, %parallel_loop3A_142 : vector<16xf32>
        %parallel_loop3A_144 = arith.constant 0.000000e+00 : f32
        %parallel_loop3A_145 = vector.broadcast %parallel_loop3A_144 : f32 to vector<16xf32>
        %parallel_loop3A_146 = arith.maximumf %parallel_loop3A_143, %parallel_loop3A_145 : vector<16xf32>
        tpu.vector_store_idx %arg14[%broadcast_in_dim3A_46, %parallel_loop3A_135], %parallel_loop3A_146 {add = true} : memref<4x10000xf32, #tpu.memory_space<vmem>>[vector<16xi32>, vector<16xi32>], vector<16xf32>,
        %parallel_loop3A_147 = tpu.vector_load_idx %arg12[%broadcast_in_dim3A_48, %parallel_loop3A_132] : memref<4x10000xf32, #tpu.memory_space<vmem>>[vector<16xi32>, vector<16xi32>], vector<16xf32>,
        %parallel_loop3A_148 = tpu.vector_load_idx %arg13[%broadcast_in_dim3A_48, %parallel_loop3A_135] : memref<4x10000xf32, #tpu.memory_space<vmem>>[vector<16xi32>, vector<16xi32>], vector<16xf32>,
        %parallel_loop3A_149 = arith.addf %parallel_loop3A_147, %parallel_loop3A_148 : vector<16xf32>
        %parallel_loop3A_150 = arith.mulf %parallel_loop3A_138, %gather3A_26 : vector<16xf32>
        %parallel_loop3A_151 = arith.addf %parallel_loop3A_149, %parallel_loop3A_150 : vector<16xf32>
        %parallel_loop3A_152 = arith.constant 0.000000e+00 : f32
        %parallel_loop3A_153 = vector.broadcast %parallel_loop3A_152 : f32 to vector<16xf32>
        %parallel_loop3A_154 = arith.maximumf %parallel_loop3A_151, %parallel_loop3A_153 : vector<16xf32>
        tpu.vector_store_idx %arg14[%broadcast_in_dim3A_48, %parallel_loop3A_135], %parallel_loop3A_154 {add = true} : memref<4x10000xf32, #tpu.memory_space<vmem>>[vector<16xi32>, vector<16xi32>], vector<16xf32>,
        %parallel_loop3A_155 = tpu.vector_load_idx %arg12[%broadcast_in_dim3A_50, %parallel_loop3A_132] : memref<4x10000xf32, #tpu.memory_space<vmem>>[vector<16xi32>, vector<16xi32>], vector<16xf32>,
        %parallel_loop3A_156 = tpu.vector_load_idx %arg13[%broadcast_in_dim3A_50, %parallel_loop3A_135] : memref<4x10000xf32, #tpu.memory_space<vmem>>[vector<16xi32>, vector<16xi32>], vector<16xf32>,
        %parallel_loop3A_157 = arith.addf %parallel_loop3A_155, %parallel_loop3A_156 : vector<16xf32>
        %parallel_loop3A_158 = arith.mulf %parallel_loop3A_138, %gather3A_35 : vector<16xf32>
        %parallel_loop3A_159 = arith.addf %parallel_loop3A_157, %parallel_loop3A_158 : vector<16xf32>
        %parallel_loop3A_160 = arith.constant 0.000000e+00 : f32
        %parallel_loop3A_161 = vector.broadcast %parallel_loop3A_160 : f32 to vector<16xf32>
        %parallel_loop3A_162 = arith.maximumf %parallel_loop3A_159, %parallel_loop3A_161 : vector<16xf32>
        tpu.vector_store_idx %arg14[%broadcast_in_dim3A_50, %parallel_loop3A_135], %parallel_loop3A_162 {add = true} : memref<4x10000xf32, #tpu.memory_space<vmem>>[vector<16xi32>, vector<16xi32>], vector<16xf32>,
        %parallel_loop3A_163 = tpu.vector_load_idx %arg12[%broadcast_in_dim3A_52, %parallel_loop3A_132] : memref<4x10000xf32, #tpu.memory_space<vmem>>[vector<16xi32>, vector<16xi32>], vector<16xf32>,
        %parallel_loop3A_164 = tpu.vector_load_idx %arg13[%broadcast_in_dim3A_52, %parallel_loop3A_135] : memref<4x10000xf32, #tpu.memory_space<vmem>>[vector<16xi32>, vector<16xi32>], vector<16xf32>,
        %parallel_loop3A_165 = arith.addf %parallel_loop3A_163, %parallel_loop3A_164 : vector<16xf32>
        %parallel_loop3A_166 = arith.mulf %parallel_loop3A_138, %gather3A_44 : vector<16xf32>
        %parallel_loop3A_167 = arith.addf %parallel_loop3A_165, %parallel_loop3A_166 : vector<16xf32>
        %parallel_loop3A_168 = arith.constant 0.000000e+00 : f32
        %parallel_loop3A_169 = vector.broadcast %parallel_loop3A_168 : f32 to vector<16xf32>
        %parallel_loop3A_170 = arith.maximumf %parallel_loop3A_167, %parallel_loop3A_169 : vector<16xf32>
        tpu.vector_store_idx %arg14[%broadcast_in_dim3A_52, %parallel_loop3A_135], %parallel_loop3A_170 {add = true} : memref<4x10000xf32, #tpu.memory_space<vmem>>[vector<16xi32>, vector<16xi32>], vector<16xf32>,
      } {sc.loop_unroll_factor = 8 : i64, sc.parallel_access}
      %scan3A_126 = arith.constant 0 : i32
      scf.yield %scan3A_126 : i32
    }
    %scan3A_91 = arith.constant 312 : i32
    "tpu.region"() ({
      %run_scoped3A = tpu.sem_alloc : memref<!tpu.dma_semaphore, #tpu.memory_space<semaphore_mem>>
      %dma_start3A_92 = arith.constant 0 : i32
      %dma_start3A_93 = arith.constant 0 : i32
      %dma_start3A_94 = tpu.memref_slice %arg8[%add3A, %dma_start3A_92, %dma_start3A_93] : memref<32x4x10000xf32, #tpu.memory_space<hbm>> -> memref<1x4x10000xf32, #tpu.memory_space<hbm>>
      %dma_start3A_95 = tpu.memref_squeeze %dma_start3A_94 : memref<1x4x10000xf32, #tpu.memory_space<hbm>> -> memref<4x10000xf32, #tpu.memory_space<hbm>>
      %dma_start3A_96 = arith.constant 0 : i32
      %dma_start3A_97 = arith.constant 0 : i32
      %dma_start3A_98 = tpu.memref_slice %arg8[%add3A, %dma_start3A_96, %dma_start3A_97] : memref<32x4x10000xf32, #tpu.memory_space<hbm>> -> memref<1x4x10000xf32, #tpu.memory_space<hbm>>
      %dma_start3A_99 = tpu.memref_squeeze %dma_start3A_98 : memref<1x4x10000xf32, #tpu.memory_space<hbm>> -> memref<4x10000xf32, #tpu.memory_space<hbm>>
      tpu.enqueue_dma source(%arg14 : memref<4x10000xf32, #tpu.memory_space<vmem>>) target(%dma_start3A_99 : memref<4x10000xf32, #tpu.memory_space<hbm>>) target_semaphore(%run_scoped3A : memref<!tpu.dma_semaphore, #tpu.memory_space<semaphore_mem>>)
      %dma_wait3A = arith.constant 0 : i32
      %dma_wait3A_100 = arith.constant 0 : i32
      %dma_wait3A_101 = tpu.memref_slice %arg8[%add3A, %dma_wait3A, %dma_wait3A_100] : memref<32x4x10000xf32, #tpu.memory_space<hbm>> -> memref<1x4x10000xf32, #tpu.memory_space<hbm>>
      %dma_wait3A_102 = tpu.memref_squeeze %dma_wait3A_101 : memref<1x4x10000xf32, #tpu.memory_space<hbm>> -> memref<4x10000xf32, #tpu.memory_space<hbm>>
      %dma_wait3A_103 = arith.constant 0 : i32
      %dma_wait3A_104 = arith.constant 0 : i32
      %dma_wait3A_105 = tpu.memref_slice %arg8[%add3A, %dma_wait3A_103, %dma_wait3A_104] : memref<32x4x10000xf32, #tpu.memory_space<hbm>> -> memref<1x4x10000xf32, #tpu.memory_space<hbm>>
      %dma_wait3A_106 = tpu.memref_squeeze %dma_wait3A_105 : memref<1x4x10000xf32, #tpu.memory_space<hbm>> -> memref<4x10000xf32, #tpu.memory_space<hbm>>
      tpu.wait_dma2 semaphore(%run_scoped3A : memref<!tpu.dma_semaphore, #tpu.memory_space<semaphore_mem>>) src(%arg14 : memref<4x10000xf32, #tpu.memory_space<vmem>>) dst(%dma_wait3A_106 : memref<4x10000xf32, #tpu.memory_space<hbm>>)
      tpu.yield
    }) : () -> ()
    return
  }
}

#map = affine_map<(d0, d1) -> (0, 0, 0)>
#map1 = affine_map<(d0, d1) -> (0)>
module attributes {stable_mosaic.version = 14 : i64} {
  func.func @_sc_edge_body(%arg0: i32, %arg1: i32, %arg2: memref<32x4x10000xf32, #tpu.memory_space<hbm>>, %arg3: memref<32x4x10000xf32, #tpu.memory_space<hbm>>, %arg4: memref<320000xi32, #tpu.memory_space<hbm>>, %arg5: memref<320000xi32, #tpu.memory_space<hbm>>, %arg6: memref<320000xf32, #tpu.memory_space<hbm>>, %arg7: memref<128xf32, #tpu.memory_space<hbm>>, %arg8: memref<32x4x10000xf32, #tpu.memory_space<hbm>>, %arg9: memref<2x1024xi32, #tpu.memory_space<vmem>>, %arg10: memref<2x1024xi32, #tpu.memory_space<vmem>>, %arg11: memref<2x1024xf32, #tpu.memory_space<vmem>>, %arg12: memref<4x10000xf32, #tpu.memory_space<vmem>>, %arg13: memref<4x10000xf32, #tpu.memory_space<vmem>>, %arg14: memref<4x10000xf32, #tpu.memory_space<vmem>>, %arg15: memref<128xf32, #tpu.memory_space<vmem>>, %arg16: memref<!tpu.dma_semaphore, #tpu.memory_space<semaphore_mem>>, %arg17: memref<!tpu.dma_semaphore, #tpu.memory_space<semaphore_mem>>) attributes {dimension_semantics = [#tpu.dimension_semantics<core_parallel>, #tpu.dimension_semantics<subcore_parallel>], iteration_bounds = array<i64: 2, 16>, scalar_prefetch = 0 : i64, scratch_operands = 9 : i64, tpu.core_type = #tpu.core_type<sc_vector_subcore>, window_params = [{transform_indices = #map}, {transform_indices = #map}, {transform_indices = #map1}, {transform_indices = #map1}, {transform_indices = #map1}, {transform_indices = #map1}, {transform_indices = #map}]} {
    %mul3A = arith.constant 2 : i32
    %mul3A_0 = arith.muli %arg1, %mul3A : i32
    %add3A = arith.addi %mul3A_0, %arg0 : i32
    %broadcast_in_dim3A = arith.constant 0.000000e+00 : f32
    %broadcast_in_dim3A_1 = vector.broadcast %broadcast_in_dim3A : f32 to vector<16xf32>
    %broadcast_in_dim3A_2 = arith.constant 1.000000e+00 : f32
    %broadcast_in_dim3A_3 = vector.broadcast %broadcast_in_dim3A_2 : f32 to vector<16xf32>
    %scan3A = arith.constant 0 : i32
    %scan3A_4 = arith.constant 0 : i32
    %scan3A_5 = arith.constant 625 : i32
    %scan3A_6 = arith.addi %scan3A_4, %scan3A_5 : i32
    %scan3A_7 = arith.constant 1 : i32
    %scan3A_8 = scf.for %scan3A_92 = %scan3A_4 to %scan3A_6 step %scan3A_7 iter_args(%scan3A_93 = %scan3A) -> (i32)  : i32 {
      %mul3A_94 = arith.constant 16 : i32
      %mul3A_95 = arith.muli %scan3A_92, %mul3A_94 : i32
      %swap3A = arith.constant 0 : i32
      %swap3A_96 = arith.index_cast %swap3A : i32 to index
      %swap3A_97 = arith.index_cast %mul3A_95 : i32 to index
      %swap3A_98 = tpu.vector_load %arg14[%swap3A_96, %swap3A_97] {strides = array<i32>} : memref<4x10000xf32, #tpu.memory_space<vmem>>, vector<16xf32>,
      tpu.vector_store %arg14[%swap3A_96, %swap3A_97], %broadcast_in_dim3A_1 {strides = array<i32>} : memref<4x10000xf32, #tpu.memory_space<vmem>>, vector<16xf32>,
      %mul3A_99 = arith.constant 16 : i32
      %mul3A_100 = arith.muli %scan3A_92, %mul3A_99 : i32
      %swap3A_101 = arith.constant 1 : i32
      %swap3A_102 = arith.index_cast %swap3A_101 : i32 to index
      %swap3A_103 = arith.index_cast %mul3A_100 : i32 to index
      %swap3A_104 = tpu.vector_load %arg14[%swap3A_102, %swap3A_103] {strides = array<i32>} : memref<4x10000xf32, #tpu.memory_space<vmem>>, vector<16xf32>,
      tpu.vector_store %arg14[%swap3A_102, %swap3A_103], %broadcast_in_dim3A_1 {strides = array<i32>} : memref<4x10000xf32, #tpu.memory_space<vmem>>, vector<16xf32>,
      %mul3A_105 = arith.constant 16 : i32
      %mul3A_106 = arith.muli %scan3A_92, %mul3A_105 : i32
      %swap3A_107 = arith.constant 2 : i32
      %swap3A_108 = arith.index_cast %swap3A_107 : i32 to index
      %swap3A_109 = arith.index_cast %mul3A_106 : i32 to index
      %swap3A_110 = tpu.vector_load %arg14[%swap3A_108, %swap3A_109] {strides = array<i32>} : memref<4x10000xf32, #tpu.memory_space<vmem>>, vector<16xf32>,
      tpu.vector_store %arg14[%swap3A_108, %swap3A_109], %broadcast_in_dim3A_1 {strides = array<i32>} : memref<4x10000xf32, #tpu.memory_space<vmem>>, vector<16xf32>,
      %mul3A_111 = arith.constant 16 : i32
      %mul3A_112 = arith.muli %scan3A_92, %mul3A_111 : i32
      %swap3A_113 = arith.constant 3 : i32
      %swap3A_114 = arith.index_cast %swap3A_113 : i32 to index
      %swap3A_115 = arith.index_cast %mul3A_112 : i32 to index
      %swap3A_116 = tpu.vector_load %arg14[%swap3A_114, %swap3A_115] {strides = array<i32>} : memref<4x10000xf32, #tpu.memory_space<vmem>>, vector<16xf32>,
      tpu.vector_store %arg14[%swap3A_114, %swap3A_115], %broadcast_in_dim3A_1 {strides = array<i32>} : memref<4x10000xf32, #tpu.memory_space<vmem>>, vector<16xf32>,
      %scan3A_117 = arith.constant 0 : i32
      scf.yield %scan3A_117 : i32
    }
    %scan3A_9 = arith.constant 625 : i32
    "tpu.region"() ({
      %run_scoped3A = tpu.sem_alloc : memref<!tpu.dma_semaphore, #tpu.memory_space<semaphore_mem>>
      %dma_start3A_92 = arith.constant 0 : i32
      %dma_start3A_93 = arith.constant 0 : i32
      %dma_start3A_94 = tpu.memref_slice %arg2[%add3A, %dma_start3A_92, %dma_start3A_93] : memref<32x4x10000xf32, #tpu.memory_space<hbm>> -> memref<1x4x10000xf32, #tpu.memory_space<hbm>>
      %dma_start3A_95 = tpu.memref_squeeze %dma_start3A_94 : memref<1x4x10000xf32, #tpu.memory_space<hbm>> -> memref<4x10000xf32, #tpu.memory_space<hbm>>
      %dma_start3A_96 = arith.constant 0 : i32
      %dma_start3A_97 = arith.constant 0 : i32
      %dma_start3A_98 = tpu.memref_slice %arg2[%add3A, %dma_start3A_96, %dma_start3A_97] : memref<32x4x10000xf32, #tpu.memory_space<hbm>> -> memref<1x4x10000xf32, #tpu.memory_space<hbm>>
      %dma_start3A_99 = tpu.memref_squeeze %dma_start3A_98 : memref<1x4x10000xf32, #tpu.memory_space<hbm>> -> memref<4x10000xf32, #tpu.memory_space<hbm>>
      tpu.enqueue_dma source(%dma_start3A_99 : memref<4x10000xf32, #tpu.memory_space<hbm>>) target(%arg12 : memref<4x10000xf32, #tpu.memory_space<vmem>>) target_semaphore(%run_scoped3A : memref<!tpu.dma_semaphore, #tpu.memory_space<semaphore_mem>>)
      %dma_wait3A = arith.constant 0 : i32
      %dma_wait3A_100 = arith.constant 0 : i32
      %dma_wait3A_101 = tpu.memref_slice %arg2[%add3A, %dma_wait3A, %dma_wait3A_100] : memref<32x4x10000xf32, #tpu.memory_space<hbm>> -> memref<1x4x10000xf32, #tpu.memory_space<hbm>>
      %dma_wait3A_102 = tpu.memref_squeeze %dma_wait3A_101 : memref<1x4x10000xf32, #tpu.memory_space<hbm>> -> memref<4x10000xf32, #tpu.memory_space<hbm>>
      %dma_wait3A_103 = arith.constant 0 : i32
      %dma_wait3A_104 = arith.constant 0 : i32
      %dma_wait3A_105 = tpu.memref_slice %arg2[%add3A, %dma_wait3A_103, %dma_wait3A_104] : memref<32x4x10000xf32, #tpu.memory_space<hbm>> -> memref<1x4x10000xf32, #tpu.memory_space<hbm>>
      %dma_wait3A_106 = tpu.memref_squeeze %dma_wait3A_105 : memref<1x4x10000xf32, #tpu.memory_space<hbm>> -> memref<4x10000xf32, #tpu.memory_space<hbm>>
      tpu.wait_dma2 semaphore(%run_scoped3A : memref<!tpu.dma_semaphore, #tpu.memory_space<semaphore_mem>>) src(%dma_wait3A_106 : memref<4x10000xf32, #tpu.memory_space<hbm>>) dst(%arg12 : memref<4x10000xf32, #tpu.memory_space<vmem>>)
      tpu.yield
    }) : () -> ()
    "tpu.region"() ({
      %run_scoped3A = tpu.sem_alloc : memref<!tpu.dma_semaphore, #tpu.memory_space<semaphore_mem>>
      %dma_start3A_92 = arith.constant 0 : i32
      %dma_start3A_93 = arith.constant 0 : i32
      %dma_start3A_94 = tpu.memref_slice %arg3[%add3A, %dma_start3A_92, %dma_start3A_93] : memref<32x4x10000xf32, #tpu.memory_space<hbm>> -> memref<1x4x10000xf32, #tpu.memory_space<hbm>>
      %dma_start3A_95 = tpu.memref_squeeze %dma_start3A_94 : memref<1x4x10000xf32, #tpu.memory_space<hbm>> -> memref<4x10000xf32, #tpu.memory_space<hbm>>
      %dma_start3A_96 = arith.constant 0 : i32
      %dma_start3A_97 = arith.constant 0 : i32
      %dma_start3A_98 = tpu.memref_slice %arg3[%add3A, %dma_start3A_96, %dma_start3A_97] : memref<32x4x10000xf32, #tpu.memory_space<hbm>> -> memref<1x4x10000xf32, #tpu.memory_space<hbm>>
      %dma_start3A_99 = tpu.memref_squeeze %dma_start3A_98 : memref<1x4x10000xf32, #tpu.memory_space<hbm>> -> memref<4x10000xf32, #tpu.memory_space<hbm>>
      tpu.enqueue_dma source(%dma_start3A_99 : memref<4x10000xf32, #tpu.memory_space<hbm>>) target(%arg13 : memref<4x10000xf32, #tpu.memory_space<vmem>>) target_semaphore(%run_scoped3A : memref<!tpu.dma_semaphore, #tpu.memory_space<semaphore_mem>>)
      %dma_wait3A = arith.constant 0 : i32
      %dma_wait3A_100 = arith.constant 0 : i32
      %dma_wait3A_101 = tpu.memref_slice %arg3[%add3A, %dma_wait3A, %dma_wait3A_100] : memref<32x4x10000xf32, #tpu.memory_space<hbm>> -> memref<1x4x10000xf32, #tpu.memory_space<hbm>>
      %dma_wait3A_102 = tpu.memref_squeeze %dma_wait3A_101 : memref<1x4x10000xf32, #tpu.memory_space<hbm>> -> memref<4x10000xf32, #tpu.memory_space<hbm>>
      %dma_wait3A_103 = arith.constant 0 : i32
      %dma_wait3A_104 = arith.constant 0 : i32
      %dma_wait3A_105 = tpu.memref_slice %arg3[%add3A, %dma_wait3A_103, %dma_wait3A_104] : memref<32x4x10000xf32, #tpu.memory_space<hbm>> -> memref<1x4x10000xf32, #tpu.memory_space<hbm>>
      %dma_wait3A_106 = tpu.memref_squeeze %dma_wait3A_105 : memref<1x4x10000xf32, #tpu.memory_space<hbm>> -> memref<4x10000xf32, #tpu.memory_space<hbm>>
      tpu.wait_dma2 semaphore(%run_scoped3A : memref<!tpu.dma_semaphore, #tpu.memory_space<semaphore_mem>>) src(%dma_wait3A_106 : memref<4x10000xf32, #tpu.memory_space<hbm>>) dst(%arg13 : memref<4x10000xf32, #tpu.memory_space<vmem>>)
      tpu.yield
    }) : () -> ()
    "tpu.region"() ({
      %run_scoped3A = tpu.sem_alloc : memref<!tpu.dma_semaphore, #tpu.memory_space<semaphore_mem>>
      tpu.enqueue_dma source(%arg7 : memref<128xf32, #tpu.memory_space<hbm>>) target(%arg15 : memref<128xf32, #tpu.memory_space<vmem>>) target_semaphore(%run_scoped3A : memref<!tpu.dma_semaphore, #tpu.memory_space<semaphore_mem>>)
      tpu.wait_dma2 semaphore(%run_scoped3A : memref<!tpu.dma_semaphore, #tpu.memory_space<semaphore_mem>>) src(%arg7 : memref<128xf32, #tpu.memory_space<hbm>>) dst(%arg15 : memref<128xf32, #tpu.memory_space<vmem>>)
      tpu.yield
    }) : () -> ()
    %broadcast_in_dim3A_10 = arith.constant 0 : i32
    %broadcast_in_dim3A_11 = vector.broadcast %broadcast_in_dim3A_10 : i32 to vector<16xi32>
    %mul3A_12 = arith.constant 4 : i32
    %mul3A_13 = arith.muli %add3A, %mul3A_12 : i32
    %add3A_14 = arith.constant 0 : i32
    %add3A_15 = arith.addi %mul3A_13, %add3A_14 : i32
    %add3A_16 = vector.broadcast %add3A_15 : i32 to vector<16xi32>
    %add3A_17 = arith.addi %broadcast_in_dim3A_11, %add3A_16 : vector<16xi32>
    %gather3A = tpu.vector_load_idx %arg15[%add3A_17] : memref<128xf32, #tpu.memory_space<vmem>>[vector<16xi32>], vector<16xf32>,
    %broadcast_in_dim3A_18 = arith.constant 0 : i32
    %broadcast_in_dim3A_19 = vector.broadcast %broadcast_in_dim3A_18 : i32 to vector<16xi32>
    %mul3A_20 = arith.constant 4 : i32
    %mul3A_21 = arith.muli %add3A, %mul3A_20 : i32
    %add3A_22 = arith.constant 1 : i32
    %add3A_23 = arith.addi %mul3A_21, %add3A_22 : i32
    %add3A_24 = vector.broadcast %add3A_23 : i32 to vector<16xi32>
    %add3A_25 = arith.addi %broadcast_in_dim3A_19, %add3A_24 : vector<16xi32>
    %gather3A_26 = tpu.vector_load_idx %arg15[%add3A_25] : memref<128xf32, #tpu.memory_space<vmem>>[vector<16xi32>], vector<16xf32>,
    %broadcast_in_dim3A_27 = arith.constant 0 : i32
    %broadcast_in_dim3A_28 = vector.broadcast %broadcast_in_dim3A_27 : i32 to vector<16xi32>
    %mul3A_29 = arith.constant 4 : i32
    %mul3A_30 = arith.muli %add3A, %mul3A_29 : i32
    %add3A_31 = arith.constant 2 : i32
    %add3A_32 = arith.addi %mul3A_30, %add3A_31 : i32
    %add3A_33 = vector.broadcast %add3A_32 : i32 to vector<16xi32>
    %add3A_34 = arith.addi %broadcast_in_dim3A_28, %add3A_33 : vector<16xi32>
    %gather3A_35 = tpu.vector_load_idx %arg15[%add3A_34] : memref<128xf32, #tpu.memory_space<vmem>>[vector<16xi32>], vector<16xf32>,
    %broadcast_in_dim3A_36 = arith.constant 0 : i32
    %broadcast_in_dim3A_37 = vector.broadcast %broadcast_in_dim3A_36 : i32 to vector<16xi32>
    %mul3A_38 = arith.constant 4 : i32
    %mul3A_39 = arith.muli %add3A, %mul3A_38 : i32
    %add3A_40 = arith.constant 3 : i32
    %add3A_41 = arith.addi %mul3A_39, %add3A_40 : i32
    %add3A_42 = vector.broadcast %add3A_41 : i32 to vector<16xi32>
    %add3A_43 = arith.addi %broadcast_in_dim3A_37, %add3A_42 : vector<16xi32>
    %gather3A_44 = tpu.vector_load_idx %arg15[%add3A_43] : memref<128xf32, #tpu.memory_space<vmem>>[vector<16xi32>], vector<16xf32>,
    %broadcast_in_dim3A_45 = arith.constant 0 : i32
    %broadcast_in_dim3A_46 = vector.broadcast %broadcast_in_dim3A_45 : i32 to vector<16xi32>
    %broadcast_in_dim3A_47 = arith.constant 1 : i32
    %broadcast_in_dim3A_48 = vector.broadcast %broadcast_in_dim3A_47 : i32 to vector<16xi32>
    %broadcast_in_dim3A_49 = arith.constant 2 : i32
    %broadcast_in_dim3A_50 = vector.broadcast %broadcast_in_dim3A_49 : i32 to vector<16xi32>
    %broadcast_in_dim3A_51 = arith.constant 3 : i32
    %broadcast_in_dim3A_52 = vector.broadcast %broadcast_in_dim3A_51 : i32 to vector<16xi32>
    %dma_start3A = arith.constant 0 : i32
    %dma_start3A_53 = arith.constant 0 : i32
    %dma_start3A_54 = tpu.memref_slice %arg9[%dma_start3A, %dma_start3A_53] : memref<2x1024xi32, #tpu.memory_space<vmem>> -> memref<1x1024xi32, #tpu.memory_space<vmem>>
    %dma_start3A_55 = tpu.memref_squeeze %dma_start3A_54 : memref<1x1024xi32, #tpu.memory_space<vmem>> -> memref<1024xi32, #tpu.memory_space<vmem>>
    %dma_start3A_56 = arith.constant 0 : i32
    %dma_start3A_57 = tpu.memref_slice %arg4[%dma_start3A_56] : memref<320000xi32, #tpu.memory_space<hbm>> -> memref<1024xi32, #tpu.memory_space<hbm>>
    %dma_start3A_58 = arith.constant 0 : i32
    %dma_start3A_59 = tpu.memref_slice %arg9[%dma_start3A, %dma_start3A_58] : memref<2x1024xi32, #tpu.memory_space<vmem>> -> memref<1x1024xi32, #tpu.memory_space<vmem>>
    %dma_start3A_60 = tpu.memref_squeeze %dma_start3A_59 : memref<1x1024xi32, #tpu.memory_space<vmem>> -> memref<1024xi32, #tpu.memory_space<vmem>>
    %dma_start3A_61 = arith.constant 0 : i32
    %dma_start3A_62 = tpu.memref_slice %arg4[%dma_start3A_61] : memref<320000xi32, #tpu.memory_space<hbm>> -> memref<1024xi32, #tpu.memory_space<hbm>>
    tpu.enqueue_dma source(%dma_start3A_62 : memref<1024xi32, #tpu.memory_space<hbm>>) target(%dma_start3A_60 : memref<1024xi32, #tpu.memory_space<vmem>>) target_semaphore(%arg16 : memref<!tpu.dma_semaphore, #tpu.memory_space<semaphore_mem>>)
    %dma_start3A_63 = arith.constant 0 : i32
    %dma_start3A_64 = arith.constant 0 : i32
    %dma_start3A_65 = tpu.memref_slice %arg10[%dma_start3A_63, %dma_start3A_64] : memref<2x1024xi32, #tpu.memory_space<vmem>> -> memref<1x1024xi32, #tpu.memory_space<vmem>>
    %dma_start3A_66 = tpu.memref_squeeze %dma_start3A_65 : memref<1x1024xi32, #tpu.memory_space<vmem>> -> memref<1024xi32, #tpu.memory_space<vmem>>
    %dma_start3A_67 = arith.constant 0 : i32
    %dma_start3A_68 = tpu.memref_slice %arg5[%dma_start3A_67] : memref<320000xi32, #tpu.memory_space<hbm>> -> memref<1024xi32, #tpu.memory_space<hbm>>
    %dma_start3A_69 = arith.constant 0 : i32
    %dma_start3A_70 = tpu.memref_slice %arg10[%dma_start3A_63, %dma_start3A_69] : memref<2x1024xi32, #tpu.memory_space<vmem>> -> memref<1x1024xi32, #tpu.memory_space<vmem>>
    %dma_start3A_71 = tpu.memref_squeeze %dma_start3A_70 : memref<1x1024xi32, #tpu.memory_space<vmem>> -> memref<1024xi32, #tpu.memory_space<vmem>>
    %dma_start3A_72 = arith.constant 0 : i32
    %dma_start3A_73 = tpu.memref_slice %arg5[%dma_start3A_72] : memref<320000xi32, #tpu.memory_space<hbm>> -> memref<1024xi32, #tpu.memory_space<hbm>>
    tpu.enqueue_dma source(%dma_start3A_73 : memref<1024xi32, #tpu.memory_space<hbm>>) target(%dma_start3A_71 : memref<1024xi32, #tpu.memory_space<vmem>>) target_semaphore(%arg16 : memref<!tpu.dma_semaphore, #tpu.memory_space<semaphore_mem>>)
    %dma_start3A_74 = arith.constant 0 : i32
    %dma_start3A_75 = arith.constant 0 : i32
    %dma_start3A_76 = tpu.memref_slice %arg11[%dma_start3A_74, %dma_start3A_75] : memref<2x1024xf32, #tpu.memory_space<vmem>> -> memref<1x1024xf32, #tpu.memory_space<vmem>>
    %dma_start3A_77 = tpu.memref_squeeze %dma_start3A_76 : memref<1x1024xf32, #tpu.memory_space<vmem>> -> memref<1024xf32, #tpu.memory_space<vmem>>
    %dma_start3A_78 = arith.constant 0 : i32
    %dma_start3A_79 = tpu.memref_slice %arg6[%dma_start3A_78] : memref<320000xf32, #tpu.memory_space<hbm>> -> memref<1024xf32, #tpu.memory_space<hbm>>
    %dma_start3A_80 = arith.constant 0 : i32
    %dma_start3A_81 = tpu.memref_slice %arg11[%dma_start3A_74, %dma_start3A_80] : memref<2x1024xf32, #tpu.memory_space<vmem>> -> memref<1x1024xf32, #tpu.memory_space<vmem>>
    %dma_start3A_82 = tpu.memref_squeeze %dma_start3A_81 : memref<1x1024xf32, #tpu.memory_space<vmem>> -> memref<1024xf32, #tpu.memory_space<vmem>>
    %dma_start3A_83 = arith.constant 0 : i32
    %dma_start3A_84 = tpu.memref_slice %arg6[%dma_start3A_83] : memref<320000xf32, #tpu.memory_space<hbm>> -> memref<1024xf32, #tpu.memory_space<hbm>>
    tpu.enqueue_dma source(%dma_start3A_84 : memref<1024xf32, #tpu.memory_space<hbm>>) target(%dma_start3A_82 : memref<1024xf32, #tpu.memory_space<vmem>>) target_semaphore(%arg17 : memref<!tpu.dma_semaphore, #tpu.memory_space<semaphore_mem>>)
    %scan3A_85 = arith.constant 0 : i32
    %scan3A_86 = arith.constant 0 : i32
    %scan3A_87 = arith.constant 312 : i32
    %scan3A_88 = arith.addi %scan3A_86, %scan3A_87 : i32
    %scan3A_89 = arith.constant 1 : i32
    %scan3A_90 = scf.for %scan3A_92 = %scan3A_86 to %scan3A_88 step %scan3A_89 iter_args(%scan3A_93 = %scan3A_85) -> (i32)  : i32 {
      %rem3A = arith.constant 2 : i32
      %rem3A_94 = arith.remsi %scan3A_92, %rem3A : i32
      %add3A_95 = arith.constant 1 : i32
      %add3A_96 = arith.addi %scan3A_92, %add3A_95 : i32
      %lt3A = arith.constant 312 : i32
      %lt3A_97 = arith.cmpi slt, %add3A_96, %lt3A : i32
      %convert_element_type3A = arith.extui %lt3A_97 : i1 to i32
      %cond3A = arith.constant 0 : i32
      %cond3A_98 = arith.cmpi ne, %convert_element_type3A, %cond3A : i32
      scf.if %cond3A_98 {
        %sub3A = arith.constant 1 : i32
        %sub3A_127 = arith.subi %sub3A, %rem3A_94 : i32
        %add3A_128 = arith.constant 1 : i32
        %add3A_129 = arith.addi %scan3A_92, %add3A_128 : i32
        %mul3A_130 = arith.constant 1024 : i32
        %mul3A_131 = arith.muli %add3A_129, %mul3A_130 : i32
        %dma_start3A_132 = arith.constant 0 : i32
        %dma_start3A_133 = tpu.memref_slice %arg9[%sub3A_127, %dma_start3A_132] : memref<2x1024xi32, #tpu.memory_space<vmem>> -> memref<1x1024xi32, #tpu.memory_space<vmem>>
        %dma_start3A_134 = tpu.memref_squeeze %dma_start3A_133 : memref<1x1024xi32, #tpu.memory_space<vmem>> -> memref<1024xi32, #tpu.memory_space<vmem>>
        %dma_start3A_135 = tpu.memref_slice %arg4[%mul3A_131] : memref<320000xi32, #tpu.memory_space<hbm>> -> memref<1024xi32, #tpu.memory_space<hbm>>
        %dma_start3A_136 = arith.constant 0 : i32
        %dma_start3A_137 = tpu.memref_slice %arg9[%sub3A_127, %dma_start3A_136] : memref<2x1024xi32, #tpu.memory_space<vmem>> -> memref<1x1024xi32, #tpu.memory_space<vmem>>
        %dma_start3A_138 = tpu.memref_squeeze %dma_start3A_137 : memref<1x1024xi32, #tpu.memory_space<vmem>> -> memref<1024xi32, #tpu.memory_space<vmem>>
        %dma_start3A_139 = tpu.memref_slice %arg4[%mul3A_131] : memref<320000xi32, #tpu.memory_space<hbm>> -> memref<1024xi32, #tpu.memory_space<hbm>>
        tpu.enqueue_dma source(%dma_start3A_139 : memref<1024xi32, #tpu.memory_space<hbm>>) target(%dma_start3A_138 : memref<1024xi32, #tpu.memory_space<vmem>>) target_semaphore(%arg16 : memref<!tpu.dma_semaphore, #tpu.memory_space<semaphore_mem>>)
        %dma_start3A_140 = arith.constant 0 : i32
        %dma_start3A_141 = tpu.memref_slice %arg10[%sub3A_127, %dma_start3A_140] : memref<2x1024xi32, #tpu.memory_space<vmem>> -> memref<1x1024xi32, #tpu.memory_space<vmem>>
        %dma_start3A_142 = tpu.memref_squeeze %dma_start3A_141 : memref<1x1024xi32, #tpu.memory_space<vmem>> -> memref<1024xi32, #tpu.memory_space<vmem>>
        %dma_start3A_143 = tpu.memref_slice %arg5[%mul3A_131] : memref<320000xi32, #tpu.memory_space<hbm>> -> memref<1024xi32, #tpu.memory_space<hbm>>
        %dma_start3A_144 = arith.constant 0 : i32
        %dma_start3A_145 = tpu.memref_slice %arg10[%sub3A_127, %dma_start3A_144] : memref<2x1024xi32, #tpu.memory_space<vmem>> -> memref<1x1024xi32, #tpu.memory_space<vmem>>
        %dma_start3A_146 = tpu.memref_squeeze %dma_start3A_145 : memref<1x1024xi32, #tpu.memory_space<vmem>> -> memref<1024xi32, #tpu.memory_space<vmem>>
        %dma_start3A_147 = tpu.memref_slice %arg5[%mul3A_131] : memref<320000xi32, #tpu.memory_space<hbm>> -> memref<1024xi32, #tpu.memory_space<hbm>>
        tpu.enqueue_dma source(%dma_start3A_147 : memref<1024xi32, #tpu.memory_space<hbm>>) target(%dma_start3A_146 : memref<1024xi32, #tpu.memory_space<vmem>>) target_semaphore(%arg16 : memref<!tpu.dma_semaphore, #tpu.memory_space<semaphore_mem>>)
        %dma_start3A_148 = arith.constant 0 : i32
        %dma_start3A_149 = tpu.memref_slice %arg11[%sub3A_127, %dma_start3A_148] : memref<2x1024xf32, #tpu.memory_space<vmem>> -> memref<1x1024xf32, #tpu.memory_space<vmem>>
        %dma_start3A_150 = tpu.memref_squeeze %dma_start3A_149 : memref<1x1024xf32, #tpu.memory_space<vmem>> -> memref<1024xf32, #tpu.memory_space<vmem>>
        %dma_start3A_151 = tpu.memref_slice %arg6[%mul3A_131] : memref<320000xf32, #tpu.memory_space<hbm>> -> memref<1024xf32, #tpu.memory_space<hbm>>
        %dma_start3A_152 = arith.constant 0 : i32
        %dma_start3A_153 = tpu.memref_slice %arg11[%sub3A_127, %dma_start3A_152] : memref<2x1024xf32, #tpu.memory_space<vmem>> -> memref<1x1024xf32, #tpu.memory_space<vmem>>
        %dma_start3A_154 = tpu.memref_squeeze %dma_start3A_153 : memref<1x1024xf32, #tpu.memory_space<vmem>> -> memref<1024xf32, #tpu.memory_space<vmem>>
        %dma_start3A_155 = tpu.memref_slice %arg6[%mul3A_131] : memref<320000xf32, #tpu.memory_space<hbm>> -> memref<1024xf32, #tpu.memory_space<hbm>>
        tpu.enqueue_dma source(%dma_start3A_155 : memref<1024xf32, #tpu.memory_space<hbm>>) target(%dma_start3A_154 : memref<1024xf32, #tpu.memory_space<vmem>>) target_semaphore(%arg17 : memref<!tpu.dma_semaphore, #tpu.memory_space<semaphore_mem>>)
      } else {
      }
      %mul3A_99 = arith.constant 1024 : i32
      %mul3A_100 = arith.muli %scan3A_92, %mul3A_99 : i32
      %dma_wait3A = arith.constant 0 : i32
      %dma_wait3A_101 = tpu.memref_slice %arg9[%rem3A_94, %dma_wait3A] : memref<2x1024xi32, #tpu.memory_space<vmem>> -> memref<1x1024xi32, #tpu.memory_space<vmem>>
      %dma_wait3A_102 = tpu.memref_squeeze %dma_wait3A_101 : memref<1x1024xi32, #tpu.memory_space<vmem>> -> memref<1024xi32, #tpu.memory_space<vmem>>
      %dma_wait3A_103 = tpu.memref_slice %arg4[%mul3A_100] : memref<320000xi32, #tpu.memory_space<hbm>> -> memref<1024xi32, #tpu.memory_space<hbm>>
      %dma_wait3A_104 = arith.constant 0 : i32
      %dma_wait3A_105 = tpu.memref_slice %arg9[%rem3A_94, %dma_wait3A_104] : memref<2x1024xi32, #tpu.memory_space<vmem>> -> memref<1x1024xi32, #tpu.memory_space<vmem>>
      %dma_wait3A_106 = tpu.memref_squeeze %dma_wait3A_105 : memref<1x1024xi32, #tpu.memory_space<vmem>> -> memref<1024xi32, #tpu.memory_space<vmem>>
      %dma_wait3A_107 = tpu.memref_slice %arg4[%mul3A_100] : memref<320000xi32, #tpu.memory_space<hbm>> -> memref<1024xi32, #tpu.memory_space<hbm>>
      tpu.wait_dma2 semaphore(%arg16 : memref<!tpu.dma_semaphore, #tpu.memory_space<semaphore_mem>>) src(%dma_wait3A_107 : memref<1024xi32, #tpu.memory_space<hbm>>) dst(%dma_wait3A_106 : memref<1024xi32, #tpu.memory_space<vmem>>)
      %dma_wait3A_108 = arith.constant 0 : i32
      %dma_wait3A_109 = tpu.memref_slice %arg10[%rem3A_94, %dma_wait3A_108] : memref<2x1024xi32, #tpu.memory_space<vmem>> -> memref<1x1024xi32, #tpu.memory_space<vmem>>
      %dma_wait3A_110 = tpu.memref_squeeze %dma_wait3A_109 : memref<1x1024xi32, #tpu.memory_space<vmem>> -> memref<1024xi32, #tpu.memory_space<vmem>>
      %dma_wait3A_111 = tpu.memref_slice %arg5[%mul3A_100] : memref<320000xi32, #tpu.memory_space<hbm>> -> memref<1024xi32, #tpu.memory_space<hbm>>
      %dma_wait3A_112 = arith.constant 0 : i32
      %dma_wait3A_113 = tpu.memref_slice %arg10[%rem3A_94, %dma_wait3A_112] : memref<2x1024xi32, #tpu.memory_space<vmem>> -> memref<1x1024xi32, #tpu.memory_space<vmem>>
      %dma_wait3A_114 = tpu.memref_squeeze %dma_wait3A_113 : memref<1x1024xi32, #tpu.memory_space<vmem>> -> memref<1024xi32, #tpu.memory_space<vmem>>
      %dma_wait3A_115 = tpu.memref_slice %arg5[%mul3A_100] : memref<320000xi32, #tpu.memory_space<hbm>> -> memref<1024xi32, #tpu.memory_space<hbm>>
      tpu.wait_dma2 semaphore(%arg16 : memref<!tpu.dma_semaphore, #tpu.memory_space<semaphore_mem>>) src(%dma_wait3A_115 : memref<1024xi32, #tpu.memory_space<hbm>>) dst(%dma_wait3A_114 : memref<1024xi32, #tpu.memory_space<vmem>>)
      %dma_wait3A_116 = arith.constant 0 : i32
      %dma_wait3A_117 = tpu.memref_slice %arg11[%rem3A_94, %dma_wait3A_116] : memref<2x1024xf32, #tpu.memory_space<vmem>> -> memref<1x1024xf32, #tpu.memory_space<vmem>>
      %dma_wait3A_118 = tpu.memref_squeeze %dma_wait3A_117 : memref<1x1024xf32, #tpu.memory_space<vmem>> -> memref<1024xf32, #tpu.memory_space<vmem>>
      %dma_wait3A_119 = tpu.memref_slice %arg6[%mul3A_100] : memref<320000xf32, #tpu.memory_space<hbm>> -> memref<1024xf32, #tpu.memory_space<hbm>>
      %dma_wait3A_120 = arith.constant 0 : i32
      %dma_wait3A_121 = tpu.memref_slice %arg11[%rem3A_94, %dma_wait3A_120] : memref<2x1024xf32, #tpu.memory_space<vmem>> -> memref<1x1024xf32, #tpu.memory_space<vmem>>
      %dma_wait3A_122 = tpu.memref_squeeze %dma_wait3A_121 : memref<1x1024xf32, #tpu.memory_space<vmem>> -> memref<1024xf32, #tpu.memory_space<vmem>>
      %dma_wait3A_123 = tpu.memref_slice %arg6[%mul3A_100] : memref<320000xf32, #tpu.memory_space<hbm>> -> memref<1024xf32, #tpu.memory_space<hbm>>
      tpu.wait_dma2 semaphore(%arg17 : memref<!tpu.dma_semaphore, #tpu.memory_space<semaphore_mem>>) src(%dma_wait3A_123 : memref<1024xf32, #tpu.memory_space<hbm>>) dst(%dma_wait3A_122 : memref<1024xf32, #tpu.memory_space<vmem>>)
      %parallel_loop3A = arith.constant 0 : i32
      %parallel_loop3A_124 = arith.constant 64 : i32
      %parallel_loop3A_125 = arith.constant 1 : i32
      scf.for %parallel_loop3A_127 = %parallel_loop3A to %parallel_loop3A_124 step %parallel_loop3A_125  : i32 {
        %parallel_loop3A_128 = arith.constant 16 : i32
        %parallel_loop3A_129 = arith.muli %parallel_loop3A_127, %parallel_loop3A_128 : i32
        %parallel_loop3A_130 = arith.index_cast %rem3A_94 : i32 to index
        %parallel_loop3A_131 = arith.index_cast %parallel_loop3A_129 : i32 to index
        %parallel_loop3A_132 = tpu.vector_load %arg9[%parallel_loop3A_130, %parallel_loop3A_131] {strides = array<i32>} : memref<2x1024xi32, #tpu.memory_space<vmem>>, vector<16xi32>,
        %parallel_loop3A_133 = arith.index_cast %rem3A_94 : i32 to index
        %parallel_loop3A_134 = arith.index_cast %parallel_loop3A_129 : i32 to index
        %parallel_loop3A_135 = tpu.vector_load %arg10[%parallel_loop3A_133, %parallel_loop3A_134] {strides = array<i32>} : memref<2x1024xi32, #tpu.memory_space<vmem>>, vector<16xi32>,
        %parallel_loop3A_136 = arith.index_cast %rem3A_94 : i32 to index
        %parallel_loop3A_137 = arith.index_cast %parallel_loop3A_129 : i32 to index
        %parallel_loop3A_138 = tpu.vector_load %arg11[%parallel_loop3A_136, %parallel_loop3A_137] {strides = array<i32>} : memref<2x1024xf32, #tpu.memory_space<vmem>>, vector<16xf32>,
        %parallel_loop3A_139 = tpu.vector_load_idx %arg12[%broadcast_in_dim3A_46, %parallel_loop3A_132] : memref<4x10000xf32, #tpu.memory_space<vmem>>[vector<16xi32>, vector<16xi32>], vector<16xf32>,
        %parallel_loop3A_140 = tpu.vector_load_idx %arg13[%broadcast_in_dim3A_46, %parallel_loop3A_135] : memref<4x10000xf32, #tpu.memory_space<vmem>>[vector<16xi32>, vector<16xi32>], vector<16xf32>,
        %parallel_loop3A_141 = arith.addf %parallel_loop3A_139, %parallel_loop3A_140 : vector<16xf32>
        %parallel_loop3A_142 = arith.mulf %parallel_loop3A_138, %gather3A : vector<16xf32>
        %parallel_loop3A_143 = arith.addf %parallel_loop3A_141, %parallel_loop3A_142 : vector<16xf32>
        %parallel_loop3A_144 = arith.constant 0.000000e+00 : f32
        %parallel_loop3A_145 = vector.broadcast %parallel_loop3A_144 : f32 to vector<16xf32>
        %parallel_loop3A_146 = arith.maximumf %parallel_loop3A_143, %parallel_loop3A_145 : vector<16xf32>
        tpu.vector_store_idx %arg14[%broadcast_in_dim3A_46, %parallel_loop3A_135], %parallel_loop3A_146 {add = true} : memref<4x10000xf32, #tpu.memory_space<vmem>>[vector<16xi32>, vector<16xi32>], vector<16xf32>,
        %parallel_loop3A_147 = tpu.vector_load_idx %arg12[%broadcast_in_dim3A_48, %parallel_loop3A_132] : memref<4x10000xf32, #tpu.memory_space<vmem>>[vector<16xi32>, vector<16xi32>], vector<16xf32>,
        %parallel_loop3A_148 = tpu.vector_load_idx %arg13[%broadcast_in_dim3A_48, %parallel_loop3A_135] : memref<4x10000xf32, #tpu.memory_space<vmem>>[vector<16xi32>, vector<16xi32>], vector<16xf32>,
        %parallel_loop3A_149 = arith.addf %parallel_loop3A_147, %parallel_loop3A_148 : vector<16xf32>
        %parallel_loop3A_150 = arith.mulf %parallel_loop3A_138, %gather3A_26 : vector<16xf32>
        %parallel_loop3A_151 = arith.addf %parallel_loop3A_149, %parallel_loop3A_150 : vector<16xf32>
        %parallel_loop3A_152 = arith.constant 0.000000e+00 : f32
        %parallel_loop3A_153 = vector.broadcast %parallel_loop3A_152 : f32 to vector<16xf32>
        %parallel_loop3A_154 = arith.maximumf %parallel_loop3A_151, %parallel_loop3A_153 : vector<16xf32>
        tpu.vector_store_idx %arg14[%broadcast_in_dim3A_48, %parallel_loop3A_135], %parallel_loop3A_154 {add = true} : memref<4x10000xf32, #tpu.memory_space<vmem>>[vector<16xi32>, vector<16xi32>], vector<16xf32>,
        %parallel_loop3A_155 = tpu.vector_load_idx %arg12[%broadcast_in_dim3A_50, %parallel_loop3A_132] : memref<4x10000xf32, #tpu.memory_space<vmem>>[vector<16xi32>, vector<16xi32>], vector<16xf32>,
        %parallel_loop3A_156 = tpu.vector_load_idx %arg13[%broadcast_in_dim3A_50, %parallel_loop3A_135] : memref<4x10000xf32, #tpu.memory_space<vmem>>[vector<16xi32>, vector<16xi32>], vector<16xf32>,
        %parallel_loop3A_157 = arith.addf %parallel_loop3A_155, %parallel_loop3A_156 : vector<16xf32>
        %parallel_loop3A_158 = arith.mulf %parallel_loop3A_138, %gather3A_35 : vector<16xf32>
        %parallel_loop3A_159 = arith.addf %parallel_loop3A_157, %parallel_loop3A_158 : vector<16xf32>
        %parallel_loop3A_160 = arith.constant 0.000000e+00 : f32
        %parallel_loop3A_161 = vector.broadcast %parallel_loop3A_160 : f32 to vector<16xf32>
        %parallel_loop3A_162 = arith.maximumf %parallel_loop3A_159, %parallel_loop3A_161 : vector<16xf32>
        tpu.vector_store_idx %arg14[%broadcast_in_dim3A_50, %parallel_loop3A_135], %parallel_loop3A_162 {add = true} : memref<4x10000xf32, #tpu.memory_space<vmem>>[vector<16xi32>, vector<16xi32>], vector<16xf32>,
        %parallel_loop3A_163 = tpu.vector_load_idx %arg12[%broadcast_in_dim3A_52, %parallel_loop3A_132] : memref<4x10000xf32, #tpu.memory_space<vmem>>[vector<16xi32>, vector<16xi32>], vector<16xf32>,
        %parallel_loop3A_164 = tpu.vector_load_idx %arg13[%broadcast_in_dim3A_52, %parallel_loop3A_135] : memref<4x10000xf32, #tpu.memory_space<vmem>>[vector<16xi32>, vector<16xi32>], vector<16xf32>,
        %parallel_loop3A_165 = arith.addf %parallel_loop3A_163, %parallel_loop3A_164 : vector<16xf32>
        %parallel_loop3A_166 = arith.mulf %parallel_loop3A_138, %gather3A_44 : vector<16xf32>
        %parallel_loop3A_167 = arith.addf %parallel_loop3A_165, %parallel_loop3A_166 : vector<16xf32>
        %parallel_loop3A_168 = arith.constant 0.000000e+00 : f32
        %parallel_loop3A_169 = vector.broadcast %parallel_loop3A_168 : f32 to vector<16xf32>
        %parallel_loop3A_170 = arith.maximumf %parallel_loop3A_167, %parallel_loop3A_169 : vector<16xf32>
        tpu.vector_store_idx %arg14[%broadcast_in_dim3A_52, %parallel_loop3A_135], %parallel_loop3A_170 {add = true} : memref<4x10000xf32, #tpu.memory_space<vmem>>[vector<16xi32>, vector<16xi32>], vector<16xf32>,
      } {sc.loop_unroll_factor = 8 : i64, sc.parallel_access}
      %scan3A_126 = arith.constant 0 : i32
      scf.yield %scan3A_126 : i32
    }
    %scan3A_91 = arith.constant 312 : i32
    "tpu.region"() ({
      %run_scoped3A = tpu.sem_alloc : memref<!tpu.dma_semaphore, #tpu.memory_space<semaphore_mem>>
      %dma_start3A_92 = arith.constant 0 : i32
      %dma_start3A_93 = arith.constant 0 : i32
      %dma_start3A_94 = tpu.memref_slice %arg8[%add3A, %dma_start3A_92, %dma_start3A_93] : memref<32x4x10000xf32, #tpu.memory_space<hbm>> -> memref<1x4x10000xf32, #tpu.memory_space<hbm>>
      %dma_start3A_95 = tpu.memref_squeeze %dma_start3A_94 : memref<1x4x10000xf32, #tpu.memory_space<hbm>> -> memref<4x10000xf32, #tpu.memory_space<hbm>>
      %dma_start3A_96 = arith.constant 0 : i32
      %dma_start3A_97 = arith.constant 0 : i32
      %dma_start3A_98 = tpu.memref_slice %arg8[%add3A, %dma_start3A_96, %dma_start3A_97] : memref<32x4x10000xf32, #tpu.memory_space<hbm>> -> memref<1x4x10000xf32, #tpu.memory_space<hbm>>
      %dma_start3A_99 = tpu.memref_squeeze %dma_start3A_98 : memref<1x4x10000xf32, #tpu.memory_space<hbm>> -> memref<4x10000xf32, #tpu.memory_space<hbm>>
      tpu.enqueue_dma source(%arg14 : memref<4x10000xf32, #tpu.memory_space<vmem>>) target(%dma_start3A_99 : memref<4x10000xf32, #tpu.memory_space<hbm>>) target_semaphore(%run_scoped3A : memref<!tpu.dma_semaphore, #tpu.memory_space<semaphore_mem>>)
      %dma_wait3A = arith.constant 0 : i32
      %dma_wait3A_100 = arith.constant 0 : i32
      %dma_wait3A_101 = tpu.memref_slice %arg8[%add3A, %dma_wait3A, %dma_wait3A_100] : memref<32x4x10000xf32, #tpu.memory_space<hbm>> -> memref<1x4x10000xf32, #tpu.memory_space<hbm>>
      %dma_wait3A_102 = tpu.memref_squeeze %dma_wait3A_101 : memref<1x4x10000xf32, #tpu.memory_space<hbm>> -> memref<4x10000xf32, #tpu.memory_space<hbm>>
      %dma_wait3A_103 = arith.constant 0 : i32
      %dma_wait3A_104 = arith.constant 0 : i32
      %dma_wait3A_105 = tpu.memref_slice %arg8[%add3A, %dma_wait3A_103, %dma_wait3A_104] : memref<32x4x10000xf32, #tpu.memory_space<hbm>> -> memref<1x4x10000xf32, #tpu.memory_space<hbm>>
      %dma_wait3A_106 = tpu.memref_squeeze %dma_wait3A_105 : memref<1x4x10000xf32, #tpu.memory_space<hbm>> -> memref<4x10000xf32, #tpu.memory_space<hbm>>
      tpu.wait_dma2 semaphore(%run_scoped3A : memref<!tpu.dma_semaphore, #tpu.memory_space<semaphore_mem>>) src(%arg14 : memref<4x10000xf32, #tpu.memory_space<vmem>>) dst(%dma_wait3A_106 : memref<4x10000xf32, #tpu.memory_space<hbm>>)
      tpu.yield
    }) : () -> ()
    return
  }
}

#map = affine_map<(d0, d1) -> (0)>
#map1 = affine_map<(d0, d1) -> (0, 0, 0)>
module attributes {stable_mosaic.version = 14 : i64} {
  func.func @_sc_deg_body(%arg0: i32, %arg1: i32, %arg2: memref<320000xi32, #tpu.memory_space<hbm>>, %arg3: memref<32x1x10000xf32, #tpu.memory_space<hbm>>, %arg4: memref<2000xi32, #tpu.memory_space<vmem>>, %arg5: memref<1x10000xf32, #tpu.memory_space<vmem>>) attributes {dimension_semantics = [#tpu.dimension_semantics<core_parallel>, #tpu.dimension_semantics<subcore_parallel>], iteration_bounds = array<i64: 2, 16>, scalar_prefetch = 0 : i64, scratch_operands = 2 : i64, tpu.core_type = #tpu.core_type<sc_vector_subcore>, window_params = [{transform_indices = #map}, {transform_indices = #map1}]} {
    %mul3A = arith.constant 2 : i32
    %mul3A_0 = arith.muli %arg1, %mul3A : i32
    %add3A = arith.addi %mul3A_0, %arg0 : i32
    %broadcast_in_dim3A = arith.constant 0.000000e+00 : f32
    %broadcast_in_dim3A_1 = vector.broadcast %broadcast_in_dim3A : f32 to vector<16xf32>
    %broadcast_in_dim3A_2 = arith.constant 1.000000e+00 : f32
    %broadcast_in_dim3A_3 = vector.broadcast %broadcast_in_dim3A_2 : f32 to vector<16xf32>
    %broadcast_in_dim3A_4 = arith.constant 0 : i32
    %broadcast_in_dim3A_5 = vector.broadcast %broadcast_in_dim3A_4 : i32 to vector<16xi32>
    %scan3A = arith.constant 0 : i32
    %scan3A_6 = arith.constant 0 : i32
    %scan3A_7 = arith.constant 625 : i32
    %scan3A_8 = arith.addi %scan3A_6, %scan3A_7 : i32
    %scan3A_9 = arith.constant 1 : i32
    %scan3A_10 = scf.for %scan3A_19 = %scan3A_6 to %scan3A_8 step %scan3A_9 iter_args(%scan3A_20 = %scan3A) -> (i32)  : i32 {
      %mul3A_21 = arith.constant 16 : i32
      %mul3A_22 = arith.muli %scan3A_19, %mul3A_21 : i32
      %swap3A = arith.constant 0 : i32
      %swap3A_23 = arith.index_cast %swap3A : i32 to index
      %swap3A_24 = arith.index_cast %mul3A_22 : i32 to index
      %swap3A_25 = tpu.vector_load %arg5[%swap3A_23, %swap3A_24] {strides = array<i32>} : memref<1x10000xf32, #tpu.memory_space<vmem>>, vector<16xf32>,
      tpu.vector_store %arg5[%swap3A_23, %swap3A_24], %broadcast_in_dim3A_1 {strides = array<i32>} : memref<1x10000xf32, #tpu.memory_space<vmem>>, vector<16xf32>,
      %scan3A_26 = arith.constant 0 : i32
      scf.yield %scan3A_26 : i32
    }
    %scan3A_11 = arith.constant 625 : i32
    %scan3A_12 = arith.constant 0 : i32
    %scan3A_13 = arith.constant 0 : i32
    %scan3A_14 = arith.constant 5 : i32
    %scan3A_15 = arith.addi %scan3A_13, %scan3A_14 : i32
    %scan3A_16 = arith.constant 1 : i32
    %scan3A_17 = scf.for %scan3A_19 = %scan3A_13 to %scan3A_15 step %scan3A_16 iter_args(%scan3A_20 = %scan3A_12) -> (i32)  : i32 {
      %mul3A_21 = arith.constant 10000 : i32
      %mul3A_22 = arith.muli %add3A, %mul3A_21 : i32
      %mul3A_23 = arith.constant 2000 : i32
      %mul3A_24 = arith.muli %scan3A_19, %mul3A_23 : i32
      %add3A_25 = arith.addi %mul3A_22, %mul3A_24 : i32
      "tpu.region"() ({
        %run_scoped3A = tpu.sem_alloc : memref<!tpu.dma_semaphore, #tpu.memory_space<semaphore_mem>>
        %dma_start3A = tpu.memref_slice %arg2[%add3A_25] : memref<320000xi32, #tpu.memory_space<hbm>> -> memref<2000xi32, #tpu.memory_space<hbm>>
        %dma_start3A_34 = tpu.memref_slice %arg2[%add3A_25] : memref<320000xi32, #tpu.memory_space<hbm>> -> memref<2000xi32, #tpu.memory_space<hbm>>
        tpu.enqueue_dma source(%dma_start3A_34 : memref<2000xi32, #tpu.memory_space<hbm>>) target(%arg4 : memref<2000xi32, #tpu.memory_space<vmem>>) target_semaphore(%run_scoped3A : memref<!tpu.dma_semaphore, #tpu.memory_space<semaphore_mem>>)
        %dma_wait3A = tpu.memref_slice %arg2[%add3A_25] : memref<320000xi32, #tpu.memory_space<hbm>> -> memref<2000xi32, #tpu.memory_space<hbm>>
        %dma_wait3A_35 = tpu.memref_slice %arg2[%add3A_25] : memref<320000xi32, #tpu.memory_space<hbm>> -> memref<2000xi32, #tpu.memory_space<hbm>>
        tpu.wait_dma2 semaphore(%run_scoped3A : memref<!tpu.dma_semaphore, #tpu.memory_space<semaphore_mem>>) src(%dma_wait3A_35 : memref<2000xi32, #tpu.memory_space<hbm>>) dst(%arg4 : memref<2000xi32, #tpu.memory_space<vmem>>)
        tpu.yield
      }) : () -> ()
      %scan3A_26 = arith.constant 0 : i32
      %scan3A_27 = arith.constant 0 : i32
      %scan3A_28 = arith.constant 125 : i32
      %scan3A_29 = arith.addi %scan3A_27, %scan3A_28 : i32
      %scan3A_30 = arith.constant 1 : i32
      %scan3A_31 = scf.for %scan3A_34 = %scan3A_27 to %scan3A_29 step %scan3A_30 iter_args(%scan3A_35 = %scan3A_26) -> (i32)  : i32 {
        %mul3A_36 = arith.constant 16 : i32
        %mul3A_37 = arith.muli %scan3A_34, %mul3A_36 : i32
        %get3A = arith.index_cast %mul3A_37 : i32 to index
        %get3A_38 = tpu.vector_load %arg4[%get3A] {strides = array<i32>} : memref<2000xi32, #tpu.memory_space<vmem>>, vector<16xi32>,
        tpu.vector_store_idx %arg5[%broadcast_in_dim3A_5, %get3A_38], %broadcast_in_dim3A_3 {add = true} : memref<1x10000xf32, #tpu.memory_space<vmem>>[vector<16xi32>, vector<16xi32>], vector<16xf32>,
        %scan3A_39 = arith.constant 0 : i32
        scf.yield %scan3A_39 : i32
      }
      %scan3A_32 = arith.constant 125 : i32
      %scan3A_33 = arith.constant 0 : i32
      scf.yield %scan3A_33 : i32
    }
    %scan3A_18 = arith.constant 5 : i32
    "tpu.region"() ({
      %run_scoped3A = tpu.sem_alloc : memref<!tpu.dma_semaphore, #tpu.memory_space<semaphore_mem>>
      %dma_start3A = arith.constant 0 : i32
      %dma_start3A_19 = arith.constant 0 : i32
      %dma_start3A_20 = tpu.memref_slice %arg3[%add3A, %dma_start3A, %dma_start3A_19] : memref<32x1x10000xf32, #tpu.memory_space<hbm>> -> memref<1x1x10000xf32, #tpu.memory_space<hbm>>
      %dma_start3A_21 = tpu.memref_squeeze %dma_start3A_20 : memref<1x1x10000xf32, #tpu.memory_space<hbm>> -> memref<1x10000xf32, #tpu.memory_space<hbm>>
      %dma_start3A_22 = arith.constant 0 : i32
      %dma_start3A_23 = arith.constant 0 : i32
      %dma_start3A_24 = tpu.memref_slice %arg3[%add3A, %dma_start3A_22, %dma_start3A_23] : memref<32x1x10000xf32, #tpu.memory_space<hbm>> -> memref<1x1x10000xf32, #tpu.memory_space<hbm>>
      %dma_start3A_25 = tpu.memref_squeeze %dma_start3A_24 : memref<1x1x10000xf32, #tpu.memory_space<hbm>> -> memref<1x10000xf32, #tpu.memory_space<hbm>>
      tpu.enqueue_dma source(%arg5 : memref<1x10000xf32, #tpu.memory_space<vmem>>) target(%dma_start3A_25 : memref<1x10000xf32, #tpu.memory_space<hbm>>) target_semaphore(%run_scoped3A : memref<!tpu.dma_semaphore, #tpu.memory_space<semaphore_mem>>)
      %dma_wait3A = arith.constant 0 : i32
      %dma_wait3A_26 = arith.constant 0 : i32
      %dma_wait3A_27 = tpu.memref_slice %arg3[%add3A, %dma_wait3A, %dma_wait3A_26] : memref<32x1x10000xf32, #tpu.memory_space<hbm>> -> memref<1x1x10000xf32, #tpu.memory_space<hbm>>
      %dma_wait3A_28 = tpu.memref_squeeze %dma_wait3A_27 : memref<1x1x10000xf32, #tpu.memory_space<hbm>> -> memref<1x10000xf32, #tpu.memory_space<hbm>>
      %dma_wait3A_29 = arith.constant 0 : i32
      %dma_wait3A_30 = arith.constant 0 : i32
      %dma_wait3A_31 = tpu.memref_slice %arg3[%add3A, %dma_wait3A_29, %dma_wait3A_30] : memref<32x1x10000xf32, #tpu.memory_space<hbm>> -> memref<1x1x10000xf32, #tpu.memory_space<hbm>>
      %dma_wait3A_32 = tpu.memref_squeeze %dma_wait3A_31 : memref<1x1x10000xf32, #tpu.memory_space<hbm>> -> memref<1x10000xf32, #tpu.memory_space<hbm>>
      tpu.wait_dma2 semaphore(%run_scoped3A : memref<!tpu.dma_semaphore, #tpu.memory_space<semaphore_mem>>) src(%arg5 : memref<1x10000xf32, #tpu.memory_space<vmem>>) dst(%dma_wait3A_32 : memref<1x10000xf32, #tpu.memory_space<hbm>>)
      tpu.yield
    }) : () -> ()
    return
  }
}

#map = affine_map<(d0, d1) -> (0, 0, 0)>
#map1 = affine_map<(d0, d1) -> (0)>
module attributes {stable_mosaic.version = 14 : i64} {
  func.func @_sc_edge_body(%arg0: i32, %arg1: i32, %arg2: memref<32x4x10000xf32, #tpu.memory_space<hbm>>, %arg3: memref<32x4x10000xf32, #tpu.memory_space<hbm>>, %arg4: memref<320000xi32, #tpu.memory_space<hbm>>, %arg5: memref<320000xi32, #tpu.memory_space<hbm>>, %arg6: memref<320000xf32, #tpu.memory_space<hbm>>, %arg7: memref<128xf32, #tpu.memory_space<hbm>>, %arg8: memref<32x4x10000xf32, #tpu.memory_space<hbm>>, %arg9: memref<2x1024xi32, #tpu.memory_space<vmem>>, %arg10: memref<2x1024xi32, #tpu.memory_space<vmem>>, %arg11: memref<2x1024xf32, #tpu.memory_space<vmem>>, %arg12: memref<4x10000xf32, #tpu.memory_space<vmem>>, %arg13: memref<4x10000xf32, #tpu.memory_space<vmem>>, %arg14: memref<4x10000xf32, #tpu.memory_space<vmem>>, %arg15: memref<128xf32, #tpu.memory_space<vmem>>, %arg16: memref<!tpu.dma_semaphore, #tpu.memory_space<semaphore_mem>>, %arg17: memref<!tpu.dma_semaphore, #tpu.memory_space<semaphore_mem>>) attributes {dimension_semantics = [#tpu.dimension_semantics<core_parallel>, #tpu.dimension_semantics<subcore_parallel>], iteration_bounds = array<i64: 2, 16>, scalar_prefetch = 0 : i64, scratch_operands = 9 : i64, tpu.core_type = #tpu.core_type<sc_vector_subcore>, window_params = [{transform_indices = #map}, {transform_indices = #map}, {transform_indices = #map1}, {transform_indices = #map1}, {transform_indices = #map1}, {transform_indices = #map1}, {transform_indices = #map}]} {
    %mul3A = arith.constant 2 : i32
    %mul3A_0 = arith.muli %arg1, %mul3A : i32
    %add3A = arith.addi %mul3A_0, %arg0 : i32
    %broadcast_in_dim3A = arith.constant 0.000000e+00 : f32
    %broadcast_in_dim3A_1 = vector.broadcast %broadcast_in_dim3A : f32 to vector<16xf32>
    %broadcast_in_dim3A_2 = arith.constant 1.000000e+00 : f32
    %broadcast_in_dim3A_3 = vector.broadcast %broadcast_in_dim3A_2 : f32 to vector<16xf32>
    %scan3A = arith.constant 0 : i32
    %scan3A_4 = arith.constant 0 : i32
    %scan3A_5 = arith.constant 625 : i32
    %scan3A_6 = arith.addi %scan3A_4, %scan3A_5 : i32
    %scan3A_7 = arith.constant 1 : i32
    %scan3A_8 = scf.for %scan3A_92 = %scan3A_4 to %scan3A_6 step %scan3A_7 iter_args(%scan3A_93 = %scan3A) -> (i32)  : i32 {
      %mul3A_94 = arith.constant 16 : i32
      %mul3A_95 = arith.muli %scan3A_92, %mul3A_94 : i32
      %swap3A = arith.constant 0 : i32
      %swap3A_96 = arith.index_cast %swap3A : i32 to index
      %swap3A_97 = arith.index_cast %mul3A_95 : i32 to index
      %swap3A_98 = tpu.vector_load %arg14[%swap3A_96, %swap3A_97] {strides = array<i32>} : memref<4x10000xf32, #tpu.memory_space<vmem>>, vector<16xf32>,
      tpu.vector_store %arg14[%swap3A_96, %swap3A_97], %broadcast_in_dim3A_1 {strides = array<i32>} : memref<4x10000xf32, #tpu.memory_space<vmem>>, vector<16xf32>,
      %mul3A_99 = arith.constant 16 : i32
      %mul3A_100 = arith.muli %scan3A_92, %mul3A_99 : i32
      %swap3A_101 = arith.constant 1 : i32
      %swap3A_102 = arith.index_cast %swap3A_101 : i32 to index
      %swap3A_103 = arith.index_cast %mul3A_100 : i32 to index
      %swap3A_104 = tpu.vector_load %arg14[%swap3A_102, %swap3A_103] {strides = array<i32>} : memref<4x10000xf32, #tpu.memory_space<vmem>>, vector<16xf32>,
      tpu.vector_store %arg14[%swap3A_102, %swap3A_103], %broadcast_in_dim3A_1 {strides = array<i32>} : memref<4x10000xf32, #tpu.memory_space<vmem>>, vector<16xf32>,
      %mul3A_105 = arith.constant 16 : i32
      %mul3A_106 = arith.muli %scan3A_92, %mul3A_105 : i32
      %swap3A_107 = arith.constant 2 : i32
      %swap3A_108 = arith.index_cast %swap3A_107 : i32 to index
      %swap3A_109 = arith.index_cast %mul3A_106 : i32 to index
      %swap3A_110 = tpu.vector_load %arg14[%swap3A_108, %swap3A_109] {strides = array<i32>} : memref<4x10000xf32, #tpu.memory_space<vmem>>, vector<16xf32>,
      tpu.vector_store %arg14[%swap3A_108, %swap3A_109], %broadcast_in_dim3A_1 {strides = array<i32>} : memref<4x10000xf32, #tpu.memory_space<vmem>>, vector<16xf32>,
      %mul3A_111 = arith.constant 16 : i32
      %mul3A_112 = arith.muli %scan3A_92, %mul3A_111 : i32
      %swap3A_113 = arith.constant 3 : i32
      %swap3A_114 = arith.index_cast %swap3A_113 : i32 to index
      %swap3A_115 = arith.index_cast %mul3A_112 : i32 to index
      %swap3A_116 = tpu.vector_load %arg14[%swap3A_114, %swap3A_115] {strides = array<i32>} : memref<4x10000xf32, #tpu.memory_space<vmem>>, vector<16xf32>,
      tpu.vector_store %arg14[%swap3A_114, %swap3A_115], %broadcast_in_dim3A_1 {strides = array<i32>} : memref<4x10000xf32, #tpu.memory_space<vmem>>, vector<16xf32>,
      %scan3A_117 = arith.constant 0 : i32
      scf.yield %scan3A_117 : i32
    }
    %scan3A_9 = arith.constant 625 : i32
    "tpu.region"() ({
      %run_scoped3A = tpu.sem_alloc : memref<!tpu.dma_semaphore, #tpu.memory_space<semaphore_mem>>
      %dma_start3A_92 = arith.constant 0 : i32
      %dma_start3A_93 = arith.constant 0 : i32
      %dma_start3A_94 = tpu.memref_slice %arg2[%add3A, %dma_start3A_92, %dma_start3A_93] : memref<32x4x10000xf32, #tpu.memory_space<hbm>> -> memref<1x4x10000xf32, #tpu.memory_space<hbm>>
      %dma_start3A_95 = tpu.memref_squeeze %dma_start3A_94 : memref<1x4x10000xf32, #tpu.memory_space<hbm>> -> memref<4x10000xf32, #tpu.memory_space<hbm>>
      %dma_start3A_96 = arith.constant 0 : i32
      %dma_start3A_97 = arith.constant 0 : i32
      %dma_start3A_98 = tpu.memref_slice %arg2[%add3A, %dma_start3A_96, %dma_start3A_97] : memref<32x4x10000xf32, #tpu.memory_space<hbm>> -> memref<1x4x10000xf32, #tpu.memory_space<hbm>>
      %dma_start3A_99 = tpu.memref_squeeze %dma_start3A_98 : memref<1x4x10000xf32, #tpu.memory_space<hbm>> -> memref<4x10000xf32, #tpu.memory_space<hbm>>
      tpu.enqueue_dma source(%dma_start3A_99 : memref<4x10000xf32, #tpu.memory_space<hbm>>) target(%arg12 : memref<4x10000xf32, #tpu.memory_space<vmem>>) target_semaphore(%run_scoped3A : memref<!tpu.dma_semaphore, #tpu.memory_space<semaphore_mem>>)
      %dma_wait3A = arith.constant 0 : i32
      %dma_wait3A_100 = arith.constant 0 : i32
      %dma_wait3A_101 = tpu.memref_slice %arg2[%add3A, %dma_wait3A, %dma_wait3A_100] : memref<32x4x10000xf32, #tpu.memory_space<hbm>> -> memref<1x4x10000xf32, #tpu.memory_space<hbm>>
      %dma_wait3A_102 = tpu.memref_squeeze %dma_wait3A_101 : memref<1x4x10000xf32, #tpu.memory_space<hbm>> -> memref<4x10000xf32, #tpu.memory_space<hbm>>
      %dma_wait3A_103 = arith.constant 0 : i32
      %dma_wait3A_104 = arith.constant 0 : i32
      %dma_wait3A_105 = tpu.memref_slice %arg2[%add3A, %dma_wait3A_103, %dma_wait3A_104] : memref<32x4x10000xf32, #tpu.memory_space<hbm>> -> memref<1x4x10000xf32, #tpu.memory_space<hbm>>
      %dma_wait3A_106 = tpu.memref_squeeze %dma_wait3A_105 : memref<1x4x10000xf32, #tpu.memory_space<hbm>> -> memref<4x10000xf32, #tpu.memory_space<hbm>>
      tpu.wait_dma2 semaphore(%run_scoped3A : memref<!tpu.dma_semaphore, #tpu.memory_space<semaphore_mem>>) src(%dma_wait3A_106 : memref<4x10000xf32, #tpu.memory_space<hbm>>) dst(%arg12 : memref<4x10000xf32, #tpu.memory_space<vmem>>)
      tpu.yield
    }) : () -> ()
    "tpu.region"() ({
      %run_scoped3A = tpu.sem_alloc : memref<!tpu.dma_semaphore, #tpu.memory_space<semaphore_mem>>
      %dma_start3A_92 = arith.constant 0 : i32
      %dma_start3A_93 = arith.constant 0 : i32
      %dma_start3A_94 = tpu.memref_slice %arg3[%add3A, %dma_start3A_92, %dma_start3A_93] : memref<32x4x10000xf32, #tpu.memory_space<hbm>> -> memref<1x4x10000xf32, #tpu.memory_space<hbm>>
      %dma_start3A_95 = tpu.memref_squeeze %dma_start3A_94 : memref<1x4x10000xf32, #tpu.memory_space<hbm>> -> memref<4x10000xf32, #tpu.memory_space<hbm>>
      %dma_start3A_96 = arith.constant 0 : i32
      %dma_start3A_97 = arith.constant 0 : i32
      %dma_start3A_98 = tpu.memref_slice %arg3[%add3A, %dma_start3A_96, %dma_start3A_97] : memref<32x4x10000xf32, #tpu.memory_space<hbm>> -> memref<1x4x10000xf32, #tpu.memory_space<hbm>>
      %dma_start3A_99 = tpu.memref_squeeze %dma_start3A_98 : memref<1x4x10000xf32, #tpu.memory_space<hbm>> -> memref<4x10000xf32, #tpu.memory_space<hbm>>
      tpu.enqueue_dma source(%dma_start3A_99 : memref<4x10000xf32, #tpu.memory_space<hbm>>) target(%arg13 : memref<4x10000xf32, #tpu.memory_space<vmem>>) target_semaphore(%run_scoped3A : memref<!tpu.dma_semaphore, #tpu.memory_space<semaphore_mem>>)
      %dma_wait3A = arith.constant 0 : i32
      %dma_wait3A_100 = arith.constant 0 : i32
      %dma_wait3A_101 = tpu.memref_slice %arg3[%add3A, %dma_wait3A, %dma_wait3A_100] : memref<32x4x10000xf32, #tpu.memory_space<hbm>> -> memref<1x4x10000xf32, #tpu.memory_space<hbm>>
      %dma_wait3A_102 = tpu.memref_squeeze %dma_wait3A_101 : memref<1x4x10000xf32, #tpu.memory_space<hbm>> -> memref<4x10000xf32, #tpu.memory_space<hbm>>
      %dma_wait3A_103 = arith.constant 0 : i32
      %dma_wait3A_104 = arith.constant 0 : i32
      %dma_wait3A_105 = tpu.memref_slice %arg3[%add3A, %dma_wait3A_103, %dma_wait3A_104] : memref<32x4x10000xf32, #tpu.memory_space<hbm>> -> memref<1x4x10000xf32, #tpu.memory_space<hbm>>
      %dma_wait3A_106 = tpu.memref_squeeze %dma_wait3A_105 : memref<1x4x10000xf32, #tpu.memory_space<hbm>> -> memref<4x10000xf32, #tpu.memory_space<hbm>>
      tpu.wait_dma2 semaphore(%run_scoped3A : memref<!tpu.dma_semaphore, #tpu.memory_space<semaphore_mem>>) src(%dma_wait3A_106 : memref<4x10000xf32, #tpu.memory_space<hbm>>) dst(%arg13 : memref<4x10000xf32, #tpu.memory_space<vmem>>)
      tpu.yield
    }) : () -> ()
    "tpu.region"() ({
      %run_scoped3A = tpu.sem_alloc : memref<!tpu.dma_semaphore, #tpu.memory_space<semaphore_mem>>
      tpu.enqueue_dma source(%arg7 : memref<128xf32, #tpu.memory_space<hbm>>) target(%arg15 : memref<128xf32, #tpu.memory_space<vmem>>) target_semaphore(%run_scoped3A : memref<!tpu.dma_semaphore, #tpu.memory_space<semaphore_mem>>)
      tpu.wait_dma2 semaphore(%run_scoped3A : memref<!tpu.dma_semaphore, #tpu.memory_space<semaphore_mem>>) src(%arg7 : memref<128xf32, #tpu.memory_space<hbm>>) dst(%arg15 : memref<128xf32, #tpu.memory_space<vmem>>)
      tpu.yield
    }) : () -> ()
    %broadcast_in_dim3A_10 = arith.constant 0 : i32
    %broadcast_in_dim3A_11 = vector.broadcast %broadcast_in_dim3A_10 : i32 to vector<16xi32>
    %mul3A_12 = arith.constant 4 : i32
    %mul3A_13 = arith.muli %add3A, %mul3A_12 : i32
    %add3A_14 = arith.constant 0 : i32
    %add3A_15 = arith.addi %mul3A_13, %add3A_14 : i32
    %add3A_16 = vector.broadcast %add3A_15 : i32 to vector<16xi32>
    %add3A_17 = arith.addi %broadcast_in_dim3A_11, %add3A_16 : vector<16xi32>
    %gather3A = tpu.vector_load_idx %arg15[%add3A_17] : memref<128xf32, #tpu.memory_space<vmem>>[vector<16xi32>], vector<16xf32>,
    %broadcast_in_dim3A_18 = arith.constant 0 : i32
    %broadcast_in_dim3A_19 = vector.broadcast %broadcast_in_dim3A_18 : i32 to vector<16xi32>
    %mul3A_20 = arith.constant 4 : i32
    %mul3A_21 = arith.muli %add3A, %mul3A_20 : i32
    %add3A_22 = arith.constant 1 : i32
    %add3A_23 = arith.addi %mul3A_21, %add3A_22 : i32
    %add3A_24 = vector.broadcast %add3A_23 : i32 to vector<16xi32>
    %add3A_25 = arith.addi %broadcast_in_dim3A_19, %add3A_24 : vector<16xi32>
    %gather3A_26 = tpu.vector_load_idx %arg15[%add3A_25] : memref<128xf32, #tpu.memory_space<vmem>>[vector<16xi32>], vector<16xf32>,
    %broadcast_in_dim3A_27 = arith.constant 0 : i32
    %broadcast_in_dim3A_28 = vector.broadcast %broadcast_in_dim3A_27 : i32 to vector<16xi32>
    %mul3A_29 = arith.constant 4 : i32
    %mul3A_30 = arith.muli %add3A, %mul3A_29 : i32
    %add3A_31 = arith.constant 2 : i32
    %add3A_32 = arith.addi %mul3A_30, %add3A_31 : i32
    %add3A_33 = vector.broadcast %add3A_32 : i32 to vector<16xi32>
    %add3A_34 = arith.addi %broadcast_in_dim3A_28, %add3A_33 : vector<16xi32>
    %gather3A_35 = tpu.vector_load_idx %arg15[%add3A_34] : memref<128xf32, #tpu.memory_space<vmem>>[vector<16xi32>], vector<16xf32>,
    %broadcast_in_dim3A_36 = arith.constant 0 : i32
    %broadcast_in_dim3A_37 = vector.broadcast %broadcast_in_dim3A_36 : i32 to vector<16xi32>
    %mul3A_38 = arith.constant 4 : i32
    %mul3A_39 = arith.muli %add3A, %mul3A_38 : i32
    %add3A_40 = arith.constant 3 : i32
    %add3A_41 = arith.addi %mul3A_39, %add3A_40 : i32
    %add3A_42 = vector.broadcast %add3A_41 : i32 to vector<16xi32>
    %add3A_43 = arith.addi %broadcast_in_dim3A_37, %add3A_42 : vector<16xi32>
    %gather3A_44 = tpu.vector_load_idx %arg15[%add3A_43] : memref<128xf32, #tpu.memory_space<vmem>>[vector<16xi32>], vector<16xf32>,
    %broadcast_in_dim3A_45 = arith.constant 0 : i32
    %broadcast_in_dim3A_46 = vector.broadcast %broadcast_in_dim3A_45 : i32 to vector<16xi32>
    %broadcast_in_dim3A_47 = arith.constant 1 : i32
    %broadcast_in_dim3A_48 = vector.broadcast %broadcast_in_dim3A_47 : i32 to vector<16xi32>
    %broadcast_in_dim3A_49 = arith.constant 2 : i32
    %broadcast_in_dim3A_50 = vector.broadcast %broadcast_in_dim3A_49 : i32 to vector<16xi32>
    %broadcast_in_dim3A_51 = arith.constant 3 : i32
    %broadcast_in_dim3A_52 = vector.broadcast %broadcast_in_dim3A_51 : i32 to vector<16xi32>
    %dma_start3A = arith.constant 0 : i32
    %dma_start3A_53 = arith.constant 0 : i32
    %dma_start3A_54 = tpu.memref_slice %arg9[%dma_start3A, %dma_start3A_53] : memref<2x1024xi32, #tpu.memory_space<vmem>> -> memref<1x1024xi32, #tpu.memory_space<vmem>>
    %dma_start3A_55 = tpu.memref_squeeze %dma_start3A_54 : memref<1x1024xi32, #tpu.memory_space<vmem>> -> memref<1024xi32, #tpu.memory_space<vmem>>
    %dma_start3A_56 = arith.constant 0 : i32
    %dma_start3A_57 = tpu.memref_slice %arg4[%dma_start3A_56] : memref<320000xi32, #tpu.memory_space<hbm>> -> memref<1024xi32, #tpu.memory_space<hbm>>
    %dma_start3A_58 = arith.constant 0 : i32
    %dma_start3A_59 = tpu.memref_slice %arg9[%dma_start3A, %dma_start3A_58] : memref<2x1024xi32, #tpu.memory_space<vmem>> -> memref<1x1024xi32, #tpu.memory_space<vmem>>
    %dma_start3A_60 = tpu.memref_squeeze %dma_start3A_59 : memref<1x1024xi32, #tpu.memory_space<vmem>> -> memref<1024xi32, #tpu.memory_space<vmem>>
    %dma_start3A_61 = arith.constant 0 : i32
    %dma_start3A_62 = tpu.memref_slice %arg4[%dma_start3A_61] : memref<320000xi32, #tpu.memory_space<hbm>> -> memref<1024xi32, #tpu.memory_space<hbm>>
    tpu.enqueue_dma source(%dma_start3A_62 : memref<1024xi32, #tpu.memory_space<hbm>>) target(%dma_start3A_60 : memref<1024xi32, #tpu.memory_space<vmem>>) target_semaphore(%arg16 : memref<!tpu.dma_semaphore, #tpu.memory_space<semaphore_mem>>)
    %dma_start3A_63 = arith.constant 0 : i32
    %dma_start3A_64 = arith.constant 0 : i32
    %dma_start3A_65 = tpu.memref_slice %arg10[%dma_start3A_63, %dma_start3A_64] : memref<2x1024xi32, #tpu.memory_space<vmem>> -> memref<1x1024xi32, #tpu.memory_space<vmem>>
    %dma_start3A_66 = tpu.memref_squeeze %dma_start3A_65 : memref<1x1024xi32, #tpu.memory_space<vmem>> -> memref<1024xi32, #tpu.memory_space<vmem>>
    %dma_start3A_67 = arith.constant 0 : i32
    %dma_start3A_68 = tpu.memref_slice %arg5[%dma_start3A_67] : memref<320000xi32, #tpu.memory_space<hbm>> -> memref<1024xi32, #tpu.memory_space<hbm>>
    %dma_start3A_69 = arith.constant 0 : i32
    %dma_start3A_70 = tpu.memref_slice %arg10[%dma_start3A_63, %dma_start3A_69] : memref<2x1024xi32, #tpu.memory_space<vmem>> -> memref<1x1024xi32, #tpu.memory_space<vmem>>
    %dma_start3A_71 = tpu.memref_squeeze %dma_start3A_70 : memref<1x1024xi32, #tpu.memory_space<vmem>> -> memref<1024xi32, #tpu.memory_space<vmem>>
    %dma_start3A_72 = arith.constant 0 : i32
    %dma_start3A_73 = tpu.memref_slice %arg5[%dma_start3A_72] : memref<320000xi32, #tpu.memory_space<hbm>> -> memref<1024xi32, #tpu.memory_space<hbm>>
    tpu.enqueue_dma source(%dma_start3A_73 : memref<1024xi32, #tpu.memory_space<hbm>>) target(%dma_start3A_71 : memref<1024xi32, #tpu.memory_space<vmem>>) target_semaphore(%arg16 : memref<!tpu.dma_semaphore, #tpu.memory_space<semaphore_mem>>)
    %dma_start3A_74 = arith.constant 0 : i32
    %dma_start3A_75 = arith.constant 0 : i32
    %dma_start3A_76 = tpu.memref_slice %arg11[%dma_start3A_74, %dma_start3A_75] : memref<2x1024xf32, #tpu.memory_space<vmem>> -> memref<1x1024xf32, #tpu.memory_space<vmem>>
    %dma_start3A_77 = tpu.memref_squeeze %dma_start3A_76 : memref<1x1024xf32, #tpu.memory_space<vmem>> -> memref<1024xf32, #tpu.memory_space<vmem>>
    %dma_start3A_78 = arith.constant 0 : i32
    %dma_start3A_79 = tpu.memref_slice %arg6[%dma_start3A_78] : memref<320000xf32, #tpu.memory_space<hbm>> -> memref<1024xf32, #tpu.memory_space<hbm>>
    %dma_start3A_80 = arith.constant 0 : i32
    %dma_start3A_81 = tpu.memref_slice %arg11[%dma_start3A_74, %dma_start3A_80] : memref<2x1024xf32, #tpu.memory_space<vmem>> -> memref<1x1024xf32, #tpu.memory_space<vmem>>
    %dma_start3A_82 = tpu.memref_squeeze %dma_start3A_81 : memref<1x1024xf32, #tpu.memory_space<vmem>> -> memref<1024xf32, #tpu.memory_space<vmem>>
    %dma_start3A_83 = arith.constant 0 : i32
    %dma_start3A_84 = tpu.memref_slice %arg6[%dma_start3A_83] : memref<320000xf32, #tpu.memory_space<hbm>> -> memref<1024xf32, #tpu.memory_space<hbm>>
    tpu.enqueue_dma source(%dma_start3A_84 : memref<1024xf32, #tpu.memory_space<hbm>>) target(%dma_start3A_82 : memref<1024xf32, #tpu.memory_space<vmem>>) target_semaphore(%arg17 : memref<!tpu.dma_semaphore, #tpu.memory_space<semaphore_mem>>)
    %scan3A_85 = arith.constant 0 : i32
    %scan3A_86 = arith.constant 0 : i32
    %scan3A_87 = arith.constant 312 : i32
    %scan3A_88 = arith.addi %scan3A_86, %scan3A_87 : i32
    %scan3A_89 = arith.constant 1 : i32
    %scan3A_90 = scf.for %scan3A_92 = %scan3A_86 to %scan3A_88 step %scan3A_89 iter_args(%scan3A_93 = %scan3A_85) -> (i32)  : i32 {
      %rem3A = arith.constant 2 : i32
      %rem3A_94 = arith.remsi %scan3A_92, %rem3A : i32
      %add3A_95 = arith.constant 1 : i32
      %add3A_96 = arith.addi %scan3A_92, %add3A_95 : i32
      %lt3A = arith.constant 312 : i32
      %lt3A_97 = arith.cmpi slt, %add3A_96, %lt3A : i32
      %convert_element_type3A = arith.extui %lt3A_97 : i1 to i32
      %cond3A = arith.constant 0 : i32
      %cond3A_98 = arith.cmpi ne, %convert_element_type3A, %cond3A : i32
      scf.if %cond3A_98 {
        %sub3A = arith.constant 1 : i32
        %sub3A_127 = arith.subi %sub3A, %rem3A_94 : i32
        %add3A_128 = arith.constant 1 : i32
        %add3A_129 = arith.addi %scan3A_92, %add3A_128 : i32
        %mul3A_130 = arith.constant 1024 : i32
        %mul3A_131 = arith.muli %add3A_129, %mul3A_130 : i32
        %dma_start3A_132 = arith.constant 0 : i32
        %dma_start3A_133 = tpu.memref_slice %arg9[%sub3A_127, %dma_start3A_132] : memref<2x1024xi32, #tpu.memory_space<vmem>> -> memref<1x1024xi32, #tpu.memory_space<vmem>>
        %dma_start3A_134 = tpu.memref_squeeze %dma_start3A_133 : memref<1x1024xi32, #tpu.memory_space<vmem>> -> memref<1024xi32, #tpu.memory_space<vmem>>
        %dma_start3A_135 = tpu.memref_slice %arg4[%mul3A_131] : memref<320000xi32, #tpu.memory_space<hbm>> -> memref<1024xi32, #tpu.memory_space<hbm>>
        %dma_start3A_136 = arith.constant 0 : i32
        %dma_start3A_137 = tpu.memref_slice %arg9[%sub3A_127, %dma_start3A_136] : memref<2x1024xi32, #tpu.memory_space<vmem>> -> memref<1x1024xi32, #tpu.memory_space<vmem>>
        %dma_start3A_138 = tpu.memref_squeeze %dma_start3A_137 : memref<1x1024xi32, #tpu.memory_space<vmem>> -> memref<1024xi32, #tpu.memory_space<vmem>>
        %dma_start3A_139 = tpu.memref_slice %arg4[%mul3A_131] : memref<320000xi32, #tpu.memory_space<hbm>> -> memref<1024xi32, #tpu.memory_space<hbm>>
        tpu.enqueue_dma source(%dma_start3A_139 : memref<1024xi32, #tpu.memory_space<hbm>>) target(%dma_start3A_138 : memref<1024xi32, #tpu.memory_space<vmem>>) target_semaphore(%arg16 : memref<!tpu.dma_semaphore, #tpu.memory_space<semaphore_mem>>)
        %dma_start3A_140 = arith.constant 0 : i32
        %dma_start3A_141 = tpu.memref_slice %arg10[%sub3A_127, %dma_start3A_140] : memref<2x1024xi32, #tpu.memory_space<vmem>> -> memref<1x1024xi32, #tpu.memory_space<vmem>>
        %dma_start3A_142 = tpu.memref_squeeze %dma_start3A_141 : memref<1x1024xi32, #tpu.memory_space<vmem>> -> memref<1024xi32, #tpu.memory_space<vmem>>
        %dma_start3A_143 = tpu.memref_slice %arg5[%mul3A_131] : memref<320000xi32, #tpu.memory_space<hbm>> -> memref<1024xi32, #tpu.memory_space<hbm>>
        %dma_start3A_144 = arith.constant 0 : i32
        %dma_start3A_145 = tpu.memref_slice %arg10[%sub3A_127, %dma_start3A_144] : memref<2x1024xi32, #tpu.memory_space<vmem>> -> memref<1x1024xi32, #tpu.memory_space<vmem>>
        %dma_start3A_146 = tpu.memref_squeeze %dma_start3A_145 : memref<1x1024xi32, #tpu.memory_space<vmem>> -> memref<1024xi32, #tpu.memory_space<vmem>>
        %dma_start3A_147 = tpu.memref_slice %arg5[%mul3A_131] : memref<320000xi32, #tpu.memory_space<hbm>> -> memref<1024xi32, #tpu.memory_space<hbm>>
        tpu.enqueue_dma source(%dma_start3A_147 : memref<1024xi32, #tpu.memory_space<hbm>>) target(%dma_start3A_146 : memref<1024xi32, #tpu.memory_space<vmem>>) target_semaphore(%arg16 : memref<!tpu.dma_semaphore, #tpu.memory_space<semaphore_mem>>)
        %dma_start3A_148 = arith.constant 0 : i32
        %dma_start3A_149 = tpu.memref_slice %arg11[%sub3A_127, %dma_start3A_148] : memref<2x1024xf32, #tpu.memory_space<vmem>> -> memref<1x1024xf32, #tpu.memory_space<vmem>>
        %dma_start3A_150 = tpu.memref_squeeze %dma_start3A_149 : memref<1x1024xf32, #tpu.memory_space<vmem>> -> memref<1024xf32, #tpu.memory_space<vmem>>
        %dma_start3A_151 = tpu.memref_slice %arg6[%mul3A_131] : memref<320000xf32, #tpu.memory_space<hbm>> -> memref<1024xf32, #tpu.memory_space<hbm>>
        %dma_start3A_152 = arith.constant 0 : i32
        %dma_start3A_153 = tpu.memref_slice %arg11[%sub3A_127, %dma_start3A_152] : memref<2x1024xf32, #tpu.memory_space<vmem>> -> memref<1x1024xf32, #tpu.memory_space<vmem>>
        %dma_start3A_154 = tpu.memref_squeeze %dma_start3A_153 : memref<1x1024xf32, #tpu.memory_space<vmem>> -> memref<1024xf32, #tpu.memory_space<vmem>>
        %dma_start3A_155 = tpu.memref_slice %arg6[%mul3A_131] : memref<320000xf32, #tpu.memory_space<hbm>> -> memref<1024xf32, #tpu.memory_space<hbm>>
        tpu.enqueue_dma source(%dma_start3A_155 : memref<1024xf32, #tpu.memory_space<hbm>>) target(%dma_start3A_154 : memref<1024xf32, #tpu.memory_space<vmem>>) target_semaphore(%arg17 : memref<!tpu.dma_semaphore, #tpu.memory_space<semaphore_mem>>)
      } else {
      }
      %mul3A_99 = arith.constant 1024 : i32
      %mul3A_100 = arith.muli %scan3A_92, %mul3A_99 : i32
      %dma_wait3A = arith.constant 0 : i32
      %dma_wait3A_101 = tpu.memref_slice %arg9[%rem3A_94, %dma_wait3A] : memref<2x1024xi32, #tpu.memory_space<vmem>> -> memref<1x1024xi32, #tpu.memory_space<vmem>>
      %dma_wait3A_102 = tpu.memref_squeeze %dma_wait3A_101 : memref<1x1024xi32, #tpu.memory_space<vmem>> -> memref<1024xi32, #tpu.memory_space<vmem>>
      %dma_wait3A_103 = tpu.memref_slice %arg4[%mul3A_100] : memref<320000xi32, #tpu.memory_space<hbm>> -> memref<1024xi32, #tpu.memory_space<hbm>>
      %dma_wait3A_104 = arith.constant 0 : i32
      %dma_wait3A_105 = tpu.memref_slice %arg9[%rem3A_94, %dma_wait3A_104] : memref<2x1024xi32, #tpu.memory_space<vmem>> -> memref<1x1024xi32, #tpu.memory_space<vmem>>
      %dma_wait3A_106 = tpu.memref_squeeze %dma_wait3A_105 : memref<1x1024xi32, #tpu.memory_space<vmem>> -> memref<1024xi32, #tpu.memory_space<vmem>>
      %dma_wait3A_107 = tpu.memref_slice %arg4[%mul3A_100] : memref<320000xi32, #tpu.memory_space<hbm>> -> memref<1024xi32, #tpu.memory_space<hbm>>
      tpu.wait_dma2 semaphore(%arg16 : memref<!tpu.dma_semaphore, #tpu.memory_space<semaphore_mem>>) src(%dma_wait3A_107 : memref<1024xi32, #tpu.memory_space<hbm>>) dst(%dma_wait3A_106 : memref<1024xi32, #tpu.memory_space<vmem>>)
      %dma_wait3A_108 = arith.constant 0 : i32
      %dma_wait3A_109 = tpu.memref_slice %arg10[%rem3A_94, %dma_wait3A_108] : memref<2x1024xi32, #tpu.memory_space<vmem>> -> memref<1x1024xi32, #tpu.memory_space<vmem>>
      %dma_wait3A_110 = tpu.memref_squeeze %dma_wait3A_109 : memref<1x1024xi32, #tpu.memory_space<vmem>> -> memref<1024xi32, #tpu.memory_space<vmem>>
      %dma_wait3A_111 = tpu.memref_slice %arg5[%mul3A_100] : memref<320000xi32, #tpu.memory_space<hbm>> -> memref<1024xi32, #tpu.memory_space<hbm>>
      %dma_wait3A_112 = arith.constant 0 : i32
      %dma_wait3A_113 = tpu.memref_slice %arg10[%rem3A_94, %dma_wait3A_112] : memref<2x1024xi32, #tpu.memory_space<vmem>> -> memref<1x1024xi32, #tpu.memory_space<vmem>>
      %dma_wait3A_114 = tpu.memref_squeeze %dma_wait3A_113 : memref<1x1024xi32, #tpu.memory_space<vmem>> -> memref<1024xi32, #tpu.memory_space<vmem>>
      %dma_wait3A_115 = tpu.memref_slice %arg5[%mul3A_100] : memref<320000xi32, #tpu.memory_space<hbm>> -> memref<1024xi32, #tpu.memory_space<hbm>>
      tpu.wait_dma2 semaphore(%arg16 : memref<!tpu.dma_semaphore, #tpu.memory_space<semaphore_mem>>) src(%dma_wait3A_115 : memref<1024xi32, #tpu.memory_space<hbm>>) dst(%dma_wait3A_114 : memref<1024xi32, #tpu.memory_space<vmem>>)
      %dma_wait3A_116 = arith.constant 0 : i32
      %dma_wait3A_117 = tpu.memref_slice %arg11[%rem3A_94, %dma_wait3A_116] : memref<2x1024xf32, #tpu.memory_space<vmem>> -> memref<1x1024xf32, #tpu.memory_space<vmem>>
      %dma_wait3A_118 = tpu.memref_squeeze %dma_wait3A_117 : memref<1x1024xf32, #tpu.memory_space<vmem>> -> memref<1024xf32, #tpu.memory_space<vmem>>
      %dma_wait3A_119 = tpu.memref_slice %arg6[%mul3A_100] : memref<320000xf32, #tpu.memory_space<hbm>> -> memref<1024xf32, #tpu.memory_space<hbm>>
      %dma_wait3A_120 = arith.constant 0 : i32
      %dma_wait3A_121 = tpu.memref_slice %arg11[%rem3A_94, %dma_wait3A_120] : memref<2x1024xf32, #tpu.memory_space<vmem>> -> memref<1x1024xf32, #tpu.memory_space<vmem>>
      %dma_wait3A_122 = tpu.memref_squeeze %dma_wait3A_121 : memref<1x1024xf32, #tpu.memory_space<vmem>> -> memref<1024xf32, #tpu.memory_space<vmem>>
      %dma_wait3A_123 = tpu.memref_slice %arg6[%mul3A_100] : memref<320000xf32, #tpu.memory_space<hbm>> -> memref<1024xf32, #tpu.memory_space<hbm>>
      tpu.wait_dma2 semaphore(%arg17 : memref<!tpu.dma_semaphore, #tpu.memory_space<semaphore_mem>>) src(%dma_wait3A_123 : memref<1024xf32, #tpu.memory_space<hbm>>) dst(%dma_wait3A_122 : memref<1024xf32, #tpu.memory_space<vmem>>)
      %parallel_loop3A = arith.constant 0 : i32
      %parallel_loop3A_124 = arith.constant 64 : i32
      %parallel_loop3A_125 = arith.constant 1 : i32
      scf.for %parallel_loop3A_127 = %parallel_loop3A to %parallel_loop3A_124 step %parallel_loop3A_125  : i32 {
        %parallel_loop3A_128 = arith.constant 16 : i32
        %parallel_loop3A_129 = arith.muli %parallel_loop3A_127, %parallel_loop3A_128 : i32
        %parallel_loop3A_130 = arith.index_cast %rem3A_94 : i32 to index
        %parallel_loop3A_131 = arith.index_cast %parallel_loop3A_129 : i32 to index
        %parallel_loop3A_132 = tpu.vector_load %arg9[%parallel_loop3A_130, %parallel_loop3A_131] {strides = array<i32>} : memref<2x1024xi32, #tpu.memory_space<vmem>>, vector<16xi32>,
        %parallel_loop3A_133 = arith.index_cast %rem3A_94 : i32 to index
        %parallel_loop3A_134 = arith.index_cast %parallel_loop3A_129 : i32 to index
        %parallel_loop3A_135 = tpu.vector_load %arg10[%parallel_loop3A_133, %parallel_loop3A_134] {strides = array<i32>} : memref<2x1024xi32, #tpu.memory_space<vmem>>, vector<16xi32>,
        %parallel_loop3A_136 = arith.index_cast %rem3A_94 : i32 to index
        %parallel_loop3A_137 = arith.index_cast %parallel_loop3A_129 : i32 to index
        %parallel_loop3A_138 = tpu.vector_load %arg11[%parallel_loop3A_136, %parallel_loop3A_137] {strides = array<i32>} : memref<2x1024xf32, #tpu.memory_space<vmem>>, vector<16xf32>,
        %parallel_loop3A_139 = tpu.vector_load_idx %arg12[%broadcast_in_dim3A_46, %parallel_loop3A_132] : memref<4x10000xf32, #tpu.memory_space<vmem>>[vector<16xi32>, vector<16xi32>], vector<16xf32>,
        %parallel_loop3A_140 = tpu.vector_load_idx %arg13[%broadcast_in_dim3A_46, %parallel_loop3A_135] : memref<4x10000xf32, #tpu.memory_space<vmem>>[vector<16xi32>, vector<16xi32>], vector<16xf32>,
        %parallel_loop3A_141 = arith.addf %parallel_loop3A_139, %parallel_loop3A_140 : vector<16xf32>
        %parallel_loop3A_142 = arith.mulf %parallel_loop3A_138, %gather3A : vector<16xf32>
        %parallel_loop3A_143 = arith.addf %parallel_loop3A_141, %parallel_loop3A_142 : vector<16xf32>
        %parallel_loop3A_144 = arith.constant 0.000000e+00 : f32
        %parallel_loop3A_145 = vector.broadcast %parallel_loop3A_144 : f32 to vector<16xf32>
        %parallel_loop3A_146 = arith.maximumf %parallel_loop3A_143, %parallel_loop3A_145 : vector<16xf32>
        tpu.vector_store_idx %arg14[%broadcast_in_dim3A_46, %parallel_loop3A_135], %parallel_loop3A_146 {add = true} : memref<4x10000xf32, #tpu.memory_space<vmem>>[vector<16xi32>, vector<16xi32>], vector<16xf32>,
        %parallel_loop3A_147 = tpu.vector_load_idx %arg12[%broadcast_in_dim3A_48, %parallel_loop3A_132] : memref<4x10000xf32, #tpu.memory_space<vmem>>[vector<16xi32>, vector<16xi32>], vector<16xf32>,
        %parallel_loop3A_148 = tpu.vector_load_idx %arg13[%broadcast_in_dim3A_48, %parallel_loop3A_135] : memref<4x10000xf32, #tpu.memory_space<vmem>>[vector<16xi32>, vector<16xi32>], vector<16xf32>,
        %parallel_loop3A_149 = arith.addf %parallel_loop3A_147, %parallel_loop3A_148 : vector<16xf32>
        %parallel_loop3A_150 = arith.mulf %parallel_loop3A_138, %gather3A_26 : vector<16xf32>
        %parallel_loop3A_151 = arith.addf %parallel_loop3A_149, %parallel_loop3A_150 : vector<16xf32>
        %parallel_loop3A_152 = arith.constant 0.000000e+00 : f32
        %parallel_loop3A_153 = vector.broadcast %parallel_loop3A_152 : f32 to vector<16xf32>
        %parallel_loop3A_154 = arith.maximumf %parallel_loop3A_151, %parallel_loop3A_153 : vector<16xf32>
        tpu.vector_store_idx %arg14[%broadcast_in_dim3A_48, %parallel_loop3A_135], %parallel_loop3A_154 {add = true} : memref<4x10000xf32, #tpu.memory_space<vmem>>[vector<16xi32>, vector<16xi32>], vector<16xf32>,
        %parallel_loop3A_155 = tpu.vector_load_idx %arg12[%broadcast_in_dim3A_50, %parallel_loop3A_132] : memref<4x10000xf32, #tpu.memory_space<vmem>>[vector<16xi32>, vector<16xi32>], vector<16xf32>,
        %parallel_loop3A_156 = tpu.vector_load_idx %arg13[%broadcast_in_dim3A_50, %parallel_loop3A_135] : memref<4x10000xf32, #tpu.memory_space<vmem>>[vector<16xi32>, vector<16xi32>], vector<16xf32>,
        %parallel_loop3A_157 = arith.addf %parallel_loop3A_155, %parallel_loop3A_156 : vector<16xf32>
        %parallel_loop3A_158 = arith.mulf %parallel_loop3A_138, %gather3A_35 : vector<16xf32>
        %parallel_loop3A_159 = arith.addf %parallel_loop3A_157, %parallel_loop3A_158 : vector<16xf32>
        %parallel_loop3A_160 = arith.constant 0.000000e+00 : f32
        %parallel_loop3A_161 = vector.broadcast %parallel_loop3A_160 : f32 to vector<16xf32>
        %parallel_loop3A_162 = arith.maximumf %parallel_loop3A_159, %parallel_loop3A_161 : vector<16xf32>
        tpu.vector_store_idx %arg14[%broadcast_in_dim3A_50, %parallel_loop3A_135], %parallel_loop3A_162 {add = true} : memref<4x10000xf32, #tpu.memory_space<vmem>>[vector<16xi32>, vector<16xi32>], vector<16xf32>,
        %parallel_loop3A_163 = tpu.vector_load_idx %arg12[%broadcast_in_dim3A_52, %parallel_loop3A_132] : memref<4x10000xf32, #tpu.memory_space<vmem>>[vector<16xi32>, vector<16xi32>], vector<16xf32>,
        %parallel_loop3A_164 = tpu.vector_load_idx %arg13[%broadcast_in_dim3A_52, %parallel_loop3A_135] : memref<4x10000xf32, #tpu.memory_space<vmem>>[vector<16xi32>, vector<16xi32>], vector<16xf32>,
        %parallel_loop3A_165 = arith.addf %parallel_loop3A_163, %parallel_loop3A_164 : vector<16xf32>
        %parallel_loop3A_166 = arith.mulf %parallel_loop3A_138, %gather3A_44 : vector<16xf32>
        %parallel_loop3A_167 = arith.addf %parallel_loop3A_165, %parallel_loop3A_166 : vector<16xf32>
        %parallel_loop3A_168 = arith.constant 0.000000e+00 : f32
        %parallel_loop3A_169 = vector.broadcast %parallel_loop3A_168 : f32 to vector<16xf32>
        %parallel_loop3A_170 = arith.maximumf %parallel_loop3A_167, %parallel_loop3A_169 : vector<16xf32>
        tpu.vector_store_idx %arg14[%broadcast_in_dim3A_52, %parallel_loop3A_135], %parallel_loop3A_170 {add = true} : memref<4x10000xf32, #tpu.memory_space<vmem>>[vector<16xi32>, vector<16xi32>], vector<16xf32>,
      } {sc.loop_unroll_factor = 8 : i64, sc.parallel_access}
      %scan3A_126 = arith.constant 0 : i32
      scf.yield %scan3A_126 : i32
    }
    %scan3A_91 = arith.constant 312 : i32
    "tpu.region"() ({
      %run_scoped3A = tpu.sem_alloc : memref<!tpu.dma_semaphore, #tpu.memory_space<semaphore_mem>>
      %dma_start3A_92 = arith.constant 0 : i32
      %dma_start3A_93 = arith.constant 0 : i32
      %dma_start3A_94 = tpu.memref_slice %arg8[%add3A, %dma_start3A_92, %dma_start3A_93] : memref<32x4x10000xf32, #tpu.memory_space<hbm>> -> memref<1x4x10000xf32, #tpu.memory_space<hbm>>
      %dma_start3A_95 = tpu.memref_squeeze %dma_start3A_94 : memref<1x4x10000xf32, #tpu.memory_space<hbm>> -> memref<4x10000xf32, #tpu.memory_space<hbm>>
      %dma_start3A_96 = arith.constant 0 : i32
      %dma_start3A_97 = arith.constant 0 : i32
      %dma_start3A_98 = tpu.memref_slice %arg8[%add3A, %dma_start3A_96, %dma_start3A_97] : memref<32x4x10000xf32, #tpu.memory_space<hbm>> -> memref<1x4x10000xf32, #tpu.memory_space<hbm>>
      %dma_start3A_99 = tpu.memref_squeeze %dma_start3A_98 : memref<1x4x10000xf32, #tpu.memory_space<hbm>> -> memref<4x10000xf32, #tpu.memory_space<hbm>>
      tpu.enqueue_dma source(%arg14 : memref<4x10000xf32, #tpu.memory_space<vmem>>) target(%dma_start3A_99 : memref<4x10000xf32, #tpu.memory_space<hbm>>) target_semaphore(%run_scoped3A : memref<!tpu.dma_semaphore, #tpu.memory_space<semaphore_mem>>)
      %dma_wait3A = arith.constant 0 : i32
      %dma_wait3A_100 = arith.constant 0 : i32
      %dma_wait3A_101 = tpu.memref_slice %arg8[%add3A, %dma_wait3A, %dma_wait3A_100] : memref<32x4x10000xf32, #tpu.memory_space<hbm>> -> memref<1x4x10000xf32, #tpu.memory_space<hbm>>
      %dma_wait3A_102 = tpu.memref_squeeze %dma_wait3A_101 : memref<1x4x10000xf32, #tpu.memory_space<hbm>> -> memref<4x10000xf32, #tpu.memory_space<hbm>>
      %dma_wait3A_103 = arith.constant 0 : i32
      %dma_wait3A_104 = arith.constant 0 : i32
      %dma_wait3A_105 = tpu.memref_slice %arg8[%add3A, %dma_wait3A_103, %dma_wait3A_104] : memref<32x4x10000xf32, #tpu.memory_space<hbm>> -> memref<1x4x10000xf32, #tpu.memory_space<hbm>>
      %dma_wait3A_106 = tpu.memref_squeeze %dma_wait3A_105 : memref<1x4x10000xf32, #tpu.memory_space<hbm>> -> memref<4x10000xf32, #tpu.memory_space<hbm>>
      tpu.wait_dma2 semaphore(%run_scoped3A : memref<!tpu.dma_semaphore, #tpu.memory_space<semaphore_mem>>) src(%arg14 : memref<4x10000xf32, #tpu.memory_space<vmem>>) dst(%dma_wait3A_106 : memref<4x10000xf32, #tpu.memory_space<hbm>>)
      tpu.yield
    }) : () -> ()
    return
  }
}

module attributes {stable_mosaic.version = 14 : i64} {
  func.func @_tc_init_body(%arg0: memref<10000x1xi32, #tpu.memory_space<vmem>>, %arg1: memref<104x128xf32, #tpu.memory_space<vmem>>, %arg2: memref<128x128xf32, #tpu.memory_space<vmem>>, %arg3: memref<128x128xf32, #tpu.memory_space<vmem>>, %arg4: memref<128x1xf32, #tpu.memory_space<vmem>>, %arg5: memref<10000x128xf32, #tpu.memory_space<vmem>>, %arg6: memref<128x10000xf32, #tpu.memory_space<vmem>>, %arg7: memref<128x10000xf32, #tpu.memory_space<vmem>>) attributes {dimension_semantics = [], scalar_prefetch = 0 : i64, scratch_operands = 0 : i64, tpu.core_type = #tpu.core_type<tc>} {
    %iota3A = tpu.iota {dimensions = array<i32: 1>} : vector<10000x104xi32>
    %get3A = arith.constant 0 : index
    %get3A_0 = arith.constant 0 : index
    %get3A_1 = vector.load %arg0[%get3A, %get3A_0] : memref<10000x1xi32, #tpu.memory_space<vmem>>, vector<10000x1xi32>
    %eq3A = vector.broadcast %get3A_1 : vector<10000x1xi32> to vector<10000x104xi32>
    %eq3A_2 = arith.cmpi eq, %eq3A, %iota3A : vector<10000x104xi32>
    %convert_element_type3A = arith.extui %eq3A_2 : vector<10000x104xi1> to vector<10000x104xi32>
    %convert_element_type3A_3 = arith.sitofp %convert_element_type3A : vector<10000x104xi32> to vector<10000x104xf32>
    %get3A_4 = arith.constant 0 : index
    %get3A_5 = arith.constant 0 : index
    %get3A_6 = vector.load %arg1[%get3A_4, %get3A_5] : memref<104x128xf32, #tpu.memory_space<vmem>>, vector<104x128xf32>
    %dot_general3A = arith.constant dense<0.000000e+00> : vector<10000x128xf32>
    %dot_general3A_7 = tpu.matmul %convert_element_type3A_3, %get3A_6, %dot_general3A {dimension_numbers = #tpu.dot_dimension_numbers<[1], [0], [0], [1], [0, 0, 1, 1], [], []>, transpose_lhs_hint = false} : vector<10000x104xf32>, vector<104x128xf32>, vector<10000x128xf32> -> vector<10000x128xf32>
    %swap3A = arith.constant 0 : index
    %swap3A_8 = arith.constant 0 : index
    %swap3A_9 = vector.load %arg5[%swap3A, %swap3A_8] : memref<10000x128xf32, #tpu.memory_space<vmem>>, vector<10000x128xf32>
    tpu.vector_store %arg5[%swap3A, %swap3A_8], %dot_general3A_7 {strides = array<i32>} : memref<10000x128xf32, #tpu.memory_space<vmem>>, vector<10000x128xf32>,
    %get3A_10 = arith.constant 0 : index
    %get3A_11 = arith.constant 0 : index
    %get3A_12 = vector.load %arg2[%get3A_10, %get3A_11] : memref<128x128xf32, #tpu.memory_space<vmem>>, vector<128x128xf32>
    %get3A_13 = arith.constant 0 : index
    %get3A_14 = arith.constant 0 : index
    %get3A_15 = vector.load %arg4[%get3A_13, %get3A_14] : memref<128x1xf32, #tpu.memory_space<vmem>>, vector<128x1xf32>
    %dot_general3A_16 = arith.constant dense<0.000000e+00> : vector<128x10000xf32>
    %dot_general3A_17 = tpu.matmul %get3A_12, %dot_general3A_7, %dot_general3A_16 {dimension_numbers = #tpu.dot_dimension_numbers<[0], [1], [1], [0], [0, 1, 1, 0], [], []>, transpose_lhs_hint = false} : vector<128x128xf32>, vector<10000x128xf32>, vector<128x10000xf32> -> vector<128x10000xf32>
    %add3A = vector.broadcast %get3A_15 : vector<128x1xf32> to vector<128x10000xf32>
    %add3A_18 = arith.addf %dot_general3A_17, %add3A : vector<128x10000xf32>
    %swap3A_19 = arith.constant 0 : index
    %swap3A_20 = arith.constant 0 : index
    %swap3A_21 = vector.load %arg6[%swap3A_19, %swap3A_20] : memref<128x10000xf32, #tpu.memory_space<vmem>>, vector<128x10000xf32>
    tpu.vector_store %arg6[%swap3A_19, %swap3A_20], %add3A_18 {strides = array<i32>} : memref<128x10000xf32, #tpu.memory_space<vmem>>, vector<128x10000xf32>,
    %get3A_22 = arith.constant 0 : index
    %get3A_23 = arith.constant 0 : index
    %get3A_24 = vector.load %arg3[%get3A_22, %get3A_23] : memref<128x128xf32, #tpu.memory_space<vmem>>, vector<128x128xf32>
    %dot_general3A_25 = arith.constant dense<0.000000e+00> : vector<128x10000xf32>
    %dot_general3A_26 = tpu.matmul %get3A_24, %dot_general3A_7, %dot_general3A_25 {dimension_numbers = #tpu.dot_dimension_numbers<[0], [1], [1], [0], [0, 1, 1, 0], [], []>, transpose_lhs_hint = false} : vector<128x128xf32>, vector<10000x128xf32>, vector<128x10000xf32> -> vector<128x10000xf32>
    %swap3A_27 = arith.constant 0 : index
    %swap3A_28 = arith.constant 0 : index
    %swap3A_29 = vector.load %arg7[%swap3A_27, %swap3A_28] : memref<128x10000xf32, #tpu.memory_space<vmem>>, vector<128x10000xf32>
    tpu.vector_store %arg7[%swap3A_27, %swap3A_28], %dot_general3A_26 {strides = array<i32>} : memref<128x10000xf32, #tpu.memory_space<vmem>>, vector<128x10000xf32>,
    return
  }
}

module attributes {stable_mosaic.version = 14 : i64} {
  func.func @_tc_update_body(%arg0: memref<10000x128xf32, #tpu.memory_space<vmem>>, %arg1: memref<128x10000xf32, #tpu.memory_space<vmem>>, %arg2: memref<32x10000xf32, #tpu.memory_space<vmem>>, %arg3: memref<128x128xf32, #tpu.memory_space<vmem>>, %arg4: memref<1x128xf32, #tpu.memory_space<vmem>>, %arg5: memref<128x128xf32, #tpu.memory_space<vmem>>, %arg6: memref<128x128xf32, #tpu.memory_space<vmem>>, %arg7: memref<1x128xf32, #tpu.memory_space<vmem>>, %arg8: memref<128x128xf32, #tpu.memory_space<vmem>>, %arg9: memref<1x128xf32, #tpu.memory_space<vmem>>, %arg10: memref<128x128xf32, #tpu.memory_space<vmem>>, %arg11: memref<128x128xf32, #tpu.memory_space<vmem>>, %arg12: memref<128x1xf32, #tpu.memory_space<vmem>>, %arg13: memref<10000x128xf32, #tpu.memory_space<vmem>>, %arg14: memref<128x10000xf32, #tpu.memory_space<vmem>>, %arg15: memref<128x10000xf32, #tpu.memory_space<vmem>>) attributes {dimension_semantics = [], scalar_prefetch = 0 : i64, scratch_operands = 0 : i64, tpu.core_type = #tpu.core_type<tc>} {
    %get3A = arith.constant 0 : index
    %get3A_0 = arith.constant 0 : index
    %get3A_1 = vector.load %arg0[%get3A, %get3A_0] : memref<10000x128xf32, #tpu.memory_space<vmem>>, vector<10000x128xf32>
    %get3A_2 = arith.constant 0 : index
    %get3A_3 = arith.constant 0 : index
    %get3A_4 = vector.load %arg1[%get3A_2, %get3A_3] : memref<128x10000xf32, #tpu.memory_space<vmem>>, vector<128x10000xf32>
    %get3A_5 = arith.constant 0 : index
    %get3A_6 = arith.constant 0 : index
    %get3A_7 = vector.load %arg3[%get3A_5, %get3A_6] : memref<128x128xf32, #tpu.memory_space<vmem>>, vector<128x128xf32>
    %dot_general3A = arith.constant dense<0.000000e+00> : vector<10000x128xf32>
    %dot_general3A_8 = tpu.matmul %get3A_4, %get3A_7, %dot_general3A {dimension_numbers = #tpu.dot_dimension_numbers<[0], [0], [1], [1], [0, 1, 1, 1], [], []>, transpose_lhs_hint = false} : vector<128x10000xf32>, vector<128x128xf32>, vector<10000x128xf32> -> vector<10000x128xf32>
    %get3A_9 = arith.constant 0 : index
    %get3A_10 = arith.constant 0 : index
    %get3A_11 = vector.load %arg2[%get3A_9, %get3A_10] : memref<32x10000xf32, #tpu.memory_space<vmem>>, vector<32x10000xf32>
    %broadcast_in_dim3A = arith.constant 1.000000e+00 : f32
    %broadcast_in_dim3A_12 = vector.broadcast %broadcast_in_dim3A : f32 to vector<32x1xf32>
    %dot_general3A_13 = arith.constant dense<0.000000e+00> : vector<10000x1xf32>
    %dot_general3A_14 = tpu.matmul %get3A_11, %broadcast_in_dim3A_12, %dot_general3A_13 {dimension_numbers = #tpu.dot_dimension_numbers<[0], [0], [1], [1], [0, 1, 1, 1], [], []>, transpose_lhs_hint = false} : vector<32x10000xf32>, vector<32x1xf32>, vector<10000x1xf32> -> vector<10000x1xf32>
    %get3A_15 = arith.constant 0 : index
    %get3A_16 = arith.constant 0 : index
    %get3A_17 = vector.load %arg4[%get3A_15, %get3A_16] : memref<1x128xf32, #tpu.memory_space<vmem>>, vector<1x128xf32>
    %mul3A = vector.broadcast %dot_general3A_14 : vector<10000x1xf32> to vector<10000x128xf32>
    %mul3A_18 = vector.broadcast %get3A_17 : vector<1x128xf32> to vector<10000x128xf32>
    %mul3A_19 = arith.mulf %mul3A, %mul3A_18 : vector<10000x128xf32>
    %add3A = arith.addf %dot_general3A_8, %mul3A_19 : vector<10000x128xf32>
    %get3A_20 = arith.constant 0 : index
    %get3A_21 = arith.constant 0 : index
    %get3A_22 = vector.load %arg5[%get3A_20, %get3A_21] : memref<128x128xf32, #tpu.memory_space<vmem>>, vector<128x128xf32>
    %dot_general3A_23 = arith.constant dense<0.000000e+00> : vector<10000x128xf32>
    %dot_general3A_24 = tpu.matmul %get3A_1, %get3A_22, %dot_general3A_23 {dimension_numbers = #tpu.dot_dimension_numbers<[1], [0], [0], [1], [0, 0, 1, 1], [], []>, transpose_lhs_hint = false} : vector<10000x128xf32>, vector<128x128xf32>, vector<10000x128xf32> -> vector<10000x128xf32>
    %get3A_25 = arith.constant 0 : index
    %get3A_26 = arith.constant 0 : index
    %get3A_27 = vector.load %arg6[%get3A_25, %get3A_26] : memref<128x128xf32, #tpu.memory_space<vmem>>, vector<128x128xf32>
    %dot_general3A_28 = arith.constant dense<0.000000e+00> : vector<10000x128xf32>
    %dot_general3A_29 = tpu.matmul %add3A, %get3A_27, %dot_general3A_28 {dimension_numbers = #tpu.dot_dimension_numbers<[1], [0], [0], [1], [0, 0, 1, 1], [], []>, transpose_lhs_hint = false} : vector<10000x128xf32>, vector<128x128xf32>, vector<10000x128xf32> -> vector<10000x128xf32>
    %add3A_30 = arith.addf %dot_general3A_24, %dot_general3A_29 : vector<10000x128xf32>
    %get3A_31 = arith.constant 0 : index
    %get3A_32 = arith.constant 0 : index
    %get3A_33 = vector.load %arg7[%get3A_31, %get3A_32] : memref<1x128xf32, #tpu.memory_space<vmem>>, vector<1x128xf32>
    %add3A_34 = vector.broadcast %get3A_33 : vector<1x128xf32> to vector<10000x128xf32>
    %add3A_35 = arith.addf %add3A_30, %add3A_34 : vector<10000x128xf32>
    %max3A = arith.constant 0.000000e+00 : f32
    %max3A_36 = vector.broadcast %max3A : f32 to vector<10000x128xf32>
    %max3A_37 = arith.maximumf %add3A_35, %max3A_36 : vector<10000x128xf32>
    %get3A_38 = arith.constant 0 : index
    %get3A_39 = arith.constant 0 : index
    %get3A_40 = vector.load %arg8[%get3A_38, %get3A_39] : memref<128x128xf32, #tpu.memory_space<vmem>>, vector<128x128xf32>
    %dot_general3A_41 = arith.constant dense<0.000000e+00> : vector<10000x128xf32>
    %dot_general3A_42 = tpu.matmul %max3A_37, %get3A_40, %dot_general3A_41 {dimension_numbers = #tpu.dot_dimension_numbers<[1], [0], [0], [1], [0, 0, 1, 1], [], []>, transpose_lhs_hint = false} : vector<10000x128xf32>, vector<128x128xf32>, vector<10000x128xf32> -> vector<10000x128xf32>
    %add3A_43 = arith.addf %get3A_1, %dot_general3A_42 : vector<10000x128xf32>
    %get3A_44 = arith.constant 0 : index
    %get3A_45 = arith.constant 0 : index
    %get3A_46 = vector.load %arg9[%get3A_44, %get3A_45] : memref<1x128xf32, #tpu.memory_space<vmem>>, vector<1x128xf32>
    %add3A_47 = vector.broadcast %get3A_46 : vector<1x128xf32> to vector<10000x128xf32>
    %add3A_48 = arith.addf %add3A_43, %add3A_47 : vector<10000x128xf32>
    %swap3A = arith.constant 0 : index
    %swap3A_49 = arith.constant 0 : index
    %swap3A_50 = vector.load %arg13[%swap3A, %swap3A_49] : memref<10000x128xf32, #tpu.memory_space<vmem>>, vector<10000x128xf32>
    tpu.vector_store %arg13[%swap3A, %swap3A_49], %add3A_48 {strides = array<i32>} : memref<10000x128xf32, #tpu.memory_space<vmem>>, vector<10000x128xf32>,
    %get3A_51 = arith.constant 0 : index
    %get3A_52 = arith.constant 0 : index
    %get3A_53 = vector.load %arg10[%get3A_51, %get3A_52] : memref<128x128xf32, #tpu.memory_space<vmem>>, vector<128x128xf32>
    %get3A_54 = arith.constant 0 : index
    %get3A_55 = arith.constant 0 : index
    %get3A_56 = vector.load %arg12[%get3A_54, %get3A_55] : memref<128x1xf32, #tpu.memory_space<vmem>>, vector<128x1xf32>
    %dot_general3A_57 = arith.constant dense<0.000000e+00> : vector<128x10000xf32>
    %dot_general3A_58 = tpu.matmul %get3A_53, %add3A_48, %dot_general3A_57 {dimension_numbers = #tpu.dot_dimension_numbers<[0], [1], [1], [0], [0, 1, 1, 0], [], []>, transpose_lhs_hint = false} : vector<128x128xf32>, vector<10000x128xf32>, vector<128x10000xf32> -> vector<128x10000xf32>
    %add3A_59 = vector.broadcast %get3A_56 : vector<128x1xf32> to vector<128x10000xf32>
    %add3A_60 = arith.addf %dot_general3A_58, %add3A_59 : vector<128x10000xf32>
    %swap3A_61 = arith.constant 0 : index
    %swap3A_62 = arith.constant 0 : index
    %swap3A_63 = vector.load %arg14[%swap3A_61, %swap3A_62] : memref<128x10000xf32, #tpu.memory_space<vmem>>, vector<128x10000xf32>
    tpu.vector_store %arg14[%swap3A_61, %swap3A_62], %add3A_60 {strides = array<i32>} : memref<128x10000xf32, #tpu.memory_space<vmem>>, vector<128x10000xf32>,
    %get3A_64 = arith.constant 0 : index
    %get3A_65 = arith.constant 0 : index
    %get3A_66 = vector.load %arg11[%get3A_64, %get3A_65] : memref<128x128xf32, #tpu.memory_space<vmem>>, vector<128x128xf32>
    %dot_general3A_67 = arith.constant dense<0.000000e+00> : vector<128x10000xf32>
    %dot_general3A_68 = tpu.matmul %get3A_66, %add3A_48, %dot_general3A_67 {dimension_numbers = #tpu.dot_dimension_numbers<[0], [1], [1], [0], [0, 1, 1, 0], [], []>, transpose_lhs_hint = false} : vector<128x128xf32>, vector<10000x128xf32>, vector<128x10000xf32> -> vector<128x10000xf32>
    %swap3A_69 = arith.constant 0 : index
    %swap3A_70 = arith.constant 0 : index
    %swap3A_71 = vector.load %arg15[%swap3A_69, %swap3A_70] : memref<128x10000xf32, #tpu.memory_space<vmem>>, vector<128x10000xf32>
    tpu.vector_store %arg15[%swap3A_69, %swap3A_70], %dot_general3A_68 {strides = array<i32>} : memref<128x10000xf32, #tpu.memory_space<vmem>>, vector<128x10000xf32>,
    return
  }
}

module attributes {stable_mosaic.version = 14 : i64} {
  func.func @_tc_final_body(%arg0: memref<10000x128xf32, #tpu.memory_space<vmem>>, %arg1: memref<128x10000xf32, #tpu.memory_space<vmem>>, %arg2: memref<32x10000xf32, #tpu.memory_space<vmem>>, %arg3: memref<128x128xf32, #tpu.memory_space<vmem>>, %arg4: memref<1x128xf32, #tpu.memory_space<vmem>>, %arg5: memref<128x128xf32, #tpu.memory_space<vmem>>, %arg6: memref<128x128xf32, #tpu.memory_space<vmem>>, %arg7: memref<1x128xf32, #tpu.memory_space<vmem>>, %arg8: memref<128x128xf32, #tpu.memory_space<vmem>>, %arg9: memref<1x128xf32, #tpu.memory_space<vmem>>, %arg10: memref<10000x1xi32, #tpu.memory_space<vmem>>, %arg11: memref<128x128xf32, #tpu.memory_space<vmem>>, %arg12: memref<1x128xf32, #tpu.memory_space<vmem>>, %arg13: memref<128x128xf32, #tpu.memory_space<vmem>>, %arg14: memref<1x128xf32, #tpu.memory_space<vmem>>, %arg15: memref<64x128xf32, #tpu.memory_space<vmem>>) attributes {dimension_semantics = [], scalar_prefetch = 0 : i64, scratch_operands = 0 : i64, tpu.core_type = #tpu.core_type<tc>} {
    %get3A = arith.constant 0 : index
    %get3A_0 = arith.constant 0 : index
    %get3A_1 = vector.load %arg0[%get3A, %get3A_0] : memref<10000x128xf32, #tpu.memory_space<vmem>>, vector<10000x128xf32>
    %get3A_2 = arith.constant 0 : index
    %get3A_3 = arith.constant 0 : index
    %get3A_4 = vector.load %arg1[%get3A_2, %get3A_3] : memref<128x10000xf32, #tpu.memory_space<vmem>>, vector<128x10000xf32>
    %get3A_5 = arith.constant 0 : index
    %get3A_6 = arith.constant 0 : index
    %get3A_7 = vector.load %arg3[%get3A_5, %get3A_6] : memref<128x128xf32, #tpu.memory_space<vmem>>, vector<128x128xf32>
    %dot_general3A = arith.constant dense<0.000000e+00> : vector<10000x128xf32>
    %dot_general3A_8 = tpu.matmul %get3A_4, %get3A_7, %dot_general3A {dimension_numbers = #tpu.dot_dimension_numbers<[0], [0], [1], [1], [0, 1, 1, 1], [], []>, transpose_lhs_hint = false} : vector<128x10000xf32>, vector<128x128xf32>, vector<10000x128xf32> -> vector<10000x128xf32>
    %get3A_9 = arith.constant 0 : index
    %get3A_10 = arith.constant 0 : index
    %get3A_11 = vector.load %arg2[%get3A_9, %get3A_10] : memref<32x10000xf32, #tpu.memory_space<vmem>>, vector<32x10000xf32>
    %broadcast_in_dim3A = arith.constant 1.000000e+00 : f32
    %broadcast_in_dim3A_12 = vector.broadcast %broadcast_in_dim3A : f32 to vector<32x1xf32>
    %dot_general3A_13 = arith.constant dense<0.000000e+00> : vector<10000x1xf32>
    %dot_general3A_14 = tpu.matmul %get3A_11, %broadcast_in_dim3A_12, %dot_general3A_13 {dimension_numbers = #tpu.dot_dimension_numbers<[0], [0], [1], [1], [0, 1, 1, 1], [], []>, transpose_lhs_hint = false} : vector<32x10000xf32>, vector<32x1xf32>, vector<10000x1xf32> -> vector<10000x1xf32>
    %get3A_15 = arith.constant 0 : index
    %get3A_16 = arith.constant 0 : index
    %get3A_17 = vector.load %arg4[%get3A_15, %get3A_16] : memref<1x128xf32, #tpu.memory_space<vmem>>, vector<1x128xf32>
    %mul3A = vector.broadcast %dot_general3A_14 : vector<10000x1xf32> to vector<10000x128xf32>
    %mul3A_18 = vector.broadcast %get3A_17 : vector<1x128xf32> to vector<10000x128xf32>
    %mul3A_19 = arith.mulf %mul3A, %mul3A_18 : vector<10000x128xf32>
    %add3A = arith.addf %dot_general3A_8, %mul3A_19 : vector<10000x128xf32>
    %get3A_20 = arith.constant 0 : index
    %get3A_21 = arith.constant 0 : index
    %get3A_22 = vector.load %arg5[%get3A_20, %get3A_21] : memref<128x128xf32, #tpu.memory_space<vmem>>, vector<128x128xf32>
    %dot_general3A_23 = arith.constant dense<0.000000e+00> : vector<10000x128xf32>
    %dot_general3A_24 = tpu.matmul %get3A_1, %get3A_22, %dot_general3A_23 {dimension_numbers = #tpu.dot_dimension_numbers<[1], [0], [0], [1], [0, 0, 1, 1], [], []>, transpose_lhs_hint = false} : vector<10000x128xf32>, vector<128x128xf32>, vector<10000x128xf32> -> vector<10000x128xf32>
    %get3A_25 = arith.constant 0 : index
    %get3A_26 = arith.constant 0 : index
    %get3A_27 = vector.load %arg6[%get3A_25, %get3A_26] : memref<128x128xf32, #tpu.memory_space<vmem>>, vector<128x128xf32>
    %dot_general3A_28 = arith.constant dense<0.000000e+00> : vector<10000x128xf32>
    %dot_general3A_29 = tpu.matmul %add3A, %get3A_27, %dot_general3A_28 {dimension_numbers = #tpu.dot_dimension_numbers<[1], [0], [0], [1], [0, 0, 1, 1], [], []>, transpose_lhs_hint = false} : vector<10000x128xf32>, vector<128x128xf32>, vector<10000x128xf32> -> vector<10000x128xf32>
    %add3A_30 = arith.addf %dot_general3A_24, %dot_general3A_29 : vector<10000x128xf32>
    %get3A_31 = arith.constant 0 : index
    %get3A_32 = arith.constant 0 : index
    %get3A_33 = vector.load %arg7[%get3A_31, %get3A_32] : memref<1x128xf32, #tpu.memory_space<vmem>>, vector<1x128xf32>
    %add3A_34 = vector.broadcast %get3A_33 : vector<1x128xf32> to vector<10000x128xf32>
    %add3A_35 = arith.addf %add3A_30, %add3A_34 : vector<10000x128xf32>
    %max3A = arith.constant 0.000000e+00 : f32
    %max3A_36 = vector.broadcast %max3A : f32 to vector<10000x128xf32>
    %max3A_37 = arith.maximumf %add3A_35, %max3A_36 : vector<10000x128xf32>
    %get3A_38 = arith.constant 0 : index
    %get3A_39 = arith.constant 0 : index
    %get3A_40 = vector.load %arg8[%get3A_38, %get3A_39] : memref<128x128xf32, #tpu.memory_space<vmem>>, vector<128x128xf32>
    %dot_general3A_41 = arith.constant dense<0.000000e+00> : vector<10000x128xf32>
    %dot_general3A_42 = tpu.matmul %max3A_37, %get3A_40, %dot_general3A_41 {dimension_numbers = #tpu.dot_dimension_numbers<[1], [0], [0], [1], [0, 0, 1, 1], [], []>, transpose_lhs_hint = false} : vector<10000x128xf32>, vector<128x128xf32>, vector<10000x128xf32> -> vector<10000x128xf32>
    %add3A_43 = arith.addf %get3A_1, %dot_general3A_42 : vector<10000x128xf32>
    %get3A_44 = arith.constant 0 : index
    %get3A_45 = arith.constant 0 : index
    %get3A_46 = vector.load %arg9[%get3A_44, %get3A_45] : memref<1x128xf32, #tpu.memory_space<vmem>>, vector<1x128xf32>
    %add3A_47 = vector.broadcast %get3A_46 : vector<1x128xf32> to vector<10000x128xf32>
    %add3A_48 = arith.addf %add3A_43, %add3A_47 : vector<10000x128xf32>
    %iota3A = tpu.iota {dimensions = array<i32: 1>} : vector<10000x64xi32>
    %get3A_49 = arith.constant 0 : index
    %get3A_50 = arith.constant 0 : index
    %get3A_51 = vector.load %arg10[%get3A_49, %get3A_50] : memref<10000x1xi32, #tpu.memory_space<vmem>>, vector<10000x1xi32>
    %eq3A = vector.broadcast %get3A_51 : vector<10000x1xi32> to vector<10000x64xi32>
    %eq3A_52 = arith.cmpi eq, %eq3A, %iota3A : vector<10000x64xi32>
    %convert_element_type3A = arith.extui %eq3A_52 : vector<10000x64xi1> to vector<10000x64xi32>
    %convert_element_type3A_53 = arith.sitofp %convert_element_type3A : vector<10000x64xi32> to vector<10000x64xf32>
    %dot_general3A_54 = arith.constant dense<0.000000e+00> : vector<64x128xf32>
    %dot_general3A_55 = tpu.matmul %convert_element_type3A_53, %add3A_48, %dot_general3A_54 {dimension_numbers = #tpu.dot_dimension_numbers<[0], [0], [1], [1], [0, 1, 1, 1], [], []>, transpose_lhs_hint = false} : vector<10000x64xf32>, vector<10000x128xf32>, vector<64x128xf32> -> vector<64x128xf32>
    %broadcast_in_dim3A_56 = arith.constant 1.000000e+00 : f32
    %broadcast_in_dim3A_57 = vector.broadcast %broadcast_in_dim3A_56 : f32 to vector<10000x1xf32>
    %dot_general3A_58 = arith.constant dense<0.000000e+00> : vector<64x1xf32>
    %dot_general3A_59 = tpu.matmul %convert_element_type3A_53, %broadcast_in_dim3A_57, %dot_general3A_58 {dimension_numbers = #tpu.dot_dimension_numbers<[0], [0], [1], [1], [0, 1, 1, 1], [], []>, transpose_lhs_hint = false} : vector<10000x64xf32>, vector<10000x1xf32>, vector<64x1xf32> -> vector<64x1xf32>
    %max3A_60 = arith.constant 1.000000e+00 : f32
    %max3A_61 = vector.broadcast %max3A_60 : f32 to vector<64x1xf32>
    %max3A_62 = arith.maximumf %dot_general3A_59, %max3A_61 : vector<64x1xf32>
    %div3A = vector.broadcast %max3A_62 : vector<64x1xf32> to vector<64x128xf32>
    %div3A_63 = arith.divf %dot_general3A_55, %div3A : vector<64x128xf32>
    %get3A_64 = arith.constant 0 : index
    %get3A_65 = arith.constant 0 : index
    %get3A_66 = vector.load %arg11[%get3A_64, %get3A_65] : memref<128x128xf32, #tpu.memory_space<vmem>>, vector<128x128xf32>
    %dot_general3A_67 = arith.constant dense<0.000000e+00> : vector<64x128xf32>
    %dot_general3A_68 = tpu.matmul %div3A_63, %get3A_66, %dot_general3A_67 {dimension_numbers = #tpu.dot_dimension_numbers<[1], [0], [0], [1], [0, 0, 1, 1], [], []>, transpose_lhs_hint = false} : vector<64x128xf32>, vector<128x128xf32>, vector<64x128xf32> -> vector<64x128xf32>
    %get3A_69 = arith.constant 0 : index
    %get3A_70 = arith.constant 0 : index
    %get3A_71 = vector.load %arg12[%get3A_69, %get3A_70] : memref<1x128xf32, #tpu.memory_space<vmem>>, vector<1x128xf32>
    %add3A_72 = vector.broadcast %get3A_71 : vector<1x128xf32> to vector<64x128xf32>
    %add3A_73 = arith.addf %dot_general3A_68, %add3A_72 : vector<64x128xf32>
    %max3A_74 = arith.constant 0.000000e+00 : f32
    %max3A_75 = vector.broadcast %max3A_74 : f32 to vector<64x128xf32>
    %max3A_76 = arith.maximumf %add3A_73, %max3A_75 : vector<64x128xf32>
    %get3A_77 = arith.constant 0 : index
    %get3A_78 = arith.constant 0 : index
    %get3A_79 = vector.load %arg13[%get3A_77, %get3A_78] : memref<128x128xf32, #tpu.memory_space<vmem>>, vector<128x128xf32>
    %dot_general3A_80 = arith.constant dense<0.000000e+00> : vector<64x128xf32>
    %dot_general3A_81 = tpu.matmul %max3A_76, %get3A_79, %dot_general3A_80 {dimension_numbers = #tpu.dot_dimension_numbers<[1], [0], [0], [1], [0, 0, 1, 1], [], []>, transpose_lhs_hint = false} : vector<64x128xf32>, vector<128x128xf32>, vector<64x128xf32> -> vector<64x128xf32>
    %get3A_82 = arith.constant 0 : index
    %get3A_83 = arith.constant 0 : index
    %get3A_84 = vector.load %arg14[%get3A_82, %get3A_83] : memref<1x128xf32, #tpu.memory_space<vmem>>, vector<1x128xf32>
    %add3A_85 = vector.broadcast %get3A_84 : vector<1x128xf32> to vector<64x128xf32>
    %add3A_86 = arith.addf %dot_general3A_81, %add3A_85 : vector<64x128xf32>
    %swap3A = arith.constant 0 : index
    %swap3A_87 = arith.constant 0 : index
    %swap3A_88 = vector.load %arg15[%swap3A, %swap3A_87] : memref<64x128xf32, #tpu.memory_space<vmem>>, vector<64x128xf32>
    tpu.vector_store %arg15[%swap3A, %swap3A_87], %add3A_86 {strides = array<i32>} : memref<64x128xf32, #tpu.memory_space<vmem>>, vector<64x128xf32>,
    return
  }
}

</mosaic_0001>

<sc_bundles>
// kernel: kernel.10.cloned.1.call-start
scs
__scs_entry_jumppad:
0x0: {  	(pc) =	sbr.rel $0x88, $3  }
0x1: {  	(tag) =	ssettag $0x0;
	lr =	simm.s32 $0x1  }
0x2: {  	[smem:$0x3F90] =	sst lr;
	_ =	strace $0xD0000000  }
0x3: {  	_ = 	snop  }
0x4: {  	_ = 	snop  }
0x5: {  	_ = 	snop  }
0x6: {  	_ = 	snop  }
0x7: {  	_ = 	snop  }
__scs_overlays_trampoline_lowered:
0x8: {  	[smem:$0x3F9F] =	sst s0  }
0x9: {  	[smem:$0x3FA0] =	sst s1  }
0xa: {  	[smem:$0x3FA1] =	sst s2  }
0xb: {  	[smem:$0x3FA2] =	sst s3  }
0xc: {  	[smem:$0x3FA3] =	sst s4  }
0xd: {  	[smem:$0x3FA4] =	sst s5  }
0xe: {  	[smem:$0x3FA5] =	sst s6  }
0xf: {  	[smem:$0x3FA6] =	sst s7  }
0x10: {  	[smem:$0x3FA7] =	sst s8  }
0x11: {  	[smem:$0x3FA8] =	sst s9;
	s0 =	simm.s32 @!p0 $0x0  }
0x12: {  	s1 =	sld [smem:$0x3F8E];
	s0 =	simm.s32 @p0 $0x1  }
0x13: {  	[smem:$0x3FA9] =	sst s0;
	s0 =	simm.s32 @!p1 $0x0  }
0x14: {  	s2 =	sld [smem:$0x3F8D];
	s0 =	simm.s32 @p1 $0x1  }
0x15: {  	[smem:$0x3FAA] =	sst s0;
	s0 =	simm.s32 @!p2 $0x0  }
0x16: {  	s3 =	sld [smem:$0x3FDB];
	s0 =	simm.s32 @p2 $0x1  }
0x17: {  	s4 =	simm.s32 $0x1BF5;
	[smem:$0x3FAC] =	sst s0  }
0x18: {  	s0 =	sld [smem:$0x3F8F];
	_ =	swait.ge [sflag:s4], $0x0  }
0x19: {  	s7 =	sld [smem:$0x3F90]  }
0x1a: {  	s8 =	sadd.s32 $0xFFFFE003, lr  }
0x1b: {  	s9 =	sadd.s32 $0xFFFFFEF7, lr;
	s5 =	simm.s32 $0xFFFFFFFF;
	p2 =	slt.u32 s8, $0xFFFFF086  }
0x1c: {  	p1 =	slt.u32 s9, $0xF7A;
	s5 =	simm.s32 @!p2 $0x0  }
0x1d: {  	s5 =	simm.s32 @p1 $0x1;
	p0 =	seq.s32 s7, s2  }
0x1e: {  	s7 =	smul.u32 @!p0 $0xF7A, s2;
	p2 =	seq.s32 @!p0 s5, $0x0  }
0x1f: {  	s9 =	smul.u32 $0xF7A, s1;
	s8 =	simm.s32 @!p0 $0x1BF5;
	p2 =	por !p2, p0  }
0x20: {  	[sflag:s8] =	ssyncset.s32 @!p0 $0xFFFFF086;
	s6 =	sadd.s32 @!p0 s3, s7;
	s7 =	simm.s32 @!p0 $0x108  }
0x21: {  	s3 =	sadd.s32 s3, s9;
	s6 =	sadd.s32 @!p0 $0x88, s6;
	s7 =	simm.s32 @p2 $0x1082  }
0x22: {  	[simem:s7], [sflag:s8] =	dma.local @!p0 [hbm:s6], $0xF7A  }
0x23: {  	s9 =	sor.u32 $0xD0000000, s2;
	s6 =	simm.s32 $0x108;
	_ =	swait.ge @!p0 [sflag:s8], $0x0  }
0x24: {  	s3 =	sadd.s32 $0x88, s3;
	s6 =	simm.s32 @!p1 $0x1082;
	[sflag:s4] =	ssyncset.s32 $0xFFFFF086  }
0x25: {  	[simem:s6], [sflag:s4] =	dma.local [hbm:s3], $0xF7A  }
0x26: {  	[smem:$0x3F90] =	sst s1;
	(tag) =	ssettag s2;
	_ =	strace s9  }
0x27: {  	s1 =	sld [smem:$0x3FA0]  }
0x28: {  	s2 =	sld [smem:$0x3FA1]  }
0x29: {  	s4 =	sld [smem:$0x3FA3]  }
0x2a: {  	p0 =	seq.s32 s5, $0x0;
	s5 =	sld [smem:$0x3FA4]  }
0x2b: {  	s6 =	sld [smem:$0x3FA5]  }
0x2c: {  	s7 =	sld [smem:$0x3FA6]  }
0x2d: {  	s3 =	simm.s32 $0x108;
	s8 =	sld [smem:$0x3FA7]  }
0x2e: {  	s3 =	simm.s32 @!p0 $0x1082;
	s9 =	sld [smem:$0x3FA8]  }
0x2f: {  	lr =	sadd.s32 s0, s3;
	s0 =	sld [smem:$0x3F9F]  }
0x30: {  	s3 =	sld [smem:$0x3FA2]  }
0x31: {  	[smem:$0x3FAB] =	sst s10  }
0x32: {  	s10 =	sld [smem:$0x3FA9];
	_ =	sdelay $0x3  }
0x33: {  	p0 =	seq.s32 s10, $0x1;
	s10 =	sld [smem:$0x3FAB];
	_ =	sdelay $0x3  }
0x34: {  	[smem:$0x3FAB] =	sst s10  }
0x35: {  	s10 =	sld [smem:$0x3FAA];
	_ =	sdelay $0x3  }
0x36: {  	p1 =	seq.s32 s10, $0x1;
	s10 =	sld [smem:$0x3FAB];
	_ =	sdelay $0x3  }
0x37: {  	[smem:$0x3FAB] =	sst s10  }
0x38: {  	s10 =	sld [smem:$0x3FAC]  }
0x39: {  	_ = 	snop;
	(pc) =	sbr.ind lr, $3  }
0x3a: {  	_ = 	snop  }
0x3b: {  	_ = 	snop  }
0x3c: {  	p2 =	seq.s32 s10, $0x1;
	s10 =	sld [smem:$0x3FAB]  }
0x3d: {  	_ =	shalt  }
0x3e: {  	_ =	shalt  }
0x3f: {  	_ =	shalt  }
0x40: {  	_ =	shalt  }
0x41: {  	_ =	shalt  }
0x42: {  	_ =	shalt  }
0x43: {  	_ =	shalt  }
0x44: {  	_ =	shalt  }
0x45: {  	_ =	shalt  }
0x46: {  	_ =	shalt  }
0x47: {  	_ =	shalt  }
0x48: {  	_ =	shalt  }
0x49: {  	_ =	shalt  }
0x4a: {  	_ =	shalt  }
0x4b: {  	_ =	shalt  }
0x4c: {  	_ =	shalt  }
0x4d: {  	_ =	shalt  }
0x4e: {  	_ =	shalt  }
0x4f: {  	_ =	shalt  }
0x50: {  	_ =	shalt  }
0x51: {  	_ =	shalt  }
0x52: {  	_ =	shalt  }
0x53: {  	_ =	shalt  }
0x54: {  	_ =	shalt  }
0x55: {  	_ =	shalt  }
0x56: {  	_ =	shalt  }
0x57: {  	_ =	shalt  }
0x58: {  	_ =	shalt  }
0x59: {  	_ =	shalt  }
0x5a: {  	_ =	shalt  }
0x5b: {  	_ =	shalt  }
0x5c: {  	_ =	shalt  }
0x5d: {  	_ =	shalt  }
0x5e: {  	_ =	shalt  }
0x5f: {  	_ =	shalt  }
0x60: {  	_ =	shalt  }
0x61: {  	_ =	shalt  }
0x62: {  	_ =	shalt  }
0x63: {  	_ =	shalt  }
0x64: {  	_ =	shalt  }
0x65: {  	_ =	shalt  }
0x66: {  	_ =	shalt  }
0x67: {  	_ =	shalt  }
0x68: {  	_ =	shalt  }
0x69: {  	_ =	shalt  }
0x6a: {  	_ =	shalt  }
0x6b: {  	_ =	shalt  }
0x6c: {  	_ =	shalt  }
0x6d: {  	_ =	shalt  }
0x6e: {  	_ =	shalt  }
0x6f: {  	_ =	shalt  }
0x70: {  	_ =	shalt  }
0x71: {  	_ =	shalt  }
0x72: {  	_ =	shalt  }
0x73: {  	_ =	shalt  }
0x74: {  	_ =	shalt  }
0x75: {  	_ =	shalt  }
0x76: {  	_ =	shalt  }
0x77: {  	_ =	shalt  }
0x78: {  	_ =	shalt  }
0x79: {  	_ =	shalt  }
0x7a: {  	_ =	shalt  }
0x7b: {  	_ =	shalt  }
0x7c: {  	_ =	shalt  }
0x7d: {  	_ =	shalt  }
0x7e: {  	_ =	shalt  }
0x7f: {  	_ =	shalt  }
0x80: {  	_ =	shalt  }
0x81: {  	_ =	shalt  }
0x82: {  	_ =	shalt  }
0x83: {  	_ =	shalt  }
0x84: {  	_ =	shalt  }
0x85: {  	_ =	shalt  }
0x86: {  	_ =	shalt  }
0x87: {  	_ =	shalt  }
.Lfunc_end0:
.L_simem_size_0:
called_computation_lowered:
.L_overlay_start_0:
0x88: {  	s2 =	sld [smem:$0x3FD9]  }
0x89: {  	s3 =	sld [smem:$0x3FFE];
	_ =	sdelay $0x1  }
0x8a: {  	s1 =	srdreg.scid  }
0x8b: {  	s0 =	sand.u32 $0x1, s1  }
0x8c: {  	s17 =	sshll.u32 s0, $0xA;
	s2 =	sadd.s32 s3, s2  }
0x8d: {  	s2 =	sadd.s32 s2, s17  }
0x8e: {  	[smem:$0x3FB7] =	sst s2  }
0x8f: {  	_ = 	snop  }
0x90: {  	(tm) =	ssettm $0x1  }
0x91: {  	s18 =	sld [smem:$0x3FFB];
	_ =	sdelay $0x3  }
0x92: {  	_ =	strace s18  }
0x93: {  	s2 =	sld [smem:$0x3FFC];
	_ =	sdelay $0x3  }
0x94: {  	_ =	strace s2  }
0x95: {  	s2 =	sld [smem:$0x3FFD];
	_ =	sdelay $0x3  }
0x96: {  	_ =	strace s2  }
0x97: {  	_ =	strace $0x8FFFFFFF  }
0x98: {  	s19 =	sld [smem:$0x3FDB];
	_ =	sdelay $0x1  }
0x99: {  	s20 =	simm.s32 $_scs_section_size  }
0x9a: {  	s4 =	simm.s32 $_size__tile_overlayer_lowered;
	s5 =	simm.s32 $_tile_overlayer_lowered  }
0x9b: {  	s6 =	simm.s32 $0x1BFF;
	s21 =	sshll.u32 s5, $0x1;
	s3 =	sadd.s32 s20, s19  }
0x9c: {  	s22 =	simm.s32 $0x0;
	s4 =	sshll.u32 s4, $0x1;
	s5 =	sadd.s32 s21, s3  }
0x9d: {  	[timem:s22], [sflag:s6] =	dma.local [hbm:s5], s4  }
0x9e: {  	_ =	swait.ge [sflag:s6], s4  }
0x9f: {  	s4 =	ssub.s32 $0x0, s4;
	[sflag:s6] =	ssyncset.done $0x0  }
0xa0: {  	[sflag:s6] =	ssyncadd.s32 s4;
	_ =	sdelay $0x1  }
0xa1: {  	s23 =	simm.s32 $0x1B8B  }
0xa2: {  	_ =	swait.ge [sflag:s23], $0x1  }
0xa3: {  	[sflag:s23] =	ssyncset.done $0x0  }
0xa4: {  	[sflag:s23] =	ssyncadd.s32 $0xFFFFFFFF  }
0xa5: {  	s4 =	sld [smem:$0x0]  }
0xa6: {  	s5 =	sand.u32 $0xFFFFFFFE, s1  }
0xa7: {  	p0 =	sne.s32 s1, s5  }
0xa8: {  	s5 =	sshll.u32 @p0 s5, $0xE  }
0xa9: {  	s5 =	sadd.s32 @p0 $0x11B8D, s5;
	s6 =	sshll.u32 @p0 s4, $0x11  }
0xaa: {  	s5 =	sor.u32 @p0 s6, s5  }
0xab: {  	[sflag:s5] =	ssyncadd.remote.s32 @p0 $0x1;
	_ =	sdelay $0x1  }
0xac: {  	s5 =	simm.s32 @p0 $0x1B8D  }
0xad: {  	_ =	swait.eq @p0 [sflag:s5], $0x1  }
0xae: {  	[sflag:s5] =	ssyncadd.s32 @p0 $0xFFFFFFFF  }
0xaf: {  	s6 =	sshll.u32 @!p0 s1, $0xE  }
0xb0: {  	s6 =	sor.u32 @!p0 $0x4000, s6;
	s5 =	simm.s32 @!p0 $0x1B8D  }
0xb1: {  	s4 =	sshll.u32 @!p0 s4, $0x11;
	s6 =	sadd.s32 @!p0 $0x11B8D, s6;
	_ =	swait.eq @!p0 [sflag:s5], $0x1  }
0xb2: {  	s4 =	sor.u32 @!p0 s4, s6;
	[sflag:s5] =	ssyncadd.s32 @!p0 $0xFFFFFFFF  }
0xb3: {  	s25 =	simm.s32 $0x1B8E;
	s24 =	sld [smem:$0x3FFE];
	[sflag:s4] =	ssyncadd.remote.s32 @!p0 $0x1  }
0xb4: {  	s26 =	simm.s32 $execute0_lowered;
	[smem:$0x3FD2] =	sst s25  }
0xb5: {  	s5 =	sshll.u32 s26, $0x1;
	_ =	strace $0x80000049;
	[dreg:$0x1] =	wrdreg $0xFFFFFFFF  }
0xb6: {  	s28 =	simm.s32 $_size_execute0_lowered;
	s3 =	sadd.s32 s3, s5;
	[dreg:$0x0] =	wrdreg $0x0  }
0xb7: {  	s5 =	sshll.u32 s28, $0x1;
	[dreg:$0x2] =	wrdreg s3  }
0xb8: {  	[dreg:$0x3] =	wrdreg s5  }
0xb9: {  	[dreg:$0x4] =	wrdreg $0xC0  }
0xba: {  	_ =	task [dreg:s22], $0x5FFFF  }
0xbb: {  	[dreg:$0x1] =	wrdreg $0xFFFFFFFF  }
0xbc: {  	[dreg:$0x0] =	wrdreg $0x60  }
0xbd: {  	[dreg:$0x2] =	wrdreg s24  }
0xbe: {  	[dreg:$0x3] =	wrdreg $0x9  }
0xbf: {  	_ =	task.clear_ibuf [dreg:s22], $0x4FFFF;
	_ =	strace $0x90000049  }
0xc0: {  	s29 =	simm.s32 $0x9;
	_ =	strace $0x8000004B  }
0xc1: {  	_ =	swait.ge [sflag:s29], $0x1  }
0xc2: {  	[sflag:s29] =	ssyncadd.s32 $0xFFFFFFFF  }
0xc3: {  	_ =	strace $0x9000004B  }
0xc4: {  	_ =	sfence  }
0xc5: {  	s30 =	sld [smem:$0x0];
	_ =	sdelay $0x2  }
0xc6: {  	s31 =	sshll.u32 s1, $0xD;
	s1 =	sshrl.u32 s1, $0x2  }
0xc7: {  	s4 =	sand.u32 $0x4000, s31;
	s1 =	sadd.s32 s1, s30  }
0xc8: {  	s0 =	sor.u32 s4, s0;
	s1 =	sshll.u32 s1, $0x11  }
0xc9: {  	s0 =	sor.u32 s1, s0  }
0xca: {  	s0 =	sadd.s32 $0x8F2B, s0  }
0xcb: {  	[sflag:s0] =	ssyncadd.remote.s32 $0x1  }
0xcc: {  	_ =	sfence.sel $0xFFFF  }
0xcd: {  	[dreg:$0x0] =	wrdreg $0xFFFFFFFF;
	(pc) =	sbr.abs _section_cstart, $3  }
0xce: {  	[dreg:$0x1] =	wrdreg $0xFFFFFFFF  }
0xcf: {  	_ =	task.clear_ibuf [dreg:s22], $0x2FFFF;
	_ =	strace $0x9FFFFFFF  }
0xd0: {  	(tm) =	ssettm $0x7FFFFFFF  }
0xd1: {  	_ =	shalt  }
tec
execute0_lowered:
.L_overlay_start_1:
0x0: {  	(tag) =	ssettag $0x1  }
0x1: {  	s1 =	srdreg.scid;
	s0 =	stileid.u32  }
0x2: {  	s3 =	sand.u32 $0x1, s1;
	s30 =	sshll.u32 s0, $0x1  }
0x3: {  	s4 =	rddreg [dreg:$0x0];
	s2 =	simm.s32 $0x0;
	s5 =	sor.u32 s3, s30  }
0x4: {  	s10 =	simm.s32 $0x1;
	s11 =	simm.s32 $0x800;
	s6 =	smul.u32 $0x2710, s5  }
0x5: {  	s12 =	simm.s32 $0x0;
	[smem:$0x7FF] =	sst s2;
	s5 =	smul.u32 $0x4F0, s5  }
0x6: {  	s1 =	rddreg [dreg:$0x1];
	_ =	strace $0x8000004A;
	s3 =	ssub.s32 $0x2, s3  }
0x7: {  	s7 =	sshrl.u32 s3, $0x1;
	s6 =	sshrl.u32 s6, $0x3;
	s5 =	sadd.s32 s5, s4  }
0x8: {  	s31 =	ssub.s32 s3, s7;
	s9 =	sadd.s32 s6, s4;
	s3 =	sadd.s32 $0x97400, s5  }
0x9: {  	s4 =	smax.u32 s31, $0x1;
	s5 =	sadd.s32 $0x52200, s9;
	s6 =	sadd.s32 $0x522FA, s9  }
0xa: {  	v0 =	vimm.f32 $0.0e+00;
	v1 =	vimm.f32 $1.000000000e+00;
	s7 =	sadd.s32 $0x523F4, s9;
	s8 =	sadd.s32 $0x524EE, s9;
	s9 =	sadd.s32 $0x525E8, s9  }
.LBB2_1:
0xb: {  	s13 =	simm.s32 $0x40;
	s14 =	simm.s32 $0x0  }
.LBB2_2:
0xc: {  	p0 =	sne.s32 s13, $0x9C00;
	[tilespmem:s14+$0x800] =	vst v0;
	s14 =	smov.u32 s13;
	s13 =	sadd.s32 $0x40, s13  }
.Ltmp0:
0xd: {  	(pc) =	sbr.rel @p0 .LBB2_2-.Ltmp0, $2  }
0xe: {  	_ =	sdelay $0x2  }
0xf: {  	s14 =	sshra.s32 s14, $0x2  }
0x10: {  	[tilespmem:s14+$0x800] =	vst v0;
	s13 =	simm.s32 $0x0  }
0x11: {  	[tilespmem:s13], [sflag:$0x1] =	stream.linear.gather [hbm4b:s5+s13], $0x7D0, $0x38;
	[tilespmem:$0x2F80] =	vst v63  }
0x12: {  	_ =	swait.ge [sflag:s10], $0x7D0  }
0x13: {  	[sflag:s10] =	ssyncset.done $0x0  }
0x14: {  	s14 =	simm.s32 $0x0;
	s13 =	simm.s32 $0x40;
	[sflag:s10] =	ssyncadd.s32 $0xFFFFF830  }
.LBB2_4:
0x15: {  	p0 =	sne.s32 s13, $0x1F00;
	v2 =	vld [tilespmem:s14+$0x0];
	_ =	sdelay $0x3  }
.Ltmp1:
0x16: {  	(pc) =	sbr.rel @p0 .LBB2_4-.Ltmp1, $2  }
0x17: {  	_ =	sdelay $0x2  }
0x18: {  	s14 =	sshra.s32 s13, $0x2;
	s13 =	sadd.s32 $0x40, s13;
	[tilespmem:v2+s11+$0x0] =	vst.idx.add.f32.msk $0xffff, v1  }
0x19: {  	v2 =	vld [tilespmem:s14+$0x0];
	_ =	sdelay $0x7  }
0x1a: {  	s13 =	simm.s32 $0x0;
	[tilespmem:v2+s11+$0x0] =	vst.idx.add.f32.msk $0xffff, v1  }
0x1b: {  	[tilespmem:s13], [sflag:$0x1] =	stream.linear.gather [hbm4b:s6+s13], $0x7D0, $0x38;
	[tilespmem:$0x2F80] =	vst v63  }
0x1c: {  	_ =	swait.ge [sflag:s10], $0x7D0  }
0x1d: {  	[sflag:s10] =	ssyncset.done $0x0  }
0x1e: {  	s14 =	simm.s32 $0x0;
	s13 =	simm.s32 $0x40;
	[sflag:s10] =	ssyncadd.s32 $0xFFFFF830  }
.LBB2_6:
0x1f: {  	p0 =	sne.s32 s13, $0x1F00;
	v2 =	vld [tilespmem:s14+$0x0];
	_ =	sdelay $0x3  }
.Ltmp2:
0x20: {  	(pc) =	sbr.rel @p0 .LBB2_6-.Ltmp2, $2  }
0x21: {  	_ =	sdelay $0x2  }
0x22: {  	s14 =	sshra.s32 s13, $0x2;
	s13 =	sadd.s32 $0x40, s13;
	[tilespmem:v2+s11+$0x0] =	vst.idx.add.f32.msk $0xffff, v1  }
0x23: {  	v2 =	vld [tilespmem:s14+$0x0];
	_ =	sdelay $0x7  }
0x24: {  	s13 =	simm.s32 $0x0;
	[tilespmem:v2+s11+$0x0] =	vst.idx.add.f32.msk $0xffff, v1  }
0x25: {  	[tilespmem:s13], [sflag:$0x1] =	stream.linear.gather [hbm4b:s7+s13], $0x7D0, $0x38;
	[tilespmem:$0x2F80] =	vst v63  }
0x26: {  	_ =	swait.ge [sflag:s10], $0x7D0  }
0x27: {  	[sflag:s10] =	ssyncset.done $0x0  }
0x28: {  	s14 =	simm.s32 $0x0;
	s13 =	simm.s32 $0x40;
	[sflag:s10] =	ssyncadd.s32 $0xFFFFF830  }
.LBB2_8:
0x29: {  	p0 =	sne.s32 s13, $0x1F00;
	v2 =	vld [tilespmem:s14+$0x0];
	_ =	sdelay $0x3  }
.Ltmp3:
0x2a: {  	(pc) =	sbr.rel @p0 .LBB2_8-.Ltmp3, $2  }
0x2b: {  	_ =	sdelay $0x2  }
0x2c: {  	s14 =	sshra.s32 s13, $0x2;
	s13 =	sadd.s32 $0x40, s13;
	[tilespmem:v2+s11+$0x0] =	vst.idx.add.f32.msk $0xffff, v1  }
0x2d: {  	v2 =	vld [tilespmem:s14+$0x0];
	_ =	sdelay $0x7  }
0x2e: {  	s13 =	simm.s32 $0x0;
	[tilespmem:v2+s11+$0x0] =	vst.idx.add.f32.msk $0xffff, v1  }
0x2f: {  	[tilespmem:s13], [sflag:$0x1] =	stream.linear.gather [hbm4b:s8+s13], $0x7D0, $0x38;
	[tilespmem:$0x2F80] =	vst v63  }
0x30: {  	_ =	swait.ge [sflag:s10], $0x7D0  }
0x31: {  	[sflag:s10] =	ssyncset.done $0x0  }
0x32: {  	s14 =	simm.s32 $0x0;
	s13 =	simm.s32 $0x40;
	[sflag:s10] =	ssyncadd.s32 $0xFFFFF830  }
.LBB2_10:
0x33: {  	p0 =	sne.s32 s13, $0x1F00;
	v2 =	vld [tilespmem:s14+$0x0];
	_ =	sdelay $0x3  }
.Ltmp4:
0x34: {  	(pc) =	sbr.rel @p0 .LBB2_10-.Ltmp4, $2  }
0x35: {  	_ =	sdelay $0x2  }
0x36: {  	s14 =	sshra.s32 s13, $0x2;
	s13 =	sadd.s32 $0x40, s13;
	[tilespmem:v2+s11+$0x0] =	vst.idx.add.f32.msk $0xffff, v1  }
0x37: {  	v2 =	vld [tilespmem:s14+$0x0];
	_ =	sdelay $0x7  }
0x38: {  	s13 =	simm.s32 $0x0;
	[tilespmem:v2+s11+$0x0] =	vst.idx.add.f32.msk $0xffff, v1  }
0x39: {  	[tilespmem:s13], [sflag:$0x1] =	stream.linear.gather [hbm4b:s9+s13], $0x7D0, $0x38;
	[tilespmem:$0x2F80] =	vst v63  }
0x3a: {  	_ =	swait.ge [sflag:s10], $0x7D0  }
0x3b: {  	[sflag:s10] =	ssyncset.done $0x0  }
0x3c: {  	s14 =	simm.s32 $0x0;
	s13 =	simm.s32 $0x40;
	[sflag:s10] =	ssyncadd.s32 $0xFFFFF830  }
.LBB2_12:
0x3d: {  	p0 =	sne.s32 s13, $0x1F00;
	v2 =	vld [tilespmem:s14+$0x0];
	_ =	sdelay $0x3  }
.Ltmp5:
0x3e: {  	(pc) =	sbr.rel @p0 .LBB2_12-.Ltmp5, $2  }
0x3f: {  	_ =	sdelay $0x2  }
0x40: {  	s14 =	sshra.s32 s13, $0x2;
	s13 =	sadd.s32 $0x40, s13;
	[tilespmem:v2+s11+$0x0] =	vst.idx.add.f32.msk $0xffff, v1  }
0x41: {  	v2 =	vld [tilespmem:s14+$0x0];
	_ =	sdelay $0x5  }
0x42: {  	s12 =	sadd.s32 $0x1, s12  }
0x43: {  	p0 =	sne.s32 s12, s4  }
.Ltmp6:
0x44: {  	[tilespmem:v2+s11+$0x0] =	vst.idx.add.f32.msk $0xffff, v1;
	(pc) =	sbr.rel @p0 .LBB2_1-.Ltmp6, $4  }
0x45: {  	[hbm4b:s3+s2] =	stream.linear.scatter [tilespmem:s11], [sflag:$0x1], $0x2780, $0x38;
	[tilespmem:$0x2F80] =	vst v63  }
0x46: {  	_ =	swait.ge [sflag:s10], $0x2780  }
0x47: {  	[sflag:s10] =	ssyncset.done $0x0  }
0x48: {  	[sflag:s10] =	ssyncadd.s32 $0xFFFFD880  }
0x49: {  	_ =	sfence.sel $0x180000  }
0x4a: {  	[bflag:$0x0] =	sbarrier.arrive $0xFFFF  }
0x4b: {  	p0 =	sne.s32 s0, $0x0;
	_ =	strace $0x9000004A  }
0x4c: {  	s0 =	sadd.s32 @!p0 $0x100000, s1;
	[bflag:$0x2] =	sbarrier.arrive $0xFFFF  }
0x4d: {  	[sflag:s0] =	ssyncadd.tile.s32 @!p0 $0x1;
	_ =	shalt  }
.Lfunc_end2:
_tile_overlayer_lowered:
.L_overlay_start_2:
0x4e: {  	(tag) =	ssettag $0x2  }
0x4f: {  	s0 =	rddreg [dreg:$0x0];
	s2 =	stileid.u32  }
0x50: {  	s1 =	rddreg [dreg:$0x1];
	p0 =	sne.s32 s2, $0x0  }
0x51: {  	s3 =	rddreg [dreg:$0x2];
	[bflag:$0x3] =	sbarrier.arrive $0xFFFF;
	s2 =	simm.s32 @!p0 $0x1C01  }
0x52: {  	[timem:s3], [sflag:s2] =	dma.local @!p0 [hbm:s0], s1  }
0x53: {  	s0 =	simm.s32 @!p0 $0x1  }
0x54: {  	_ =	swait.ge @!p0 [sflag:s0], s1  }
0x55: {  	s1 =	ssub.s32 @!p0 $0x0, s1;
	[sflag:s0] =	ssyncset.done @!p0 $0x0  }
0x56: {  	[sflag:s0] =	ssyncadd.s32 @!p0 s1  }
0x57: {  	[bflag:$0x3] =	sbarrier.arrive $0xFFFF  }
0x58: {  	_ =	shalt  }

// kernel: kernel.13.cloned.1.call-start
scs
__scs_entry_jumppad:
0x0: {  	(pc) =	sbr.rel $0x88, $3  }
0x1: {  	(tag) =	ssettag $0x0;
	lr =	simm.s32 $0x1  }
0x2: {  	[smem:$0x3F90] =	sst lr;
	_ =	strace $0xD0000000  }
0x3: {  	_ = 	snop  }
0x4: {  	_ = 	snop  }
0x5: {  	_ = 	snop  }
0x6: {  	_ = 	snop  }
0x7: {  	_ = 	snop  }
__scs_overlays_trampoline_lowered:
0x8: {  	[smem:$0x3F9F] =	sst s0  }
0x9: {  	[smem:$0x3FA0] =	sst s1  }
0xa: {  	[smem:$0x3FA1] =	sst s2  }
0xb: {  	[smem:$0x3FA2] =	sst s3  }
0xc: {  	[smem:$0x3FA3] =	sst s4  }
0xd: {  	[smem:$0x3FA4] =	sst s5  }
0xe: {  	[smem:$0x3FA5] =	sst s6  }
0xf: {  	[smem:$0x3FA6] =	sst s7  }
0x10: {  	[smem:$0x3FA7] =	sst s8  }
0x11: {  	[smem:$0x3FA8] =	sst s9;
	s0 =	simm.s32 @!p0 $0x0  }
0x12: {  	s1 =	sld [smem:$0x3F8E];
	s0 =	simm.s32 @p0 $0x1  }
0x13: {  	[smem:$0x3FA9] =	sst s0;
	s0 =	simm.s32 @!p1 $0x0  }
0x14: {  	s2 =	sld [smem:$0x3F8D];
	s0 =	simm.s32 @p1 $0x1  }
0x15: {  	[smem:$0x3FAA] =	sst s0;
	s0 =	simm.s32 @!p2 $0x0  }
0x16: {  	s3 =	sld [smem:$0x3FDB];
	s0 =	simm.s32 @p2 $0x1  }
0x17: {  	s4 =	simm.s32 $0x1BF5;
	[smem:$0x3FAC] =	sst s0  }
0x18: {  	s0 =	sld [smem:$0x3F8F];
	_ =	swait.ge [sflag:s4], $0x0  }
0x19: {  	s7 =	sld [smem:$0x3F90]  }
0x1a: {  	s8 =	sadd.s32 $0xFFFFE003, lr  }
0x1b: {  	s9 =	sadd.s32 $0xFFFFFEF7, lr;
	s5 =	simm.s32 $0xFFFFFFFF;
	p2 =	slt.u32 s8, $0xFFFFF086  }
0x1c: {  	p1 =	slt.u32 s9, $0xF7A;
	s5 =	simm.s32 @!p2 $0x0  }
0x1d: {  	s5 =	simm.s32 @p1 $0x1;
	p0 =	seq.s32 s7, s2  }
0x1e: {  	s7 =	smul.u32 @!p0 $0xF7A, s2;
	p2 =	seq.s32 @!p0 s5, $0x0  }
0x1f: {  	s9 =	smul.u32 $0xF7A, s1;
	s8 =	simm.s32 @!p0 $0x1BF5;
	p2 =	por !p2, p0  }
0x20: {  	[sflag:s8] =	ssyncset.s32 @!p0 $0xFFFFF086;
	s6 =	sadd.s32 @!p0 s3, s7;
	s7 =	simm.s32 @!p0 $0x108  }
0x21: {  	s3 =	sadd.s32 s3, s9;
	s6 =	sadd.s32 @!p0 $0x88, s6;
	s7 =	simm.s32 @p2 $0x1082  }
0x22: {  	[simem:s7], [sflag:s8] =	dma.local @!p0 [hbm:s6], $0xF7A  }
0x23: {  	s9 =	sor.u32 $0xD0000000, s2;
	s6 =	simm.s32 $0x108;
	_ =	swait.ge @!p0 [sflag:s8], $0x0  }
0x24: {  	s3 =	sadd.s32 $0x88, s3;
	s6 =	simm.s32 @!p1 $0x1082;
	[sflag:s4] =	ssyncset.s32 $0xFFFFF086  }
0x25: {  	[simem:s6], [sflag:s4] =	dma.local [hbm:s3], $0xF7A  }
0x26: {  	[smem:$0x3F90] =	sst s1;
	(tag) =	ssettag s2;
	_ =	strace s9  }
0x27: {  	s1 =	sld [smem:$0x3FA0]  }
0x28: {  	s2 =	sld [smem:$0x3FA1]  }
0x29: {  	s4 =	sld [smem:$0x3FA3]  }
0x2a: {  	p0 =	seq.s32 s5, $0x0;
	s5 =	sld [smem:$0x3FA4]  }
0x2b: {  	s6 =	sld [smem:$0x3FA5]  }
0x2c: {  	s7 =	sld [smem:$0x3FA6]  }
0x2d: {  	s3 =	simm.s32 $0x108;
	s8 =	sld [smem:$0x3FA7]  }
0x2e: {  	s3 =	simm.s32 @!p0 $0x1082;
	s9 =	sld [smem:$0x3FA8]  }
0x2f: {  	lr =	sadd.s32 s0, s3;
	s0 =	sld [smem:$0x3F9F]  }
0x30: {  	s3 =	sld [smem:$0x3FA2]  }
0x31: {  	[smem:$0x3FAB] =	sst s10  }
0x32: {  	s10 =	sld [smem:$0x3FA9];
	_ =	sdelay $0x3  }
0x33: {  	p0 =	seq.s32 s10, $0x1;
	s10 =	sld [smem:$0x3FAB];
	_ =	sdelay $0x3  }
0x34: {  	[smem:$0x3FAB] =	sst s10  }
0x35: {  	s10 =	sld [smem:$0x3FAA];
	_ =	sdelay $0x3  }
0x36: {  	p1 =	seq.s32 s10, $0x1;
	s10 =	sld [smem:$0x3FAB];
	_ =	sdelay $0x3  }
0x37: {  	[smem:$0x3FAB] =	sst s10  }
0x38: {  	s10 =	sld [smem:$0x3FAC]  }
0x39: {  	_ = 	snop;
	(pc) =	sbr.ind lr, $3  }
0x3a: {  	_ = 	snop  }
0x3b: {  	_ = 	snop  }
0x3c: {  	p2 =	seq.s32 s10, $0x1;
	s10 =	sld [smem:$0x3FAB]  }
0x3d: {  	_ =	shalt  }
0x3e: {  	_ =	shalt  }
0x3f: {  	_ =	shalt  }
0x40: {  	_ =	shalt  }
0x41: {  	_ =	shalt  }
0x42: {  	_ =	shalt  }
0x43: {  	_ =	shalt  }
0x44: {  	_ =	shalt  }
0x45: {  	_ =	shalt  }
0x46: {  	_ =	shalt  }
0x47: {  	_ =	shalt  }
0x48: {  	_ =	shalt  }
0x49: {  	_ =	shalt  }
0x4a: {  	_ =	shalt  }
0x4b: {  	_ =	shalt  }
0x4c: {  	_ =	shalt  }
0x4d: {  	_ =	shalt  }
0x4e: {  	_ =	shalt  }
0x4f: {  	_ =	shalt  }
0x50: {  	_ =	shalt  }
0x51: {  	_ =	shalt  }
0x52: {  	_ =	shalt  }
0x53: {  	_ =	shalt  }
0x54: {  	_ =	shalt  }
0x55: {  	_ =	shalt  }
0x56: {  	_ =	shalt  }
0x57: {  	_ =	shalt  }
0x58: {  	_ =	shalt  }
0x59: {  	_ =	shalt  }
0x5a: {  	_ =	shalt  }
0x5b: {  	_ =	shalt  }
0x5c: {  	_ =	shalt  }
0x5d: {  	_ =	shalt  }
0x5e: {  	_ =	shalt  }
0x5f: {  	_ =	shalt  }
0x60: {  	_ =	shalt  }
0x61: {  	_ =	shalt  }
0x62: {  	_ =	shalt  }
0x63: {  	_ =	shalt  }
0x64: {  	_ =	shalt  }
0x65: {  	_ =	shalt  }
0x66: {  	_ =	shalt  }
0x67: {  	_ =	shalt  }
0x68: {  	_ =	shalt  }
0x69: {  	_ =	shalt  }
0x6a: {  	_ =	shalt  }
0x6b: {  	_ =	shalt  }
0x6c: {  	_ =	shalt  }
0x6d: {  	_ =	shalt  }
0x6e: {  	_ =	shalt  }
0x6f: {  	_ =	shalt  }
0x70: {  	_ =	shalt  }
0x71: {  	_ =	shalt  }
0x72: {  	_ =	shalt  }
0x73: {  	_ =	shalt  }
0x74: {  	_ =	shalt  }
0x75: {  	_ =	shalt  }
0x76: {  	_ =	shalt  }
0x77: {  	_ =	shalt  }
0x78: {  	_ =	shalt  }
0x79: {  	_ =	shalt  }
0x7a: {  	_ =	shalt  }
0x7b: {  	_ =	shalt  }
0x7c: {  	_ =	shalt  }
0x7d: {  	_ =	shalt  }
0x7e: {  	_ =	shalt  }
0x7f: {  	_ =	shalt  }
0x80: {  	_ =	shalt  }
0x81: {  	_ =	shalt  }
0x82: {  	_ =	shalt  }
0x83: {  	_ =	shalt  }
0x84: {  	_ =	shalt  }
0x85: {  	_ =	shalt  }
0x86: {  	_ =	shalt  }
0x87: {  	_ =	shalt  }
.Lfunc_end0:
.L_simem_size_0:
called_computation.1_lowered:
.L_overlay_start_0:
0x88: {  	s2 =	sld [smem:$0x3FD9]  }
0x89: {  	s3 =	sld [smem:$0x3FFE];
	_ =	sdelay $0x1  }
0x8a: {  	s1 =	srdreg.scid  }
0x8b: {  	s0 =	sand.u32 $0x1, s1  }
0x8c: {  	s16 =	sshll.u32 s0, $0xA;
	s2 =	sadd.s32 s3, s2  }
0x8d: {  	s2 =	sadd.s32 s2, s16  }
0x8e: {  	[smem:$0x3FB7] =	sst s2  }
0x8f: {  	_ = 	snop  }
0x90: {  	(tm) =	ssettm $0x1  }
0x91: {  	s17 =	sld [smem:$0x3FFB];
	_ =	sdelay $0x3  }
0x92: {  	_ =	strace s17  }
0x93: {  	s2 =	sld [smem:$0x3FFC];
	_ =	sdelay $0x3  }
0x94: {  	_ =	strace s2  }
0x95: {  	s2 =	sld [smem:$0x3FFD];
	_ =	sdelay $0x3  }
0x96: {  	_ =	strace s2  }
0x97: {  	_ =	strace $0x8FFFFFFF  }
0x98: {  	s18 =	sld [smem:$0x3FDB];
	_ =	sdelay $0x1  }
0x99: {  	s19 =	simm.s32 $_scs_section_size  }
0x9a: {  	s4 =	simm.s32 $_size__tile_overlayer_lowered;
	s5 =	simm.s32 $_tile_overlayer_lowered  }
0x9b: {  	s22 =	simm.s32 $0x1BFF;
	s21 =	sshll.u32 s5, $0x1;
	s2 =	sadd.s32 s19, s18  }
0x9c: {  	s6 =	simm.s32 $0x0;
	s20 =	sshll.u32 s4, $0x1;
	s4 =	sadd.s32 s21, s2  }
0x9d: {  	[timem:s6], [sflag:s22] =	dma.local [hbm:s4], s20  }
0x9e: {  	_ =	swait.ge [sflag:s22], s20  }
0x9f: {  	s3 =	ssub.s32 $0x0, s20;
	[sflag:s22] =	ssyncset.done $0x0  }
0xa0: {  	[sflag:s22] =	ssyncadd.s32 s3;
	_ =	sdelay $0x1  }
0xa1: {  	s23 =	simm.s32 $0x1B8B  }
0xa2: {  	_ =	swait.ge [sflag:s23], $0x1  }
0xa3: {  	[sflag:s23] =	ssyncset.done $0x0  }
0xa4: {  	s25 =	simm.s32 $0x1B8E;
	s24 =	sld [smem:$0x3FFE];
	[sflag:s23] =	ssyncadd.s32 $0xFFFFFFFF  }
0xa5: {  	s26 =	simm.s32 $execute0_lowered;
	[smem:$0x3FD2] =	sst s25  }
0xa6: {  	s4 =	sshll.u32 s26, $0x1;
	_ =	strace $0x80000046;
	[dreg:$0x1] =	wrdreg $0xFFFFFFFF  }
0xa7: {  	s28 =	simm.s32 $_size_execute0_lowered;
	s2 =	sadd.s32 s2, s4;
	[dreg:$0x0] =	wrdreg $0x0  }
0xa8: {  	s4 =	sshll.u32 s28, $0x1;
	[dreg:$0x2] =	wrdreg s2  }
0xa9: {  	[dreg:$0x3] =	wrdreg s4  }
0xaa: {  	[dreg:$0x4] =	wrdreg $0xC0  }
0xab: {  	_ =	task [dreg:s6], $0x5FFFF  }
0xac: {  	[dreg:$0x1] =	wrdreg $0xFFFFFFFF  }
0xad: {  	[dreg:$0x0] =	wrdreg $0x60  }
0xae: {  	[dreg:$0x2] =	wrdreg s24  }
0xaf: {  	[dreg:$0x3] =	wrdreg $0xA  }
0xb0: {  	_ =	task.clear_ibuf [dreg:s6], $0x4FFFF;
	_ =	strace $0x90000046  }
0xb1: {  	s29 =	simm.s32 $0xA;
	_ =	strace $0x80000048  }
0xb2: {  	_ =	swait.ge [sflag:s29], $0x1  }
0xb3: {  	[sflag:s29] =	ssyncadd.s32 $0xFFFFFFFF  }
0xb4: {  	_ =	strace $0x90000048  }
0xb5: {  	_ =	sfence  }
0xb6: {  	s30 =	sld [smem:$0x0];
	_ =	sdelay $0x2  }
0xb7: {  	s31 =	sshll.u32 s1, $0xD;
	s1 =	sshrl.u32 s1, $0x2  }
0xb8: {  	s3 =	sand.u32 $0x4000, s31;
	s1 =	sadd.s32 s1, s30  }
0xb9: {  	s0 =	sor.u32 s3, s0;
	s1 =	sshll.u32 s1, $0x11  }
0xba: {  	s0 =	sor.u32 s1, s0  }
0xbb: {  	s0 =	sadd.s32 $0x8F2B, s0  }
0xbc: {  	[sflag:s0] =	ssyncadd.remote.s32 $0x1  }
0xbd: {  	_ =	sfence.sel $0xFFFF  }
0xbe: {  	[dreg:$0x0] =	wrdreg $0xFFFFFFFF;
	(pc) =	sbr.abs _section_cstart, $3  }
0xbf: {  	[dreg:$0x1] =	wrdreg $0xFFFFFFFF  }
0xc0: {  	_ =	task.clear_ibuf [dreg:s6], $0x2FFFF;
	_ =	strace $0x9FFFFFFF  }
0xc1: {  	(tm) =	ssettm $0x7FFFFFFF  }
tec
execute0_lowered:
.L_overlay_start_1:
0x0: {  	(tag) =	ssettag $0x1  }
0x1: {  	s0 =	rddreg [dreg:$0x0];
	s2 =	simm.s32 $0x0;
	s1 =	srdreg.scid  }
0x2: {  	s3 =	stileid.u32;
	[smem:$0x7FF] =	sst s2;
	s1 =	sand.u32 $0x1, s1  }
0x3: {  	s3 =	sshll.u32 s3, $0x1;
	s4 =	sadd.s32 $0x52200, s0;
	s9 =	sadd.s32 $0x2E00, s0  }
0x4: {  	s18 =	sadd.s32 $0x5C010, s0;
	_ =	strace $0x80000047;
	[dreg:$0x2] =	wrdreg s9  }
0x5: {  	s5 =	sadd.s32 $0x65E00, s0;
	s19 =	sadd.s32 $0x5C020, s0;
	[dreg:$0x7] =	wrdreg s18  }
0x6: {  	s20 =	sadd.s32 $0x5C030, s0;
	s21 =	sadd.s32 $0x5C040, s0;
	[dreg:$0x8] =	wrdreg s19  }
0x7: {  	s22 =	sadd.s32 $0x5C050, s0;
	s23 =	sadd.s32 $0x5C060, s0;
	[dreg:$0x9] =	wrdreg s20  }
0x8: {  	s24 =	sadd.s32 $0x5C070, s0;
	s25 =	sadd.s32 $0x52210, s0;
	[dreg:$0xa] =	wrdreg s21  }
0x9: {  	s26 =	sadd.s32 $0x52220, s0;
	s28 =	sadd.s32 $0x65E30, s0;
	[dreg:$0xb] =	wrdreg s22  }
0xa: {  	s29 =	sadd.s32 $0x65E40, s0;
	s30 =	sadd.s32 $0x65E50, s0;
	[dreg:$0xc] =	wrdreg s23  }
0xb: {  	s31 =	sadd.s32 $0x65E60, s0;
	s6 =	sor.u32 s1, s3;
	[dreg:$0xd] =	wrdreg s24  }
0xc: {  	s3 =	sadd.s32 $0x5C000, s0;
	s1 =	ssub.s32 $0x2, s1;
	[dreg:$0xe] =	wrdreg s25  }
0xd: {  	[dreg:$0xf] =	wrdreg s26;
	s20 =	sadd.s32 $0x52230, s0;
	s21 =	sadd.s32 $0x52240, s0  }
0xe: {  	s22 =	sadd.s32 $0x52250, s0;
	s23 =	sadd.s32 $0x52260, s0;
	s24 =	sadd.s32 $0x52270, s0  }
0xf: {  	s25 =	sadd.s32 $0x65E10, s0;
	s26 =	sadd.s32 $0x65E20, s0;
	s16 =	sshll.u32 s6, $0x2  }
0x10: {  	s9 =	simm.s32 $0x1;
	s7 =	smul.u32 $0x13C0, s6;
	s8 =	sshrl.u32 s1, $0x1;
	v0 =	vmov s16  }
0x11: {  	s10 =	sshllo.u32 s6, $0x2;
	s6 =	simm.s32 $0x3;
	s11 =	sor.u32 $0x1, s16;
	v0 =	vbroadcast v0, $0x0  }
0x12: {  	s1 =	ssub.s32 s1, s8;
	s12 =	sor.u32 $0x2, s16;
	s8 =	simm.s32 $0x1F200;
	v1 =	vmov s11  }
0x13: {  	v3 =	vmov s10;
	s10 =	simm.s32 $0x2;
	s7 =	sadd.s32 s7, s0;
	s1 =	smax.u32 s1, $0x1;
	[tilespmem:$0x1FFD0] =	vst v0;
	v0 =	vbroadcast v1, $0x0  }
0x14: {  	s0 =	sadd.s32 $0x65E70, s0;
	v2 =	vmov s12;
	s14 =	sadd.s32 $0x3200, s7;
	[dreg:$0x6] =	wrdreg s1  }
0x15: {  	s11 =	simm.s32 $0x15400;
	s15 =	sadd.s32 $0x2AA00, s7;
	[dreg:$0x3] =	wrdreg s14;
	[tilespmem:$0x1FFE0] =	vst v0;
	v0 =	vbroadcast v2, $0x0  }
0x16: {  	[tilespmem:$0x1FFC0] =	vst v3;
	s12 =	simm.s32 $0x0;
	s17 =	sadd.s32 $0x6FC00, s7;
	[dreg:$0x4] =	wrdreg s15  }
0x17: {  	s1 =	simm.s32 $0x1800;
	s7 =	simm.s32 $0xB600;
	[dreg:$0x5] =	wrdreg s17;
	[tilespmem:$0x1FFF0] =	vst v0;
	v0 =	vimm.f32 $0.0e+00  }
.LBB2_1:
0x18: {  	s13 =	sand.u32 $0x70, s2;
	s14 =	sand.u32 $0xFE00, s2  }
0x19: {  	s13 =	sor.u32 s13, s14  }
0x1a: {  	s15 =	sadd.s32 $0x15400, s13;
	[tilespmem:s13+$0x15400] =	vst v0  }
0x1b: {  	[tilespmem:s15+$0x180] =	vst v0  }
0x1c: {  	s14 =	simm.s32 $0x0;
	s13 =	simm.s32 $0x10;
	[tilespmem:s15+$0x80] =	vst v0  }
.LBB2_2:
0x1d: {  	s16 =	sand.u32 $0x70, s13;
	[tilespmem:s15+$0x100] =	vst v0;
	s14 =	sadd.s32 $0x40, s14;
	p0 =	sne.s32 s13, $0x2700  }
.Ltmp0:
0x1e: {  	s13 =	sadd.s32 $0x10, s13;
	s15 =	sand.u32 $0xFE00, s14;
	(pc) =	sbr.rel @p0 .LBB2_2-.Ltmp0, $4  }
0x1f: {  	s16 =	sor.u32 s16, s15  }
0x20: {  	s15 =	sadd.s32 $0x15400, s16;
	[tilespmem:s16+$0x15400] =	vst v0  }
0x21: {  	[tilespmem:s15+$0x180] =	vst v0  }
0x22: {  	[tilespmem:s15+$0x80] =	vst v0  }
0x23: {  	[tilespmem:s15+$0x100] =	vst v0;
	s14 =	simm.s32 $0x0;
	s13 =	rddreg [dreg:$0x3]  }
0x24: {  	[tilespmem:s1], [sflag:$0x3] =	stream.linear.gather [hbm4b:s13+s14], $0x9E00, $0x38;
	[tilespmem:$0x1F280] =	vst v63  }
0x25: {  	_ =	swait.ge [sflag:s6], $0x9E00  }
0x26: {  	[sflag:s6] =	ssyncset.done $0x0  }
0x27: {  	s19 =	rddreg [dreg:$0x4];
	[sflag:s6] =	ssyncadd.s32 $0xFFFF6200  }
0x28: {  	[tilespmem:s7], [sflag:$0x3] =	stream.linear.gather [hbm4b:s19+s14], $0x9E00, $0x38;
	[tilespmem:$0x1F280] =	vst v63  }
0x29: {  	_ =	swait.ge [sflag:s6], $0x9E00  }
0x2a: {  	[sflag:s6] =	ssyncset.done $0x0  }
0x2b: {  	s15 =	rddreg [dreg:$0x2];
	[sflag:s6] =	ssyncadd.s32 $0xFFFF6200  }
0x2c: {  	[tilespmem:s8], [sflag:$0x3] =	stream.linear.gather [hbm4b:s15+s14], $0x80, $0x38;
	[tilespmem:$0x1F280] =	vst v63  }
0x2d: {  	_ =	swait.ge [sflag:s6], $0x80  }
0x2e: {  	v59 =	vld [tilespmem:$0x1FFD0]  }
0x2f: {  	v60 =	vld [tilespmem:$0x1FFE0]  }
0x30: {  	v61 =	vld [tilespmem:$0x1FFF0]  }
0x31: {  	v62 =	vld [tilespmem:$0x1FFC0];
	_ =	sdelay $0x2  }
0x32: {  	[sflag:s6] =	ssyncset.done $0x0  }
0x33: {  	[sflag:s6] =	ssyncadd.s32 $0xFFFFFF80  }
0x34: {  	v5 =	vld.idx.msk [tilespmem:v59+s8+$0x0], $0xffff  }
0x35: {  	v56 =	vld.idx.msk [tilespmem:v60+s8+$0x0], $0xffff  }
0x36: {  	v63 =	vld.idx.msk [tilespmem:v61+s8+$0x0], $0xffff  }
0x37: {  	v55 =	vld.idx.msk [tilespmem:v62+s8+$0x0], $0xffff;
	[tilespmem:s14], [sflag:$0x1] =	stream.linear.gather [hbm4b:s3+s14], $0x80, $0x38  }
0x38: {  	s17 =	simm.s32 $0x100;
	s16 =	rddreg [dreg:$0x7]  }
0x39: {  	[tilespmem:s17], [sflag:$0x1] =	stream.linear.gather [hbm4b:s16+s14], $0x80, $0x38;
	[tilespmem:$0x1F280] =	vst v63  }
0x3a: {  	s19 =	simm.s32 $0x200;
	s18 =	rddreg [dreg:$0x8]  }
0x3b: {  	[tilespmem:s19], [sflag:$0x1] =	stream.linear.gather [hbm4b:s18+s14], $0x80, $0x38;
	[tilespmem:$0x1F280] =	vst v63  }
0x3c: {  	s16 =	rddreg [dreg:$0x9];
	s17 =	simm.s32 $0x300  }
0x3d: {  	[tilespmem:s17], [sflag:$0x1] =	stream.linear.gather [hbm4b:s16+s14], $0x80, $0x38;
	[tilespmem:$0x1F280] =	vst v63  }
0x3e: {  	s18 =	rddreg [dreg:$0xa];
	s19 =	simm.s32 $0x400  }
0x3f: {  	[tilespmem:s19], [sflag:$0x1] =	stream.linear.gather [hbm4b:s18+s14], $0x80, $0x38;
	[tilespmem:$0x1F280] =	vst v63  }
0x40: {  	s16 =	rddreg [dreg:$0xb];
	s17 =	simm.s32 $0x500  }
0x41: {  	[tilespmem:s17], [sflag:$0x1] =	stream.linear.gather [hbm4b:s16+s14], $0x80, $0x38;
	[tilespmem:$0x1F280] =	vst v63  }
0x42: {  	s18 =	rddreg [dreg:$0xc];
	s19 =	simm.s32 $0x600  }
0x43: {  	[tilespmem:s19], [sflag:$0x1] =	stream.linear.gather [hbm4b:s18+s14], $0x80, $0x38;
	[tilespmem:$0x1F280] =	vst v63  }
0x44: {  	s15 =	rddreg [dreg:$0xd];
	s16 =	simm.s32 $0x700  }
0x45: {  	[tilespmem:s16], [sflag:$0x1] =	stream.linear.gather [hbm4b:s15+s14], $0x80, $0x38;
	[tilespmem:$0x1F280] =	vst v63  }
0x46: {  	s17 =	simm.s32 $0x800  }
0x47: {  	[tilespmem:s17], [sflag:$0x1] =	stream.linear.gather [hbm4b:s4+s14], $0x80, $0x38;
	[tilespmem:$0x1F280] =	vst v63  }
0x48: {  	s18 =	rddreg [dreg:$0xe];
	s19 =	simm.s32 $0x900  }
0x49: {  	[tilespmem:s19], [sflag:$0x1] =	stream.linear.gather [hbm4b:s18+s14], $0x80, $0x38;
	[tilespmem:$0x1F280] =	vst v63  }
0x4a: {  	s15 =	rddreg [dreg:$0xf];
	s16 =	simm.s32 $0xA00  }
0x4b: {  	[tilespmem:s16], [sflag:$0x1] =	stream.linear.gather [hbm4b:s15+s14], $0x80, $0x38;
	[tilespmem:$0x1F280] =	vst v63  }
0x4c: {  	s17 =	simm.s32 $0xB00  }
0x4d: {  	[tilespmem:s17], [sflag:$0x1] =	stream.linear.gather [hbm4b:s20+s14], $0x80, $0x38;
	[tilespmem:$0x1F280] =	vst v63  }
0x4e: {  	s18 =	simm.s32 $0xC00  }
0x4f: {  	[tilespmem:s18], [sflag:$0x1] =	stream.linear.gather [hbm4b:s21+s14], $0x80, $0x38;
	[tilespmem:$0x1F280] =	vst v63  }
0x50: {  	s19 =	simm.s32 $0xD00  }
0x51: {  	[tilespmem:s19], [sflag:$0x1] =	stream.linear.gather [hbm4b:s22+s14], $0x80, $0x38;
	[tilespmem:$0x1F280] =	vst v63  }
0x52: {  	s15 =	simm.s32 $0xE00  }
0x53: {  	[tilespmem:s15], [sflag:$0x1] =	stream.linear.gather [hbm4b:s23+s14], $0x80, $0x38;
	[tilespmem:$0x1F280] =	vst v63  }
0x54: {  	s16 =	simm.s32 $0xF00  }
0x55: {  	[tilespmem:s16], [sflag:$0x1] =	stream.linear.gather [hbm4b:s24+s14], $0x80, $0x38;
	[tilespmem:$0x1F280] =	vst v63  }
0x56: {  	s17 =	simm.s32 $0x1000  }
0x57: {  	[tilespmem:s17], [sflag:$0x2] =	stream.linear.gather [hbm4b:s5+s14], $0x80, $0x38;
	[tilespmem:$0x1F280] =	vst v63  }
0x58: {  	s18 =	simm.s32 $0x1100  }
0x59: {  	[tilespmem:s18], [sflag:$0x2] =	stream.linear.gather [hbm4b:s25+s14], $0x80, $0x38;
	[tilespmem:$0x1F280] =	vst v63  }
0x5a: {  	s19 =	simm.s32 $0x1200  }
0x5b: {  	[tilespmem:s19], [sflag:$0x2] =	stream.linear.gather [hbm4b:s26+s14], $0x80, $0x38;
	[tilespmem:$0x1F280] =	vst v63  }
0x5c: {  	s15 =	simm.s32 $0x1300  }
0x5d: {  	[tilespmem:s15], [sflag:$0x2] =	stream.linear.gather [hbm4b:s28+s14], $0x80, $0x38;
	[tilespmem:$0x1F280] =	vst v63  }
0x5e: {  	s16 =	simm.s32 $0x1400  }
0x5f: {  	[tilespmem:s16], [sflag:$0x2] =	stream.linear.gather [hbm4b:s29+s14], $0x80, $0x38;
	[tilespmem:$0x1F280] =	vst v63  }
0x60: {  	s17 =	simm.s32 $0x1500  }
0x61: {  	[tilespmem:s17], [sflag:$0x2] =	stream.linear.gather [hbm4b:s30+s14], $0x80, $0x38;
	[tilespmem:$0x1F280] =	vst v63  }
0x62: {  	s18 =	simm.s32 $0x1600  }
0x63: {  	[tilespmem:s18], [sflag:$0x2] =	stream.linear.gather [hbm4b:s31+s14], $0x80, $0x38;
	[tilespmem:$0x1F280] =	vst v63  }
0x64: {  	[tilespmem:$0x1FFB0] =	vst v5;
	s19 =	simm.s32 $0x1700  }
0x65: {  	[tilespmem:s19], [sflag:$0x2] =	stream.linear.gather [hbm4b:s0+s14], $0x80, $0x38;
	[tilespmem:$0x1F280] =	vst v63  }
.LBB2_5:
0x66: {  	p0 =	seq.s32 s14, $0x137  }
.Ltmp1:
0x67: {  	_ = 	snop;
	(pc) =	sbr.rel @p0 .LBB2_7-.Ltmp1, $2  }
0x68: {  	_ =	sdelay $0x2  }
0x69: {  	s13 =	sadd.s32 $0x1, s14;
	s15 =	simm.s32 $0x80  }
0x6a: {  	s14 =	sshll.u32 s14, $0x7  }
0x6b: {  	s16 =	sshll.u32 s13, $0x7;
	s15 =	sand.u32 $0x80, s14  }
0x6c: {  	s17 =	sadd.s32 s3, s16;
	s14 =	sxor.u32 $0x80, s15  }
0x6d: {  	[tilespmem:s14], [sflag:$0x1] =	stream.linear.gather [hbm4b:s17+s2], $0x80, $0x38;
	[tilespmem:$0x1F280] =	vst v63  }
0x6e: {  	s18 =	sadd.s32 $0x10, s17;
	s19 =	sor.u32 $0x100, s14  }
0x6f: {  	[tilespmem:s19], [sflag:$0x1] =	stream.linear.gather [hbm4b:s18+s2], $0x80, $0x38;
	[tilespmem:$0x1F280] =	vst v63  }
0x70: {  	s18 =	sadd.s32 $0x20, s17;
	s19 =	sor.u32 $0x200, s14  }
0x71: {  	[tilespmem:s19], [sflag:$0x1] =	stream.linear.gather [hbm4b:s18+s2], $0x80, $0x38;
	[tilespmem:$0x1F280] =	vst v63  }
0x72: {  	s18 =	sadd.s32 $0x30, s17;
	s19 =	sor.u32 $0x300, s14  }
0x73: {  	[tilespmem:s19], [sflag:$0x1] =	stream.linear.gather [hbm4b:s18+s2], $0x80, $0x38;
	[tilespmem:$0x1F280] =	vst v63  }
0x74: {  	s18 =	sadd.s32 $0x40, s17;
	s19 =	sor.u32 $0x400, s14  }
0x75: {  	[tilespmem:s19], [sflag:$0x1] =	stream.linear.gather [hbm4b:s18+s2], $0x80, $0x38;
	[tilespmem:$0x1F280] =	vst v63  }
0x76: {  	s18 =	sadd.s32 $0x50, s17;
	s19 =	sor.u32 $0x500, s14  }
0x77: {  	[tilespmem:s19], [sflag:$0x1] =	stream.linear.gather [hbm4b:s18+s2], $0x80, $0x38;
	[tilespmem:$0x1F280] =	vst v63  }
0x78: {  	s18 =	sadd.s32 $0x60, s17;
	s19 =	sor.u32 $0x600, s14  }
0x79: {  	[tilespmem:s19], [sflag:$0x1] =	stream.linear.gather [hbm4b:s18+s2], $0x80, $0x38;
	[tilespmem:$0x1F280] =	vst v63  }
0x7a: {  	s17 =	sadd.s32 $0x70, s17;
	s19 =	sor.u32 $0x700, s14  }
0x7b: {  	[tilespmem:s19], [sflag:$0x1] =	stream.linear.gather [hbm4b:s17+s2], $0x80, $0x38;
	[tilespmem:$0x1F280] =	vst v63  }
0x7c: {  	s18 =	sadd.s32 s4, s16;
	s19 =	sor.u32 $0x800, s14  }
0x7d: {  	[tilespmem:s19], [sflag:$0x1] =	stream.linear.gather [hbm4b:s18+s2], $0x80, $0x38;
	[tilespmem:$0x1F280] =	vst v63  }
0x7e: {  	s17 =	sadd.s32 $0x10, s18;
	s19 =	sor.u32 $0x900, s14  }
0x7f: {  	[tilespmem:s19], [sflag:$0x1] =	stream.linear.gather [hbm4b:s17+s2], $0x80, $0x38;
	[tilespmem:$0x1F280] =	vst v63  }
0x80: {  	s17 =	sadd.s32 $0x20, s18;
	s19 =	sor.u32 $0xA00, s14  }
0x81: {  	[tilespmem:s19], [sflag:$0x1] =	stream.linear.gather [hbm4b:s17+s2], $0x80, $0x38;
	[tilespmem:$0x1F280] =	vst v63  }
0x82: {  	s17 =	sadd.s32 $0x30, s18;
	s19 =	sor.u32 $0xB00, s14  }
0x83: {  	[tilespmem:s19], [sflag:$0x1] =	stream.linear.gather [hbm4b:s17+s2], $0x80, $0x38;
	[tilespmem:$0x1F280] =	vst v63  }
0x84: {  	s17 =	sadd.s32 $0x40, s18;
	s19 =	sor.u32 $0xC00, s14  }
0x85: {  	[tilespmem:s19], [sflag:$0x1] =	stream.linear.gather [hbm4b:s17+s2], $0x80, $0x38;
	[tilespmem:$0x1F280] =	vst v63  }
0x86: {  	s17 =	sadd.s32 $0x50, s18;
	s19 =	sor.u32 $0xD00, s14  }
0x87: {  	[tilespmem:s19], [sflag:$0x1] =	stream.linear.gather [hbm4b:s17+s2], $0x80, $0x38;
	[tilespmem:$0x1F280] =	vst v63  }
0x88: {  	s17 =	sadd.s32 $0x60, s18;
	s19 =	sor.u32 $0xE00, s14  }
0x89: {  	[tilespmem:s19], [sflag:$0x1] =	stream.linear.gather [hbm4b:s17+s2], $0x80, $0x38;
	[tilespmem:$0x1F280] =	vst v63  }
0x8a: {  	s18 =	sadd.s32 $0x70, s18;
	s19 =	sor.u32 $0xF00, s14  }
0x8b: {  	[tilespmem:s19], [sflag:$0x1] =	stream.linear.gather [hbm4b:s18+s2], $0x80, $0x38;
	[tilespmem:$0x1F280] =	vst v63  }
0x8c: {  	s16 =	sadd.s32 s5, s16;
	s19 =	sor.u32 $0x1000, s14  }
0x8d: {  	[tilespmem:s19], [sflag:$0x2] =	stream.linear.gather [hbm4b:s16+s2], $0x80, $0x38;
	[tilespmem:$0x1F280] =	vst v63  }
0x8e: {  	s18 =	sadd.s32 $0x10, s16;
	s19 =	sor.u32 $0x1100, s14  }
0x8f: {  	[tilespmem:s19], [sflag:$0x2] =	stream.linear.gather [hbm4b:s18+s2], $0x80, $0x38;
	[tilespmem:$0x1F280] =	vst v63  }
0x90: {  	s18 =	sadd.s32 $0x20, s16;
	s19 =	sor.u32 $0x1200, s14  }
0x91: {  	[tilespmem:s19], [sflag:$0x2] =	stream.linear.gather [hbm4b:s18+s2], $0x80, $0x38;
	[tilespmem:$0x1F280] =	vst v63  }
0x92: {  	s18 =	sadd.s32 $0x30, s16;
	s19 =	sor.u32 $0x1300, s14  }
0x93: {  	[tilespmem:s19], [sflag:$0x2] =	stream.linear.gather [hbm4b:s18+s2], $0x80, $0x38;
	[tilespmem:$0x1F280] =	vst v63  }
0x94: {  	s18 =	sadd.s32 $0x40, s16;
	s19 =	sor.u32 $0x1400, s14  }
0x95: {  	[tilespmem:s19], [sflag:$0x2] =	stream.linear.gather [hbm4b:s18+s2], $0x80, $0x38;
	[tilespmem:$0x1F280] =	vst v63  }
0x96: {  	s18 =	sadd.s32 $0x50, s16;
	s19 =	sor.u32 $0x1500, s14  }
0x97: {  	[tilespmem:s19], [sflag:$0x2] =	stream.linear.gather [hbm4b:s18+s2], $0x80, $0x38;
	[tilespmem:$0x1F280] =	vst v63  }
0x98: {  	s18 =	sadd.s32 $0x60, s16;
	s19 =	sor.u32 $0x1600, s14  }
0x99: {  	[tilespmem:s19], [sflag:$0x2] =	stream.linear.gather [hbm4b:s18+s2], $0x80, $0x38;
	[tilespmem:$0x1F280] =	vst v63  }
0x9a: {  	s16 =	sadd.s32 $0x70, s16;
	s14 =	sor.u32 $0x1700, s14  }
0x9b: {  	[tilespmem:s14], [sflag:$0x2] =	stream.linear.gather [hbm4b:s16+s2], $0x80, $0x38;
	[tilespmem:$0x1F280] =	vst v63  }
.LBB2_7:
0x9c: {  	_ =	swait.ge [sflag:s9], $0x400  }
0x9d: {  	[sflag:s9] =	ssyncset.done $0x0  }
0x9e: {  	[sflag:s9] =	ssyncadd.s32 $0xFFFFFC00  }
0x9f: {  	_ =	swait.ge [sflag:s9], $0x400  }
0xa0: {  	[sflag:s9] =	ssyncset.done $0x0  }
0xa1: {  	[sflag:s9] =	ssyncadd.s32 $0xFFFFFC00  }
0xa2: {  	_ =	swait.ge [sflag:s10], $0x400  }
0xa3: {  	[sflag:s10] =	ssyncset.done $0x0  }
0xa4: {  	s17 =	sadd.s32 $0x40, s15;
	[sflag:s10] =	ssyncadd.s32 $0xFFFFFC00  }
0xa5: {  	s14 =	sadd.s32 $0x840, s15;
	v0 =	vld [tilespmem:s17+$0x30]  }
0xa6: {  	v1 =	vld [tilespmem:s14+$0x30]  }
0xa7: {  	v4 =	vld [tilespmem:s14+$0xFFFFFFC0]  }
0xa8: {  	v9 =	vld [tilespmem:s17+$0xFFFFFFD0]  }
0xa9: {  	v11 =	vld [tilespmem:s14+$0xFFFFFFD0]  }
0xaa: {  	v12 =	vld [tilespmem:s17+$0xFFFFFFE0]  }
0xab: {  	v19 =	vld [tilespmem:s14+$0xFFFFFFF0]  }
0xac: {  	v20 =	vld [tilespmem:s17+$0x0]  }
0xad: {  	v23 =	vld [tilespmem:s17+$0xFFFFFFC0]  }
0xae: {  	v25 =	vld [tilespmem:s14+$0x10];
	v2 =	vshll.u32 v0, $0x2  }
0xaf: {  	v27 =	vld [tilespmem:s17+$0x20];
	v0 =	vand.u32 $0x7F, v0;
	v3 =	vshll.u32 v1, $0x2;
	v10 =	vshll.u32 v4, $0x2  }
0xb0: {  	v13 =	vshll.u32 v9, $0x2;
	v15 =	vshll.u32 v11, $0x2;
	v4 =	vand.u32 $0x7F, v4  }
0xb1: {  	v14 =	vld [tilespmem:s14+$0xFFFFFFE0];
	v16 =	vshll.u32 v12, $0x2;
	v17 =	vand.u32 $0x7F, v9;
	v11 =	vand.u32 $0x7F, v11  }
0xb2: {  	v18 =	vld [tilespmem:s17+$0xFFFFFFF0];
	v58 =	vshll.u32 v23, $0x2;
	v23 =	vand.u32 $0x7F, v23;
	v61 =	vshll.u32 v19, $0x2  }
0xb3: {  	v21 =	vld [tilespmem:s14+$0x0];
	v41 =	vshll.u32 v20, $0x2;
	v42 =	vand.u32 $0x7F, v19;
	v48 =	vand.u32 $0x7F, v25  }
0xb4: {  	s15 =	sadd.s32 $0x1040, s15;
	v22 =	vld [tilespmem:s17+$0x10];
	v25 =	vshll.u32 v25, $0x2;
	v37 =	vshll.u32 v27, $0x2;
	v2 =	vand.u32 $0xFFFFFE00, v2  }
0xb5: {  	v30 =	vld [tilespmem:s15+$0x30];
	v2 =	vor.u32 v0, v2;
	v0 =	vand.u32 $0x7F, v1;
	v1 =	vand.u32 $0xFFFFFE00, v3  }
0xb6: {  	v28 =	vld [tilespmem:s14+$0x20];
	v50 =	vand.u32 $0x7F, v27;
	v10 =	vand.u32 $0xFFFFFE00, v10;
	v3 =	vor.u32 v0, v1  }
0xb7: {  	v9 =	vld [tilespmem:s15+$0xFFFFFFC0];
	v13 =	vand.u32 $0xFFFFFE00, v13;
	v15 =	vand.u32 $0xFFFFFE00, v15;
	v10 =	vor.u32 v4, v10  }
0xb8: {  	v25 =	vand.u32 $0xFFFFFE00, v25;
	v4 =	vand.u32 $0xFFFFFE00, v16;
	v16 =	vor.u32 v17, v13;
	v13 =	vld [tilespmem:s15+$0xFFFFFFF0]  }
0xb9: {  	v40 =	vand.u32 $0xFFFFFE00, v61;
	v15 =	vor.u32 v11, v15;
	v27 =	vor.u32 v48, v25;
	v25 =	vld [tilespmem:s15+$0x10]  }
0xba: {  	v35 =	vand.u32 $0x7F, v20;
	v11 =	vand.u32 $0xFFFFFE00, v58;
	v20 =	vor.u32 v42, v40;
	v0 =	vld.idx.msk [tilespmem:v2+s1+$0x0], $0xffff  }
0xbb: {  	v32 =	vshll.u32 v18, $0x2;
	v12 =	vand.u32 $0x7F, v12;
	v23 =	vor.u32 v23, v11;
	v1 =	vld.idx.msk [tilespmem:v3+s7+$0x0], $0xffff  }
0xbc: {  	v60 =	vand.u32 $0xFFFFFE00, v32;
	v17 =	vor.u32 v12, v4;
	v12 =	vand.u32 $0x7F, v18;
	v33 =	vld.idx.msk [tilespmem:v10+s7+$0x0], $0xffff  }
0xbd: {  	v19 =	vor.u32 v12, v60;
	v34 =	vld.idx.msk [tilespmem:v16+s1+$0x0], $0xffff  }
0xbe: {  	v12 =	vld.idx.msk [tilespmem:v15+s7+$0x0], $0xffff  }
0xbf: {  	v40 =	vld.idx.msk [tilespmem:v20+s7+$0x0], $0xffff  }
0xc0: {  	v24 =	vmul.f32 v30, v5;
	v46 =	vld.idx.msk [tilespmem:v23+s1+$0x0], $0xffff;
	v57 =	vadd.f32 v1, v0  }
0xc1: {  	v26 =	vor.u32 $0x80, v2;
	v47 =	vld.idx.msk [tilespmem:v17+s1+$0x0], $0xffff  }
0xc2: {  	v31 =	vor.u32 $0x80, v3;
	v38 =	vld.idx.msk [tilespmem:v19+s1+$0x0], $0xffff;
	v24 =	vadd.f32 v57, v24  }
0xc3: {  	v1 =	vshll.u32 v14, $0x2;
	v0 =	vld [tilespmem:s15+$0xFFFFFFD0]  }
0xc4: {  	v14 =	vand.u32 $0x7F, v14;
	v29 =	vand.u32 $0xFFFFFE00, v1;
	v1 =	vld [tilespmem:s15+$0xFFFFFFE0];
	v59 =	vmax.f32 v24, $0.0e+00  }
0xc5: {  	v45 =	vand.u32 $0x7F, v21;
	v32 =	vand.u32 $0xFFFFFE00, v41;
	v18 =	vor.u32 v14, v29;
	[tilespmem:v3+s11+$0x0] =	vst.idx.add.f32.msk $0xffff, v59  }
0xc6: {  	v37 =	vand.u32 $0xFFFFFE00, v37;
	v14 =	vshll.u32 v21, $0x2;
	v21 =	vor.u32 v35, v32;
	v62 =	vld.idx.msk [tilespmem:v26+s1+$0x0], $0xffff  }
0xc7: {  	v41 =	vshll.u32 v28, $0x2;
	v29 =	vor.u32 v50, v37;
	v43 =	vand.u32 $0xFFFFFE00, v14;
	v4 =	vld.idx.msk [tilespmem:v31+s7+$0x0], $0xffff  }
0xc8: {  	v28 =	vand.u32 $0x7F, v28;
	v51 =	vand.u32 $0xFFFFFE00, v41;
	v57 =	vld.idx.msk [tilespmem:v27+s7+$0x0], $0xffff;
	v24 =	vor.u32 v45, v43  }
0xc9: {  	v44 =	vshll.u32 v22, $0x2;
	v22 =	vand.u32 $0x7F, v22;
	v28 =	vor.u32 v28, v51;
	v14 =	vld [tilespmem:s15+$0x0]  }
0xca: {  	v52 =	vmul.f32 v9, v5;
	v32 =	vadd.f32 v33, v46;
	v26 =	vand.u32 $0xFFFFFE00, v44;
	v36 =	vld.idx.msk [tilespmem:v18+s7+$0x0], $0xffff  }
0xcb: {  	v26 =	vor.u32 v22, v26;
	v42 =	vld.idx.msk [tilespmem:v21+s1+$0x0], $0xffff  }
0xcc: {  	v49 =	vmul.f32 v30, v56;
	v22 =	vadd.f32 v32, v52;
	v59 =	vld.idx.msk [tilespmem:v29+s1+$0x0], $0xffff;
	v4 =	vadd.f32 v4, v62  }
0xcd: {  	v39 =	vor.u32 $0x100, v2;
	v43 =	vld.idx.msk [tilespmem:v24+s7+$0x0], $0xffff  }
0xce: {  	v11 =	vor.u32 $0x100, v3;
	v44 =	vmax.f32 v22, $0.0e+00;
	v22 =	vld [tilespmem:s15+$0x20];
	v4 =	vadd.f32 v4, v49  }
0xcf: {  	v12 =	vadd.f32 v12, v34;
	v53 =	vmul.f32 v0, v5;
	v62 =	vld.idx.msk [tilespmem:v28+s7+$0x0], $0xffff  }
0xd0: {  	v60 =	vmul.f32 v13, v5;
	v38 =	vadd.f32 v40, v38;
	v54 =	vld.idx.msk [tilespmem:v26+s1+$0x0], $0xffff;
	v4 =	vmax.f32 v4, $0.0e+00  }
0xd1: {  	v12 =	vadd.f32 v12, v53;
	[tilespmem:v31+s11+$0x0] =	vst.idx.add.f32.msk $0xffff, v4  }
0xd2: {  	v46 =	vadd.f32 v38, v60;
	v52 =	vor.u32 $0x80, v16;
	v4 =	vld.idx.msk [tilespmem:v39+s1+$0x0], $0xffff  }
0xd3: {  	v58 =	vmul.f32 v1, v5;
	v12 =	vmax.f32 v12, $0.0e+00;
	v35 =	vadd.f32 v36, v47;
	v31 =	vld.idx.msk [tilespmem:v11+s7+$0x0], $0xffff  }
0xd4: {  	[tilespmem:v15+s11+$0x0] =	vst.idx.add.f32.msk $0xffff, v12;
	v12 =	vmax.f32 v46, $0.0e+00;
	v49 =	vmul.f32 v22, v5;
	v32 =	vadd.f32 v62, v59  }
0xd5: {  	[tilespmem:v10+s11+$0x0] =	vst.idx.add.f32.msk $0xffff, v44;
	v35 =	vadd.f32 v35, v58;
	v33 =	vadd.f32 v57, v54;
	v54 =	vor.u32 $0x80, v17  }
0xd6: {  	[tilespmem:v20+s11+$0x0] =	vst.idx.add.f32.msk $0xffff, v12;
	v57 =	vor.u32 $0x80, v19;
	v32 =	vadd.f32 v32, v49  }
0xd7: {  	v61 =	vmul.f32 v14, v5;
	v34 =	vld.idx.msk [tilespmem:v52+s1+$0x0], $0xffff;
	v47 =	vadd.f32 v43, v42;
	v35 =	vmax.f32 v35, $0.0e+00  }
0xd8: {  	v45 =	vmul.f32 v30, v63;
	[tilespmem:v18+s11+$0x0] =	vst.idx.add.f32.msk $0xffff, v35;
	v53 =	vmax.f32 v32, $0.0e+00;
	v4 =	vadd.f32 v31, v4  }
0xd9: {  	v2 =	vor.u32 $0x180, v2;
	v48 =	vadd.f32 v47, v61;
	[tilespmem:v28+s11+$0x0] =	vst.idx.add.f32.msk $0xffff, v53  }
0xda: {  	v3 =	vor.u32 $0x180, v3;
	v32 =	vld.idx.msk [tilespmem:v54+s1+$0x0], $0xffff;
	v4 =	vadd.f32 v4, v45  }
0xdb: {  	v12 =	vmul.f32 v25, v5;
	v31 =	vmax.f32 v48, $0.0e+00;
	v35 =	vld.idx.msk [tilespmem:v57+s1+$0x0], $0xffff  }
0xdc: {  	[tilespmem:v24+s11+$0x0] =	vst.idx.add.f32.msk $0xffff, v31;
	v31 =	vor.u32 $0x80, v15;
	v4 =	vmax.f32 v4, $0.0e+00  }
0xdd: {  	v50 =	vadd.f32 v33, v12;
	v12 =	vor.u32 $0x80, v10;
	[tilespmem:v11+s11+$0x0] =	vst.idx.add.f32.msk $0xffff, v4  }
0xde: {  	v4 =	vor.u32 $0x80, v23;
	v2 =	vld.idx.msk [tilespmem:v2+s1+$0x0], $0xffff  }
0xdf: {  	v43 =	vor.u32 $0x80, v28;
	v11 =	vmax.f32 v50, $0.0e+00;
	v51 =	vld.idx.msk [tilespmem:v3+s7+$0x0], $0xffff  }
0xe0: {  	v60 =	vor.u32 $0x80, v21;
	[tilespmem:v27+s11+$0x0] =	vst.idx.add.f32.msk $0xffff, v11  }
0xe1: {  	v11 =	vor.u32 $0x80, v18;
	v59 =	vld.idx.msk [tilespmem:v31+s7+$0x0], $0xffff  }
0xe2: {  	v62 =	vor.u32 $0x80, v26;
	v58 =	vld.idx.msk [tilespmem:v12+s7+$0x0], $0xffff  }
0xe3: {  	v41 =	vor.u32 $0x80, v27;
	v4 =	vld.idx.msk [tilespmem:v4+s1+$0x0], $0xffff  }
0xe4: {  	v30 =	vmul.f32 v30, v55;
	v54 =	vld.idx.msk [tilespmem:v43+s7+$0x0], $0xffff;
	v2 =	vadd.f32 v51, v2  }
0xe5: {  	v33 =	vor.u32 $0x80, v20;
	v46 =	vld.idx.msk [tilespmem:v60+s1+$0x0], $0xffff  }
0xe6: {  	v47 =	vmul.f32 v0, v56;
	v61 =	vld.idx.msk [tilespmem:v11+s7+$0x0], $0xffff;
	v34 =	vadd.f32 v59, v34;
	v2 =	vadd.f32 v2, v30  }
0xe7: {  	v45 =	vmul.f32 v9, v56;
	v50 =	vld.idx.msk [tilespmem:v62+s1+$0x0], $0xffff;
	v30 =	vor.u32 $0x80, v24  }
0xe8: {  	v51 =	vld.idx.msk [tilespmem:v41+s7+$0x0], $0xffff;
	v34 =	vadd.f32 v34, v47;
	v2 =	vmax.f32 v2, $0.0e+00;
	v4 =	vadd.f32 v58, v4  }
0xe9: {  	v58 =	vor.u32 $0x100, v16;
	[tilespmem:v3+s11+$0x0] =	vst.idx.add.f32.msk $0xffff, v2  }
0xea: {  	v34 =	vmax.f32 v34, $0.0e+00;
	v2 =	vor.u32 $0x80, v29;
	v3 =	vld.idx.msk [tilespmem:v33+s7+$0x0], $0xffff;
	v4 =	vadd.f32 v4, v45  }
0xeb: {  	v49 =	vmul.f32 v1, v56;
	v32 =	vadd.f32 v61, v32;
	[tilespmem:v31+s11+$0x0] =	vst.idx.add.f32.msk $0xffff, v34  }
0xec: {  	v52 =	vor.u32 $0x100, v23;
	v48 =	vld.idx.msk [tilespmem:v30+s7+$0x0], $0xffff;
	v4 =	vmax.f32 v4, $0.0e+00  }
0xed: {  	v60 =	vor.u32 $0x100, v17;
	v32 =	vadd.f32 v32, v49;
	[tilespmem:v12+s11+$0x0] =	vst.idx.add.f32.msk $0xffff, v4  }
0xee: {  	v38 =	vadd.f32 v51, v50;
	v49 =	vmul.f32 v25, v56;
	v45 =	vld.idx.msk [tilespmem:v58+s1+$0x0], $0xffff  }
0xef: {  	v53 =	vmul.f32 v13, v56;
	v4 =	vor.u32 $0x100, v10;
	v32 =	vmax.f32 v32, $0.0e+00;
	v2 =	vld.idx.msk [tilespmem:v2+s1+$0x0], $0xffff  }
0xf0: {  	v38 =	vadd.f32 v38, v49;
	v3 =	vadd.f32 v3, v35;
	[tilespmem:v11+s11+$0x0] =	vst.idx.add.f32.msk $0xffff, v32  }
0xf1: {  	v12 =	vmul.f32 v14, v56;
	v59 =	vld.idx.msk [tilespmem:v52+s1+$0x0], $0xffff;
	v57 =	vadd.f32 v48, v46  }
0xf2: {  	v11 =	vor.u32 $0x100, v15;
	v31 =	vld.idx.msk [tilespmem:v60+s1+$0x0], $0xffff;
	v38 =	vmax.f32 v38, $0.0e+00;
	v3 =	vadd.f32 v3, v53  }
0xf3: {  	v62 =	vor.u32 $0x100, v19;
	[tilespmem:v41+s11+$0x0] =	vst.idx.add.f32.msk $0xffff, v38;
	v12 =	vadd.f32 v57, v12  }
0xf4: {  	v46 =	vor.u32 $0x100, v21;
	v3 =	vmax.f32 v3, $0.0e+00;
	v61 =	vld.idx.msk [tilespmem:v4+s7+$0x0], $0xffff  }
0xf5: {  	[tilespmem:v33+s11+$0x0] =	vst.idx.add.f32.msk $0xffff, v3;
	v3 =	vor.u32 $0x100, v18;
	v12 =	vmax.f32 v12, $0.0e+00  }
0xf6: {  	[tilespmem:v30+s11+$0x0] =	vst.idx.add.f32.msk $0xffff, v12;
	v12 =	vor.u32 $0x100, v20  }
0xf7: {  	v48 =	vor.u32 $0x100, v24;
	v47 =	vld.idx.msk [tilespmem:v11+s7+$0x0], $0xffff  }
0xf8: {  	v51 =	vmul.f32 v22, v56;
	v2 =	vadd.f32 v54, v2;
	v36 =	vld.idx.msk [tilespmem:v62+s1+$0x0], $0xffff  }
0xf9: {  	v58 =	vor.u32 $0x100, v27;
	v34 =	vld.idx.msk [tilespmem:v46+s1+$0x0], $0xffff  }
0xfa: {  	v52 =	vmul.f32 v9, v63;
	v2 =	vadd.f32 v2, v51;
	v32 =	vadd.f32 v61, v59;
	v50 =	vld.idx.msk [tilespmem:v3+s7+$0x0], $0xffff  }
0xfb: {  	v54 =	vor.u32 $0x100, v26;
	v53 =	vld.idx.msk [tilespmem:v12+s7+$0x0], $0xffff  }
0xfc: {  	v42 =	vor.u32 $0x100, v28;
	v57 =	vld.idx.msk [tilespmem:v48+s7+$0x0], $0xffff;
	v2 =	vmax.f32 v2, $0.0e+00;
	v32 =	vadd.f32 v32, v52  }
0xfd: {  	v59 =	vmul.f32 v0, v63;
	[tilespmem:v43+s11+$0x0] =	vst.idx.add.f32.msk $0xffff, v2;
	v2 =	vadd.f32 v47, v45  }
0xfe: {  	v15 =	vor.u32 $0x180, v15;
	v60 =	vmul.f32 v1, v63;
	v41 =	vld.idx.msk [tilespmem:v58+s7+$0x0], $0xffff;
	v32 =	vmax.f32 v32, $0.0e+00  }
0xff: {  	v2 =	vadd.f32 v2, v59;
	[tilespmem:v4+s11+$0x0] =	vst.idx.add.f32.msk $0xffff, v32;
	v4 =	vadd.f32 v50, v31  }
0x100: {  	v17 =	vor.u32 $0x180, v17;
	v62 =	vmul.f32 v13, v63;
	v37 =	vld.idx.msk [tilespmem:v54+s1+$0x0], $0xffff;
	v61 =	vadd.f32 v53, v36  }
0x101: {  	v45 =	vld.idx.msk [tilespmem:v42+s7+$0x0], $0xffff;
	v34 =	vadd.f32 v57, v34;
	v2 =	vmax.f32 v2, $0.0e+00;
	v4 =	vadd.f32 v4, v60  }
0x102: {  	[tilespmem:v11+s11+$0x0] =	vst.idx.add.f32.msk $0xffff, v2;
	v36 =	vmul.f32 v14, v63;
	v30 =	vadd.f32 v61, v62  }
0x103: {  	v39 =	vor.u32 $0x100, v29;
	v49 =	vld.idx.msk [tilespmem:v15+s7+$0x0], $0xffff;
	v4 =	vmax.f32 v4, $0.0e+00  }
0x104: {  	v2 =	vadd.f32 v34, v36;
	[tilespmem:v3+s11+$0x0] =	vst.idx.add.f32.msk $0xffff, v4;
	v3 =	vor.u32 $0x180, v23;
	v4 =	vmax.f32 v30, $0.0e+00  }
0x105: {  	[tilespmem:v12+s11+$0x0] =	vst.idx.add.f32.msk $0xffff, v4;
	v4 =	vor.u32 $0x180, v10  }
0x106: {  	v46 =	vor.u32 $0x180, v18;
	v2 =	vmax.f32 v2, $0.0e+00;
	v17 =	vld.idx.msk [tilespmem:v17+s1+$0x0], $0xffff  }
0x107: {  	v19 =	vor.u32 $0x180, v19;
	[tilespmem:v48+s11+$0x0] =	vst.idx.add.f32.msk $0xffff, v2  }
0x108: {  	v20 =	vor.u32 $0x180, v20;
	v12 =	vld.idx.msk [tilespmem:v39+s1+$0x0], $0xffff  }
0x109: {  	v2 =	vor.u32 $0x180, v16;
	v3 =	vld.idx.msk [tilespmem:v3+s1+$0x0], $0xffff  }
0x10a: {  	v24 =	vor.u32 $0x180, v24;
	v47 =	vld.idx.msk [tilespmem:v4+s7+$0x0], $0xffff  }
0x10b: {  	v43 =	vmul.f32 v25, v63;
	v44 =	vadd.f32 v41, v37;
	v51 =	vld.idx.msk [tilespmem:v46+s7+$0x0], $0xffff  }
0x10c: {  	v48 =	vor.u32 $0x180, v21;
	v52 =	vld.idx.msk [tilespmem:v19+s1+$0x0], $0xffff  }
0x10d: {  	v50 =	vmul.f32 v22, v63;
	v10 =	vadd.f32 v44, v43;
	v54 =	vld.idx.msk [tilespmem:v20+s7+$0x0], $0xffff;
	v12 =	vadd.f32 v45, v12  }
0x10e: {  	v6 =	vor.u32 $0x180, v27;
	v9 =	vmul.f32 v9, v55;
	v2 =	vld.idx.msk [tilespmem:v2+s1+$0x0], $0xffff  }
0x10f: {  	v59 =	vld.idx.msk [tilespmem:v24+s7+$0x0], $0xffff;
	v10 =	vmax.f32 v10, $0.0e+00;
	v12 =	vadd.f32 v12, v50;
	v3 =	vadd.f32 v47, v3  }
0x110: {  	v53 =	vor.u32 $0x180, v26;
	[tilespmem:v58+s11+$0x0] =	vst.idx.add.f32.msk $0xffff, v10  }
0x111: {  	v58 =	vor.u32 $0x180, v29;
	v57 =	vld.idx.msk [tilespmem:v48+s1+$0x0], $0xffff;
	v12 =	vmax.f32 v12, $0.0e+00;
	v3 =	vadd.f32 v3, v9  }
0x112: {  	v7 =	vor.u32 $0x180, v28;
	[tilespmem:v42+s11+$0x0] =	vst.idx.add.f32.msk $0xffff, v12  }
0x113: {  	v0 =	vmul.f32 v0, v55;
	v2 =	vadd.f32 v49, v2;
	v12 =	vld.idx.msk [tilespmem:v6+s7+$0x0], $0xffff;
	v3 =	vmax.f32 v3, $0.0e+00  }
0x114: {  	v1 =	vmul.f32 v1, v55;
	[tilespmem:v4+s11+$0x0] =	vst.idx.add.f32.msk $0xffff, v3;
	v3 =	vadd.f32 v51, v17  }
0x115: {  	v60 =	vadd.f32 v54, v52;
	v0 =	vadd.f32 v2, v0;
	v2 =	vmul.f32 v13, v55;
	v4 =	vld.idx.msk [tilespmem:v53+s1+$0x0], $0xffff  }
0x116: {  	v61 =	vmul.f32 v14, v55;
	v10 =	vld.idx.msk [tilespmem:v58+s1+$0x0], $0xffff;
	v1 =	vadd.f32 v3, v1  }
0x117: {  	v62 =	vld.idx.msk [tilespmem:v7+s7+$0x0], $0xffff;
	v0 =	vmax.f32 v0, $0.0e+00;
	v2 =	vadd.f32 v60, v2;
	v3 =	vadd.f32 v59, v57  }
0x118: {  	[tilespmem:v15+s11+$0x0] =	vst.idx.add.f32.msk $0xffff, v0;
	v1 =	vmax.f32 v1, $0.0e+00  }
0x119: {  	v0 =	vadd.f32 v3, v61;
	[tilespmem:v46+s11+$0x0] =	vst.idx.add.f32.msk $0xffff, v1;
	v1 =	vmax.f32 v2, $0.0e+00  }
0x11a: {  	v2 =	vmul.f32 v25, v55;
	[tilespmem:v20+s11+$0x0] =	vst.idx.add.f32.msk $0xffff, v1;
	v1 =	vadd.f32 v12, v4  }
0x11b: {  	v14 =	vmul.f32 v22, v55;
	v0 =	vmax.f32 v0, $0.0e+00  }
0x11c: {  	s16 =	simm.s32 $0x0;
	s17 =	sadd.s32 $0x100, s17;
	[tilespmem:v24+s11+$0x0] =	vst.idx.add.f32.msk $0xffff, v0;
	v0 =	vadd.f32 v1, v2;
	v1 =	vadd.f32 v62, v10  }
.LBB2_8:
0x11d: {  	v2 =	vld [tilespmem:s17+$0x30]  }
0x11e: {  	v9 =	vld [tilespmem:s17+$0xFFFFFFE0]  }
0x11f: {  	v33 =	vld [tilespmem:s17+$0x20]  }
0x120: {  	v0 =	vmax.f32 v0, $0.0e+00;
	s14 =	sadd.s32 $0x100, s14;
	v38 =	vld [tilespmem:s17+$0xFFFFFFC0]  }
0x121: {  	[tilespmem:$0x1FF70] =	vst v0;
	v0 =	vadd.f32 v1, v14;
	v1 =	vld [tilespmem:s14+$0x30]  }
0x122: {  	v3 =	vld [tilespmem:s14+$0xFFFFFFC0]  }
0x123: {  	v4 =	vld [tilespmem:s14+$0xFFFFFFD0];
	v0 =	vmax.f32 v0, $0.0e+00  }
0x124: {  	v11 =	vld [tilespmem:s14+$0xFFFFFFE0];
	v10 =	vshll.u32 v2, $0x2;
	v2 =	vand.u32 $0x7F, v2;
	v13 =	vshll.u32 v9, $0x2  }
0x125: {  	v14 =	vld [tilespmem:s17+$0xFFFFFFF0];
	v9 =	vand.u32 $0x7F, v9;
	v53 =	vshll.u32 v33, $0x2;
	v57 =	vshll.u32 v38, $0x2  }
0x126: {  	v15 =	vld [tilespmem:s14+$0xFFFFFFF0];
	v38 =	vand.u32 $0x7F, v38;
	v41 =	vand.u32 $0x7F, v33;
	v10 =	vand.u32 $0xFFFFFE00, v10  }
0x127: {  	[tilespmem:$0x1FF90] =	vst v0;
	v0 =	vld [tilespmem:s17+$0xFFFFFFD0];
	v12 =	vshll.u32 v1, $0x2;
	v1 =	vand.u32 $0x7F, v1;
	v50 =	vshll.u32 v3, $0x2  }
0x128: {  	v16 =	vld [tilespmem:s14+$0x0];
	v51 =	vshll.u32 v4, $0x2;
	v3 =	vand.u32 $0x7F, v3;
	v20 =	vand.u32 $0xFFFFFE00, v13  }
0x129: {  	v17 =	vld [tilespmem:s17+$0x10];
	v13 =	vshll.u32 v11, $0x2;
	v18 =	vor.u32 v2, v10;
	v2 =	vand.u32 $0xFFFFFE00, v12  }
0x12a: {  	v31 =	vld [tilespmem:s14+$0x10];
	v22 =	vand.u32 $0xFFFFFE00, v13;
	v13 =	vshll.u32 v14, $0x2;
	v19 =	vor.u32 v1, v2  }
0x12b: {  	s15 =	sadd.s32 $0x100, s15;
	v37 =	vld [tilespmem:s14+$0x20];
	v4 =	vand.u32 $0x7F, v4;
	v24 =	vand.u32 $0xFFFFFE00, v13;
	v13 =	vshll.u32 v15, $0x2  }
0x12c: {  	v29 =	vand.u32 $0x7F, v14;
	v12 =	vshll.u32 v0, $0x2;
	v28 =	vand.u32 $0xFFFFFE00, v13;
	v13 =	vld [tilespmem:s15+$0x30]  }
0x12d: {  	v32 =	vand.u32 $0x7F, v15;
	v35 =	vand.u32 $0x7F, v16;
	v2 =	vand.u32 $0xFFFFFE00, v12;
	v12 =	vld [tilespmem:s17+$0x0]  }
0x12e: {  	v10 =	vand.u32 $0xFFFFFE00, v51;
	v14 =	vshll.u32 v16, $0x2;
	v45 =	vor.u32 v9, v20;
	v23 =	vld.idx.msk [tilespmem:v18+s1+$0x0], $0xffff  }
0x12f: {  	v1 =	vand.u32 $0xFFFFFE00, v50;
	v34 =	vand.u32 $0xFFFFFE00, v14;
	v14 =	vshll.u32 v17, $0x2;
	v26 =	vld.idx.msk [tilespmem:v19+s7+$0x0], $0xffff  }
0x130: {  	[tilespmem:$0x1FFA0] =	vst v7;
	v7 =	vld [tilespmem:s15+$0x20];
	v25 =	vor.u32 v4, v10;
	v4 =	vshll.u32 v31, $0x2;
	v27 =	vor.u32 v3, v1  }
0x131: {  	v16 =	vld [tilespmem:s15+$0xFFFFFFE0];
	v3 =	vand.u32 $0x7F, v31;
	v31 =	vand.u32 $0xFFFFFE00, v57;
	v33 =	vor.u32 v29, v24  }
0x132: {  	v15 =	vld [tilespmem:s15+$0xFFFFFFD0];
	v0 =	vand.u32 $0x7F, v0;
	v49 =	vor.u32 v38, v31;
	v21 =	vshll.u32 v12, $0x2  }
0x133: {  	v36 =	vand.u32 $0xFFFFFE00, v14;
	v14 =	vld [tilespmem:s15+$0xFFFFFFC0];
	v39 =	vor.u32 v32, v28;
	v30 =	vand.u32 $0xFFFFFE00, v21  }
0x134: {  	v51 =	vld.idx.msk [tilespmem:v45+s1+$0x0], $0xffff;
	v21 =	vor.u32 v0, v2;
	v2 =	vmul.f32 v13, v5;
	v1 =	vadd.f32 v26, v23  }
0x135: {  	v52 =	vor.u32 $0x80, v18;
	v4 =	vand.u32 $0xFFFFFE00, v4;
	v48 =	vld.idx.msk [tilespmem:v27+s7+$0x0], $0xffff  }
0x136: {  	v43 =	vor.u32 v35, v34;
	v35 =	vld.idx.msk [tilespmem:v33+s1+$0x0], $0xffff;
	v1 =	vadd.f32 v1, v2;
	v2 =	vor.u32 $0x80, v19  }
0x137: {  	v40 =	vor.u32 v3, v4;
	v4 =	vld.idx.msk [tilespmem:v49+s1+$0x0], $0xffff  }
0x138: {  	v60 =	vld.idx.msk [tilespmem:v39+s7+$0x0], $0xffff;
	v1 =	vmax.f32 v1, $0.0e+00  }
0x139: {  	v11 =	vand.u32 $0x7F, v11;
	[tilespmem:v19+s11+$0x0] =	vst.idx.add.f32.msk $0xffff, v1  }
0x13a: {  	v47 =	vor.u32 v11, v22;
	v58 =	vld.idx.msk [tilespmem:v52+s1+$0x0], $0xffff  }
0x13b: {  	v12 =	vand.u32 $0x7F, v12;
	v0 =	vand.u32 $0x7F, v17;
	v59 =	vld.idx.msk [tilespmem:v2+s7+$0x0], $0xffff  }
0x13c: {  	v46 =	vor.u32 v12, v30;
	v44 =	vor.u32 v0, v36;
	v0 =	vld.idx.msk [tilespmem:v25+s7+$0x0], $0xffff  }
0x13d: {  	[tilespmem:$0x1FF80] =	vst v6;
	v23 =	vand.u32 $0xFFFFFE00, v53;
	v6 =	vor.u32 $0x80, v46;
	v22 =	vld.idx.msk [tilespmem:v21+s1+$0x0], $0xffff  }
0x13e: {  	v17 =	vld [tilespmem:s15+$0xFFFFFFF0];
	v41 =	vor.u32 v41, v23;
	[tilespmem:$0x1FED0] =	vst v6;
	v6 =	vor.u32 $0x80, v44  }
0x13f: {  	v54 =	vshll.u32 v37, $0x2;
	v53 =	vld.idx.msk [tilespmem:v47+s7+$0x0], $0xffff;
	[tilespmem:$0x1FEE0] =	vst v6;
	v6 =	vor.u32 $0x80, v41  }
0x140: {  	v26 =	vand.u32 $0xFFFFFE00, v54;
	v54 =	vmul.f32 v13, v56;
	[tilespmem:$0x1FEF0] =	vst v6;
	v6 =	vld [tilespmem:s15+$0x10];
	v9 =	vadd.f32 v59, v58  }
0x141: {  	v10 =	vor.u32 $0x100, v19;
	v3 =	vmul.f32 v15, v5;
	v61 =	vld.idx.msk [tilespmem:v46+s1+$0x0], $0xffff;
	v59 =	vor.u32 $0x100, v18  }
0x142: {  	v32 =	vld.idx.msk [tilespmem:v44+s1+$0x0], $0xffff;
	v1 =	vand.u32 $0x7F, v37;
	v0 =	vadd.f32 v0, v22;
	v9 =	vadd.f32 v9, v54  }
0x143: {  	v4 =	vadd.f32 v48, v4;
	v37 =	vld [tilespmem:s15+$0x0];
	v42 =	vor.u32 v1, v26;
	v1 =	vmul.f32 v14, v5  }
0x144: {  	v0 =	vadd.f32 v0, v3;
	v3 =	vld.idx.msk [tilespmem:v43+s7+$0x0], $0xffff;
	v9 =	vmax.f32 v9, $0.0e+00  }
0x145: {  	v1 =	vadd.f32 v4, v1;
	v4 =	vor.u32 $0x100, v49;
	[tilespmem:v2+s11+$0x0] =	vst.idx.add.f32.msk $0xffff, v9  }
0x146: {  	v62 =	vor.u32 $0x80, v45;
	[tilespmem:$0x1FF10] =	vst v4;
	v4 =	vmul.f32 v17, v56;
	v9 =	vld.idx.msk [tilespmem:v59+s1+$0x0], $0xffff  }
0x147: {  	v20 =	vor.u32 $0x80, v27;
	v28 =	vmul.f32 v17, v5;
	v22 =	vadd.f32 v60, v35;
	v31 =	vld.idx.msk [tilespmem:v10+s7+$0x0], $0xffff  }
0x148: {  	v57 =	vor.u32 $0x80, v33;
	v12 =	vmul.f32 v16, v5;
	v35 =	vld.idx.msk [tilespmem:v40+s7+$0x0], $0xffff;
	v1 =	vmax.f32 v1, $0.0e+00;
	[tilespmem:$0x1FF00] =	vst v4  }
0x149: {  	v11 =	vadd.f32 v22, v28;
	[tilespmem:v27+s11+$0x0] =	vst.idx.add.f32.msk $0xffff, v1;
	v0 =	vmax.f32 v0, $0.0e+00;
	v2 =	vadd.f32 v53, v51  }
0x14a: {  	v50 =	vor.u32 $0x80, v21;
	[tilespmem:v25+s11+$0x0] =	vst.idx.add.f32.msk $0xffff, v0;
	v36 =	vadd.f32 v3, v61;
	v3 =	vor.u32 $0x100, v21  }
0x14b: {  	v52 =	vor.u32 $0x80, v49;
	v60 =	vld.idx.msk [tilespmem:v42+s7+$0x0], $0xffff;
	v61 =	vmax.f32 v11, $0.0e+00;
	[tilespmem:$0x1FF20] =	vst v3;
	v2 =	vadd.f32 v2, v12  }
0x14c: {  	v3 =	vor.u32 $0x100, v45;
	[tilespmem:v39+s11+$0x0] =	vst.idx.add.f32.msk $0xffff, v61;
	v59 =	vmul.f32 v13, v63;
	v9 =	vadd.f32 v31, v9  }
0x14d: {  	v29 =	vor.u32 $0x80, v43;
	v58 =	vld.idx.msk [tilespmem:v41+s1+$0x0], $0xffff;
	v18 =	vor.u32 $0x180, v18;
	[tilespmem:$0x1FF30] =	vst v3;
	v2 =	vmax.f32 v2, $0.0e+00  }
0x14e: {  	v4 =	vor.u32 $0x180, v19;
	[tilespmem:v47+s11+$0x0] =	vst.idx.add.f32.msk $0xffff, v2;
	v2 =	vor.u32 $0x100, v33;
	v1 =	vadd.f32 v9, v59  }
0x14f: {  	v24 =	vor.u32 $0x80, v39;
	v23 =	vor.u32 $0x80, v25;
	v50 =	vld.idx.msk [tilespmem:v50+s1+$0x0], $0xffff;
	[tilespmem:$0x1FF40] =	vst v2;
	v2 =	vor.u32 $0x100, v46  }
0x150: {  	v26 =	vor.u32 $0x80, v47;
	v38 =	vmul.f32 v37, v5;
	v3 =	vld.idx.msk [tilespmem:v52+s1+$0x0], $0xffff;
	[tilespmem:$0x1FF50] =	vst v2;
	v1 =	vmax.f32 v1, $0.0e+00  }
0x151: {  	v34 =	vor.u32 $0x80, v42;
	v0 =	vadd.f32 v35, v32;
	v2 =	vmul.f32 v6, v5;
	[tilespmem:v10+s11+$0x0] =	vst.idx.add.f32.msk $0xffff, v1  }
0x152: {  	v22 =	vor.u32 $0x100, v27;
	v28 =	vor.u32 $0x100, v25;
	v32 =	vor.u32 $0x100, v39;
	v1 =	vld.idx.msk [tilespmem:v18+s1+$0x0], $0xffff  }
0x153: {  	v35 =	vor.u32 $0x100, v43;
	v11 =	vmul.f32 v7, v5;
	v0 =	vadd.f32 v0, v2;
	v19 =	vld.idx.msk [tilespmem:v4+s7+$0x0], $0xffff  }
0x154: {  	v51 =	vmul.f32 v14, v56;
	v53 =	vmul.f32 v15, v56;
	v36 =	vadd.f32 v36, v38;
	v2 =	vld.idx.msk [tilespmem:v20+s7+$0x0], $0xffff  }
0x155: {  	v48 =	vadd.f32 v60, v58;
	v58 =	vmul.f32 v6, v56;
	v57 =	vld.idx.msk [tilespmem:v57+s1+$0x0], $0xffff;
	v0 =	vmax.f32 v0, $0.0e+00  }
0x156: {  	v60 =	vor.u32 $0x100, v44;
	v8 =	vmax.f32 v36, $0.0e+00;
	[tilespmem:v40+s11+$0x0] =	vst.idx.add.f32.msk $0xffff, v0;
	v0 =	vmul.f32 v7, v63  }
0x157: {  	v12 =	vmul.f32 v16, v56;
	[tilespmem:v43+s11+$0x0] =	vst.idx.add.f32.msk $0xffff, v8;
	v9 =	vadd.f32 v48, v11;
	v18 =	vor.u32 $0x180, v27  }
0x158: {  	v27 =	vor.u32 $0x180, v25;
	[tilespmem:$0x1FF60] =	vst v0;
	v0 =	vld.idx.msk [tilespmem:v26+s7+$0x0], $0xffff;
	v25 =	vadd.f32 v19, v1;
	v1 =	vmul.f32 v13, v55  }
0x159: {  	v8 =	vmax.f32 v9, $0.0e+00;
	v2 =	vadd.f32 v2, v3;
	v13 =	vld.idx.msk [tilespmem:v23+s7+$0x0], $0xffff;
	v19 =	vor.u32 $0x180, v39  }
0x15a: {  	v39 =	vld.idx.msk [tilespmem:v62+s1+$0x0], $0xffff;
	v62 =	vor.u32 $0x180, v43;
	v43 =	vor.u32 $0x180, v44;
	v44 =	vadd.f32 v25, v1  }
0x15b: {  	v38 =	vor.u32 $0x100, v42;
	v10 =	vmul.f32 v14, v63;
	[tilespmem:v42+s11+$0x0] =	vst.idx.add.f32.msk $0xffff, v8;
	v2 =	vadd.f32 v2, v51  }
0x15c: {  	v3 =	vld.idx.msk [tilespmem:v24+s7+$0x0], $0xffff;
	v25 =	vor.u32 $0x180, v42;
	v42 =	vmul.f32 v14, v55;
	v14 =	vmax.f32 v44, $0.0e+00  }
0x15d: {  	v59 =	vor.u32 $0x100, v41;
	v11 =	vmul.f32 v15, v63;
	v8 =	vmul.f32 v6, v63;
	[tilespmem:v4+s11+$0x0] =	vst.idx.add.f32.msk $0xffff, v14  }
0x15e: {  	v2 =	vmax.f32 v2, $0.0e+00;
	v1 =	vor.u32 $0x180, v41;
	v4 =	vadd.f32 v13, v50;
	v13 =	vld [tilespmem:$0x1FED0]  }
0x15f: {  	v41 =	vmul.f32 v15, v55;
	v15 =	vmul.f32 v6, v55;
	v6 =	vld.idx.msk [tilespmem:v29+s7+$0x0], $0xffff;
	v0 =	vadd.f32 v0, v39  }
0x160: {  	[tilespmem:v20+s11+$0x0] =	vst.idx.add.f32.msk $0xffff, v2  }
0x161: {  	v2 =	vld [tilespmem:$0x1FF00];
	v0 =	vadd.f32 v0, v12  }
0x162: {  	v5 =	vmul.f32 v7, v56;
	v14 =	vmul.f32 v7, v55;
	v7 =	vld [tilespmem:$0x1FEE0]  }
0x163: {  	v12 =	vld [tilespmem:$0x1FEF0];
	v0 =	vmax.f32 v0, $0.0e+00  }
0x164: {  	v30 =	vor.u32 $0x80, v40;
	[tilespmem:v26+s11+$0x0] =	vst.idx.add.f32.msk $0xffff, v0  }
0x165: {  	v3 =	vadd.f32 v3, v57;
	v0 =	vld [tilespmem:$0x1FF10]  }
0x166: {  	v13 =	vld.idx.msk [tilespmem:v13+s1+$0x0], $0xffff  }
0x167: {  	v2 =	vadd.f32 v3, v2  }
0x168: {  	v57 =	vld.idx.msk [tilespmem:v34+s7+$0x0], $0xffff  }
0x169: {  	v4 =	vadd.f32 v4, v53;
	v53 =	vld.idx.msk [tilespmem:v30+s7+$0x0], $0xffff;
	v2 =	vmax.f32 v2, $0.0e+00  }
0x16a: {  	[tilespmem:v24+s11+$0x0] =	vst.idx.add.f32.msk $0xffff, v2  }
0x16b: {  	v54 =	vmul.f32 v37, v56;
	v7 =	vld.idx.msk [tilespmem:v7+s1+$0x0], $0xffff;
	v3 =	vadd.f32 v6, v13  }
0x16c: {  	v2 =	vld.idx.msk [tilespmem:v22+s7+$0x0], $0xffff  }
0x16d: {  	v12 =	vld.idx.msk [tilespmem:v12+s1+$0x0], $0xffff;
	v3 =	vadd.f32 v3, v54  }
0x16e: {  	v4 =	vmax.f32 v4, $0.0e+00;
	v0 =	vld.idx.msk [tilespmem:v0+s1+$0x0], $0xffff  }
0x16f: {  	[tilespmem:v23+s11+$0x0] =	vst.idx.add.f32.msk $0xffff, v4;
	v3 =	vmax.f32 v3, $0.0e+00  }
0x170: {  	v4 =	vadd.f32 v53, v7;
	[tilespmem:v29+s11+$0x0] =	vst.idx.add.f32.msk $0xffff, v3  }
0x171: {  	v3 =	vld [tilespmem:$0x1FF20]  }
0x172: {  	v4 =	vadd.f32 v4, v58  }
0x173: {  	v6 =	vadd.f32 v57, v12;
	v0 =	vadd.f32 v2, v0;
	v2 =	vld [tilespmem:$0x1FF30];
	_ =	sdelay $0x1  }
0x174: {  	v31 =	vor.u32 $0x100, v47;
	v4 =	vmax.f32 v4, $0.0e+00;
	v5 =	vadd.f32 v6, v5;
	v6 =	vld [tilespmem:$0x1FF40]  }
0x175: {  	[tilespmem:v30+s11+$0x0] =	vst.idx.add.f32.msk $0xffff, v4  }
0x176: {  	v4 =	vld.idx.msk [tilespmem:v28+s7+$0x0], $0xffff;
	v5 =	vmax.f32 v5, $0.0e+00  }
0x177: {  	[tilespmem:v34+s11+$0x0] =	vst.idx.add.f32.msk $0xffff, v5  }
0x178: {  	v3 =	vld.idx.msk [tilespmem:v3+s1+$0x0], $0xffff  }
0x179: {  	v5 =	vld.idx.msk [tilespmem:v31+s7+$0x0], $0xffff  }
0x17a: {  	v2 =	vld.idx.msk [tilespmem:v2+s1+$0x0], $0xffff  }
0x17b: {  	v7 =	vld.idx.msk [tilespmem:v32+s7+$0x0], $0xffff  }
0x17c: {  	v6 =	vld.idx.msk [tilespmem:v6+s1+$0x0], $0xffff  }
0x17d: {  	v3 =	vadd.f32 v4, v3;
	v4 =	vld [tilespmem:$0x1FF50]  }
0x17e: {  	v36 =	vor.u32 $0x100, v40;
	v58 =	vld.idx.msk [tilespmem:v35+s7+$0x0], $0xffff;
	v0 =	vadd.f32 v0, v10  }
0x17f: {  	v48 =	vmul.f32 v16, v63;
	v60 =	vld.idx.msk [tilespmem:v60+s1+$0x0], $0xffff;
	v2 =	vadd.f32 v5, v2  }
0x180: {  	v12 =	vld.idx.msk [tilespmem:v59+s1+$0x0], $0xffff;
	v0 =	vmax.f32 v0, $0.0e+00  }
0x181: {  	v61 =	vor.u32 $0x180, v49;
	[tilespmem:v22+s11+$0x0] =	vst.idx.add.f32.msk $0xffff, v0;
	v2 =	vadd.f32 v2, v48  }
0x182: {  	v9 =	vmul.f32 v17, v63;
	v6 =	vadd.f32 v7, v6;
	v7 =	vld.idx.msk [tilespmem:v38+s7+$0x0], $0xffff  }
0x183: {  	v5 =	vld.idx.msk [tilespmem:v36+s7+$0x0], $0xffff;
	v0 =	vmax.f32 v2, $0.0e+00  }
0x184: {  	v2 =	vadd.f32 v6, v9;
	[tilespmem:v31+s11+$0x0] =	vst.idx.add.f32.msk $0xffff, v0  }
0x185: {  	v4 =	vld.idx.msk [tilespmem:v4+s1+$0x0], $0xffff  }
0x186: {  	v0 =	vld.idx.msk [tilespmem:v61+s1+$0x0], $0xffff;
	v2 =	vmax.f32 v2, $0.0e+00  }
0x187: {  	v3 =	vadd.f32 v3, v11;
	[tilespmem:v32+s11+$0x0] =	vst.idx.add.f32.msk $0xffff, v2  }
0x188: {  	v45 =	vor.u32 $0x180, v45;
	v2 =	vld.idx.msk [tilespmem:v18+s7+$0x0], $0xffff  }
0x189: {  	v3 =	vmax.f32 v3, $0.0e+00;
	v6 =	vld [tilespmem:$0x1FF60]  }
0x18a: {  	v49 =	vmul.f32 v37, v63;
	[tilespmem:v28+s11+$0x0] =	vst.idx.add.f32.msk $0xffff, v3;
	v3 =	vadd.f32 v58, v4  }
0x18b: {  	v52 =	vor.u32 $0x180, v21  }
0x18c: {  	v4 =	vadd.f32 v5, v60;
	v3 =	vadd.f32 v3, v49  }
0x18d: {  	v0 =	vadd.f32 v2, v0;
	v2 =	vld.idx.msk [tilespmem:v45+s1+$0x0], $0xffff;
	v5 =	vadd.f32 v7, v12  }
0x18e: {  	v21 =	vor.u32 $0x180, v47;
	v7 =	vld.idx.msk [tilespmem:v19+s7+$0x0], $0xffff;
	v4 =	vadd.f32 v4, v8;
	v3 =	vmax.f32 v3, $0.0e+00  }
0x18f: {  	v5 =	vadd.f32 v5, v6;
	[tilespmem:v35+s11+$0x0] =	vst.idx.add.f32.msk $0xffff, v3  }
0x190: {  	v47 =	vor.u32 $0x180, v33;
	v4 =	vmax.f32 v4, $0.0e+00;
	v3 =	vld.idx.msk [tilespmem:v52+s1+$0x0], $0xffff  }
0x191: {  	v5 =	vmax.f32 v5, $0.0e+00;
	[tilespmem:v36+s11+$0x0] =	vst.idx.add.f32.msk $0xffff, v4  }
0x192: {  	[tilespmem:v38+s11+$0x0] =	vst.idx.add.f32.msk $0xffff, v5  }
0x193: {  	v5 =	vld.idx.msk [tilespmem:v21+s7+$0x0], $0xffff  }
0x194: {  	v4 =	vld.idx.msk [tilespmem:v27+s7+$0x0], $0xffff  }
0x195: {  	v46 =	vor.u32 $0x180, v46;
	v6 =	vld.idx.msk [tilespmem:v47+s1+$0x0], $0xffff;
	_ =	sdelay $0x1  }
0x196: {  	v33 =	vor.u32 $0x180, v40  }
0x197: {  	v40 =	vmul.f32 v16, v55;
	v0 =	vadd.f32 v0, v42;
	v2 =	vadd.f32 v5, v2  }
0x198: {  	v17 =	vmul.f32 v17, v55;
	v8 =	vld.idx.msk [tilespmem:v62+s7+$0x0], $0xffff;
	v3 =	vadd.f32 v4, v3  }
0x199: {  	v0 =	vmax.f32 v0, $0.0e+00;
	v6 =	vadd.f32 v7, v6;
	v4 =	vld.idx.msk [tilespmem:v46+s1+$0x0], $0xffff;
	v2 =	vadd.f32 v2, v40  }
0x19a: {  	[tilespmem:v18+s11+$0x0] =	vst.idx.add.f32.msk $0xffff, v0;
	v3 =	vadd.f32 v3, v41  }
0x19b: {  	v0 =	vmax.f32 v2, $0.0e+00;
	v2 =	vadd.f32 v6, v17;
	v6 =	vld [tilespmem:$0x1FF80]  }
0x19c: {  	v3 =	vmax.f32 v3, $0.0e+00  }
0x19d: {  	[tilespmem:v27+s11+$0x0] =	vst.idx.add.f32.msk $0xffff, v3  }
0x19e: {  	v3 =	vadd.f32 v8, v4;
	v4 =	vld [tilespmem:$0x1FF70]  }
0x19f: {  	v61 =	vld.idx.msk [tilespmem:v43+s1+$0x0], $0xffff  }
0x1a0: {  	v5 =	vld.idx.msk [tilespmem:v33+s7+$0x0], $0xffff  }
0x1a1: {  	v1 =	vld.idx.msk [tilespmem:v1+s1+$0x0], $0xffff  }
0x1a2: {  	v7 =	vld.idx.msk [tilespmem:v25+s7+$0x0], $0xffff  }
0x1a3: {  	v44 =	vmul.f32 v37, v55;
	[tilespmem:v6+s11+$0x0] =	vst.idx.add.f32.msk $0xffff, v4  }
0x1a4: {  	v4 =	vld [tilespmem:$0x1FFA0]  }
0x1a5: {  	[tilespmem:v21+s11+$0x0] =	vst.idx.add.f32.msk $0xffff, v0;
	v0 =	vmax.f32 v2, $0.0e+00;
	v2 =	vadd.f32 v3, v44;
	v3 =	vadd.f32 v5, v61  }
0x1a6: {  	s16 =	sadd.s32 $0x8, s16;
	[tilespmem:v19+s11+$0x0] =	vst.idx.add.f32.msk $0xffff, v0  }
0x1a7: {  	p0 =	slt.u32 s16, $0x38;
	v0 =	vadd.f32 v3, v15;
	v3 =	vld [tilespmem:$0x1FF90]  }
.Ltmp2:
0x1a8: {  	_ = 	snop;
	(pc) =	sbr.rel @p0 .LBB2_8-.Ltmp2, $4  }
0x1a9: {  	_ = 	snop  }
0x1aa: {  	v5 =	vld [tilespmem:$0x1FFB0];
	v2 =	vmax.f32 v2, $0.0e+00  }
0x1ab: {  	[tilespmem:v62+s11+$0x0] =	vst.idx.add.f32.msk $0xffff, v2  }
0x1ac: {  	s17 =	sadd.s32 $0x100, s17;
	v1 =	vadd.f32 v7, v1;
	v7 =	vmov v25;
	v6 =	vmov v33;
	[tilespmem:v4+s11+$0x0] =	vst.idx.add.f32.msk $0xffff, v3  }
0x1ad: {  	_ =	sdelay $0x1  }
0x1ae: {  	v1 =	vadd.f32 v1, v14  }
0x1af: {  	v0 =	vmax.f32 v0, $0.0e+00  }
0x1b0: {  	[tilespmem:v6+s11+$0x0] =	vst.idx.add.f32.msk $0xffff, v0;
	v1 =	vmax.f32 v1, $0.0e+00  }
0x1b1: {  	[tilespmem:v7+s11+$0x0] =	vst.idx.add.f32.msk $0xffff, v1  }
0x1b2: {  	p0 =	seq.s32 s13, $0x138  }
.Ltmp3:
0x1b3: {  	_ = 	snop;
	(pc) =	sbr.rel @!p0 .LBB2_5-.Ltmp3, $2  }
0x1b4: {  	_ =	sdelay $0x2  }
0x1b5: {  	s14 =	smov.u32 s13  }
0x1b6: {  	s13 =	rddreg [dreg:$0x5]  }
0x1b7: {  	[hbm4b:s13+s2] =	stream.linear.scatter [tilespmem:s11], [sflag:$0x3], $0x9E00, $0x38;
	[tilespmem:$0x1F280] =	vst v63  }
0x1b8: {  	_ =	swait.ge [sflag:s6], $0x9E00  }
0x1b9: {  	s12 =	sadd.s32 $0x1, s12;
	s19 =	rddreg [dreg:$0x6]  }
0x1ba: {  	p0 =	sne.s32 s12, s19  }
.Ltmp4:
0x1bb: {  	_ = 	snop;
	(pc) =	sbr.rel @p0 .LBB2_1-.Ltmp4, $3  }
0x1bc: {  	_ =	sdelay $0x1  }
0x1bd: {  	[sflag:s6] =	ssyncset.done $0x0  }
0x1be: {  	v0 =	vimm.f32 $0.0e+00;
	[sflag:s6] =	ssyncadd.s32 $0xFFFF6200  }
0x1bf: {  	_ =	sfence.sel $0x180000  }
0x1c0: {  	[bflag:$0x0] =	sbarrier.arrive $0xFFFF  }
0x1c1: {  	_ =	strace $0x90000047  }
0x1c2: {  	s0 =	stileid.u32;
	[bflag:$0x2] =	sbarrier.arrive $0xFFFF  }
0x1c3: {  	p0 =	sne.s32 s0, $0x0;
	s0 =	rddreg [dreg:$0x1]  }
0x1c4: {  	s0 =	sadd.s32 @!p0 $0x100000, s0  }
0x1c5: {  	[sflag:s0] =	ssyncadd.tile.s32 @!p0 $0x1;
	_ =	shalt  }
.Lfunc_end2:
_tile_overlayer_lowered:
.L_overlay_start_2:
0x1c6: {  	(tag) =	ssettag $0x2  }
0x1c7: {  	s0 =	rddreg [dreg:$0x0];
	s2 =	stileid.u32  }
0x1c8: {  	s1 =	rddreg [dreg:$0x1];
	p0 =	sne.s32 s2, $0x0  }
0x1c9: {  	s3 =	rddreg [dreg:$0x2];
	[bflag:$0x3] =	sbarrier.arrive $0xFFFF;
	s2 =	simm.s32 @!p0 $0x1C03  }
0x1ca: {  	[timem:s3], [sflag:s2] =	dma.local @!p0 [hbm:s0], s1  }
0x1cb: {  	s0 =	simm.s32 @!p0 $0x3  }
0x1cc: {  	_ =	swait.ge @!p0 [sflag:s0], s1  }
0x1cd: {  	s1 =	ssub.s32 @!p0 $0x0, s1;
	[sflag:s0] =	ssyncset.done @!p0 $0x0  }
0x1ce: {  	[sflag:s0] =	ssyncadd.s32 @!p0 s1  }
0x1cf: {  	[bflag:$0x3] =	sbarrier.arrive $0xFFFF  }
0x1d0: {  	_ =	shalt  }

// kernel: kernel.16.cloned.1.call-start
scs
__scs_entry_jumppad:
0x0: {  	(pc) =	sbr.rel $0x88, $3  }
0x1: {  	(tag) =	ssettag $0x0;
	lr =	simm.s32 $0x1  }
0x2: {  	[smem:$0x3F90] =	sst lr;
	_ =	strace $0xD0000000  }
0x3: {  	_ = 	snop  }
0x4: {  	_ = 	snop  }
0x5: {  	_ = 	snop  }
0x6: {  	_ = 	snop  }
0x7: {  	_ = 	snop  }
__scs_overlays_trampoline_lowered:
0x8: {  	[smem:$0x3F9F] =	sst s0  }
0x9: {  	[smem:$0x3FA0] =	sst s1  }
0xa: {  	[smem:$0x3FA1] =	sst s2  }
0xb: {  	[smem:$0x3FA2] =	sst s3  }
0xc: {  	[smem:$0x3FA3] =	sst s4  }
0xd: {  	[smem:$0x3FA4] =	sst s5  }
0xe: {  	[smem:$0x3FA5] =	sst s6  }
0xf: {  	[smem:$0x3FA6] =	sst s7  }
0x10: {  	[smem:$0x3FA7] =	sst s8  }
0x11: {  	[smem:$0x3FA8] =	sst s9;
	s0 =	simm.s32 @!p0 $0x0  }
0x12: {  	s1 =	sld [smem:$0x3F8E];
	s0 =	simm.s32 @p0 $0x1  }
0x13: {  	[smem:$0x3FA9] =	sst s0;
	s0 =	simm.s32 @!p1 $0x0  }
0x14: {  	s2 =	sld [smem:$0x3F8D];
	s0 =	simm.s32 @p1 $0x1  }
0x15: {  	[smem:$0x3FAA] =	sst s0;
	s0 =	simm.s32 @!p2 $0x0  }
0x16: {  	s3 =	sld [smem:$0x3FDB];
	s0 =	simm.s32 @p2 $0x1  }
0x17: {  	s4 =	simm.s32 $0x1BF5;
	[smem:$0x3FAC] =	sst s0  }
0x18: {  	s0 =	sld [smem:$0x3F8F];
	_ =	swait.ge [sflag:s4], $0x0  }
0x19: {  	s7 =	sld [smem:$0x3F90]  }
0x1a: {  	s8 =	sadd.s32 $0xFFFFE003, lr  }
0x1b: {  	s9 =	sadd.s32 $0xFFFFFEF7, lr;
	s5 =	simm.s32 $0xFFFFFFFF;
	p2 =	slt.u32 s8, $0xFFFFF086  }
0x1c: {  	p1 =	slt.u32 s9, $0xF7A;
	s5 =	simm.s32 @!p2 $0x0  }
0x1d: {  	s5 =	simm.s32 @p1 $0x1;
	p0 =	seq.s32 s7, s2  }
0x1e: {  	s7 =	smul.u32 @!p0 $0xF7A, s2;
	p2 =	seq.s32 @!p0 s5, $0x0  }
0x1f: {  	s9 =	smul.u32 $0xF7A, s1;
	s8 =	simm.s32 @!p0 $0x1BF5;
	p2 =	por !p2, p0  }
0x20: {  	[sflag:s8] =	ssyncset.s32 @!p0 $0xFFFFF086;
	s6 =	sadd.s32 @!p0 s3, s7;
	s7 =	simm.s32 @!p0 $0x108  }
0x21: {  	s3 =	sadd.s32 s3, s9;
	s6 =	sadd.s32 @!p0 $0x88, s6;
	s7 =	simm.s32 @p2 $0x1082  }
0x22: {  	[simem:s7], [sflag:s8] =	dma.local @!p0 [hbm:s6], $0xF7A  }
0x23: {  	s9 =	sor.u32 $0xD0000000, s2;
	s6 =	simm.s32 $0x108;
	_ =	swait.ge @!p0 [sflag:s8], $0x0  }
0x24: {  	s3 =	sadd.s32 $0x88, s3;
	s6 =	simm.s32 @!p1 $0x1082;
	[sflag:s4] =	ssyncset.s32 $0xFFFFF086  }
0x25: {  	[simem:s6], [sflag:s4] =	dma.local [hbm:s3], $0xF7A  }
0x26: {  	[smem:$0x3F90] =	sst s1;
	(tag) =	ssettag s2;
	_ =	strace s9  }
0x27: {  	s1 =	sld [smem:$0x3FA0]  }
0x28: {  	s2 =	sld [smem:$0x3FA1]  }
0x29: {  	s4 =	sld [smem:$0x3FA3]  }
0x2a: {  	p0 =	seq.s32 s5, $0x0;
	s5 =	sld [smem:$0x3FA4]  }
0x2b: {  	s6 =	sld [smem:$0x3FA5]  }
0x2c: {  	s7 =	sld [smem:$0x3FA6]  }
0x2d: {  	s3 =	simm.s32 $0x108;
	s8 =	sld [smem:$0x3FA7]  }
0x2e: {  	s3 =	simm.s32 @!p0 $0x1082;
	s9 =	sld [smem:$0x3FA8]  }
0x2f: {  	lr =	sadd.s32 s0, s3;
	s0 =	sld [smem:$0x3F9F]  }
0x30: {  	s3 =	sld [smem:$0x3FA2]  }
0x31: {  	[smem:$0x3FAB] =	sst s10  }
0x32: {  	s10 =	sld [smem:$0x3FA9];
	_ =	sdelay $0x3  }
0x33: {  	p0 =	seq.s32 s10, $0x1;
	s10 =	sld [smem:$0x3FAB];
	_ =	sdelay $0x3  }
0x34: {  	[smem:$0x3FAB] =	sst s10  }
0x35: {  	s10 =	sld [smem:$0x3FAA];
	_ =	sdelay $0x3  }
0x36: {  	p1 =	seq.s32 s10, $0x1;
	s10 =	sld [smem:$0x3FAB];
	_ =	sdelay $0x3  }
0x37: {  	[smem:$0x3FAB] =	sst s10  }
0x38: {  	s10 =	sld [smem:$0x3FAC]  }
0x39: {  	_ = 	snop;
	(pc) =	sbr.ind lr, $3  }
0x3a: {  	_ = 	snop  }
0x3b: {  	_ = 	snop  }
0x3c: {  	p2 =	seq.s32 s10, $0x1;
	s10 =	sld [smem:$0x3FAB]  }
0x3d: {  	_ =	shalt  }
0x3e: {  	_ =	shalt  }
0x3f: {  	_ =	shalt  }
0x40: {  	_ =	shalt  }
0x41: {  	_ =	shalt  }
0x42: {  	_ =	shalt  }
0x43: {  	_ =	shalt  }
0x44: {  	_ =	shalt  }
0x45: {  	_ =	shalt  }
0x46: {  	_ =	shalt  }
0x47: {  	_ =	shalt  }
0x48: {  	_ =	shalt  }
0x49: {  	_ =	shalt  }
0x4a: {  	_ =	shalt  }
0x4b: {  	_ =	shalt  }
0x4c: {  	_ =	shalt  }
0x4d: {  	_ =	shalt  }
0x4e: {  	_ =	shalt  }
0x4f: {  	_ =	shalt  }
0x50: {  	_ =	shalt  }
0x51: {  	_ =	shalt  }
0x52: {  	_ =	shalt  }
0x53: {  	_ =	shalt  }
0x54: {  	_ =	shalt  }
0x55: {  	_ =	shalt  }
0x56: {  	_ =	shalt  }
0x57: {  	_ =	shalt  }
0x58: {  	_ =	shalt  }
0x59: {  	_ =	shalt  }
0x5a: {  	_ =	shalt  }
0x5b: {  	_ =	shalt  }
0x5c: {  	_ =	shalt  }
0x5d: {  	_ =	shalt  }
0x5e: {  	_ =	shalt  }
0x5f: {  	_ =	shalt  }
0x60: {  	_ =	shalt  }
0x61: {  	_ =	shalt  }
0x62: {  	_ =	shalt  }
0x63: {  	_ =	shalt  }
0x64: {  	_ =	shalt  }
0x65: {  	_ =	shalt  }
0x66: {  	_ =	shalt  }
0x67: {  	_ =	shalt  }
0x68: {  	_ =	shalt  }
0x69: {  	_ =	shalt  }
0x6a: {  	_ =	shalt  }
0x6b: {  	_ =	shalt  }
0x6c: {  	_ =	shalt  }
0x6d: {  	_ =	shalt  }
0x6e: {  	_ =	shalt  }
0x6f: {  	_ =	shalt  }
0x70: {  	_ =	shalt  }
0x71: {  	_ =	shalt  }
0x72: {  	_ =	shalt  }
0x73: {  	_ =	shalt  }
0x74: {  	_ =	shalt  }
0x75: {  	_ =	shalt  }
0x76: {  	_ =	shalt  }
0x77: {  	_ =	shalt  }
0x78: {  	_ =	shalt  }
0x79: {  	_ =	shalt  }
0x7a: {  	_ =	shalt  }
0x7b: {  	_ =	shalt  }
0x7c: {  	_ =	shalt  }
0x7d: {  	_ =	shalt  }
0x7e: {  	_ =	shalt  }
0x7f: {  	_ =	shalt  }
0x80: {  	_ =	shalt  }
0x81: {  	_ =	shalt  }
0x82: {  	_ =	shalt  }
0x83: {  	_ =	shalt  }
0x84: {  	_ =	shalt  }
0x85: {  	_ =	shalt  }
0x86: {  	_ =	shalt  }
0x87: {  	_ =	shalt  }
.Lfunc_end0:
.L_simem_size_0:
called_computation.2_lowered:
.L_overlay_start_0:
0x88: {  	s2 =	sld [smem:$0x3FD9]  }
0x89: {  	s3 =	sld [smem:$0x3FFE];
	_ =	sdelay $0x1  }
0x8a: {  	s1 =	srdreg.scid  }
0x8b: {  	s0 =	sand.u32 $0x1, s1  }
0x8c: {  	s16 =	sshll.u32 s0, $0xA;
	s2 =	sadd.s32 s3, s2  }
0x8d: {  	s2 =	sadd.s32 s2, s16  }
0x8e: {  	[smem:$0x3FB7] =	sst s2  }
0x8f: {  	_ = 	snop  }
0x90: {  	(tm) =	ssettm $0x1  }
0x91: {  	s17 =	sld [smem:$0x3FFB];
	_ =	sdelay $0x3  }
0x92: {  	_ =	strace s17  }
0x93: {  	s2 =	sld [smem:$0x3FFC];
	_ =	sdelay $0x3  }
0x94: {  	_ =	strace s2  }
0x95: {  	s2 =	sld [smem:$0x3FFD];
	_ =	sdelay $0x3  }
0x96: {  	_ =	strace s2  }
0x97: {  	_ =	strace $0x8FFFFFFF  }
0x98: {  	s18 =	sld [smem:$0x3FDB];
	_ =	sdelay $0x1  }
0x99: {  	s19 =	simm.s32 $_scs_section_size  }
0x9a: {  	s4 =	simm.s32 $_size__tile_overlayer_lowered;
	s5 =	simm.s32 $_tile_overlayer_lowered  }
0x9b: {  	s22 =	simm.s32 $0x1BFF;
	s21 =	sshll.u32 s5, $0x1;
	s2 =	sadd.s32 s19, s18  }
0x9c: {  	s6 =	simm.s32 $0x0;
	s20 =	sshll.u32 s4, $0x1;
	s4 =	sadd.s32 s21, s2  }
0x9d: {  	[timem:s6], [sflag:s22] =	dma.local [hbm:s4], s20  }
0x9e: {  	_ =	swait.ge [sflag:s22], s20  }
0x9f: {  	s3 =	ssub.s32 $0x0, s20;
	[sflag:s22] =	ssyncset.done $0x0  }
0xa0: {  	[sflag:s22] =	ssyncadd.s32 s3;
	_ =	sdelay $0x1  }
0xa1: {  	s23 =	simm.s32 $0x1B8B  }
0xa2: {  	_ =	swait.ge [sflag:s23], $0x1  }
0xa3: {  	[sflag:s23] =	ssyncset.done $0x0  }
0xa4: {  	s25 =	simm.s32 $0x1B8E;
	s24 =	sld [smem:$0x3FFE];
	[sflag:s23] =	ssyncadd.s32 $0xFFFFFFFF  }
0xa5: {  	s26 =	simm.s32 $execute0_lowered;
	[smem:$0x3FD2] =	sst s25  }
0xa6: {  	s4 =	sshll.u32 s26, $0x1;
	_ =	strace $0x8000004C;
	[dreg:$0x1] =	wrdreg $0xFFFFFFFF  }
0xa7: {  	s28 =	simm.s32 $_size_execute0_lowered;
	s2 =	sadd.s32 s2, s4;
	[dreg:$0x0] =	wrdreg $0x0  }
0xa8: {  	s4 =	sshll.u32 s28, $0x1;
	[dreg:$0x2] =	wrdreg s2  }
0xa9: {  	[dreg:$0x3] =	wrdreg s4  }
0xaa: {  	[dreg:$0x4] =	wrdreg $0xC0  }
0xab: {  	_ =	task [dreg:s6], $0x5FFFF  }
0xac: {  	[dreg:$0x1] =	wrdreg $0xFFFFFFFF  }
0xad: {  	[dreg:$0x0] =	wrdreg $0x60  }
0xae: {  	[dreg:$0x2] =	wrdreg s24  }
0xaf: {  	[dreg:$0x3] =	wrdreg $0x9  }
0xb0: {  	_ =	task.clear_ibuf [dreg:s6], $0x4FFFF;
	_ =	strace $0x9000004C  }
0xb1: {  	s29 =	simm.s32 $0x9;
	_ =	strace $0x8000004E  }
0xb2: {  	_ =	swait.ge [sflag:s29], $0x1  }
0xb3: {  	[sflag:s29] =	ssyncadd.s32 $0xFFFFFFFF  }
0xb4: {  	_ =	strace $0x9000004E  }
0xb5: {  	_ =	sfence  }
0xb6: {  	s30 =	sld [smem:$0x0];
	_ =	sdelay $0x2  }
0xb7: {  	s31 =	sshll.u32 s1, $0xD;
	s1 =	sshrl.u32 s1, $0x2  }
0xb8: {  	s3 =	sand.u32 $0x4000, s31;
	s1 =	sadd.s32 s1, s30  }
0xb9: {  	s0 =	sor.u32 s3, s0;
	s1 =	sshll.u32 s1, $0x11  }
0xba: {  	s0 =	sor.u32 s1, s0  }
0xbb: {  	s0 =	sadd.s32 $0x8F2B, s0  }
0xbc: {  	[sflag:s0] =	ssyncadd.remote.s32 $0x1  }
0xbd: {  	_ =	sfence.sel $0xFFFF  }
0xbe: {  	[dreg:$0x0] =	wrdreg $0xFFFFFFFF;
	(pc) =	sbr.abs _section_cstart, $3  }
0xbf: {  	[dreg:$0x1] =	wrdreg $0xFFFFFFFF  }
0xc0: {  	_ =	task.clear_ibuf [dreg:s6], $0x2FFFF;
	_ =	strace $0x9FFFFFFF  }
0xc1: {  	(tm) =	ssettm $0x7FFFFFFF  }
tec
execute0_lowered:
.L_overlay_start_1:
0x0: {  	(tag) =	ssettag $0x1  }
0x1: {  	s0 =	rddreg [dreg:$0x0];
	s2 =	simm.s32 $0x0;
	s1 =	srdreg.scid  }
0x2: {  	s3 =	stileid.u32;
	[smem:$0x7FF] =	sst s2;
	s1 =	sand.u32 $0x1, s1  }
0x3: {  	s3 =	sshll.u32 s3, $0x1;
	s4 =	sadd.s32 $0x52200, s0;
	s9 =	sadd.s32 $0x3000, s0  }
0x4: {  	s18 =	sadd.s32 $0x5C010, s0;
	_ =	strace $0x8000004D;
	[dreg:$0x2] =	wrdreg s9  }
0x5: {  	s5 =	sadd.s32 $0x65E00, s0;
	s19 =	sadd.s32 $0x5C020, s0;
	[dreg:$0x7] =	wrdreg s18  }
0x6: {  	s20 =	sadd.s32 $0x5C030, s0;
	s21 =	sadd.s32 $0x5C040, s0;
	[dreg:$0x8] =	wrdreg s19  }
0x7: {  	s22 =	sadd.s32 $0x5C050, s0;
	s23 =	sadd.s32 $0x5C060, s0;
	[dreg:$0x9] =	wrdreg s20  }
0x8: {  	s24 =	sadd.s32 $0x5C070, s0;
	s25 =	sadd.s32 $0x52210, s0;
	[dreg:$0xa] =	wrdreg s21  }
0x9: {  	s26 =	sadd.s32 $0x52220, s0;
	s28 =	sadd.s32 $0x65E30, s0;
	[dreg:$0xb] =	wrdreg s22  }
0xa: {  	s29 =	sadd.s32 $0x65E40, s0;
	s30 =	sadd.s32 $0x65E50, s0;
	[dreg:$0xc] =	wrdreg s23  }
0xb: {  	s31 =	sadd.s32 $0x65E60, s0;
	s6 =	sor.u32 s1, s3;
	[dreg:$0xd] =	wrdreg s24  }
0xc: {  	s3 =	sadd.s32 $0x5C000, s0;
	s1 =	ssub.s32 $0x2, s1;
	[dreg:$0xe] =	wrdreg s25  }
0xd: {  	[dreg:$0xf] =	wrdreg s26;
	s20 =	sadd.s32 $0x52230, s0;
	s21 =	sadd.s32 $0x52240, s0  }
0xe: {  	s22 =	sadd.s32 $0x52250, s0;
	s23 =	sadd.s32 $0x52260, s0;
	s24 =	sadd.s32 $0x52270, s0  }
0xf: {  	s25 =	sadd.s32 $0x65E10, s0;
	s26 =	sadd.s32 $0x65E20, s0;
	s16 =	sshll.u32 s6, $0x2  }
0x10: {  	s9 =	simm.s32 $0x1;
	s7 =	smul.u32 $0x13C0, s6;
	s8 =	sshrl.u32 s1, $0x1;
	v0 =	vmov s16  }
0x11: {  	s10 =	sshllo.u32 s6, $0x2;
	s6 =	simm.s32 $0x3;
	s11 =	sor.u32 $0x1, s16;
	v0 =	vbroadcast v0, $0x0  }
0x12: {  	s1 =	ssub.s32 s1, s8;
	s12 =	sor.u32 $0x2, s16;
	s8 =	simm.s32 $0x1F200;
	v1 =	vmov s11  }
0x13: {  	v3 =	vmov s10;
	s10 =	simm.s32 $0x2;
	s7 =	sadd.s32 s7, s0;
	s1 =	smax.u32 s1, $0x1;
	[tilespmem:$0x1FFD0] =	vst v0;
	v0 =	vbroadcast v1, $0x0  }
0x14: {  	s0 =	sadd.s32 $0x65E70, s0;
	v2 =	vmov s12;
	s14 =	sadd.s32 $0x3200, s7;
	[dreg:$0x6] =	wrdreg s1  }
0x15: {  	s11 =	simm.s32 $0x15400;
	s15 =	sadd.s32 $0x2AA00, s7;
	[dreg:$0x3] =	wrdreg s14;
	[tilespmem:$0x1FFE0] =	vst v0;
	v0 =	vbroadcast v2, $0x0  }
0x16: {  	[tilespmem:$0x1FFC0] =	vst v3;
	s12 =	simm.s32 $0x0;
	s17 =	sadd.s32 $0x6FC00, s7;
	[dreg:$0x4] =	wrdreg s15  }
0x17: {  	s1 =	simm.s32 $0x1800;
	s7 =	simm.s32 $0xB600;
	[dreg:$0x5] =	wrdreg s17;
	[tilespmem:$0x1FFF0] =	vst v0;
	v0 =	vimm.f32 $0.0e+00  }
.LBB2_1:
0x18: {  	s13 =	sand.u32 $0x70, s2;
	s14 =	sand.u32 $0xFE00, s2  }
0x19: {  	s13 =	sor.u32 s13, s14  }
0x1a: {  	s15 =	sadd.s32 $0x15400, s13;
	[tilespmem:s13+$0x15400] =	vst v0  }
0x1b: {  	[tilespmem:s15+$0x180] =	vst v0  }
0x1c: {  	s14 =	simm.s32 $0x0;
	s13 =	simm.s32 $0x10;
	[tilespmem:s15+$0x80] =	vst v0  }
.LBB2_2:
0x1d: {  	s16 =	sand.u32 $0x70, s13;
	[tilespmem:s15+$0x100] =	vst v0;
	s14 =	sadd.s32 $0x40, s14;
	p0 =	sne.s32 s13, $0x2700  }
.Ltmp0:
0x1e: {  	s13 =	sadd.s32 $0x10, s13;
	s15 =	sand.u32 $0xFE00, s14;
	(pc) =	sbr.rel @p0 .LBB2_2-.Ltmp0, $4  }
0x1f: {  	s16 =	sor.u32 s16, s15  }
0x20: {  	s15 =	sadd.s32 $0x15400, s16;
	[tilespmem:s16+$0x15400] =	vst v0  }
0x21: {  	[tilespmem:s15+$0x180] =	vst v0  }
0x22: {  	[tilespmem:s15+$0x80] =	vst v0  }
0x23: {  	[tilespmem:s15+$0x100] =	vst v0;
	s14 =	simm.s32 $0x0;
	s13 =	rddreg [dreg:$0x3]  }
0x24: {  	[tilespmem:s1], [sflag:$0x3] =	stream.linear.gather [hbm4b:s13+s14], $0x9E00, $0x38;
	[tilespmem:$0x1F280] =	vst v63  }
0x25: {  	_ =	swait.ge [sflag:s6], $0x9E00  }
0x26: {  	[sflag:s6] =	ssyncset.done $0x0  }
0x27: {  	s19 =	rddreg [dreg:$0x4];
	[sflag:s6] =	ssyncadd.s32 $0xFFFF6200  }
0x28: {  	[tilespmem:s7], [sflag:$0x3] =	stream.linear.gather [hbm4b:s19+s14], $0x9E00, $0x38;
	[tilespmem:$0x1F280] =	vst v63  }
0x29: {  	_ =	swait.ge [sflag:s6], $0x9E00  }
0x2a: {  	[sflag:s6] =	ssyncset.done $0x0  }
0x2b: {  	s15 =	rddreg [dreg:$0x2];
	[sflag:s6] =	ssyncadd.s32 $0xFFFF6200  }
0x2c: {  	[tilespmem:s8], [sflag:$0x3] =	stream.linear.gather [hbm4b:s15+s14], $0x80, $0x38;
	[tilespmem:$0x1F280] =	vst v63  }
0x2d: {  	_ =	swait.ge [sflag:s6], $0x80  }
0x2e: {  	v59 =	vld [tilespmem:$0x1FFD0]  }
0x2f: {  	v60 =	vld [tilespmem:$0x1FFE0]  }
0x30: {  	v61 =	vld [tilespmem:$0x1FFF0]  }
0x31: {  	v62 =	vld [tilespmem:$0x1FFC0];
	_ =	sdelay $0x2  }
0x32: {  	[sflag:s6] =	ssyncset.done $0x0  }
0x33: {  	[sflag:s6] =	ssyncadd.s32 $0xFFFFFF80  }
0x34: {  	v5 =	vld.idx.msk [tilespmem:v59+s8+$0x0], $0xffff  }
0x35: {  	v56 =	vld.idx.msk [tilespmem:v60+s8+$0x0], $0xffff  }
0x36: {  	v63 =	vld.idx.msk [tilespmem:v61+s8+$0x0], $0xffff  }
0x37: {  	v55 =	vld.idx.msk [tilespmem:v62+s8+$0x0], $0xffff;
	[tilespmem:s14], [sflag:$0x1] =	stream.linear.gather [hbm4b:s3+s14], $0x80, $0x38  }
0x38: {  	s17 =	simm.s32 $0x100;
	s16 =	rddreg [dreg:$0x7]  }
0x39: {  	[tilespmem:s17], [sflag:$0x1] =	stream.linear.gather [hbm4b:s16+s14], $0x80, $0x38;
	[tilespmem:$0x1F280] =	vst v63  }
0x3a: {  	s19 =	simm.s32 $0x200;
	s18 =	rddreg [dreg:$0x8]  }
0x3b: {  	[tilespmem:s19], [sflag:$0x1] =	stream.linear.gather [hbm4b:s18+s14], $0x80, $0x38;
	[tilespmem:$0x1F280] =	vst v63  }
0x3c: {  	s16 =	rddreg [dreg:$0x9];
	s17 =	simm.s32 $0x300  }
0x3d: {  	[tilespmem:s17], [sflag:$0x1] =	stream.linear.gather [hbm4b:s16+s14], $0x80, $0x38;
	[tilespmem:$0x1F280] =	vst v63  }
0x3e: {  	s18 =	rddreg [dreg:$0xa];
	s19 =	simm.s32 $0x400  }
0x3f: {  	[tilespmem:s19], [sflag:$0x1] =	stream.linear.gather [hbm4b:s18+s14], $0x80, $0x38;
	[tilespmem:$0x1F280] =	vst v63  }
0x40: {  	s16 =	rddreg [dreg:$0xb];
	s17 =	simm.s32 $0x500  }
0x41: {  	[tilespmem:s17], [sflag:$0x1] =	stream.linear.gather [hbm4b:s16+s14], $0x80, $0x38;
	[tilespmem:$0x1F280] =	vst v63  }
0x42: {  	s18 =	rddreg [dreg:$0xc];
	s19 =	simm.s32 $0x600  }
0x43: {  	[tilespmem:s19], [sflag:$0x1] =	stream.linear.gather [hbm4b:s18+s14], $0x80, $0x38;
	[tilespmem:$0x1F280] =	vst v63  }
0x44: {  	s15 =	rddreg [dreg:$0xd];
	s16 =	simm.s32 $0x700  }
0x45: {  	[tilespmem:s16], [sflag:$0x1] =	stream.linear.gather [hbm4b:s15+s14], $0x80, $0x38;
	[tilespmem:$0x1F280] =	vst v63  }
0x46: {  	s17 =	simm.s32 $0x800  }
0x47: {  	[tilespmem:s17], [sflag:$0x1] =	stream.linear.gather [hbm4b:s4+s14], $0x80, $0x38;
	[tilespmem:$0x1F280] =	vst v63  }
0x48: {  	s18 =	rddreg [dreg:$0xe];
	s19 =	simm.s32 $0x900  }
0x49: {  	[tilespmem:s19], [sflag:$0x1] =	stream.linear.gather [hbm4b:s18+s14], $0x80, $0x38;
	[tilespmem:$0x1F280] =	vst v63  }
0x4a: {  	s15 =	rddreg [dreg:$0xf];
	s16 =	simm.s32 $0xA00  }
0x4b: {  	[tilespmem:s16], [sflag:$0x1] =	stream.linear.gather [hbm4b:s15+s14], $0x80, $0x38;
	[tilespmem:$0x1F280] =	vst v63  }
0x4c: {  	s17 =	simm.s32 $0xB00  }
0x4d: {  	[tilespmem:s17], [sflag:$0x1] =	stream.linear.gather [hbm4b:s20+s14], $0x80, $0x38;
	[tilespmem:$0x1F280] =	vst v63  }
0x4e: {  	s18 =	simm.s32 $0xC00  }
0x4f: {  	[tilespmem:s18], [sflag:$0x1] =	stream.linear.gather [hbm4b:s21+s14], $0x80, $0x38;
	[tilespmem:$0x1F280] =	vst v63  }
0x50: {  	s19 =	simm.s32 $0xD00  }
0x51: {  	[tilespmem:s19], [sflag:$0x1] =	stream.linear.gather [hbm4b:s22+s14], $0x80, $0x38;
	[tilespmem:$0x1F280] =	vst v63  }
0x52: {  	s15 =	simm.s32 $0xE00  }
0x53: {  	[tilespmem:s15], [sflag:$0x1] =	stream.linear.gather [hbm4b:s23+s14], $0x80, $0x38;
	[tilespmem:$0x1F280] =	vst v63  }
0x54: {  	s16 =	simm.s32 $0xF00  }
0x55: {  	[tilespmem:s16], [sflag:$0x1] =	stream.linear.gather [hbm4b:s24+s14], $0x80, $0x38;
	[tilespmem:$0x1F280] =	vst v63  }
0x56: {  	s17 =	simm.s32 $0x1000  }
0x57: {  	[tilespmem:s17], [sflag:$0x2] =	stream.linear.gather [hbm4b:s5+s14], $0x80, $0x38;
	[tilespmem:$0x1F280] =	vst v63  }
0x58: {  	s18 =	simm.s32 $0x1100  }
0x59: {  	[tilespmem:s18], [sflag:$0x2] =	stream.linear.gather [hbm4b:s25+s14], $0x80, $0x38;
	[tilespmem:$0x1F280] =	vst v63  }
0x5a: {  	s19 =	simm.s32 $0x1200  }
0x5b: {  	[tilespmem:s19], [sflag:$0x2] =	stream.linear.gather [hbm4b:s26+s14], $0x80, $0x38;
	[tilespmem:$0x1F280] =	vst v63  }
0x5c: {  	s15 =	simm.s32 $0x1300  }
0x5d: {  	[tilespmem:s15], [sflag:$0x2] =	stream.linear.gather [hbm4b:s28+s14], $0x80, $0x38;
	[tilespmem:$0x1F280] =	vst v63  }
0x5e: {  	s16 =	simm.s32 $0x1400  }
0x5f: {  	[tilespmem:s16], [sflag:$0x2] =	stream.linear.gather [hbm4b:s29+s14], $0x80, $0x38;
	[tilespmem:$0x1F280] =	vst v63  }
0x60: {  	s17 =	simm.s32 $0x1500  }
0x61: {  	[tilespmem:s17], [sflag:$0x2] =	stream.linear.gather [hbm4b:s30+s14], $0x80, $0x38;
	[tilespmem:$0x1F280] =	vst v63  }
0x62: {  	s18 =	simm.s32 $0x1600  }
0x63: {  	[tilespmem:s18], [sflag:$0x2] =	stream.linear.gather [hbm4b:s31+s14], $0x80, $0x38;
	[tilespmem:$0x1F280] =	vst v63  }
0x64: {  	[tilespmem:$0x1FFB0] =	vst v5;
	s19 =	simm.s32 $0x1700  }
0x65: {  	[tilespmem:s19], [sflag:$0x2] =	stream.linear.gather [hbm4b:s0+s14], $0x80, $0x38;
	[tilespmem:$0x1F280] =	vst v63  }
.LBB2_5:
0x66: {  	p0 =	seq.s32 s14, $0x137  }
.Ltmp1:
0x67: {  	_ = 	snop;
	(pc) =	sbr.rel @p0 .LBB2_7-.Ltmp1, $2  }
0x68: {  	_ =	sdelay $0x2  }
0x69: {  	s13 =	sadd.s32 $0x1, s14;
	s15 =	simm.s32 $0x80  }
0x6a: {  	s14 =	sshll.u32 s14, $0x7  }
0x6b: {  	s16 =	sshll.u32 s13, $0x7;
	s15 =	sand.u32 $0x80, s14  }
0x6c: {  	s17 =	sadd.s32 s3, s16;
	s14 =	sxor.u32 $0x80, s15  }
0x6d: {  	[tilespmem:s14], [sflag:$0x1] =	stream.linear.gather [hbm4b:s17+s2], $0x80, $0x38;
	[tilespmem:$0x1F280] =	vst v63  }
0x6e: {  	s18 =	sadd.s32 $0x10, s17;
	s19 =	sor.u32 $0x100, s14  }
0x6f: {  	[tilespmem:s19], [sflag:$0x1] =	stream.linear.gather [hbm4b:s18+s2], $0x80, $0x38;
	[tilespmem:$0x1F280] =	vst v63  }
0x70: {  	s18 =	sadd.s32 $0x20, s17;
	s19 =	sor.u32 $0x200, s14  }
0x71: {  	[tilespmem:s19], [sflag:$0x1] =	stream.linear.gather [hbm4b:s18+s2], $0x80, $0x38;
	[tilespmem:$0x1F280] =	vst v63  }
0x72: {  	s18 =	sadd.s32 $0x30, s17;
	s19 =	sor.u32 $0x300, s14  }
0x73: {  	[tilespmem:s19], [sflag:$0x1] =	stream.linear.gather [hbm4b:s18+s2], $0x80, $0x38;
	[tilespmem:$0x1F280] =	vst v63  }
0x74: {  	s18 =	sadd.s32 $0x40, s17;
	s19 =	sor.u32 $0x400, s14  }
0x75: {  	[tilespmem:s19], [sflag:$0x1] =	stream.linear.gather [hbm4b:s18+s2], $0x80, $0x38;
	[tilespmem:$0x1F280] =	vst v63  }
0x76: {  	s18 =	sadd.s32 $0x50, s17;
	s19 =	sor.u32 $0x500, s14  }
0x77: {  	[tilespmem:s19], [sflag:$0x1] =	stream.linear.gather [hbm4b:s18+s2], $0x80, $0x38;
	[tilespmem:$0x1F280] =	vst v63  }
0x78: {  	s18 =	sadd.s32 $0x60, s17;
	s19 =	sor.u32 $0x600, s14  }
0x79: {  	[tilespmem:s19], [sflag:$0x1] =	stream.linear.gather [hbm4b:s18+s2], $0x80, $0x38;
	[tilespmem:$0x1F280] =	vst v63  }
0x7a: {  	s17 =	sadd.s32 $0x70, s17;
	s19 =	sor.u32 $0x700, s14  }
0x7b: {  	[tilespmem:s19], [sflag:$0x1] =	stream.linear.gather [hbm4b:s17+s2], $0x80, $0x38;
	[tilespmem:$0x1F280] =	vst v63  }
0x7c: {  	s18 =	sadd.s32 s4, s16;
	s19 =	sor.u32 $0x800, s14  }
0x7d: {  	[tilespmem:s19], [sflag:$0x1] =	stream.linear.gather [hbm4b:s18+s2], $0x80, $0x38;
	[tilespmem:$0x1F280] =	vst v63  }
0x7e: {  	s17 =	sadd.s32 $0x10, s18;
	s19 =	sor.u32 $0x900, s14  }
0x7f: {  	[tilespmem:s19], [sflag:$0x1] =	stream.linear.gather [hbm4b:s17+s2], $0x80, $0x38;
	[tilespmem:$0x1F280] =	vst v63  }
0x80: {  	s17 =	sadd.s32 $0x20, s18;
	s19 =	sor.u32 $0xA00, s14  }
0x81: {  	[tilespmem:s19], [sflag:$0x1] =	stream.linear.gather [hbm4b:s17+s2], $0x80, $0x38;
	[tilespmem:$0x1F280] =	vst v63  }
0x82: {  	s17 =	sadd.s32 $0x30, s18;
	s19 =	sor.u32 $0xB00, s14  }
0x83: {  	[tilespmem:s19], [sflag:$0x1] =	stream.linear.gather [hbm4b:s17+s2], $0x80, $0x38;
	[tilespmem:$0x1F280] =	vst v63  }
0x84: {  	s17 =	sadd.s32 $0x40, s18;
	s19 =	sor.u32 $0xC00, s14  }
0x85: {  	[tilespmem:s19], [sflag:$0x1] =	stream.linear.gather [hbm4b:s17+s2], $0x80, $0x38;
	[tilespmem:$0x1F280] =	vst v63  }
0x86: {  	s17 =	sadd.s32 $0x50, s18;
	s19 =	sor.u32 $0xD00, s14  }
0x87: {  	[tilespmem:s19], [sflag:$0x1] =	stream.linear.gather [hbm4b:s17+s2], $0x80, $0x38;
	[tilespmem:$0x1F280] =	vst v63  }
0x88: {  	s17 =	sadd.s32 $0x60, s18;
	s19 =	sor.u32 $0xE00, s14  }
0x89: {  	[tilespmem:s19], [sflag:$0x1] =	stream.linear.gather [hbm4b:s17+s2], $0x80, $0x38;
	[tilespmem:$0x1F280] =	vst v63  }
0x8a: {  	s18 =	sadd.s32 $0x70, s18;
	s19 =	sor.u32 $0xF00, s14  }
0x8b: {  	[tilespmem:s19], [sflag:$0x1] =	stream.linear.gather [hbm4b:s18+s2], $0x80, $0x38;
	[tilespmem:$0x1F280] =	vst v63  }
0x8c: {  	s16 =	sadd.s32 s5, s16;
	s19 =	sor.u32 $0x1000, s14  }
0x8d: {  	[tilespmem:s19], [sflag:$0x2] =	stream.linear.gather [hbm4b:s16+s2], $0x80, $0x38;
	[tilespmem:$0x1F280] =	vst v63  }
0x8e: {  	s18 =	sadd.s32 $0x10, s16;
	s19 =	sor.u32 $0x1100, s14  }
0x8f: {  	[tilespmem:s19], [sflag:$0x2] =	stream.linear.gather [hbm4b:s18+s2], $0x80, $0x38;
	[tilespmem:$0x1F280] =	vst v63  }
0x90: {  	s18 =	sadd.s32 $0x20, s16;
	s19 =	sor.u32 $0x1200, s14  }
0x91: {  	[tilespmem:s19], [sflag:$0x2] =	stream.linear.gather [hbm4b:s18+s2], $0x80, $0x38;
	[tilespmem:$0x1F280] =	vst v63  }
0x92: {  	s18 =	sadd.s32 $0x30, s16;
	s19 =	sor.u32 $0x1300, s14  }
0x93: {  	[tilespmem:s19], [sflag:$0x2] =	stream.linear.gather [hbm4b:s18+s2], $0x80, $0x38;
	[tilespmem:$0x1F280] =	vst v63  }
0x94: {  	s18 =	sadd.s32 $0x40, s16;
	s19 =	sor.u32 $0x1400, s14  }
0x95: {  	[tilespmem:s19], [sflag:$0x2] =	stream.linear.gather [hbm4b:s18+s2], $0x80, $0x38;
	[tilespmem:$0x1F280] =	vst v63  }
0x96: {  	s18 =	sadd.s32 $0x50, s16;
	s19 =	sor.u32 $0x1500, s14  }
0x97: {  	[tilespmem:s19], [sflag:$0x2] =	stream.linear.gather [hbm4b:s18+s2], $0x80, $0x38;
	[tilespmem:$0x1F280] =	vst v63  }
0x98: {  	s18 =	sadd.s32 $0x60, s16;
	s19 =	sor.u32 $0x1600, s14  }
0x99: {  	[tilespmem:s19], [sflag:$0x2] =	stream.linear.gather [hbm4b:s18+s2], $0x80, $0x38;
	[tilespmem:$0x1F280] =	vst v63  }
0x9a: {  	s16 =	sadd.s32 $0x70, s16;
	s14 =	sor.u32 $0x1700, s14  }
0x9b: {  	[tilespmem:s14], [sflag:$0x2] =	stream.linear.gather [hbm4b:s16+s2], $0x80, $0x38;
	[tilespmem:$0x1F280] =	vst v63  }
.LBB2_7:
0x9c: {  	_ =	swait.ge [sflag:s9], $0x400  }
0x9d: {  	[sflag:s9] =	ssyncset.done $0x0  }
0x9e: {  	[sflag:s9] =	ssyncadd.s32 $0xFFFFFC00  }
0x9f: {  	_ =	swait.ge [sflag:s9], $0x400  }
0xa0: {  	[sflag:s9] =	ssyncset.done $0x0  }
0xa1: {  	[sflag:s9] =	ssyncadd.s32 $0xFFFFFC00  }
0xa2: {  	_ =	swait.ge [sflag:s10], $0x400  }
0xa3: {  	[sflag:s10] =	ssyncset.done $0x0  }
0xa4: {  	s17 =	sadd.s32 $0x40, s15;
	[sflag:s10] =	ssyncadd.s32 $0xFFFFFC00  }
0xa5: {  	s14 =	sadd.s32 $0x840, s15;
	v0 =	vld [tilespmem:s17+$0x30]  }
0xa6: {  	v1 =	vld [tilespmem:s14+$0x30]  }
0xa7: {  	v4 =	vld [tilespmem:s14+$0xFFFFFFC0]  }
0xa8: {  	v9 =	vld [tilespmem:s17+$0xFFFFFFD0]  }
0xa9: {  	v11 =	vld [tilespmem:s14+$0xFFFFFFD0]  }
0xaa: {  	v12 =	vld [tilespmem:s17+$0xFFFFFFE0]  }
0xab: {  	v19 =	vld [tilespmem:s14+$0xFFFFFFF0]  }
0xac: {  	v20 =	vld [tilespmem:s17+$0x0]  }
0xad: {  	v23 =	vld [tilespmem:s17+$0xFFFFFFC0]  }
0xae: {  	v25 =	vld [tilespmem:s14+$0x10];
	v2 =	vshll.u32 v0, $0x2  }
0xaf: {  	v27 =	vld [tilespmem:s17+$0x20];
	v0 =	vand.u32 $0x7F, v0;
	v3 =	vshll.u32 v1, $0x2;
	v10 =	vshll.u32 v4, $0x2  }
0xb0: {  	v13 =	vshll.u32 v9, $0x2;
	v15 =	vshll.u32 v11, $0x2;
	v4 =	vand.u32 $0x7F, v4  }
0xb1: {  	v14 =	vld [tilespmem:s14+$0xFFFFFFE0];
	v16 =	vshll.u32 v12, $0x2;
	v17 =	vand.u32 $0x7F, v9;
	v11 =	vand.u32 $0x7F, v11  }
0xb2: {  	v18 =	vld [tilespmem:s17+$0xFFFFFFF0];
	v58 =	vshll.u32 v23, $0x2;
	v23 =	vand.u32 $0x7F, v23;
	v61 =	vshll.u32 v19, $0x2  }
0xb3: {  	v21 =	vld [tilespmem:s14+$0x0];
	v41 =	vshll.u32 v20, $0x2;
	v42 =	vand.u32 $0x7F, v19;
	v48 =	vand.u32 $0x7F, v25  }
0xb4: {  	s15 =	sadd.s32 $0x1040, s15;
	v22 =	vld [tilespmem:s17+$0x10];
	v25 =	vshll.u32 v25, $0x2;
	v37 =	vshll.u32 v27, $0x2;
	v2 =	vand.u32 $0xFFFFFE00, v2  }
0xb5: {  	v30 =	vld [tilespmem:s15+$0x30];
	v2 =	vor.u32 v0, v2;
	v0 =	vand.u32 $0x7F, v1;
	v1 =	vand.u32 $0xFFFFFE00, v3  }
0xb6: {  	v28 =	vld [tilespmem:s14+$0x20];
	v50 =	vand.u32 $0x7F, v27;
	v10 =	vand.u32 $0xFFFFFE00, v10;
	v3 =	vor.u32 v0, v1  }
0xb7: {  	v9 =	vld [tilespmem:s15+$0xFFFFFFC0];
	v13 =	vand.u32 $0xFFFFFE00, v13;
	v15 =	vand.u32 $0xFFFFFE00, v15;
	v10 =	vor.u32 v4, v10  }
0xb8: {  	v25 =	vand.u32 $0xFFFFFE00, v25;
	v4 =	vand.u32 $0xFFFFFE00, v16;
	v16 =	vor.u32 v17, v13;
	v13 =	vld [tilespmem:s15+$0xFFFFFFF0]  }
0xb9: {  	v40 =	vand.u32 $0xFFFFFE00, v61;
	v15 =	vor.u32 v11, v15;
	v27 =	vor.u32 v48, v25;
	v25 =	vld [tilespmem:s15+$0x10]  }
0xba: {  	v35 =	vand.u32 $0x7F, v20;
	v11 =	vand.u32 $0xFFFFFE00, v58;
	v20 =	vor.u32 v42, v40;
	v0 =	vld.idx.msk [tilespmem:v2+s1+$0x0], $0xffff  }
0xbb: {  	v32 =	vshll.u32 v18, $0x2;
	v12 =	vand.u32 $0x7F, v12;
	v23 =	vor.u32 v23, v11;
	v1 =	vld.idx.msk [tilespmem:v3+s7+$0x0], $0xffff  }
0xbc: {  	v60 =	vand.u32 $0xFFFFFE00, v32;
	v17 =	vor.u32 v12, v4;
	v12 =	vand.u32 $0x7F, v18;
	v33 =	vld.idx.msk [tilespmem:v10+s7+$0x0], $0xffff  }
0xbd: {  	v19 =	vor.u32 v12, v60;
	v34 =	vld.idx.msk [tilespmem:v16+s1+$0x0], $0xffff  }
0xbe: {  	v12 =	vld.idx.msk [tilespmem:v15+s7+$0x0], $0xffff  }
0xbf: {  	v40 =	vld.idx.msk [tilespmem:v20+s7+$0x0], $0xffff  }
0xc0: {  	v24 =	vmul.f32 v30, v5;
	v46 =	vld.idx.msk [tilespmem:v23+s1+$0x0], $0xffff;
	v57 =	vadd.f32 v1, v0  }
0xc1: {  	v26 =	vor.u32 $0x80, v2;
	v47 =	vld.idx.msk [tilespmem:v17+s1+$0x0], $0xffff  }
0xc2: {  	v31 =	vor.u32 $0x80, v3;
	v38 =	vld.idx.msk [tilespmem:v19+s1+$0x0], $0xffff;
	v24 =	vadd.f32 v57, v24  }
0xc3: {  	v1 =	vshll.u32 v14, $0x2;
	v0 =	vld [tilespmem:s15+$0xFFFFFFD0]  }
0xc4: {  	v14 =	vand.u32 $0x7F, v14;
	v29 =	vand.u32 $0xFFFFFE00, v1;
	v1 =	vld [tilespmem:s15+$0xFFFFFFE0];
	v59 =	vmax.f32 v24, $0.0e+00  }
0xc5: {  	v45 =	vand.u32 $0x7F, v21;
	v32 =	vand.u32 $0xFFFFFE00, v41;
	v18 =	vor.u32 v14, v29;
	[tilespmem:v3+s11+$0x0] =	vst.idx.add.f32.msk $0xffff, v59  }
0xc6: {  	v37 =	vand.u32 $0xFFFFFE00, v37;
	v14 =	vshll.u32 v21, $0x2;
	v21 =	vor.u32 v35, v32;
	v62 =	vld.idx.msk [tilespmem:v26+s1+$0x0], $0xffff  }
0xc7: {  	v41 =	vshll.u32 v28, $0x2;
	v29 =	vor.u32 v50, v37;
	v43 =	vand.u32 $0xFFFFFE00, v14;
	v4 =	vld.idx.msk [tilespmem:v31+s7+$0x0], $0xffff  }
0xc8: {  	v28 =	vand.u32 $0x7F, v28;
	v51 =	vand.u32 $0xFFFFFE00, v41;
	v57 =	vld.idx.msk [tilespmem:v27+s7+$0x0], $0xffff;
	v24 =	vor.u32 v45, v43  }
0xc9: {  	v44 =	vshll.u32 v22, $0x2;
	v22 =	vand.u32 $0x7F, v22;
	v28 =	vor.u32 v28, v51;
	v14 =	vld [tilespmem:s15+$0x0]  }
0xca: {  	v52 =	vmul.f32 v9, v5;
	v32 =	vadd.f32 v33, v46;
	v26 =	vand.u32 $0xFFFFFE00, v44;
	v36 =	vld.idx.msk [tilespmem:v18+s7+$0x0], $0xffff  }
0xcb: {  	v26 =	vor.u32 v22, v26;
	v42 =	vld.idx.msk [tilespmem:v21+s1+$0x0], $0xffff  }
0xcc: {  	v49 =	vmul.f32 v30, v56;
	v22 =	vadd.f32 v32, v52;
	v59 =	vld.idx.msk [tilespmem:v29+s1+$0x0], $0xffff;
	v4 =	vadd.f32 v4, v62  }
0xcd: {  	v39 =	vor.u32 $0x100, v2;
	v43 =	vld.idx.msk [tilespmem:v24+s7+$0x0], $0xffff  }
0xce: {  	v11 =	vor.u32 $0x100, v3;
	v44 =	vmax.f32 v22, $0.0e+00;
	v22 =	vld [tilespmem:s15+$0x20];
	v4 =	vadd.f32 v4, v49  }
0xcf: {  	v12 =	vadd.f32 v12, v34;
	v53 =	vmul.f32 v0, v5;
	v62 =	vld.idx.msk [tilespmem:v28+s7+$0x0], $0xffff  }
0xd0: {  	v60 =	vmul.f32 v13, v5;
	v38 =	vadd.f32 v40, v38;
	v54 =	vld.idx.msk [tilespmem:v26+s1+$0x0], $0xffff;
	v4 =	vmax.f32 v4, $0.0e+00  }
0xd1: {  	v12 =	vadd.f32 v12, v53;
	[tilespmem:v31+s11+$0x0] =	vst.idx.add.f32.msk $0xffff, v4  }
0xd2: {  	v46 =	vadd.f32 v38, v60;
	v52 =	vor.u32 $0x80, v16;
	v4 =	vld.idx.msk [tilespmem:v39+s1+$0x0], $0xffff  }
0xd3: {  	v58 =	vmul.f32 v1, v5;
	v12 =	vmax.f32 v12, $0.0e+00;
	v35 =	vadd.f32 v36, v47;
	v31 =	vld.idx.msk [tilespmem:v11+s7+$0x0], $0xffff  }
0xd4: {  	[tilespmem:v15+s11+$0x0] =	vst.idx.add.f32.msk $0xffff, v12;
	v12 =	vmax.f32 v46, $0.0e+00;
	v49 =	vmul.f32 v22, v5;
	v32 =	vadd.f32 v62, v59  }
0xd5: {  	[tilespmem:v10+s11+$0x0] =	vst.idx.add.f32.msk $0xffff, v44;
	v35 =	vadd.f32 v35, v58;
	v33 =	vadd.f32 v57, v54;
	v54 =	vor.u32 $0x80, v17  }
0xd6: {  	[tilespmem:v20+s11+$0x0] =	vst.idx.add.f32.msk $0xffff, v12;
	v57 =	vor.u32 $0x80, v19;
	v32 =	vadd.f32 v32, v49  }
0xd7: {  	v61 =	vmul.f32 v14, v5;
	v34 =	vld.idx.msk [tilespmem:v52+s1+$0x0], $0xffff;
	v47 =	vadd.f32 v43, v42;
	v35 =	vmax.f32 v35, $0.0e+00  }
0xd8: {  	v45 =	vmul.f32 v30, v63;
	[tilespmem:v18+s11+$0x0] =	vst.idx.add.f32.msk $0xffff, v35;
	v53 =	vmax.f32 v32, $0.0e+00;
	v4 =	vadd.f32 v31, v4  }
0xd9: {  	v2 =	vor.u32 $0x180, v2;
	v48 =	vadd.f32 v47, v61;
	[tilespmem:v28+s11+$0x0] =	vst.idx.add.f32.msk $0xffff, v53  }
0xda: {  	v3 =	vor.u32 $0x180, v3;
	v32 =	vld.idx.msk [tilespmem:v54+s1+$0x0], $0xffff;
	v4 =	vadd.f32 v4, v45  }
0xdb: {  	v12 =	vmul.f32 v25, v5;
	v31 =	vmax.f32 v48, $0.0e+00;
	v35 =	vld.idx.msk [tilespmem:v57+s1+$0x0], $0xffff  }
0xdc: {  	[tilespmem:v24+s11+$0x0] =	vst.idx.add.f32.msk $0xffff, v31;
	v31 =	vor.u32 $0x80, v15;
	v4 =	vmax.f32 v4, $0.0e+00  }
0xdd: {  	v50 =	vadd.f32 v33, v12;
	v12 =	vor.u32 $0x80, v10;
	[tilespmem:v11+s11+$0x0] =	vst.idx.add.f32.msk $0xffff, v4  }
0xde: {  	v4 =	vor.u32 $0x80, v23;
	v2 =	vld.idx.msk [tilespmem:v2+s1+$0x0], $0xffff  }
0xdf: {  	v43 =	vor.u32 $0x80, v28;
	v11 =	vmax.f32 v50, $0.0e+00;
	v51 =	vld.idx.msk [tilespmem:v3+s7+$0x0], $0xffff  }
0xe0: {  	v60 =	vor.u32 $0x80, v21;
	[tilespmem:v27+s11+$0x0] =	vst.idx.add.f32.msk $0xffff, v11  }
0xe1: {  	v11 =	vor.u32 $0x80, v18;
	v59 =	vld.idx.msk [tilespmem:v31+s7+$0x0], $0xffff  }
0xe2: {  	v62 =	vor.u32 $0x80, v26;
	v58 =	vld.idx.msk [tilespmem:v12+s7+$0x0], $0xffff  }
0xe3: {  	v41 =	vor.u32 $0x80, v27;
	v4 =	vld.idx.msk [tilespmem:v4+s1+$0x0], $0xffff  }
0xe4: {  	v30 =	vmul.f32 v30, v55;
	v54 =	vld.idx.msk [tilespmem:v43+s7+$0x0], $0xffff;
	v2 =	vadd.f32 v51, v2  }
0xe5: {  	v33 =	vor.u32 $0x80, v20;
	v46 =	vld.idx.msk [tilespmem:v60+s1+$0x0], $0xffff  }
0xe6: {  	v47 =	vmul.f32 v0, v56;
	v61 =	vld.idx.msk [tilespmem:v11+s7+$0x0], $0xffff;
	v34 =	vadd.f32 v59, v34;
	v2 =	vadd.f32 v2, v30  }
0xe7: {  	v45 =	vmul.f32 v9, v56;
	v50 =	vld.idx.msk [tilespmem:v62+s1+$0x0], $0xffff;
	v30 =	vor.u32 $0x80, v24  }
0xe8: {  	v51 =	vld.idx.msk [tilespmem:v41+s7+$0x0], $0xffff;
	v34 =	vadd.f32 v34, v47;
	v2 =	vmax.f32 v2, $0.0e+00;
	v4 =	vadd.f32 v58, v4  }
0xe9: {  	v58 =	vor.u32 $0x100, v16;
	[tilespmem:v3+s11+$0x0] =	vst.idx.add.f32.msk $0xffff, v2  }
0xea: {  	v34 =	vmax.f32 v34, $0.0e+00;
	v2 =	vor.u32 $0x80, v29;
	v3 =	vld.idx.msk [tilespmem:v33+s7+$0x0], $0xffff;
	v4 =	vadd.f32 v4, v45  }
0xeb: {  	v49 =	vmul.f32 v1, v56;
	v32 =	vadd.f32 v61, v32;
	[tilespmem:v31+s11+$0x0] =	vst.idx.add.f32.msk $0xffff, v34  }
0xec: {  	v52 =	vor.u32 $0x100, v23;
	v48 =	vld.idx.msk [tilespmem:v30+s7+$0x0], $0xffff;
	v4 =	vmax.f32 v4, $0.0e+00  }
0xed: {  	v60 =	vor.u32 $0x100, v17;
	v32 =	vadd.f32 v32, v49;
	[tilespmem:v12+s11+$0x0] =	vst.idx.add.f32.msk $0xffff, v4  }
0xee: {  	v38 =	vadd.f32 v51, v50;
	v49 =	vmul.f32 v25, v56;
	v45 =	vld.idx.msk [tilespmem:v58+s1+$0x0], $0xffff  }
0xef: {  	v53 =	vmul.f32 v13, v56;
	v4 =	vor.u32 $0x100, v10;
	v32 =	vmax.f32 v32, $0.0e+00;
	v2 =	vld.idx.msk [tilespmem:v2+s1+$0x0], $0xffff  }
0xf0: {  	v38 =	vadd.f32 v38, v49;
	v3 =	vadd.f32 v3, v35;
	[tilespmem:v11+s11+$0x0] =	vst.idx.add.f32.msk $0xffff, v32  }
0xf1: {  	v12 =	vmul.f32 v14, v56;
	v59 =	vld.idx.msk [tilespmem:v52+s1+$0x0], $0xffff;
	v57 =	vadd.f32 v48, v46  }
0xf2: {  	v11 =	vor.u32 $0x100, v15;
	v31 =	vld.idx.msk [tilespmem:v60+s1+$0x0], $0xffff;
	v38 =	vmax.f32 v38, $0.0e+00;
	v3 =	vadd.f32 v3, v53  }
0xf3: {  	v62 =	vor.u32 $0x100, v19;
	[tilespmem:v41+s11+$0x0] =	vst.idx.add.f32.msk $0xffff, v38;
	v12 =	vadd.f32 v57, v12  }
0xf4: {  	v46 =	vor.u32 $0x100, v21;
	v3 =	vmax.f32 v3, $0.0e+00;
	v61 =	vld.idx.msk [tilespmem:v4+s7+$0x0], $0xffff  }
0xf5: {  	[tilespmem:v33+s11+$0x0] =	vst.idx.add.f32.msk $0xffff, v3;
	v3 =	vor.u32 $0x100, v18;
	v12 =	vmax.f32 v12, $0.0e+00  }
0xf6: {  	[tilespmem:v30+s11+$0x0] =	vst.idx.add.f32.msk $0xffff, v12;
	v12 =	vor.u32 $0x100, v20  }
0xf7: {  	v48 =	vor.u32 $0x100, v24;
	v47 =	vld.idx.msk [tilespmem:v11+s7+$0x0], $0xffff  }
0xf8: {  	v51 =	vmul.f32 v22, v56;
	v2 =	vadd.f32 v54, v2;
	v36 =	vld.idx.msk [tilespmem:v62+s1+$0x0], $0xffff  }
0xf9: {  	v58 =	vor.u32 $0x100, v27;
	v34 =	vld.idx.msk [tilespmem:v46+s1+$0x0], $0xffff  }
0xfa: {  	v52 =	vmul.f32 v9, v63;
	v2 =	vadd.f32 v2, v51;
	v32 =	vadd.f32 v61, v59;
	v50 =	vld.idx.msk [tilespmem:v3+s7+$0x0], $0xffff  }
0xfb: {  	v54 =	vor.u32 $0x100, v26;
	v53 =	vld.idx.msk [tilespmem:v12+s7+$0x0], $0xffff  }
0xfc: {  	v42 =	vor.u32 $0x100, v28;
	v57 =	vld.idx.msk [tilespmem:v48+s7+$0x0], $0xffff;
	v2 =	vmax.f32 v2, $0.0e+00;
	v32 =	vadd.f32 v32, v52  }
0xfd: {  	v59 =	vmul.f32 v0, v63;
	[tilespmem:v43+s11+$0x0] =	vst.idx.add.f32.msk $0xffff, v2;
	v2 =	vadd.f32 v47, v45  }
0xfe: {  	v15 =	vor.u32 $0x180, v15;
	v60 =	vmul.f32 v1, v63;
	v41 =	vld.idx.msk [tilespmem:v58+s7+$0x0], $0xffff;
	v32 =	vmax.f32 v32, $0.0e+00  }
0xff: {  	v2 =	vadd.f32 v2, v59;
	[tilespmem:v4+s11+$0x0] =	vst.idx.add.f32.msk $0xffff, v32;
	v4 =	vadd.f32 v50, v31  }
0x100: {  	v17 =	vor.u32 $0x180, v17;
	v62 =	vmul.f32 v13, v63;
	v37 =	vld.idx.msk [tilespmem:v54+s1+$0x0], $0xffff;
	v61 =	vadd.f32 v53, v36  }
0x101: {  	v45 =	vld.idx.msk [tilespmem:v42+s7+$0x0], $0xffff;
	v34 =	vadd.f32 v57, v34;
	v2 =	vmax.f32 v2, $0.0e+00;
	v4 =	vadd.f32 v4, v60  }
0x102: {  	[tilespmem:v11+s11+$0x0] =	vst.idx.add.f32.msk $0xffff, v2;
	v36 =	vmul.f32 v14, v63;
	v30 =	vadd.f32 v61, v62  }
0x103: {  	v39 =	vor.u32 $0x100, v29;
	v49 =	vld.idx.msk [tilespmem:v15+s7+$0x0], $0xffff;
	v4 =	vmax.f32 v4, $0.0e+00  }
0x104: {  	v2 =	vadd.f32 v34, v36;
	[tilespmem:v3+s11+$0x0] =	vst.idx.add.f32.msk $0xffff, v4;
	v3 =	vor.u32 $0x180, v23;
	v4 =	vmax.f32 v30, $0.0e+00  }
0x105: {  	[tilespmem:v12+s11+$0x0] =	vst.idx.add.f32.msk $0xffff, v4;
	v4 =	vor.u32 $0x180, v10  }
0x106: {  	v46 =	vor.u32 $0x180, v18;
	v2 =	vmax.f32 v2, $0.0e+00;
	v17 =	vld.idx.msk [tilespmem:v17+s1+$0x0], $0xffff  }
0x107: {  	v19 =	vor.u32 $0x180, v19;
	[tilespmem:v48+s11+$0x0] =	vst.idx.add.f32.msk $0xffff, v2  }
0x108: {  	v20 =	vor.u32 $0x180, v20;
	v12 =	vld.idx.msk [tilespmem:v39+s1+$0x0], $0xffff  }
0x109: {  	v2 =	vor.u32 $0x180, v16;
	v3 =	vld.idx.msk [tilespmem:v3+s1+$0x0], $0xffff  }
0x10a: {  	v24 =	vor.u32 $0x180, v24;
	v47 =	vld.idx.msk [tilespmem:v4+s7+$0x0], $0xffff  }
0x10b: {  	v43 =	vmul.f32 v25, v63;
	v44 =	vadd.f32 v41, v37;
	v51 =	vld.idx.msk [tilespmem:v46+s7+$0x0], $0xffff  }
0x10c: {  	v48 =	vor.u32 $0x180, v21;
	v52 =	vld.idx.msk [tilespmem:v19+s1+$0x0], $0xffff  }
0x10d: {  	v50 =	vmul.f32 v22, v63;
	v10 =	vadd.f32 v44, v43;
	v54 =	vld.idx.msk [tilespmem:v20+s7+$0x0], $0xffff;
	v12 =	vadd.f32 v45, v12  }
0x10e: {  	v6 =	vor.u32 $0x180, v27;
	v9 =	vmul.f32 v9, v55;
	v2 =	vld.idx.msk [tilespmem:v2+s1+$0x0], $0xffff  }
0x10f: {  	v59 =	vld.idx.msk [tilespmem:v24+s7+$0x0], $0xffff;
	v10 =	vmax.f32 v10, $0.0e+00;
	v12 =	vadd.f32 v12, v50;
	v3 =	vadd.f32 v47, v3  }
0x110: {  	v53 =	vor.u32 $0x180, v26;
	[tilespmem:v58+s11+$0x0] =	vst.idx.add.f32.msk $0xffff, v10  }
0x111: {  	v58 =	vor.u32 $0x180, v29;
	v57 =	vld.idx.msk [tilespmem:v48+s1+$0x0], $0xffff;
	v12 =	vmax.f32 v12, $0.0e+00;
	v3 =	vadd.f32 v3, v9  }
0x112: {  	v7 =	vor.u32 $0x180, v28;
	[tilespmem:v42+s11+$0x0] =	vst.idx.add.f32.msk $0xffff, v12  }
0x113: {  	v0 =	vmul.f32 v0, v55;
	v2 =	vadd.f32 v49, v2;
	v12 =	vld.idx.msk [tilespmem:v6+s7+$0x0], $0xffff;
	v3 =	vmax.f32 v3, $0.0e+00  }
0x114: {  	v1 =	vmul.f32 v1, v55;
	[tilespmem:v4+s11+$0x0] =	vst.idx.add.f32.msk $0xffff, v3;
	v3 =	vadd.f32 v51, v17  }
0x115: {  	v60 =	vadd.f32 v54, v52;
	v0 =	vadd.f32 v2, v0;
	v2 =	vmul.f32 v13, v55;
	v4 =	vld.idx.msk [tilespmem:v53+s1+$0x0], $0xffff  }
0x116: {  	v61 =	vmul.f32 v14, v55;
	v10 =	vld.idx.msk [tilespmem:v58+s1+$0x0], $0xffff;
	v1 =	vadd.f32 v3, v1  }
0x117: {  	v62 =	vld.idx.msk [tilespmem:v7+s7+$0x0], $0xffff;
	v0 =	vmax.f32 v0, $0.0e+00;
	v2 =	vadd.f32 v60, v2;
	v3 =	vadd.f32 v59, v57  }
0x118: {  	[tilespmem:v15+s11+$0x0] =	vst.idx.add.f32.msk $0xffff, v0;
	v1 =	vmax.f32 v1, $0.0e+00  }
0x119: {  	v0 =	vadd.f32 v3, v61;
	[tilespmem:v46+s11+$0x0] =	vst.idx.add.f32.msk $0xffff, v1;
	v1 =	vmax.f32 v2, $0.0e+00  }
0x11a: {  	v2 =	vmul.f32 v25, v55;
	[tilespmem:v20+s11+$0x0] =	vst.idx.add.f32.msk $0xffff, v1;
	v1 =	vadd.f32 v12, v4  }
0x11b: {  	v14 =	vmul.f32 v22, v55;
	v0 =	vmax.f32 v0, $0.0e+00  }
0x11c: {  	s16 =	simm.s32 $0x0;
	s17 =	sadd.s32 $0x100, s17;
	[tilespmem:v24+s11+$0x0] =	vst.idx.add.f32.msk $0xffff, v0;
	v0 =	vadd.f32 v1, v2;
	v1 =	vadd.f32 v62, v10  }
.LBB2_8:
0x11d: {  	v2 =	vld [tilespmem:s17+$0x30]  }
0x11e: {  	v9 =	vld [tilespmem:s17+$0xFFFFFFE0]  }
0x11f: {  	v33 =	vld [tilespmem:s17+$0x20]  }
0x120: {  	v0 =	vmax.f32 v0, $0.0e+00;
	s14 =	sadd.s32 $0x100, s14;
	v38 =	vld [tilespmem:s17+$0xFFFFFFC0]  }
0x121: {  	[tilespmem:$0x1FF70] =	vst v0;
	v0 =	vadd.f32 v1, v14;
	v1 =	vld [tilespmem:s14+$0x30]  }
0x122: {  	v3 =	vld [tilespmem:s14+$0xFFFFFFC0]  }
0x123: {  	v4 =	vld [tilespmem:s14+$0xFFFFFFD0];
	v0 =	vmax.f32 v0, $0.0e+00  }
0x124: {  	v11 =	vld [tilespmem:s14+$0xFFFFFFE0];
	v10 =	vshll.u32 v2, $0x2;
	v2 =	vand.u32 $0x7F, v2;
	v13 =	vshll.u32 v9, $0x2  }
0x125: {  	v14 =	vld [tilespmem:s17+$0xFFFFFFF0];
	v9 =	vand.u32 $0x7F, v9;
	v53 =	vshll.u32 v33, $0x2;
	v57 =	vshll.u32 v38, $0x2  }
0x126: {  	v15 =	vld [tilespmem:s14+$0xFFFFFFF0];
	v38 =	vand.u32 $0x7F, v38;
	v41 =	vand.u32 $0x7F, v33;
	v10 =	vand.u32 $0xFFFFFE00, v10  }
0x127: {  	[tilespmem:$0x1FF90] =	vst v0;
	v0 =	vld [tilespmem:s17+$0xFFFFFFD0];
	v12 =	vshll.u32 v1, $0x2;
	v1 =	vand.u32 $0x7F, v1;
	v50 =	vshll.u32 v3, $0x2  }
0x128: {  	v16 =	vld [tilespmem:s14+$0x0];
	v51 =	vshll.u32 v4, $0x2;
	v3 =	vand.u32 $0x7F, v3;
	v20 =	vand.u32 $0xFFFFFE00, v13  }
0x129: {  	v17 =	vld [tilespmem:s17+$0x10];
	v13 =	vshll.u32 v11, $0x2;
	v18 =	vor.u32 v2, v10;
	v2 =	vand.u32 $0xFFFFFE00, v12  }
0x12a: {  	v31 =	vld [tilespmem:s14+$0x10];
	v22 =	vand.u32 $0xFFFFFE00, v13;
	v13 =	vshll.u32 v14, $0x2;
	v19 =	vor.u32 v1, v2  }
0x12b: {  	s15 =	sadd.s32 $0x100, s15;
	v37 =	vld [tilespmem:s14+$0x20];
	v4 =	vand.u32 $0x7F, v4;
	v24 =	vand.u32 $0xFFFFFE00, v13;
	v13 =	vshll.u32 v15, $0x2  }
0x12c: {  	v29 =	vand.u32 $0x7F, v14;
	v12 =	vshll.u32 v0, $0x2;
	v28 =	vand.u32 $0xFFFFFE00, v13;
	v13 =	vld [tilespmem:s15+$0x30]  }
0x12d: {  	v32 =	vand.u32 $0x7F, v15;
	v35 =	vand.u32 $0x7F, v16;
	v2 =	vand.u32 $0xFFFFFE00, v12;
	v12 =	vld [tilespmem:s17+$0x0]  }
0x12e: {  	v10 =	vand.u32 $0xFFFFFE00, v51;
	v14 =	vshll.u32 v16, $0x2;
	v45 =	vor.u32 v9, v20;
	v23 =	vld.idx.msk [tilespmem:v18+s1+$0x0], $0xffff  }
0x12f: {  	v1 =	vand.u32 $0xFFFFFE00, v50;
	v34 =	vand.u32 $0xFFFFFE00, v14;
	v14 =	vshll.u32 v17, $0x2;
	v26 =	vld.idx.msk [tilespmem:v19+s7+$0x0], $0xffff  }
0x130: {  	[tilespmem:$0x1FFA0] =	vst v7;
	v7 =	vld [tilespmem:s15+$0x20];
	v25 =	vor.u32 v4, v10;
	v4 =	vshll.u32 v31, $0x2;
	v27 =	vor.u32 v3, v1  }
0x131: {  	v16 =	vld [tilespmem:s15+$0xFFFFFFE0];
	v3 =	vand.u32 $0x7F, v31;
	v31 =	vand.u32 $0xFFFFFE00, v57;
	v33 =	vor.u32 v29, v24  }
0x132: {  	v15 =	vld [tilespmem:s15+$0xFFFFFFD0];
	v0 =	vand.u32 $0x7F, v0;
	v49 =	vor.u32 v38, v31;
	v21 =	vshll.u32 v12, $0x2  }
0x133: {  	v36 =	vand.u32 $0xFFFFFE00, v14;
	v14 =	vld [tilespmem:s15+$0xFFFFFFC0];
	v39 =	vor.u32 v32, v28;
	v30 =	vand.u32 $0xFFFFFE00, v21  }
0x134: {  	v51 =	vld.idx.msk [tilespmem:v45+s1+$0x0], $0xffff;
	v21 =	vor.u32 v0, v2;
	v2 =	vmul.f32 v13, v5;
	v1 =	vadd.f32 v26, v23  }
0x135: {  	v52 =	vor.u32 $0x80, v18;
	v4 =	vand.u32 $0xFFFFFE00, v4;
	v48 =	vld.idx.msk [tilespmem:v27+s7+$0x0], $0xffff  }
0x136: {  	v43 =	vor.u32 v35, v34;
	v35 =	vld.idx.msk [tilespmem:v33+s1+$0x0], $0xffff;
	v1 =	vadd.f32 v1, v2;
	v2 =	vor.u32 $0x80, v19  }
0x137: {  	v40 =	vor.u32 v3, v4;
	v4 =	vld.idx.msk [tilespmem:v49+s1+$0x0], $0xffff  }
0x138: {  	v60 =	vld.idx.msk [tilespmem:v39+s7+$0x0], $0xffff;
	v1 =	vmax.f32 v1, $0.0e+00  }
0x139: {  	v11 =	vand.u32 $0x7F, v11;
	[tilespmem:v19+s11+$0x0] =	vst.idx.add.f32.msk $0xffff, v1  }
0x13a: {  	v47 =	vor.u32 v11, v22;
	v58 =	vld.idx.msk [tilespmem:v52+s1+$0x0], $0xffff  }
0x13b: {  	v12 =	vand.u32 $0x7F, v12;
	v0 =	vand.u32 $0x7F, v17;
	v59 =	vld.idx.msk [tilespmem:v2+s7+$0x0], $0xffff  }
0x13c: {  	v46 =	vor.u32 v12, v30;
	v44 =	vor.u32 v0, v36;
	v0 =	vld.idx.msk [tilespmem:v25+s7+$0x0], $0xffff  }
0x13d: {  	[tilespmem:$0x1FF80] =	vst v6;
	v23 =	vand.u32 $0xFFFFFE00, v53;
	v6 =	vor.u32 $0x80, v46;
	v22 =	vld.idx.msk [tilespmem:v21+s1+$0x0], $0xffff  }
0x13e: {  	v17 =	vld [tilespmem:s15+$0xFFFFFFF0];
	v41 =	vor.u32 v41, v23;
	[tilespmem:$0x1FED0] =	vst v6;
	v6 =	vor.u32 $0x80, v44  }
0x13f: {  	v54 =	vshll.u32 v37, $0x2;
	v53 =	vld.idx.msk [tilespmem:v47+s7+$0x0], $0xffff;
	[tilespmem:$0x1FEE0] =	vst v6;
	v6 =	vor.u32 $0x80, v41  }
0x140: {  	v26 =	vand.u32 $0xFFFFFE00, v54;
	v54 =	vmul.f32 v13, v56;
	[tilespmem:$0x1FEF0] =	vst v6;
	v6 =	vld [tilespmem:s15+$0x10];
	v9 =	vadd.f32 v59, v58  }
0x141: {  	v10 =	vor.u32 $0x100, v19;
	v3 =	vmul.f32 v15, v5;
	v61 =	vld.idx.msk [tilespmem:v46+s1+$0x0], $0xffff;
	v59 =	vor.u32 $0x100, v18  }
0x142: {  	v32 =	vld.idx.msk [tilespmem:v44+s1+$0x0], $0xffff;
	v1 =	vand.u32 $0x7F, v37;
	v0 =	vadd.f32 v0, v22;
	v9 =	vadd.f32 v9, v54  }
0x143: {  	v4 =	vadd.f32 v48, v4;
	v37 =	vld [tilespmem:s15+$0x0];
	v42 =	vor.u32 v1, v26;
	v1 =	vmul.f32 v14, v5  }
0x144: {  	v0 =	vadd.f32 v0, v3;
	v3 =	vld.idx.msk [tilespmem:v43+s7+$0x0], $0xffff;
	v9 =	vmax.f32 v9, $0.0e+00  }
0x145: {  	v1 =	vadd.f32 v4, v1;
	v4 =	vor.u32 $0x100, v49;
	[tilespmem:v2+s11+$0x0] =	vst.idx.add.f32.msk $0xffff, v9  }
0x146: {  	v62 =	vor.u32 $0x80, v45;
	[tilespmem:$0x1FF10] =	vst v4;
	v4 =	vmul.f32 v17, v56;
	v9 =	vld.idx.msk [tilespmem:v59+s1+$0x0], $0xffff  }
0x147: {  	v20 =	vor.u32 $0x80, v27;
	v28 =	vmul.f32 v17, v5;
	v22 =	vadd.f32 v60, v35;
	v31 =	vld.idx.msk [tilespmem:v10+s7+$0x0], $0xffff  }
0x148: {  	v57 =	vor.u32 $0x80, v33;
	v12 =	vmul.f32 v16, v5;
	v35 =	vld.idx.msk [tilespmem:v40+s7+$0x0], $0xffff;
	v1 =	vmax.f32 v1, $0.0e+00;
	[tilespmem:$0x1FF00] =	vst v4  }
0x149: {  	v11 =	vadd.f32 v22, v28;
	[tilespmem:v27+s11+$0x0] =	vst.idx.add.f32.msk $0xffff, v1;
	v0 =	vmax.f32 v0, $0.0e+00;
	v2 =	vadd.f32 v53, v51  }
0x14a: {  	v50 =	vor.u32 $0x80, v21;
	[tilespmem:v25+s11+$0x0] =	vst.idx.add.f32.msk $0xffff, v0;
	v36 =	vadd.f32 v3, v61;
	v3 =	vor.u32 $0x100, v21  }
0x14b: {  	v52 =	vor.u32 $0x80, v49;
	v60 =	vld.idx.msk [tilespmem:v42+s7+$0x0], $0xffff;
	v61 =	vmax.f32 v11, $0.0e+00;
	[tilespmem:$0x1FF20] =	vst v3;
	v2 =	vadd.f32 v2, v12  }
0x14c: {  	v3 =	vor.u32 $0x100, v45;
	[tilespmem:v39+s11+$0x0] =	vst.idx.add.f32.msk $0xffff, v61;
	v59 =	vmul.f32 v13, v63;
	v9 =	vadd.f32 v31, v9  }
0x14d: {  	v29 =	vor.u32 $0x80, v43;
	v58 =	vld.idx.msk [tilespmem:v41+s1+$0x0], $0xffff;
	v18 =	vor.u32 $0x180, v18;
	[tilespmem:$0x1FF30] =	vst v3;
	v2 =	vmax.f32 v2, $0.0e+00  }
0x14e: {  	v4 =	vor.u32 $0x180, v19;
	[tilespmem:v47+s11+$0x0] =	vst.idx.add.f32.msk $0xffff, v2;
	v2 =	vor.u32 $0x100, v33;
	v1 =	vadd.f32 v9, v59  }
0x14f: {  	v24 =	vor.u32 $0x80, v39;
	v23 =	vor.u32 $0x80, v25;
	v50 =	vld.idx.msk [tilespmem:v50+s1+$0x0], $0xffff;
	[tilespmem:$0x1FF40] =	vst v2;
	v2 =	vor.u32 $0x100, v46  }
0x150: {  	v26 =	vor.u32 $0x80, v47;
	v38 =	vmul.f32 v37, v5;
	v3 =	vld.idx.msk [tilespmem:v52+s1+$0x0], $0xffff;
	[tilespmem:$0x1FF50] =	vst v2;
	v1 =	vmax.f32 v1, $0.0e+00  }
0x151: {  	v34 =	vor.u32 $0x80, v42;
	v0 =	vadd.f32 v35, v32;
	v2 =	vmul.f32 v6, v5;
	[tilespmem:v10+s11+$0x0] =	vst.idx.add.f32.msk $0xffff, v1  }
0x152: {  	v22 =	vor.u32 $0x100, v27;
	v28 =	vor.u32 $0x100, v25;
	v32 =	vor.u32 $0x100, v39;
	v1 =	vld.idx.msk [tilespmem:v18+s1+$0x0], $0xffff  }
0x153: {  	v35 =	vor.u32 $0x100, v43;
	v11 =	vmul.f32 v7, v5;
	v0 =	vadd.f32 v0, v2;
	v19 =	vld.idx.msk [tilespmem:v4+s7+$0x0], $0xffff  }
0x154: {  	v51 =	vmul.f32 v14, v56;
	v53 =	vmul.f32 v15, v56;
	v36 =	vadd.f32 v36, v38;
	v2 =	vld.idx.msk [tilespmem:v20+s7+$0x0], $0xffff  }
0x155: {  	v48 =	vadd.f32 v60, v58;
	v58 =	vmul.f32 v6, v56;
	v57 =	vld.idx.msk [tilespmem:v57+s1+$0x0], $0xffff;
	v0 =	vmax.f32 v0, $0.0e+00  }
0x156: {  	v60 =	vor.u32 $0x100, v44;
	v8 =	vmax.f32 v36, $0.0e+00;
	[tilespmem:v40+s11+$0x0] =	vst.idx.add.f32.msk $0xffff, v0;
	v0 =	vmul.f32 v7, v63  }
0x157: {  	v12 =	vmul.f32 v16, v56;
	[tilespmem:v43+s11+$0x0] =	vst.idx.add.f32.msk $0xffff, v8;
	v9 =	vadd.f32 v48, v11;
	v18 =	vor.u32 $0x180, v27  }
0x158: {  	v27 =	vor.u32 $0x180, v25;
	[tilespmem:$0x1FF60] =	vst v0;
	v0 =	vld.idx.msk [tilespmem:v26+s7+$0x0], $0xffff;
	v25 =	vadd.f32 v19, v1;
	v1 =	vmul.f32 v13, v55  }
0x159: {  	v8 =	vmax.f32 v9, $0.0e+00;
	v2 =	vadd.f32 v2, v3;
	v13 =	vld.idx.msk [tilespmem:v23+s7+$0x0], $0xffff;
	v19 =	vor.u32 $0x180, v39  }
0x15a: {  	v39 =	vld.idx.msk [tilespmem:v62+s1+$0x0], $0xffff;
	v62 =	vor.u32 $0x180, v43;
	v43 =	vor.u32 $0x180, v44;
	v44 =	vadd.f32 v25, v1  }
0x15b: {  	v38 =	vor.u32 $0x100, v42;
	v10 =	vmul.f32 v14, v63;
	[tilespmem:v42+s11+$0x0] =	vst.idx.add.f32.msk $0xffff, v8;
	v2 =	vadd.f32 v2, v51  }
0x15c: {  	v3 =	vld.idx.msk [tilespmem:v24+s7+$0x0], $0xffff;
	v25 =	vor.u32 $0x180, v42;
	v42 =	vmul.f32 v14, v55;
	v14 =	vmax.f32 v44, $0.0e+00  }
0x15d: {  	v59 =	vor.u32 $0x100, v41;
	v11 =	vmul.f32 v15, v63;
	v8 =	vmul.f32 v6, v63;
	[tilespmem:v4+s11+$0x0] =	vst.idx.add.f32.msk $0xffff, v14  }
0x15e: {  	v2 =	vmax.f32 v2, $0.0e+00;
	v1 =	vor.u32 $0x180, v41;
	v4 =	vadd.f32 v13, v50;
	v13 =	vld [tilespmem:$0x1FED0]  }
0x15f: {  	v41 =	vmul.f32 v15, v55;
	v15 =	vmul.f32 v6, v55;
	v6 =	vld.idx.msk [tilespmem:v29+s7+$0x0], $0xffff;
	v0 =	vadd.f32 v0, v39  }
0x160: {  	[tilespmem:v20+s11+$0x0] =	vst.idx.add.f32.msk $0xffff, v2  }
0x161: {  	v2 =	vld [tilespmem:$0x1FF00];
	v0 =	vadd.f32 v0, v12  }
0x162: {  	v5 =	vmul.f32 v7, v56;
	v14 =	vmul.f32 v7, v55;
	v7 =	vld [tilespmem:$0x1FEE0]  }
0x163: {  	v12 =	vld [tilespmem:$0x1FEF0];
	v0 =	vmax.f32 v0, $0.0e+00  }
0x164: {  	v30 =	vor.u32 $0x80, v40;
	[tilespmem:v26+s11+$0x0] =	vst.idx.add.f32.msk $0xffff, v0  }
0x165: {  	v3 =	vadd.f32 v3, v57;
	v0 =	vld [tilespmem:$0x1FF10]  }
0x166: {  	v13 =	vld.idx.msk [tilespmem:v13+s1+$0x0], $0xffff  }
0x167: {  	v2 =	vadd.f32 v3, v2  }
0x168: {  	v57 =	vld.idx.msk [tilespmem:v34+s7+$0x0], $0xffff  }
0x169: {  	v4 =	vadd.f32 v4, v53;
	v53 =	vld.idx.msk [tilespmem:v30+s7+$0x0], $0xffff;
	v2 =	vmax.f32 v2, $0.0e+00  }
0x16a: {  	[tilespmem:v24+s11+$0x0] =	vst.idx.add.f32.msk $0xffff, v2  }
0x16b: {  	v54 =	vmul.f32 v37, v56;
	v7 =	vld.idx.msk [tilespmem:v7+s1+$0x0], $0xffff;
	v3 =	vadd.f32 v6, v13  }
0x16c: {  	v2 =	vld.idx.msk [tilespmem:v22+s7+$0x0], $0xffff  }
0x16d: {  	v12 =	vld.idx.msk [tilespmem:v12+s1+$0x0], $0xffff;
	v3 =	vadd.f32 v3, v54  }
0x16e: {  	v4 =	vmax.f32 v4, $0.0e+00;
	v0 =	vld.idx.msk [tilespmem:v0+s1+$0x0], $0xffff  }
0x16f: {  	[tilespmem:v23+s11+$0x0] =	vst.idx.add.f32.msk $0xffff, v4;
	v3 =	vmax.f32 v3, $0.0e+00  }
0x170: {  	v4 =	vadd.f32 v53, v7;
	[tilespmem:v29+s11+$0x0] =	vst.idx.add.f32.msk $0xffff, v3  }
0x171: {  	v3 =	vld [tilespmem:$0x1FF20]  }
0x172: {  	v4 =	vadd.f32 v4, v58  }
0x173: {  	v6 =	vadd.f32 v57, v12;
	v0 =	vadd.f32 v2, v0;
	v2 =	vld [tilespmem:$0x1FF30];
	_ =	sdelay $0x1  }
0x174: {  	v31 =	vor.u32 $0x100, v47;
	v4 =	vmax.f32 v4, $0.0e+00;
	v5 =	vadd.f32 v6, v5;
	v6 =	vld [tilespmem:$0x1FF40]  }
0x175: {  	[tilespmem:v30+s11+$0x0] =	vst.idx.add.f32.msk $0xffff, v4  }
0x176: {  	v4 =	vld.idx.msk [tilespmem:v28+s7+$0x0], $0xffff;
	v5 =	vmax.f32 v5, $0.0e+00  }
0x177: {  	[tilespmem:v34+s11+$0x0] =	vst.idx.add.f32.msk $0xffff, v5  }
0x178: {  	v3 =	vld.idx.msk [tilespmem:v3+s1+$0x0], $0xffff  }
0x179: {  	v5 =	vld.idx.msk [tilespmem:v31+s7+$0x0], $0xffff  }
0x17a: {  	v2 =	vld.idx.msk [tilespmem:v2+s1+$0x0], $0xffff  }
0x17b: {  	v7 =	vld.idx.msk [tilespmem:v32+s7+$0x0], $0xffff  }
0x17c: {  	v6 =	vld.idx.msk [tilespmem:v6+s1+$0x0], $0xffff  }
0x17d: {  	v3 =	vadd.f32 v4, v3;
	v4 =	vld [tilespmem:$0x1FF50]  }
0x17e: {  	v36 =	vor.u32 $0x100, v40;
	v58 =	vld.idx.msk [tilespmem:v35+s7+$0x0], $0xffff;
	v0 =	vadd.f32 v0, v10  }
0x17f: {  	v48 =	vmul.f32 v16, v63;
	v60 =	vld.idx.msk [tilespmem:v60+s1+$0x0], $0xffff;
	v2 =	vadd.f32 v5, v2  }
0x180: {  	v12 =	vld.idx.msk [tilespmem:v59+s1+$0x0], $0xffff;
	v0 =	vmax.f32 v0, $0.0e+00  }
0x181: {  	v61 =	vor.u32 $0x180, v49;
	[tilespmem:v22+s11+$0x0] =	vst.idx.add.f32.msk $0xffff, v0;
	v2 =	vadd.f32 v2, v48  }
0x182: {  	v9 =	vmul.f32 v17, v63;
	v6 =	vadd.f32 v7, v6;
	v7 =	vld.idx.msk [tilespmem:v38+s7+$0x0], $0xffff  }
0x183: {  	v5 =	vld.idx.msk [tilespmem:v36+s7+$0x0], $0xffff;
	v0 =	vmax.f32 v2, $0.0e+00  }
0x184: {  	v2 =	vadd.f32 v6, v9;
	[tilespmem:v31+s11+$0x0] =	vst.idx.add.f32.msk $0xffff, v0  }
0x185: {  	v4 =	vld.idx.msk [tilespmem:v4+s1+$0x0], $0xffff  }
0x186: {  	v0 =	vld.idx.msk [tilespmem:v61+s1+$0x0], $0xffff;
	v2 =	vmax.f32 v2, $0.0e+00  }
0x187: {  	v3 =	vadd.f32 v3, v11;
	[tilespmem:v32+s11+$0x0] =	vst.idx.add.f32.msk $0xffff, v2  }
0x188: {  	v45 =	vor.u32 $0x180, v45;
	v2 =	vld.idx.msk [tilespmem:v18+s7+$0x0], $0xffff  }
0x189: {  	v3 =	vmax.f32 v3, $0.0e+00;
	v6 =	vld [tilespmem:$0x1FF60]  }
0x18a: {  	v49 =	vmul.f32 v37, v63;
	[tilespmem:v28+s11+$0x0] =	vst.idx.add.f32.msk $0xffff, v3;
	v3 =	vadd.f32 v58, v4  }
0x18b: {  	v52 =	vor.u32 $0x180, v21  }
0x18c: {  	v4 =	vadd.f32 v5, v60;
	v3 =	vadd.f32 v3, v49  }
0x18d: {  	v0 =	vadd.f32 v2, v0;
	v2 =	vld.idx.msk [tilespmem:v45+s1+$0x0], $0xffff;
	v5 =	vadd.f32 v7, v12  }
0x18e: {  	v21 =	vor.u32 $0x180, v47;
	v7 =	vld.idx.msk [tilespmem:v19+s7+$0x0], $0xffff;
	v4 =	vadd.f32 v4, v8;
	v3 =	vmax.f32 v3, $0.0e+00  }
0x18f: {  	v5 =	vadd.f32 v5, v6;
	[tilespmem:v35+s11+$0x0] =	vst.idx.add.f32.msk $0xffff, v3  }
0x190: {  	v47 =	vor.u32 $0x180, v33;
	v4 =	vmax.f32 v4, $0.0e+00;
	v3 =	vld.idx.msk [tilespmem:v52+s1+$0x0], $0xffff  }
0x191: {  	v5 =	vmax.f32 v5, $0.0e+00;
	[tilespmem:v36+s11+$0x0] =	vst.idx.add.f32.msk $0xffff, v4  }
0x192: {  	[tilespmem:v38+s11+$0x0] =	vst.idx.add.f32.msk $0xffff, v5  }
0x193: {  	v5 =	vld.idx.msk [tilespmem:v21+s7+$0x0], $0xffff  }
0x194: {  	v4 =	vld.idx.msk [tilespmem:v27+s7+$0x0], $0xffff  }
0x195: {  	v46 =	vor.u32 $0x180, v46;
	v6 =	vld.idx.msk [tilespmem:v47+s1+$0x0], $0xffff;
	_ =	sdelay $0x1  }
0x196: {  	v33 =	vor.u32 $0x180, v40  }
0x197: {  	v40 =	vmul.f32 v16, v55;
	v0 =	vadd.f32 v0, v42;
	v2 =	vadd.f32 v5, v2  }
0x198: {  	v17 =	vmul.f32 v17, v55;
	v8 =	vld.idx.msk [tilespmem:v62+s7+$0x0], $0xffff;
	v3 =	vadd.f32 v4, v3  }
0x199: {  	v0 =	vmax.f32 v0, $0.0e+00;
	v6 =	vadd.f32 v7, v6;
	v4 =	vld.idx.msk [tilespmem:v46+s1+$0x0], $0xffff;
	v2 =	vadd.f32 v2, v40  }
0x19a: {  	[tilespmem:v18+s11+$0x0] =	vst.idx.add.f32.msk $0xffff, v0;
	v3 =	vadd.f32 v3, v41  }
0x19b: {  	v0 =	vmax.f32 v2, $0.0e+00;
	v2 =	vadd.f32 v6, v17;
	v6 =	vld [tilespmem:$0x1FF80]  }
0x19c: {  	v3 =	vmax.f32 v3, $0.0e+00  }
0x19d: {  	[tilespmem:v27+s11+$0x0] =	vst.idx.add.f32.msk $0xffff, v3  }
0x19e: {  	v3 =	vadd.f32 v8, v4;
	v4 =	vld [tilespmem:$0x1FF70]  }
0x19f: {  	v61 =	vld.idx.msk [tilespmem:v43+s1+$0x0], $0xffff  }
0x1a0: {  	v5 =	vld.idx.msk [tilespmem:v33+s7+$0x0], $0xffff  }
0x1a1: {  	v1 =	vld.idx.msk [tilespmem:v1+s1+$0x0], $0xffff  }
0x1a2: {  	v7 =	vld.idx.msk [tilespmem:v25+s7+$0x0], $0xffff  }
0x1a3: {  	v44 =	vmul.f32 v37, v55;
	[tilespmem:v6+s11+$0x0] =	vst.idx.add.f32.msk $0xffff, v4  }
0x1a4: {  	v4 =	vld [tilespmem:$0x1FFA0]  }
0x1a5: {  	[tilespmem:v21+s11+$0x0] =	vst.idx.add.f32.msk $0xffff, v0;
	v0 =	vmax.f32 v2, $0.0e+00;
	v2 =	vadd.f32 v3, v44;
	v3 =	vadd.f32 v5, v61  }
0x1a6: {  	s16 =	sadd.s32 $0x8, s16;
	[tilespmem:v19+s11+$0x0] =	vst.idx.add.f32.msk $0xffff, v0  }
0x1a7: {  	p0 =	slt.u32 s16, $0x38;
	v0 =	vadd.f32 v3, v15;
	v3 =	vld [tilespmem:$0x1FF90]  }
.Ltmp2:
0x1a8: {  	_ = 	snop;
	(pc) =	sbr.rel @p0 .LBB2_8-.Ltmp2, $4  }
0x1a9: {  	_ = 	snop  }
0x1aa: {  	v5 =	vld [tilespmem:$0x1FFB0];
	v2 =	vmax.f32 v2, $0.0e+00  }
0x1ab: {  	[tilespmem:v62+s11+$0x0] =	vst.idx.add.f32.msk $0xffff, v2  }
0x1ac: {  	s17 =	sadd.s32 $0x100, s17;
	v1 =	vadd.f32 v7, v1;
	v7 =	vmov v25;
	v6 =	vmov v33;
	[tilespmem:v4+s11+$0x0] =	vst.idx.add.f32.msk $0xffff, v3  }
0x1ad: {  	_ =	sdelay $0x1  }
0x1ae: {  	v1 =	vadd.f32 v1, v14  }
0x1af: {  	v0 =	vmax.f32 v0, $0.0e+00  }
0x1b0: {  	[tilespmem:v6+s11+$0x0] =	vst.idx.add.f32.msk $0xffff, v0;
	v1 =	vmax.f32 v1, $0.0e+00  }
0x1b1: {  	[tilespmem:v7+s11+$0x0] =	vst.idx.add.f32.msk $0xffff, v1  }
0x1b2: {  	p0 =	seq.s32 s13, $0x138  }
.Ltmp3:
0x1b3: {  	_ = 	snop;
	(pc) =	sbr.rel @!p0 .LBB2_5-.Ltmp3, $2  }
0x1b4: {  	_ =	sdelay $0x2  }
0x1b5: {  	s14 =	smov.u32 s13  }
0x1b6: {  	s13 =	rddreg [dreg:$0x5]  }
0x1b7: {  	[hbm4b:s13+s2] =	stream.linear.scatter [tilespmem:s11], [sflag:$0x3], $0x9E00, $0x38;
	[tilespmem:$0x1F280] =	vst v63  }
0x1b8: {  	_ =	swait.ge [sflag:s6], $0x9E00  }
0x1b9: {  	s12 =	sadd.s32 $0x1, s12;
	s19 =	rddreg [dreg:$0x6]  }
0x1ba: {  	p0 =	sne.s32 s12, s19  }
.Ltmp4:
0x1bb: {  	_ = 	snop;
	(pc) =	sbr.rel @p0 .LBB2_1-.Ltmp4, $3  }
0x1bc: {  	_ =	sdelay $0x1  }
0x1bd: {  	[sflag:s6] =	ssyncset.done $0x0  }
0x1be: {  	v0 =	vimm.f32 $0.0e+00;
	[sflag:s6] =	ssyncadd.s32 $0xFFFF6200  }
0x1bf: {  	_ =	sfence.sel $0x180000  }
0x1c0: {  	[bflag:$0x0] =	sbarrier.arrive $0xFFFF  }
0x1c1: {  	_ =	strace $0x9000004D  }
0x1c2: {  	s0 =	stileid.u32;
	[bflag:$0x2] =	sbarrier.arrive $0xFFFF  }
0x1c3: {  	p0 =	sne.s32 s0, $0x0;
	s0 =	rddreg [dreg:$0x1]  }
0x1c4: {  	s0 =	sadd.s32 @!p0 $0x100000, s0  }
0x1c5: {  	[sflag:s0] =	ssyncadd.tile.s32 @!p0 $0x1;
	_ =	shalt  }
.Lfunc_end2:
_tile_overlayer_lowered:
.L_overlay_start_2:
0x1c6: {  	(tag) =	ssettag $0x2  }
0x1c7: {  	s0 =	rddreg [dreg:$0x0];
	s2 =	stileid.u32  }
0x1c8: {  	s1 =	rddreg [dreg:$0x1];
	p0 =	sne.s32 s2, $0x0  }
0x1c9: {  	s3 =	rddreg [dreg:$0x2];
	[bflag:$0x3] =	sbarrier.arrive $0xFFFF;
	s2 =	simm.s32 @!p0 $0x1C03  }
0x1ca: {  	[timem:s3], [sflag:s2] =	dma.local @!p0 [hbm:s0], s1  }
0x1cb: {  	s0 =	simm.s32 @!p0 $0x3  }
0x1cc: {  	_ =	swait.ge @!p0 [sflag:s0], s1  }
0x1cd: {  	s1 =	ssub.s32 @!p0 $0x0, s1;
	[sflag:s0] =	ssyncset.done @!p0 $0x0  }
0x1ce: {  	[sflag:s0] =	ssyncadd.s32 @!p0 s1  }
0x1cf: {  	[bflag:$0x3] =	sbarrier.arrive $0xFFFF  }
0x1d0: {  	_ =	shalt  }

// kernel: kernel.19.cloned.1.call-start
scs
__scs_entry_jumppad:
0x0: {  	(pc) =	sbr.rel $0x88, $3  }
0x1: {  	(tag) =	ssettag $0x0;
	lr =	simm.s32 $0x1  }
0x2: {  	[smem:$0x3F90] =	sst lr;
	_ =	strace $0xD0000000  }
0x3: {  	_ = 	snop  }
0x4: {  	_ = 	snop  }
0x5: {  	_ = 	snop  }
0x6: {  	_ = 	snop  }
0x7: {  	_ = 	snop  }
__scs_overlays_trampoline_lowered:
0x8: {  	[smem:$0x3F9F] =	sst s0  }
0x9: {  	[smem:$0x3FA0] =	sst s1  }
0xa: {  	[smem:$0x3FA1] =	sst s2  }
0xb: {  	[smem:$0x3FA2] =	sst s3  }
0xc: {  	[smem:$0x3FA3] =	sst s4  }
0xd: {  	[smem:$0x3FA4] =	sst s5  }
0xe: {  	[smem:$0x3FA5] =	sst s6  }
0xf: {  	[smem:$0x3FA6] =	sst s7  }
0x10: {  	[smem:$0x3FA7] =	sst s8  }
0x11: {  	[smem:$0x3FA8] =	sst s9;
	s0 =	simm.s32 @!p0 $0x0  }
0x12: {  	s1 =	sld [smem:$0x3F8E];
	s0 =	simm.s32 @p0 $0x1  }
0x13: {  	[smem:$0x3FA9] =	sst s0;
	s0 =	simm.s32 @!p1 $0x0  }
0x14: {  	s2 =	sld [smem:$0x3F8D];
	s0 =	simm.s32 @p1 $0x1  }
0x15: {  	[smem:$0x3FAA] =	sst s0;
	s0 =	simm.s32 @!p2 $0x0  }
0x16: {  	s3 =	sld [smem:$0x3FDB];
	s0 =	simm.s32 @p2 $0x1  }
0x17: {  	s4 =	simm.s32 $0x1BF5;
	[smem:$0x3FAC] =	sst s0  }
0x18: {  	s0 =	sld [smem:$0x3F8F];
	_ =	swait.ge [sflag:s4], $0x0  }
0x19: {  	s7 =	sld [smem:$0x3F90]  }
0x1a: {  	s8 =	sadd.s32 $0xFFFFE003, lr  }
0x1b: {  	s9 =	sadd.s32 $0xFFFFFEF7, lr;
	s5 =	simm.s32 $0xFFFFFFFF;
	p2 =	slt.u32 s8, $0xFFFFF086  }
0x1c: {  	p1 =	slt.u32 s9, $0xF7A;
	s5 =	simm.s32 @!p2 $0x0  }
0x1d: {  	s5 =	simm.s32 @p1 $0x1;
	p0 =	seq.s32 s7, s2  }
0x1e: {  	s7 =	smul.u32 @!p0 $0xF7A, s2;
	p2 =	seq.s32 @!p0 s5, $0x0  }
0x1f: {  	s9 =	smul.u32 $0xF7A, s1;
	s8 =	simm.s32 @!p0 $0x1BF5;
	p2 =	por !p2, p0  }
0x20: {  	[sflag:s8] =	ssyncset.s32 @!p0 $0xFFFFF086;
	s6 =	sadd.s32 @!p0 s3, s7;
	s7 =	simm.s32 @!p0 $0x108  }
0x21: {  	s3 =	sadd.s32 s3, s9;
	s6 =	sadd.s32 @!p0 $0x88, s6;
	s7 =	simm.s32 @p2 $0x1082  }
0x22: {  	[simem:s7], [sflag:s8] =	dma.local @!p0 [hbm:s6], $0xF7A  }
0x23: {  	s9 =	sor.u32 $0xD0000000, s2;
	s6 =	simm.s32 $0x108;
	_ =	swait.ge @!p0 [sflag:s8], $0x0  }
0x24: {  	s3 =	sadd.s32 $0x88, s3;
	s6 =	simm.s32 @!p1 $0x1082;
	[sflag:s4] =	ssyncset.s32 $0xFFFFF086  }
0x25: {  	[simem:s6], [sflag:s4] =	dma.local [hbm:s3], $0xF7A  }
0x26: {  	[smem:$0x3F90] =	sst s1;
	(tag) =	ssettag s2;
	_ =	strace s9  }
0x27: {  	s1 =	sld [smem:$0x3FA0]  }
0x28: {  	s2 =	sld [smem:$0x3FA1]  }
0x29: {  	s4 =	sld [smem:$0x3FA3]  }
0x2a: {  	p0 =	seq.s32 s5, $0x0;
	s5 =	sld [smem:$0x3FA4]  }
0x2b: {  	s6 =	sld [smem:$0x3FA5]  }
0x2c: {  	s7 =	sld [smem:$0x3FA6]  }
0x2d: {  	s3 =	simm.s32 $0x108;
	s8 =	sld [smem:$0x3FA7]  }
0x2e: {  	s3 =	simm.s32 @!p0 $0x1082;
	s9 =	sld [smem:$0x3FA8]  }
0x2f: {  	lr =	sadd.s32 s0, s3;
	s0 =	sld [smem:$0x3F9F]  }
0x30: {  	s3 =	sld [smem:$0x3FA2]  }
0x31: {  	[smem:$0x3FAB] =	sst s10  }
0x32: {  	s10 =	sld [smem:$0x3FA9];
	_ =	sdelay $0x3  }
0x33: {  	p0 =	seq.s32 s10, $0x1;
	s10 =	sld [smem:$0x3FAB];
	_ =	sdelay $0x3  }
0x34: {  	[smem:$0x3FAB] =	sst s10  }
0x35: {  	s10 =	sld [smem:$0x3FAA];
	_ =	sdelay $0x3  }
0x36: {  	p1 =	seq.s32 s10, $0x1;
	s10 =	sld [smem:$0x3FAB];
	_ =	sdelay $0x3  }
0x37: {  	[smem:$0x3FAB] =	sst s10  }
0x38: {  	s10 =	sld [smem:$0x3FAC]  }
0x39: {  	_ = 	snop;
	(pc) =	sbr.ind lr, $3  }
0x3a: {  	_ = 	snop  }
0x3b: {  	_ = 	snop  }
0x3c: {  	p2 =	seq.s32 s10, $0x1;
	s10 =	sld [smem:$0x3FAB]  }
0x3d: {  	_ =	shalt  }
0x3e: {  	_ =	shalt  }
0x3f: {  	_ =	shalt  }
0x40: {  	_ =	shalt  }
0x41: {  	_ =	shalt  }
0x42: {  	_ =	shalt  }
0x43: {  	_ =	shalt  }
0x44: {  	_ =	shalt  }
0x45: {  	_ =	shalt  }
0x46: {  	_ =	shalt  }
0x47: {  	_ =	shalt  }
0x48: {  	_ =	shalt  }
0x49: {  	_ =	shalt  }
0x4a: {  	_ =	shalt  }
0x4b: {  	_ =	shalt  }
0x4c: {  	_ =	shalt  }
0x4d: {  	_ =	shalt  }
0x4e: {  	_ =	shalt  }
0x4f: {  	_ =	shalt  }
0x50: {  	_ =	shalt  }
0x51: {  	_ =	shalt  }
0x52: {  	_ =	shalt  }
0x53: {  	_ =	shalt  }
0x54: {  	_ =	shalt  }
0x55: {  	_ =	shalt  }
0x56: {  	_ =	shalt  }
0x57: {  	_ =	shalt  }
0x58: {  	_ =	shalt  }
0x59: {  	_ =	shalt  }
0x5a: {  	_ =	shalt  }
0x5b: {  	_ =	shalt  }
0x5c: {  	_ =	shalt  }
0x5d: {  	_ =	shalt  }
0x5e: {  	_ =	shalt  }
0x5f: {  	_ =	shalt  }
0x60: {  	_ =	shalt  }
0x61: {  	_ =	shalt  }
0x62: {  	_ =	shalt  }
0x63: {  	_ =	shalt  }
0x64: {  	_ =	shalt  }
0x65: {  	_ =	shalt  }
0x66: {  	_ =	shalt  }
0x67: {  	_ =	shalt  }
0x68: {  	_ =	shalt  }
0x69: {  	_ =	shalt  }
0x6a: {  	_ =	shalt  }
0x6b: {  	_ =	shalt  }
0x6c: {  	_ =	shalt  }
0x6d: {  	_ =	shalt  }
0x6e: {  	_ =	shalt  }
0x6f: {  	_ =	shalt  }
0x70: {  	_ =	shalt  }
0x71: {  	_ =	shalt  }
0x72: {  	_ =	shalt  }
0x73: {  	_ =	shalt  }
0x74: {  	_ =	shalt  }
0x75: {  	_ =	shalt  }
0x76: {  	_ =	shalt  }
0x77: {  	_ =	shalt  }
0x78: {  	_ =	shalt  }
0x79: {  	_ =	shalt  }
0x7a: {  	_ =	shalt  }
0x7b: {  	_ =	shalt  }
0x7c: {  	_ =	shalt  }
0x7d: {  	_ =	shalt  }
0x7e: {  	_ =	shalt  }
0x7f: {  	_ =	shalt  }
0x80: {  	_ =	shalt  }
0x81: {  	_ =	shalt  }
0x82: {  	_ =	shalt  }
0x83: {  	_ =	shalt  }
0x84: {  	_ =	shalt  }
0x85: {  	_ =	shalt  }
0x86: {  	_ =	shalt  }
0x87: {  	_ =	shalt  }
.Lfunc_end0:
.L_simem_size_0:
called_computation.3_lowered:
.L_overlay_start_0:
0x88: {  	s2 =	sld [smem:$0x3FD9]  }
0x89: {  	s3 =	sld [smem:$0x3FFE];
	_ =	sdelay $0x1  }
0x8a: {  	s1 =	srdreg.scid  }
0x8b: {  	s0 =	sand.u32 $0x1, s1  }
0x8c: {  	s17 =	sshll.u32 s0, $0xA;
	s2 =	sadd.s32 s3, s2  }
0x8d: {  	s2 =	sadd.s32 s2, s17  }
0x8e: {  	[smem:$0x3FB7] =	sst s2  }
0x8f: {  	_ = 	snop  }
0x90: {  	s2 =	sld [smem:$0x3FD0];
	(tm) =	ssettm $0x1  }
0x91: {  	s18 =	sld [smem:$0x3FFB];
	_ =	sdelay $0x3  }
0x92: {  	_ =	strace s18  }
0x93: {  	s3 =	sld [smem:$0x3FFC];
	_ =	sdelay $0x3  }
0x94: {  	_ =	strace s3  }
0x95: {  	s3 =	sld [smem:$0x3FFD];
	_ =	sdelay $0x3  }
0x96: {  	_ =	strace s3  }
0x97: {  	_ =	strace $0x8FFFFFFF  }
0x98: {  	s19 =	sld [smem:$0x3FDB];
	_ =	sdelay $0x1  }
0x99: {  	s4 =	simm.s32 $_scs_section_size  }
0x9a: {  	s5 =	simm.s32 $_size__tile_overlayer_lowered;
	s6 =	simm.s32 $_tile_overlayer_lowered  }
0x9b: {  	s22 =	simm.s32 $0x1BFF;
	s21 =	sshll.u32 s6, $0x1;
	s3 =	sadd.s32 s4, s19  }
0x9c: {  	s7 =	simm.s32 $0x0;
	s20 =	sshll.u32 s5, $0x1;
	s5 =	sadd.s32 s21, s3  }
0x9d: {  	[timem:s7], [sflag:s22] =	dma.local [hbm:s5], s20  }
0x9e: {  	_ =	swait.ge [sflag:s22], s20  }
0x9f: {  	s4 =	ssub.s32 $0x0, s20;
	[sflag:s22] =	ssyncset.done $0x0  }
0xa0: {  	[sflag:s22] =	ssyncadd.s32 s4;
	_ =	sdelay $0x1  }
0xa1: {  	s23 =	simm.s32 $0x1B8B  }
0xa2: {  	_ =	swait.ge [sflag:s23], $0x1  }
0xa3: {  	[sflag:s23] =	ssyncset.done $0x0  }
0xa4: {  	s25 =	simm.s32 $0x1B8E;
	s24 =	sld [smem:$0x3FFE];
	[sflag:s23] =	ssyncadd.s32 $0xFFFFFFFF  }
0xa5: {  	s26 =	simm.s32 $execute0_lowered;
	[smem:$0x3FD2] =	sst s25  }
0xa6: {  	s5 =	sshll.u32 s26, $0x1;
	_ =	strace $0x8000004F;
	[dreg:$0x1] =	wrdreg $0xFFFFFFFF  }
0xa7: {  	s28 =	simm.s32 $_size_execute0_lowered;
	s3 =	sadd.s32 s3, s5;
	[dreg:$0x0] =	wrdreg $0x0  }
0xa8: {  	s5 =	sshll.u32 s28, $0x1;
	[dreg:$0x2] =	wrdreg s3  }
0xa9: {  	[dreg:$0x3] =	wrdreg s5  }
0xaa: {  	[dreg:$0x4] =	wrdreg $0xC0  }
0xab: {  	_ =	task [dreg:s7], $0x5FFFF  }
0xac: {  	[dreg:$0x1] =	wrdreg $0xFFFFFFFF  }
0xad: {  	[dreg:$0x0] =	wrdreg $0x60  }
0xae: {  	[dreg:$0x2] =	wrdreg s24  }
0xaf: {  	[dreg:$0x3] =	wrdreg s2  }
0xb0: {  	[dreg:$0x4] =	wrdreg $0x9  }
0xb1: {  	_ =	task.clear_ibuf [dreg:s7], $0x5FFFF;
	_ =	strace $0x9000004F  }
0xb2: {  	s29 =	simm.s32 $0x9;
	_ =	strace $0x80000051  }
0xb3: {  	_ =	swait.ge [sflag:s29], $0x1  }
0xb4: {  	[sflag:s29] =	ssyncadd.s32 $0xFFFFFFFF  }
0xb5: {  	_ =	strace $0x90000051  }
0xb6: {  	_ =	sfence  }
0xb7: {  	s30 =	sld [smem:$0x0];
	_ =	sdelay $0x2  }
0xb8: {  	s31 =	sshll.u32 s1, $0xD;
	s1 =	sshrl.u32 s1, $0x2  }
0xb9: {  	s3 =	sand.u32 $0x4000, s31;
	s1 =	sadd.s32 s1, s30  }
0xba: {  	s0 =	sor.u32 s3, s0;
	s1 =	sshll.u32 s1, $0x11  }
0xbb: {  	s0 =	sor.u32 s1, s0  }
0xbc: {  	s0 =	sadd.s32 $0x8F2B, s0  }
0xbd: {  	[sflag:s0] =	ssyncadd.remote.s32 $0x1  }
0xbe: {  	_ =	sfence.sel $0xFFFF  }
0xbf: {  	[dreg:$0x0] =	wrdreg $0xFFFFFFFF;
	(pc) =	sbr.abs _section_cstart, $3  }
0xc0: {  	[dreg:$0x1] =	wrdreg $0xFFFFFFFF  }
0xc1: {  	_ =	task.clear_ibuf [dreg:s7], $0x2FFFF;
	_ =	strace $0x9FFFFFFF  }
0xc2: {  	(tm) =	ssettm $0x7FFFFFFF  }
0xc3: {  	_ =	shalt  }
tec
execute0_lowered:
.L_overlay_start_1:
0x0: {  	(tag) =	ssettag $0x1  }
0x1: {  	s0 =	rddreg [dreg:$0x0]  }
0x2: {  	s1 =	srdreg.scid;
	s2 =	stileid.u32;
	s3 =	simm.s32 $0x0  }
0x3: {  	s1 =	sand.u32 $0x1, s1;
	s2 =	sshll.u32 s2, $0x1;
	[smem:$0x7FF] =	sst s3  }
0x4: {  	s4 =	sadd.s32 $0x5C000, s0;
	s5 =	sadd.s32 $0x52200, s0;
	s18 =	sadd.s32 $0x5C010, s0  }
0x5: {  	s19 =	sadd.s32 $0x5C020, s0;
	_ =	strace $0x80000050;
	[dreg:$0x7] =	wrdreg s18  }
0x6: {  	s6 =	sadd.s32 $0x65E00, s0;
	s20 =	sadd.s32 $0x5C030, s0;
	[dreg:$0x8] =	wrdreg s19  }
0x7: {  	s21 =	sadd.s32 $0x5C040, s0;
	s22 =	sadd.s32 $0x5C050, s0;
	[dreg:$0x9] =	wrdreg s20  }
0x8: {  	s23 =	sadd.s32 $0x5C060, s0;
	s24 =	sadd.s32 $0x5C070, s0;
	[dreg:$0xa] =	wrdreg s21  }
0x9: {  	s25 =	sadd.s32 $0x52210, s0;
	s26 =	sadd.s32 $0x52220, s0;
	[dreg:$0xb] =	wrdreg s22  }
0xa: {  	s28 =	sadd.s32 $0x65E30, s0;
	s29 =	sadd.s32 $0x65E40, s0;
	[dreg:$0xc] =	wrdreg s23  }
0xb: {  	s30 =	sadd.s32 $0x65E50, s0;
	s31 =	sadd.s32 $0x65E60, s0;
	[dreg:$0xd] =	wrdreg s24  }
0xc: {  	s2 =	sor.u32 s1, s2;
	s1 =	ssub.s32 $0x2, s1;
	[dreg:$0xe] =	wrdreg s25  }
0xd: {  	[dreg:$0xf] =	wrdreg s26;
	s20 =	sadd.s32 $0x52230, s0;
	s21 =	sadd.s32 $0x52240, s0  }
0xe: {  	s22 =	sadd.s32 $0x52250, s0;
	s23 =	sadd.s32 $0x52260, s0;
	s24 =	sadd.s32 $0x52270, s0  }
0xf: {  	s25 =	sadd.s32 $0x65E10, s0;
	s26 =	sadd.s32 $0x65E20, s0;
	s9 =	sshll.u32 s2, $0x2  }
0x10: {  	s7 =	smul.u32 $0x13C0, s2;
	s8 =	sshrl.u32 s1, $0x1;
	s10 =	sshllo.u32 s2, $0x2;
	v0 =	vmov s9  }
0x11: {  	s2 =	simm.s32 $0x3;
	s1 =	ssub.s32 s1, s8;
	s11 =	sor.u32 $0x1, s9;
	v0 =	vbroadcast v0, $0x0  }
0x12: {  	s12 =	sor.u32 $0x2, s9;
	s8 =	simm.s32 $0x1F200;
	s9 =	simm.s32 $0x1;
	v1 =	vmov s11  }
0x13: {  	v3 =	vmov s10;
	s10 =	simm.s32 $0x2;
	s7 =	sadd.s32 s7, s0;
	s1 =	smax.u32 s1, $0x1;
	[tilespmem:$0x1FFD0] =	vst v0;
	v0 =	vbroadcast v1, $0x0  }
0x14: {  	s0 =	sadd.s32 $0x65E70, s0;
	v2 =	vmov s12;
	s15 =	sadd.s32 $0x2E00, s7;
	[dreg:$0x6] =	wrdreg s1  }
0x15: {  	s11 =	simm.s32 $0x15400;
	s16 =	sadd.s32 $0x2A600, s7;
	[dreg:$0x3] =	wrdreg s15;
	[tilespmem:$0x1FFE0] =	vst v0;
	v0 =	vbroadcast v2, $0x0  }
0x16: {  	[tilespmem:$0x1FFC0] =	vst v3;
	s12 =	simm.s32 $0x0;
	s17 =	sadd.s32 $0x6FC00, s7;
	[dreg:$0x4] =	wrdreg s16  }
0x17: {  	s1 =	simm.s32 $0x1800;
	s7 =	simm.s32 $0xB600;
	[dreg:$0x5] =	wrdreg s17;
	[tilespmem:$0x1FFF0] =	vst v0;
	v0 =	vimm.f32 $0.0e+00  }
.LBB2_1:
0x18: {  	s13 =	sand.u32 $0x70, s3;
	s14 =	sand.u32 $0xFE00, s3  }
0x19: {  	s13 =	sor.u32 s13, s14  }
0x1a: {  	s15 =	sadd.s32 $0x15400, s13;
	[tilespmem:s13+$0x15400] =	vst v0  }
0x1b: {  	[tilespmem:s15+$0x180] =	vst v0  }
0x1c: {  	s14 =	simm.s32 $0x0;
	s13 =	simm.s32 $0x10;
	[tilespmem:s15+$0x80] =	vst v0  }
.LBB2_2:
0x1d: {  	s16 =	sand.u32 $0x70, s13;
	[tilespmem:s15+$0x100] =	vst v0;
	s14 =	sadd.s32 $0x40, s14;
	p0 =	sne.s32 s13, $0x2700  }
.Ltmp0:
0x1e: {  	s13 =	sadd.s32 $0x10, s13;
	s15 =	sand.u32 $0xFE00, s14;
	(pc) =	sbr.rel @p0 .LBB2_2-.Ltmp0, $4  }
0x1f: {  	s16 =	sor.u32 s16, s15  }
0x20: {  	s15 =	sadd.s32 $0x15400, s16;
	[tilespmem:s16+$0x15400] =	vst v0  }
0x21: {  	[tilespmem:s15+$0x180] =	vst v0  }
0x22: {  	[tilespmem:s15+$0x80] =	vst v0  }
0x23: {  	[tilespmem:s15+$0x100] =	vst v0;
	s14 =	simm.s32 $0x0;
	s13 =	rddreg [dreg:$0x3]  }
0x24: {  	[tilespmem:s1], [sflag:$0x3] =	stream.linear.gather [hbm4b:s13+s14], $0x9E00, $0x38;
	[tilespmem:$0x1F280] =	vst v63  }
0x25: {  	_ =	swait.ge [sflag:s2], $0x9E00  }
0x26: {  	[sflag:s2] =	ssyncset.done $0x0  }
0x27: {  	s19 =	rddreg [dreg:$0x4];
	[sflag:s2] =	ssyncadd.s32 $0xFFFF6200  }
0x28: {  	[tilespmem:s7], [sflag:$0x3] =	stream.linear.gather [hbm4b:s19+s14], $0x9E00, $0x38;
	[tilespmem:$0x1F280] =	vst v63  }
0x29: {  	_ =	swait.ge [sflag:s2], $0x9E00  }
0x2a: {  	[sflag:s2] =	ssyncset.done $0x0  }
0x2b: {  	[sflag:s2] =	ssyncadd.s32 $0xFFFF6200  }
0x2c: {  	s15 =	rddreg [dreg:$0x1]  }
0x2d: {  	[tilespmem:s8], [sflag:$0x3] =	stream.linear.gather [hbm4b:s15+s14], $0x80, $0x38;
	[tilespmem:$0x1F280] =	vst v63  }
0x2e: {  	_ =	swait.ge [sflag:s2], $0x80  }
0x2f: {  	v59 =	vld [tilespmem:$0x1FFD0]  }
0x30: {  	v60 =	vld [tilespmem:$0x1FFE0]  }
0x31: {  	v61 =	vld [tilespmem:$0x1FFF0]  }
0x32: {  	v62 =	vld [tilespmem:$0x1FFC0];
	_ =	sdelay $0x2  }
0x33: {  	[sflag:s2] =	ssyncset.done $0x0  }
0x34: {  	[sflag:s2] =	ssyncadd.s32 $0xFFFFFF80  }
0x35: {  	v5 =	vld.idx.msk [tilespmem:v59+s8+$0x0], $0xffff  }
0x36: {  	v56 =	vld.idx.msk [tilespmem:v60+s8+$0x0], $0xffff  }
0x37: {  	v63 =	vld.idx.msk [tilespmem:v61+s8+$0x0], $0xffff  }
0x38: {  	v55 =	vld.idx.msk [tilespmem:v62+s8+$0x0], $0xffff;
	[tilespmem:s14], [sflag:$0x1] =	stream.linear.gather [hbm4b:s4+s14], $0x80, $0x38  }
0x39: {  	s17 =	simm.s32 $0x100;
	s16 =	rddreg [dreg:$0x7]  }
0x3a: {  	[tilespmem:s17], [sflag:$0x1] =	stream.linear.gather [hbm4b:s16+s14], $0x80, $0x38;
	[tilespmem:$0x1F280] =	vst v63  }
0x3b: {  	s19 =	simm.s32 $0x200;
	s18 =	rddreg [dreg:$0x8]  }
0x3c: {  	[tilespmem:s19], [sflag:$0x1] =	stream.linear.gather [hbm4b:s18+s14], $0x80, $0x38;
	[tilespmem:$0x1F280] =	vst v63  }
0x3d: {  	s16 =	rddreg [dreg:$0x9];
	s17 =	simm.s32 $0x300  }
0x3e: {  	[tilespmem:s17], [sflag:$0x1] =	stream.linear.gather [hbm4b:s16+s14], $0x80, $0x38;
	[tilespmem:$0x1F280] =	vst v63  }
0x3f: {  	s18 =	rddreg [dreg:$0xa];
	s19 =	simm.s32 $0x400  }
0x40: {  	[tilespmem:s19], [sflag:$0x1] =	stream.linear.gather [hbm4b:s18+s14], $0x80, $0x38;
	[tilespmem:$0x1F280] =	vst v63  }
0x41: {  	s16 =	rddreg [dreg:$0xb];
	s17 =	simm.s32 $0x500  }
0x42: {  	[tilespmem:s17], [sflag:$0x1] =	stream.linear.gather [hbm4b:s16+s14], $0x80, $0x38;
	[tilespmem:$0x1F280] =	vst v63  }
0x43: {  	s18 =	rddreg [dreg:$0xc];
	s19 =	simm.s32 $0x600  }
0x44: {  	[tilespmem:s19], [sflag:$0x1] =	stream.linear.gather [hbm4b:s18+s14], $0x80, $0x38;
	[tilespmem:$0x1F280] =	vst v63  }
0x45: {  	s15 =	rddreg [dreg:$0xd];
	s16 =	simm.s32 $0x700  }
0x46: {  	[tilespmem:s16], [sflag:$0x1] =	stream.linear.gather [hbm4b:s15+s14], $0x80, $0x38;
	[tilespmem:$0x1F280] =	vst v63  }
0x47: {  	s17 =	simm.s32 $0x800  }
0x48: {  	[tilespmem:s17], [sflag:$0x1] =	stream.linear.gather [hbm4b:s5+s14], $0x80, $0x38;
	[tilespmem:$0x1F280] =	vst v63  }
0x49: {  	s18 =	rddreg [dreg:$0xe];
	s19 =	simm.s32 $0x900  }
0x4a: {  	[tilespmem:s19], [sflag:$0x1] =	stream.linear.gather [hbm4b:s18+s14], $0x80, $0x38;
	[tilespmem:$0x1F280] =	vst v63  }
0x4b: {  	s15 =	rddreg [dreg:$0xf];
	s16 =	simm.s32 $0xA00  }
0x4c: {  	[tilespmem:s16], [sflag:$0x1] =	stream.linear.gather [hbm4b:s15+s14], $0x80, $0x38;
	[tilespmem:$0x1F280] =	vst v63  }
0x4d: {  	s17 =	simm.s32 $0xB00  }
0x4e: {  	[tilespmem:s17], [sflag:$0x1] =	stream.linear.gather [hbm4b:s20+s14], $0x80, $0x38;
	[tilespmem:$0x1F280] =	vst v63  }
0x4f: {  	s18 =	simm.s32 $0xC00  }
0x50: {  	[tilespmem:s18], [sflag:$0x1] =	stream.linear.gather [hbm4b:s21+s14], $0x80, $0x38;
	[tilespmem:$0x1F280] =	vst v63  }
0x51: {  	s19 =	simm.s32 $0xD00  }
0x52: {  	[tilespmem:s19], [sflag:$0x1] =	stream.linear.gather [hbm4b:s22+s14], $0x80, $0x38;
	[tilespmem:$0x1F280] =	vst v63  }
0x53: {  	s15 =	simm.s32 $0xE00  }
0x54: {  	[tilespmem:s15], [sflag:$0x1] =	stream.linear.gather [hbm4b:s23+s14], $0x80, $0x38;
	[tilespmem:$0x1F280] =	vst v63  }
0x55: {  	s16 =	simm.s32 $0xF00  }
0x56: {  	[tilespmem:s16], [sflag:$0x1] =	stream.linear.gather [hbm4b:s24+s14], $0x80, $0x38;
	[tilespmem:$0x1F280] =	vst v63  }
0x57: {  	s17 =	simm.s32 $0x1000  }
0x58: {  	[tilespmem:s17], [sflag:$0x2] =	stream.linear.gather [hbm4b:s6+s14], $0x80, $0x38;
	[tilespmem:$0x1F280] =	vst v63  }
0x59: {  	s18 =	simm.s32 $0x1100  }
0x5a: {  	[tilespmem:s18], [sflag:$0x2] =	stream.linear.gather [hbm4b:s25+s14], $0x80, $0x38;
	[tilespmem:$0x1F280] =	vst v63  }
0x5b: {  	s19 =	simm.s32 $0x1200  }
0x5c: {  	[tilespmem:s19], [sflag:$0x2] =	stream.linear.gather [hbm4b:s26+s14], $0x80, $0x38;
	[tilespmem:$0x1F280] =	vst v63  }
0x5d: {  	s15 =	simm.s32 $0x1300  }
0x5e: {  	[tilespmem:s15], [sflag:$0x2] =	stream.linear.gather [hbm4b:s28+s14], $0x80, $0x38;
	[tilespmem:$0x1F280] =	vst v63  }
0x5f: {  	s16 =	simm.s32 $0x1400  }
0x60: {  	[tilespmem:s16], [sflag:$0x2] =	stream.linear.gather [hbm4b:s29+s14], $0x80, $0x38;
	[tilespmem:$0x1F280] =	vst v63  }
0x61: {  	s17 =	simm.s32 $0x1500  }
0x62: {  	[tilespmem:s17], [sflag:$0x2] =	stream.linear.gather [hbm4b:s30+s14], $0x80, $0x38;
	[tilespmem:$0x1F280] =	vst v63  }
0x63: {  	s18 =	simm.s32 $0x1600  }
0x64: {  	[tilespmem:s18], [sflag:$0x2] =	stream.linear.gather [hbm4b:s31+s14], $0x80, $0x38;
	[tilespmem:$0x1F280] =	vst v63  }
0x65: {  	[tilespmem:$0x1FFB0] =	vst v5;
	s19 =	simm.s32 $0x1700  }
0x66: {  	[tilespmem:s19], [sflag:$0x2] =	stream.linear.gather [hbm4b:s0+s14], $0x80, $0x38;
	[tilespmem:$0x1F280] =	vst v63  }
.LBB2_5:
0x67: {  	p0 =	seq.s32 s14, $0x137  }
.Ltmp1:
0x68: {  	_ = 	snop;
	(pc) =	sbr.rel @p0 .LBB2_7-.Ltmp1, $2  }
0x69: {  	_ =	sdelay $0x2  }
0x6a: {  	s13 =	sadd.s32 $0x1, s14;
	s15 =	simm.s32 $0x80  }
0x6b: {  	s14 =	sshll.u32 s14, $0x7  }
0x6c: {  	s16 =	sshll.u32 s13, $0x7;
	s15 =	sand.u32 $0x80, s14  }
0x6d: {  	s17 =	sadd.s32 s4, s16;
	s14 =	sxor.u32 $0x80, s15  }
0x6e: {  	[tilespmem:s14], [sflag:$0x1] =	stream.linear.gather [hbm4b:s17+s3], $0x80, $0x38;
	[tilespmem:$0x1F280] =	vst v63  }
0x6f: {  	s18 =	sadd.s32 $0x10, s17;
	s19 =	sor.u32 $0x100, s14  }
0x70: {  	[tilespmem:s19], [sflag:$0x1] =	stream.linear.gather [hbm4b:s18+s3], $0x80, $0x38;
	[tilespmem:$0x1F280] =	vst v63  }
0x71: {  	s18 =	sadd.s32 $0x20, s17;
	s19 =	sor.u32 $0x200, s14  }
0x72: {  	[tilespmem:s19], [sflag:$0x1] =	stream.linear.gather [hbm4b:s18+s3], $0x80, $0x38;
	[tilespmem:$0x1F280] =	vst v63  }
0x73: {  	s18 =	sadd.s32 $0x30, s17;
	s19 =	sor.u32 $0x300, s14  }
0x74: {  	[tilespmem:s19], [sflag:$0x1] =	stream.linear.gather [hbm4b:s18+s3], $0x80, $0x38;
	[tilespmem:$0x1F280] =	vst v63  }
0x75: {  	s18 =	sadd.s32 $0x40, s17;
	s19 =	sor.u32 $0x400, s14  }
0x76: {  	[tilespmem:s19], [sflag:$0x1] =	stream.linear.gather [hbm4b:s18+s3], $0x80, $0x38;
	[tilespmem:$0x1F280] =	vst v63  }
0x77: {  	s18 =	sadd.s32 $0x50, s17;
	s19 =	sor.u32 $0x500, s14  }
0x78: {  	[tilespmem:s19], [sflag:$0x1] =	stream.linear.gather [hbm4b:s18+s3], $0x80, $0x38;
	[tilespmem:$0x1F280] =	vst v63  }
0x79: {  	s18 =	sadd.s32 $0x60, s17;
	s19 =	sor.u32 $0x600, s14  }
0x7a: {  	[tilespmem:s19], [sflag:$0x1] =	stream.linear.gather [hbm4b:s18+s3], $0x80, $0x38;
	[tilespmem:$0x1F280] =	vst v63  }
0x7b: {  	s17 =	sadd.s32 $0x70, s17;
	s19 =	sor.u32 $0x700, s14  }
0x7c: {  	[tilespmem:s19], [sflag:$0x1] =	stream.linear.gather [hbm4b:s17+s3], $0x80, $0x38;
	[tilespmem:$0x1F280] =	vst v63  }
0x7d: {  	s18 =	sadd.s32 s5, s16;
	s19 =	sor.u32 $0x800, s14  }
0x7e: {  	[tilespmem:s19], [sflag:$0x1] =	stream.linear.gather [hbm4b:s18+s3], $0x80, $0x38;
	[tilespmem:$0x1F280] =	vst v63  }
0x7f: {  	s17 =	sadd.s32 $0x10, s18;
	s19 =	sor.u32 $0x900, s14  }
0x80: {  	[tilespmem:s19], [sflag:$0x1] =	stream.linear.gather [hbm4b:s17+s3], $0x80, $0x38;
	[tilespmem:$0x1F280] =	vst v63  }
0x81: {  	s17 =	sadd.s32 $0x20, s18;
	s19 =	sor.u32 $0xA00, s14  }
0x82: {  	[tilespmem:s19], [sflag:$0x1] =	stream.linear.gather [hbm4b:s17+s3], $0x80, $0x38;
	[tilespmem:$0x1F280] =	vst v63  }
0x83: {  	s17 =	sadd.s32 $0x30, s18;
	s19 =	sor.u32 $0xB00, s14  }
0x84: {  	[tilespmem:s19], [sflag:$0x1] =	stream.linear.gather [hbm4b:s17+s3], $0x80, $0x38;
	[tilespmem:$0x1F280] =	vst v63  }
0x85: {  	s17 =	sadd.s32 $0x40, s18;
	s19 =	sor.u32 $0xC00, s14  }
0x86: {  	[tilespmem:s19], [sflag:$0x1] =	stream.linear.gather [hbm4b:s17+s3], $0x80, $0x38;
	[tilespmem:$0x1F280] =	vst v63  }
0x87: {  	s17 =	sadd.s32 $0x50, s18;
	s19 =	sor.u32 $0xD00, s14  }
0x88: {  	[tilespmem:s19], [sflag:$0x1] =	stream.linear.gather [hbm4b:s17+s3], $0x80, $0x38;
	[tilespmem:$0x1F280] =	vst v63  }
0x89: {  	s17 =	sadd.s32 $0x60, s18;
	s19 =	sor.u32 $0xE00, s14  }
0x8a: {  	[tilespmem:s19], [sflag:$0x1] =	stream.linear.gather [hbm4b:s17+s3], $0x80, $0x38;
	[tilespmem:$0x1F280] =	vst v63  }
0x8b: {  	s18 =	sadd.s32 $0x70, s18;
	s19 =	sor.u32 $0xF00, s14  }
0x8c: {  	[tilespmem:s19], [sflag:$0x1] =	stream.linear.gather [hbm4b:s18+s3], $0x80, $0x38;
	[tilespmem:$0x1F280] =	vst v63  }
0x8d: {  	s16 =	sadd.s32 s6, s16;
	s19 =	sor.u32 $0x1000, s14  }
0x8e: {  	[tilespmem:s19], [sflag:$0x2] =	stream.linear.gather [hbm4b:s16+s3], $0x80, $0x38;
	[tilespmem:$0x1F280] =	vst v63  }
0x8f: {  	s18 =	sadd.s32 $0x10, s16;
	s19 =	sor.u32 $0x1100, s14  }
0x90: {  	[tilespmem:s19], [sflag:$0x2] =	stream.linear.gather [hbm4b:s18+s3], $0x80, $0x38;
	[tilespmem:$0x1F280] =	vst v63  }
0x91: {  	s18 =	sadd.s32 $0x20, s16;
	s19 =	sor.u32 $0x1200, s14  }
0x92: {  	[tilespmem:s19], [sflag:$0x2] =	stream.linear.gather [hbm4b:s18+s3], $0x80, $0x38;
	[tilespmem:$0x1F280] =	vst v63  }
0x93: {  	s18 =	sadd.s32 $0x30, s16;
	s19 =	sor.u32 $0x1300, s14  }
0x94: {  	[tilespmem:s19], [sflag:$0x2] =	stream.linear.gather [hbm4b:s18+s3], $0x80, $0x38;
	[tilespmem:$0x1F280] =	vst v63  }
0x95: {  	s18 =	sadd.s32 $0x40, s16;
	s19 =	sor.u32 $0x1400, s14  }
0x96: {  	[tilespmem:s19], [sflag:$0x2] =	stream.linear.gather [hbm4b:s18+s3], $0x80, $0x38;
	[tilespmem:$0x1F280] =	vst v63  }
0x97: {  	s18 =	sadd.s32 $0x50, s16;
	s19 =	sor.u32 $0x1500, s14  }
0x98: {  	[tilespmem:s19], [sflag:$0x2] =	stream.linear.gather [hbm4b:s18+s3], $0x80, $0x38;
	[tilespmem:$0x1F280] =	vst v63  }
0x99: {  	s18 =	sadd.s32 $0x60, s16;
	s19 =	sor.u32 $0x1600, s14  }
0x9a: {  	[tilespmem:s19], [sflag:$0x2] =	stream.linear.gather [hbm4b:s18+s3], $0x80, $0x38;
	[tilespmem:$0x1F280] =	vst v63  }
0x9b: {  	s16 =	sadd.s32 $0x70, s16;
	s14 =	sor.u32 $0x1700, s14  }
0x9c: {  	[tilespmem:s14], [sflag:$0x2] =	stream.linear.gather [hbm4b:s16+s3], $0x80, $0x38;
	[tilespmem:$0x1F280] =	vst v63  }
.LBB2_7:
0x9d: {  	_ =	swait.ge [sflag:s9], $0x400  }
0x9e: {  	[sflag:s9] =	ssyncset.done $0x0  }
0x9f: {  	[sflag:s9] =	ssyncadd.s32 $0xFFFFFC00  }
0xa0: {  	_ =	swait.ge [sflag:s9], $0x400  }
0xa1: {  	[sflag:s9] =	ssyncset.done $0x0  }
0xa2: {  	[sflag:s9] =	ssyncadd.s32 $0xFFFFFC00  }
0xa3: {  	_ =	swait.ge [sflag:s10], $0x400  }
0xa4: {  	[sflag:s10] =	ssyncset.done $0x0  }
0xa5: {  	s17 =	sadd.s32 $0x40, s15;
	[sflag:s10] =	ssyncadd.s32 $0xFFFFFC00  }
0xa6: {  	s14 =	sadd.s32 $0x840, s15;
	v0 =	vld [tilespmem:s17+$0x30]  }
0xa7: {  	v1 =	vld [tilespmem:s14+$0x30]  }
0xa8: {  	v4 =	vld [tilespmem:s14+$0xFFFFFFC0]  }
0xa9: {  	v9 =	vld [tilespmem:s17+$0xFFFFFFD0]  }
0xaa: {  	v11 =	vld [tilespmem:s14+$0xFFFFFFD0]  }
0xab: {  	v12 =	vld [tilespmem:s17+$0xFFFFFFE0]  }
0xac: {  	v19 =	vld [tilespmem:s14+$0xFFFFFFF0]  }
0xad: {  	v20 =	vld [tilespmem:s17+$0x0]  }
0xae: {  	v23 =	vld [tilespmem:s17+$0xFFFFFFC0]  }
0xaf: {  	v25 =	vld [tilespmem:s14+$0x10];
	v2 =	vshll.u32 v0, $0x2  }
0xb0: {  	v27 =	vld [tilespmem:s17+$0x20];
	v0 =	vand.u32 $0x7F, v0;
	v3 =	vshll.u32 v1, $0x2;
	v10 =	vshll.u32 v4, $0x2  }
0xb1: {  	v13 =	vshll.u32 v9, $0x2;
	v15 =	vshll.u32 v11, $0x2;
	v4 =	vand.u32 $0x7F, v4  }
0xb2: {  	v14 =	vld [tilespmem:s14+$0xFFFFFFE0];
	v16 =	vshll.u32 v12, $0x2;
	v17 =	vand.u32 $0x7F, v9;
	v11 =	vand.u32 $0x7F, v11  }
0xb3: {  	v18 =	vld [tilespmem:s17+$0xFFFFFFF0];
	v58 =	vshll.u32 v23, $0x2;
	v23 =	vand.u32 $0x7F, v23;
	v61 =	vshll.u32 v19, $0x2  }
0xb4: {  	v21 =	vld [tilespmem:s14+$0x0];
	v41 =	vshll.u32 v20, $0x2;
	v42 =	vand.u32 $0x7F, v19;
	v48 =	vand.u32 $0x7F, v25  }
0xb5: {  	s15 =	sadd.s32 $0x1040, s15;
	v22 =	vld [tilespmem:s17+$0x10];
	v25 =	vshll.u32 v25, $0x2;
	v37 =	vshll.u32 v27, $0x2;
	v2 =	vand.u32 $0xFFFFFE00, v2  }
0xb6: {  	v30 =	vld [tilespmem:s15+$0x30];
	v2 =	vor.u32 v0, v2;
	v0 =	vand.u32 $0x7F, v1;
	v1 =	vand.u32 $0xFFFFFE00, v3  }
0xb7: {  	v28 =	vld [tilespmem:s14+$0x20];
	v50 =	vand.u32 $0x7F, v27;
	v10 =	vand.u32 $0xFFFFFE00, v10;
	v3 =	vor.u32 v0, v1  }
0xb8: {  	v9 =	vld [tilespmem:s15+$0xFFFFFFC0];
	v13 =	vand.u32 $0xFFFFFE00, v13;
	v15 =	vand.u32 $0xFFFFFE00, v15;
	v10 =	vor.u32 v4, v10  }
0xb9: {  	v25 =	vand.u32 $0xFFFFFE00, v25;
	v4 =	vand.u32 $0xFFFFFE00, v16;
	v16 =	vor.u32 v17, v13;
	v13 =	vld [tilespmem:s15+$0xFFFFFFF0]  }
0xba: {  	v40 =	vand.u32 $0xFFFFFE00, v61;
	v15 =	vor.u32 v11, v15;
	v27 =	vor.u32 v48, v25;
	v25 =	vld [tilespmem:s15+$0x10]  }
0xbb: {  	v35 =	vand.u32 $0x7F, v20;
	v11 =	vand.u32 $0xFFFFFE00, v58;
	v20 =	vor.u32 v42, v40;
	v0 =	vld.idx.msk [tilespmem:v2+s1+$0x0], $0xffff  }
0xbc: {  	v32 =	vshll.u32 v18, $0x2;
	v12 =	vand.u32 $0x7F, v12;
	v23 =	vor.u32 v23, v11;
	v1 =	vld.idx.msk [tilespmem:v3+s7+$0x0], $0xffff  }
0xbd: {  	v60 =	vand.u32 $0xFFFFFE00, v32;
	v17 =	vor.u32 v12, v4;
	v12 =	vand.u32 $0x7F, v18;
	v33 =	vld.idx.msk [tilespmem:v10+s7+$0x0], $0xffff  }
0xbe: {  	v19 =	vor.u32 v12, v60;
	v34 =	vld.idx.msk [tilespmem:v16+s1+$0x0], $0xffff  }
0xbf: {  	v12 =	vld.idx.msk [tilespmem:v15+s7+$0x0], $0xffff  }
0xc0: {  	v40 =	vld.idx.msk [tilespmem:v20+s7+$0x0], $0xffff  }
0xc1: {  	v24 =	vmul.f32 v30, v5;
	v46 =	vld.idx.msk [tilespmem:v23+s1+$0x0], $0xffff;
	v57 =	vadd.f32 v1, v0  }
0xc2: {  	v26 =	vor.u32 $0x80, v2;
	v47 =	vld.idx.msk [tilespmem:v17+s1+$0x0], $0xffff  }
0xc3: {  	v31 =	vor.u32 $0x80, v3;
	v38 =	vld.idx.msk [tilespmem:v19+s1+$0x0], $0xffff;
	v24 =	vadd.f32 v57, v24  }
0xc4: {  	v1 =	vshll.u32 v14, $0x2;
	v0 =	vld [tilespmem:s15+$0xFFFFFFD0]  }
0xc5: {  	v14 =	vand.u32 $0x7F, v14;
	v29 =	vand.u32 $0xFFFFFE00, v1;
	v1 =	vld [tilespmem:s15+$0xFFFFFFE0];
	v59 =	vmax.f32 v24, $0.0e+00  }
0xc6: {  	v45 =	vand.u32 $0x7F, v21;
	v32 =	vand.u32 $0xFFFFFE00, v41;
	v18 =	vor.u32 v14, v29;
	[tilespmem:v3+s11+$0x0] =	vst.idx.add.f32.msk $0xffff, v59  }
0xc7: {  	v37 =	vand.u32 $0xFFFFFE00, v37;
	v14 =	vshll.u32 v21, $0x2;
	v21 =	vor.u32 v35, v32;
	v62 =	vld.idx.msk [tilespmem:v26+s1+$0x0], $0xffff  }
0xc8: {  	v41 =	vshll.u32 v28, $0x2;
	v29 =	vor.u32 v50, v37;
	v43 =	vand.u32 $0xFFFFFE00, v14;
	v4 =	vld.idx.msk [tilespmem:v31+s7+$0x0], $0xffff  }
0xc9: {  	v28 =	vand.u32 $0x7F, v28;
	v51 =	vand.u32 $0xFFFFFE00, v41;
	v57 =	vld.idx.msk [tilespmem:v27+s7+$0x0], $0xffff;
	v24 =	vor.u32 v45, v43  }
0xca: {  	v44 =	vshll.u32 v22, $0x2;
	v22 =	vand.u32 $0x7F, v22;
	v28 =	vor.u32 v28, v51;
	v14 =	vld [tilespmem:s15+$0x0]  }
0xcb: {  	v52 =	vmul.f32 v9, v5;
	v32 =	vadd.f32 v33, v46;
	v26 =	vand.u32 $0xFFFFFE00, v44;
	v36 =	vld.idx.msk [tilespmem:v18+s7+$0x0], $0xffff  }
0xcc: {  	v26 =	vor.u32 v22, v26;
	v42 =	vld.idx.msk [tilespmem:v21+s1+$0x0], $0xffff  }
0xcd: {  	v49 =	vmul.f32 v30, v56;
	v22 =	vadd.f32 v32, v52;
	v59 =	vld.idx.msk [tilespmem:v29+s1+$0x0], $0xffff;
	v4 =	vadd.f32 v4, v62  }
0xce: {  	v39 =	vor.u32 $0x100, v2;
	v43 =	vld.idx.msk [tilespmem:v24+s7+$0x0], $0xffff  }
0xcf: {  	v11 =	vor.u32 $0x100, v3;
	v44 =	vmax.f32 v22, $0.0e+00;
	v22 =	vld [tilespmem:s15+$0x20];
	v4 =	vadd.f32 v4, v49  }
0xd0: {  	v12 =	vadd.f32 v12, v34;
	v53 =	vmul.f32 v0, v5;
	v62 =	vld.idx.msk [tilespmem:v28+s7+$0x0], $0xffff  }
0xd1: {  	v60 =	vmul.f32 v13, v5;
	v38 =	vadd.f32 v40, v38;
	v54 =	vld.idx.msk [tilespmem:v26+s1+$0x0], $0xffff;
	v4 =	vmax.f32 v4, $0.0e+00  }
0xd2: {  	v12 =	vadd.f32 v12, v53;
	[tilespmem:v31+s11+$0x0] =	vst.idx.add.f32.msk $0xffff, v4  }
0xd3: {  	v46 =	vadd.f32 v38, v60;
	v52 =	vor.u32 $0x80, v16;
	v4 =	vld.idx.msk [tilespmem:v39+s1+$0x0], $0xffff  }
0xd4: {  	v58 =	vmul.f32 v1, v5;
	v12 =	vmax.f32 v12, $0.0e+00;
	v35 =	vadd.f32 v36, v47;
	v31 =	vld.idx.msk [tilespmem:v11+s7+$0x0], $0xffff  }
0xd5: {  	[tilespmem:v15+s11+$0x0] =	vst.idx.add.f32.msk $0xffff, v12;
	v12 =	vmax.f32 v46, $0.0e+00;
	v49 =	vmul.f32 v22, v5;
	v32 =	vadd.f32 v62, v59  }
0xd6: {  	[tilespmem:v10+s11+$0x0] =	vst.idx.add.f32.msk $0xffff, v44;
	v35 =	vadd.f32 v35, v58;
	v33 =	vadd.f32 v57, v54;
	v54 =	vor.u32 $0x80, v17  }
0xd7: {  	[tilespmem:v20+s11+$0x0] =	vst.idx.add.f32.msk $0xffff, v12;
	v57 =	vor.u32 $0x80, v19;
	v32 =	vadd.f32 v32, v49  }
0xd8: {  	v61 =	vmul.f32 v14, v5;
	v34 =	vld.idx.msk [tilespmem:v52+s1+$0x0], $0xffff;
	v47 =	vadd.f32 v43, v42;
	v35 =	vmax.f32 v35, $0.0e+00  }
0xd9: {  	v45 =	vmul.f32 v30, v63;
	[tilespmem:v18+s11+$0x0] =	vst.idx.add.f32.msk $0xffff, v35;
	v53 =	vmax.f32 v32, $0.0e+00;
	v4 =	vadd.f32 v31, v4  }
0xda: {  	v2 =	vor.u32 $0x180, v2;
	v48 =	vadd.f32 v47, v61;
	[tilespmem:v28+s11+$0x0] =	vst.idx.add.f32.msk $0xffff, v53  }
0xdb: {  	v3 =	vor.u32 $0x180, v3;
	v32 =	vld.idx.msk [tilespmem:v54+s1+$0x0], $0xffff;
	v4 =	vadd.f32 v4, v45  }
0xdc: {  	v12 =	vmul.f32 v25, v5;
	v31 =	vmax.f32 v48, $0.0e+00;
	v35 =	vld.idx.msk [tilespmem:v57+s1+$0x0], $0xffff  }
0xdd: {  	[tilespmem:v24+s11+$0x0] =	vst.idx.add.f32.msk $0xffff, v31;
	v31 =	vor.u32 $0x80, v15;
	v4 =	vmax.f32 v4, $0.0e+00  }
0xde: {  	v50 =	vadd.f32 v33, v12;
	v12 =	vor.u32 $0x80, v10;
	[tilespmem:v11+s11+$0x0] =	vst.idx.add.f32.msk $0xffff, v4  }
0xdf: {  	v4 =	vor.u32 $0x80, v23;
	v2 =	vld.idx.msk [tilespmem:v2+s1+$0x0], $0xffff  }
0xe0: {  	v43 =	vor.u32 $0x80, v28;
	v11 =	vmax.f32 v50, $0.0e+00;
	v51 =	vld.idx.msk [tilespmem:v3+s7+$0x0], $0xffff  }
0xe1: {  	v60 =	vor.u32 $0x80, v21;
	[tilespmem:v27+s11+$0x0] =	vst.idx.add.f32.msk $0xffff, v11  }
0xe2: {  	v11 =	vor.u32 $0x80, v18;
	v59 =	vld.idx.msk [tilespmem:v31+s7+$0x0], $0xffff  }
0xe3: {  	v62 =	vor.u32 $0x80, v26;
	v58 =	vld.idx.msk [tilespmem:v12+s7+$0x0], $0xffff  }
0xe4: {  	v41 =	vor.u32 $0x80, v27;
	v4 =	vld.idx.msk [tilespmem:v4+s1+$0x0], $0xffff  }
0xe5: {  	v30 =	vmul.f32 v30, v55;
	v54 =	vld.idx.msk [tilespmem:v43+s7+$0x0], $0xffff;
	v2 =	vadd.f32 v51, v2  }
0xe6: {  	v33 =	vor.u32 $0x80, v20;
	v46 =	vld.idx.msk [tilespmem:v60+s1+$0x0], $0xffff  }
0xe7: {  	v47 =	vmul.f32 v0, v56;
	v61 =	vld.idx.msk [tilespmem:v11+s7+$0x0], $0xffff;
	v34 =	vadd.f32 v59, v34;
	v2 =	vadd.f32 v2, v30  }
0xe8: {  	v45 =	vmul.f32 v9, v56;
	v50 =	vld.idx.msk [tilespmem:v62+s1+$0x0], $0xffff;
	v30 =	vor.u32 $0x80, v24  }
0xe9: {  	v51 =	vld.idx.msk [tilespmem:v41+s7+$0x0], $0xffff;
	v34 =	vadd.f32 v34, v47;
	v2 =	vmax.f32 v2, $0.0e+00;
	v4 =	vadd.f32 v58, v4  }
0xea: {  	v58 =	vor.u32 $0x100, v16;
	[tilespmem:v3+s11+$0x0] =	vst.idx.add.f32.msk $0xffff, v2  }
0xeb: {  	v34 =	vmax.f32 v34, $0.0e+00;
	v2 =	vor.u32 $0x80, v29;
	v3 =	vld.idx.msk [tilespmem:v33+s7+$0x0], $0xffff;
	v4 =	vadd.f32 v4, v45  }
0xec: {  	v49 =	vmul.f32 v1, v56;
	v32 =	vadd.f32 v61, v32;
	[tilespmem:v31+s11+$0x0] =	vst.idx.add.f32.msk $0xffff, v34  }
0xed: {  	v52 =	vor.u32 $0x100, v23;
	v48 =	vld.idx.msk [tilespmem:v30+s7+$0x0], $0xffff;
	v4 =	vmax.f32 v4, $0.0e+00  }
0xee: {  	v60 =	vor.u32 $0x100, v17;
	v32 =	vadd.f32 v32, v49;
	[tilespmem:v12+s11+$0x0] =	vst.idx.add.f32.msk $0xffff, v4  }
0xef: {  	v38 =	vadd.f32 v51, v50;
	v49 =	vmul.f32 v25, v56;
	v45 =	vld.idx.msk [tilespmem:v58+s1+$0x0], $0xffff  }
0xf0: {  	v53 =	vmul.f32 v13, v56;
	v4 =	vor.u32 $0x100, v10;
	v32 =	vmax.f32 v32, $0.0e+00;
	v2 =	vld.idx.msk [tilespmem:v2+s1+$0x0], $0xffff  }
0xf1: {  	v38 =	vadd.f32 v38, v49;
	v3 =	vadd.f32 v3, v35;
	[tilespmem:v11+s11+$0x0] =	vst.idx.add.f32.msk $0xffff, v32  }
0xf2: {  	v12 =	vmul.f32 v14, v56;
	v59 =	vld.idx.msk [tilespmem:v52+s1+$0x0], $0xffff;
	v57 =	vadd.f32 v48, v46  }
0xf3: {  	v11 =	vor.u32 $0x100, v15;
	v31 =	vld.idx.msk [tilespmem:v60+s1+$0x0], $0xffff;
	v38 =	vmax.f32 v38, $0.0e+00;
	v3 =	vadd.f32 v3, v53  }
0xf4: {  	v62 =	vor.u32 $0x100, v19;
	[tilespmem:v41+s11+$0x0] =	vst.idx.add.f32.msk $0xffff, v38;
	v12 =	vadd.f32 v57, v12  }
0xf5: {  	v46 =	vor.u32 $0x100, v21;
	v3 =	vmax.f32 v3, $0.0e+00;
	v61 =	vld.idx.msk [tilespmem:v4+s7+$0x0], $0xffff  }
0xf6: {  	[tilespmem:v33+s11+$0x0] =	vst.idx.add.f32.msk $0xffff, v3;
	v3 =	vor.u32 $0x100, v18;
	v12 =	vmax.f32 v12, $0.0e+00  }
0xf7: {  	[tilespmem:v30+s11+$0x0] =	vst.idx.add.f32.msk $0xffff, v12;
	v12 =	vor.u32 $0x100, v20  }
0xf8: {  	v48 =	vor.u32 $0x100, v24;
	v47 =	vld.idx.msk [tilespmem:v11+s7+$0x0], $0xffff  }
0xf9: {  	v51 =	vmul.f32 v22, v56;
	v2 =	vadd.f32 v54, v2;
	v36 =	vld.idx.msk [tilespmem:v62+s1+$0x0], $0xffff  }
0xfa: {  	v58 =	vor.u32 $0x100, v27;
	v34 =	vld.idx.msk [tilespmem:v46+s1+$0x0], $0xffff  }
0xfb: {  	v52 =	vmul.f32 v9, v63;
	v2 =	vadd.f32 v2, v51;
	v32 =	vadd.f32 v61, v59;
	v50 =	vld.idx.msk [tilespmem:v3+s7+$0x0], $0xffff  }
0xfc: {  	v54 =	vor.u32 $0x100, v26;
	v53 =	vld.idx.msk [tilespmem:v12+s7+$0x0], $0xffff  }
0xfd: {  	v42 =	vor.u32 $0x100, v28;
	v57 =	vld.idx.msk [tilespmem:v48+s7+$0x0], $0xffff;
	v2 =	vmax.f32 v2, $0.0e+00;
	v32 =	vadd.f32 v32, v52  }
0xfe: {  	v59 =	vmul.f32 v0, v63;
	[tilespmem:v43+s11+$0x0] =	vst.idx.add.f32.msk $0xffff, v2;
	v2 =	vadd.f32 v47, v45  }
0xff: {  	v15 =	vor.u32 $0x180, v15;
	v60 =	vmul.f32 v1, v63;
	v41 =	vld.idx.msk [tilespmem:v58+s7+$0x0], $0xffff;
	v32 =	vmax.f32 v32, $0.0e+00  }
0x100: {  	v2 =	vadd.f32 v2, v59;
	[tilespmem:v4+s11+$0x0] =	vst.idx.add.f32.msk $0xffff, v32;
	v4 =	vadd.f32 v50, v31  }
0x101: {  	v17 =	vor.u32 $0x180, v17;
	v62 =	vmul.f32 v13, v63;
	v37 =	vld.idx.msk [tilespmem:v54+s1+$0x0], $0xffff;
	v61 =	vadd.f32 v53, v36  }
0x102: {  	v45 =	vld.idx.msk [tilespmem:v42+s7+$0x0], $0xffff;
	v34 =	vadd.f32 v57, v34;
	v2 =	vmax.f32 v2, $0.0e+00;
	v4 =	vadd.f32 v4, v60  }
0x103: {  	[tilespmem:v11+s11+$0x0] =	vst.idx.add.f32.msk $0xffff, v2;
	v36 =	vmul.f32 v14, v63;
	v30 =	vadd.f32 v61, v62  }
0x104: {  	v39 =	vor.u32 $0x100, v29;
	v49 =	vld.idx.msk [tilespmem:v15+s7+$0x0], $0xffff;
	v4 =	vmax.f32 v4, $0.0e+00  }
0x105: {  	v2 =	vadd.f32 v34, v36;
	[tilespmem:v3+s11+$0x0] =	vst.idx.add.f32.msk $0xffff, v4;
	v3 =	vor.u32 $0x180, v23;
	v4 =	vmax.f32 v30, $0.0e+00  }
0x106: {  	[tilespmem:v12+s11+$0x0] =	vst.idx.add.f32.msk $0xffff, v4;
	v4 =	vor.u32 $0x180, v10  }
0x107: {  	v46 =	vor.u32 $0x180, v18;
	v2 =	vmax.f32 v2, $0.0e+00;
	v17 =	vld.idx.msk [tilespmem:v17+s1+$0x0], $0xffff  }
0x108: {  	v19 =	vor.u32 $0x180, v19;
	[tilespmem:v48+s11+$0x0] =	vst.idx.add.f32.msk $0xffff, v2  }
0x109: {  	v20 =	vor.u32 $0x180, v20;
	v12 =	vld.idx.msk [tilespmem:v39+s1+$0x0], $0xffff  }
0x10a: {  	v2 =	vor.u32 $0x180, v16;
	v3 =	vld.idx.msk [tilespmem:v3+s1+$0x0], $0xffff  }
0x10b: {  	v24 =	vor.u32 $0x180, v24;
	v47 =	vld.idx.msk [tilespmem:v4+s7+$0x0], $0xffff  }
0x10c: {  	v43 =	vmul.f32 v25, v63;
	v44 =	vadd.f32 v41, v37;
	v51 =	vld.idx.msk [tilespmem:v46+s7+$0x0], $0xffff  }
0x10d: {  	v48 =	vor.u32 $0x180, v21;
	v52 =	vld.idx.msk [tilespmem:v19+s1+$0x0], $0xffff  }
0x10e: {  	v50 =	vmul.f32 v22, v63;
	v10 =	vadd.f32 v44, v43;
	v54 =	vld.idx.msk [tilespmem:v20+s7+$0x0], $0xffff;
	v12 =	vadd.f32 v45, v12  }
0x10f: {  	v6 =	vor.u32 $0x180, v27;
	v9 =	vmul.f32 v9, v55;
	v2 =	vld.idx.msk [tilespmem:v2+s1+$0x0], $0xffff  }
0x110: {  	v59 =	vld.idx.msk [tilespmem:v24+s7+$0x0], $0xffff;
	v10 =	vmax.f32 v10, $0.0e+00;
	v12 =	vadd.f32 v12, v50;
	v3 =	vadd.f32 v47, v3  }
0x111: {  	v53 =	vor.u32 $0x180, v26;
	[tilespmem:v58+s11+$0x0] =	vst.idx.add.f32.msk $0xffff, v10  }
0x112: {  	v58 =	vor.u32 $0x180, v29;
	v57 =	vld.idx.msk [tilespmem:v48+s1+$0x0], $0xffff;
	v12 =	vmax.f32 v12, $0.0e+00;
	v3 =	vadd.f32 v3, v9  }
0x113: {  	v7 =	vor.u32 $0x180, v28;
	[tilespmem:v42+s11+$0x0] =	vst.idx.add.f32.msk $0xffff, v12  }
0x114: {  	v0 =	vmul.f32 v0, v55;
	v2 =	vadd.f32 v49, v2;
	v12 =	vld.idx.msk [tilespmem:v6+s7+$0x0], $0xffff;
	v3 =	vmax.f32 v3, $0.0e+00  }
0x115: {  	v1 =	vmul.f32 v1, v55;
	[tilespmem:v4+s11+$0x0] =	vst.idx.add.f32.msk $0xffff, v3;
	v3 =	vadd.f32 v51, v17  }
0x116: {  	v60 =	vadd.f32 v54, v52;
	v0 =	vadd.f32 v2, v0;
	v2 =	vmul.f32 v13, v55;
	v4 =	vld.idx.msk [tilespmem:v53+s1+$0x0], $0xffff  }
0x117: {  	v61 =	vmul.f32 v14, v55;
	v10 =	vld.idx.msk [tilespmem:v58+s1+$0x0], $0xffff;
	v1 =	vadd.f32 v3, v1  }
0x118: {  	v62 =	vld.idx.msk [tilespmem:v7+s7+$0x0], $0xffff;
	v0 =	vmax.f32 v0, $0.0e+00;
	v2 =	vadd.f32 v60, v2;
	v3 =	vadd.f32 v59, v57  }
0x119: {  	[tilespmem:v15+s11+$0x0] =	vst.idx.add.f32.msk $0xffff, v0;
	v1 =	vmax.f32 v1, $0.0e+00  }
0x11a: {  	v0 =	vadd.f32 v3, v61;
	[tilespmem:v46+s11+$0x0] =	vst.idx.add.f32.msk $0xffff, v1;
	v1 =	vmax.f32 v2, $0.0e+00  }
0x11b: {  	v2 =	vmul.f32 v25, v55;
	[tilespmem:v20+s11+$0x0] =	vst.idx.add.f32.msk $0xffff, v1;
	v1 =	vadd.f32 v12, v4  }
0x11c: {  	v14 =	vmul.f32 v22, v55;
	v0 =	vmax.f32 v0, $0.0e+00  }
0x11d: {  	s16 =	simm.s32 $0x0;
	s17 =	sadd.s32 $0x100, s17;
	[tilespmem:v24+s11+$0x0] =	vst.idx.add.f32.msk $0xffff, v0;
	v0 =	vadd.f32 v1, v2;
	v1 =	vadd.f32 v62, v10  }
.LBB2_8:
0x11e: {  	v2 =	vld [tilespmem:s17+$0x30]  }
0x11f: {  	v9 =	vld [tilespmem:s17+$0xFFFFFFE0]  }
0x120: {  	v33 =	vld [tilespmem:s17+$0x20]  }
0x121: {  	v0 =	vmax.f32 v0, $0.0e+00;
	s14 =	sadd.s32 $0x100, s14;
	v38 =	vld [tilespmem:s17+$0xFFFFFFC0]  }
0x122: {  	[tilespmem:$0x1FF70] =	vst v0;
	v0 =	vadd.f32 v1, v14;
	v1 =	vld [tilespmem:s14+$0x30]  }
0x123: {  	v3 =	vld [tilespmem:s14+$0xFFFFFFC0]  }
0x124: {  	v4 =	vld [tilespmem:s14+$0xFFFFFFD0];
	v0 =	vmax.f32 v0, $0.0e+00  }
0x125: {  	v11 =	vld [tilespmem:s14+$0xFFFFFFE0];
	v10 =	vshll.u32 v2, $0x2;
	v2 =	vand.u32 $0x7F, v2;
	v13 =	vshll.u32 v9, $0x2  }
0x126: {  	v14 =	vld [tilespmem:s17+$0xFFFFFFF0];
	v9 =	vand.u32 $0x7F, v9;
	v53 =	vshll.u32 v33, $0x2;
	v57 =	vshll.u32 v38, $0x2  }
0x127: {  	v15 =	vld [tilespmem:s14+$0xFFFFFFF0];
	v38 =	vand.u32 $0x7F, v38;
	v41 =	vand.u32 $0x7F, v33;
	v10 =	vand.u32 $0xFFFFFE00, v10  }
0x128: {  	[tilespmem:$0x1FF90] =	vst v0;
	v0 =	vld [tilespmem:s17+$0xFFFFFFD0];
	v12 =	vshll.u32 v1, $0x2;
	v1 =	vand.u32 $0x7F, v1;
	v50 =	vshll.u32 v3, $0x2  }
0x129: {  	v16 =	vld [tilespmem:s14+$0x0];
	v51 =	vshll.u32 v4, $0x2;
	v3 =	vand.u32 $0x7F, v3;
	v20 =	vand.u32 $0xFFFFFE00, v13  }
0x12a: {  	v17 =	vld [tilespmem:s17+$0x10];
	v13 =	vshll.u32 v11, $0x2;
	v18 =	vor.u32 v2, v10;
	v2 =	vand.u32 $0xFFFFFE00, v12  }
0x12b: {  	v31 =	vld [tilespmem:s14+$0x10];
	v22 =	vand.u32 $0xFFFFFE00, v13;
	v13 =	vshll.u32 v14, $0x2;
	v19 =	vor.u32 v1, v2  }
0x12c: {  	s15 =	sadd.s32 $0x100, s15;
	v37 =	vld [tilespmem:s14+$0x20];
	v4 =	vand.u32 $0x7F, v4;
	v24 =	vand.u32 $0xFFFFFE00, v13;
	v13 =	vshll.u32 v15, $0x2  }
0x12d: {  	v29 =	vand.u32 $0x7F, v14;
	v12 =	vshll.u32 v0, $0x2;
	v28 =	vand.u32 $0xFFFFFE00, v13;
	v13 =	vld [tilespmem:s15+$0x30]  }
0x12e: {  	v32 =	vand.u32 $0x7F, v15;
	v35 =	vand.u32 $0x7F, v16;
	v2 =	vand.u32 $0xFFFFFE00, v12;
	v12 =	vld [tilespmem:s17+$0x0]  }
0x12f: {  	v10 =	vand.u32 $0xFFFFFE00, v51;
	v14 =	vshll.u32 v16, $0x2;
	v45 =	vor.u32 v9, v20;
	v23 =	vld.idx.msk [tilespmem:v18+s1+$0x0], $0xffff  }
0x130: {  	v1 =	vand.u32 $0xFFFFFE00, v50;
	v34 =	vand.u32 $0xFFFFFE00, v14;
	v14 =	vshll.u32 v17, $0x2;
	v26 =	vld.idx.msk [tilespmem:v19+s7+$0x0], $0xffff  }
0x131: {  	[tilespmem:$0x1FFA0] =	vst v7;
	v7 =	vld [tilespmem:s15+$0x20];
	v25 =	vor.u32 v4, v10;
	v4 =	vshll.u32 v31, $0x2;
	v27 =	vor.u32 v3, v1  }
0x132: {  	v16 =	vld [tilespmem:s15+$0xFFFFFFE0];
	v3 =	vand.u32 $0x7F, v31;
	v31 =	vand.u32 $0xFFFFFE00, v57;
	v33 =	vor.u32 v29, v24  }
0x133: {  	v15 =	vld [tilespmem:s15+$0xFFFFFFD0];
	v0 =	vand.u32 $0x7F, v0;
	v49 =	vor.u32 v38, v31;
	v21 =	vshll.u32 v12, $0x2  }
0x134: {  	v36 =	vand.u32 $0xFFFFFE00, v14;
	v14 =	vld [tilespmem:s15+$0xFFFFFFC0];
	v39 =	vor.u32 v32, v28;
	v30 =	vand.u32 $0xFFFFFE00, v21  }
0x135: {  	v51 =	vld.idx.msk [tilespmem:v45+s1+$0x0], $0xffff;
	v21 =	vor.u32 v0, v2;
	v2 =	vmul.f32 v13, v5;
	v1 =	vadd.f32 v26, v23  }
0x136: {  	v52 =	vor.u32 $0x80, v18;
	v4 =	vand.u32 $0xFFFFFE00, v4;
	v48 =	vld.idx.msk [tilespmem:v27+s7+$0x0], $0xffff  }
0x137: {  	v43 =	vor.u32 v35, v34;
	v35 =	vld.idx.msk [tilespmem:v33+s1+$0x0], $0xffff;
	v1 =	vadd.f32 v1, v2;
	v2 =	vor.u32 $0x80, v19  }
0x138: {  	v40 =	vor.u32 v3, v4;
	v4 =	vld.idx.msk [tilespmem:v49+s1+$0x0], $0xffff  }
0x139: {  	v60 =	vld.idx.msk [tilespmem:v39+s7+$0x0], $0xffff;
	v1 =	vmax.f32 v1, $0.0e+00  }
0x13a: {  	v11 =	vand.u32 $0x7F, v11;
	[tilespmem:v19+s11+$0x0] =	vst.idx.add.f32.msk $0xffff, v1  }
0x13b: {  	v47 =	vor.u32 v11, v22;
	v58 =	vld.idx.msk [tilespmem:v52+s1+$0x0], $0xffff  }
0x13c: {  	v12 =	vand.u32 $0x7F, v12;
	v0 =	vand.u32 $0x7F, v17;
	v59 =	vld.idx.msk [tilespmem:v2+s7+$0x0], $0xffff  }
0x13d: {  	v46 =	vor.u32 v12, v30;
	v44 =	vor.u32 v0, v36;
	v0 =	vld.idx.msk [tilespmem:v25+s7+$0x0], $0xffff  }
0x13e: {  	[tilespmem:$0x1FF80] =	vst v6;
	v23 =	vand.u32 $0xFFFFFE00, v53;
	v6 =	vor.u32 $0x80, v46;
	v22 =	vld.idx.msk [tilespmem:v21+s1+$0x0], $0xffff  }
0x13f: {  	v17 =	vld [tilespmem:s15+$0xFFFFFFF0];
	v41 =	vor.u32 v41, v23;
	[tilespmem:$0x1FED0] =	vst v6;
	v6 =	vor.u32 $0x80, v44  }
0x140: {  	v54 =	vshll.u32 v37, $0x2;
	v53 =	vld.idx.msk [tilespmem:v47+s7+$0x0], $0xffff;
	[tilespmem:$0x1FEE0] =	vst v6;
	v6 =	vor.u32 $0x80, v41  }
0x141: {  	v26 =	vand.u32 $0xFFFFFE00, v54;
	v54 =	vmul.f32 v13, v56;
	[tilespmem:$0x1FEF0] =	vst v6;
	v6 =	vld [tilespmem:s15+$0x10];
	v9 =	vadd.f32 v59, v58  }
0x142: {  	v10 =	vor.u32 $0x100, v19;
	v3 =	vmul.f32 v15, v5;
	v61 =	vld.idx.msk [tilespmem:v46+s1+$0x0], $0xffff;
	v59 =	vor.u32 $0x100, v18  }
0x143: {  	v32 =	vld.idx.msk [tilespmem:v44+s1+$0x0], $0xffff;
	v1 =	vand.u32 $0x7F, v37;
	v0 =	vadd.f32 v0, v22;
	v9 =	vadd.f32 v9, v54  }
0x144: {  	v4 =	vadd.f32 v48, v4;
	v37 =	vld [tilespmem:s15+$0x0];
	v42 =	vor.u32 v1, v26;
	v1 =	vmul.f32 v14, v5  }
0x145: {  	v0 =	vadd.f32 v0, v3;
	v3 =	vld.idx.msk [tilespmem:v43+s7+$0x0], $0xffff;
	v9 =	vmax.f32 v9, $0.0e+00  }
0x146: {  	v1 =	vadd.f32 v4, v1;
	v4 =	vor.u32 $0x100, v49;
	[tilespmem:v2+s11+$0x0] =	vst.idx.add.f32.msk $0xffff, v9  }
0x147: {  	v62 =	vor.u32 $0x80, v45;
	[tilespmem:$0x1FF10] =	vst v4;
	v4 =	vmul.f32 v17, v56;
	v9 =	vld.idx.msk [tilespmem:v59+s1+$0x0], $0xffff  }
0x148: {  	v20 =	vor.u32 $0x80, v27;
	v28 =	vmul.f32 v17, v5;
	v22 =	vadd.f32 v60, v35;
	v31 =	vld.idx.msk [tilespmem:v10+s7+$0x0], $0xffff  }
0x149: {  	v57 =	vor.u32 $0x80, v33;
	v12 =	vmul.f32 v16, v5;
	v35 =	vld.idx.msk [tilespmem:v40+s7+$0x0], $0xffff;
	v1 =	vmax.f32 v1, $0.0e+00;
	[tilespmem:$0x1FF00] =	vst v4  }
0x14a: {  	v11 =	vadd.f32 v22, v28;
	[tilespmem:v27+s11+$0x0] =	vst.idx.add.f32.msk $0xffff, v1;
	v0 =	vmax.f32 v0, $0.0e+00;
	v2 =	vadd.f32 v53, v51  }
0x14b: {  	v50 =	vor.u32 $0x80, v21;
	[tilespmem:v25+s11+$0x0] =	vst.idx.add.f32.msk $0xffff, v0;
	v36 =	vadd.f32 v3, v61;
	v3 =	vor.u32 $0x100, v21  }
0x14c: {  	v52 =	vor.u32 $0x80, v49;
	v60 =	vld.idx.msk [tilespmem:v42+s7+$0x0], $0xffff;
	v61 =	vmax.f32 v11, $0.0e+00;
	[tilespmem:$0x1FF20] =	vst v3;
	v2 =	vadd.f32 v2, v12  }
0x14d: {  	v3 =	vor.u32 $0x100, v45;
	[tilespmem:v39+s11+$0x0] =	vst.idx.add.f32.msk $0xffff, v61;
	v59 =	vmul.f32 v13, v63;
	v9 =	vadd.f32 v31, v9  }
0x14e: {  	v29 =	vor.u32 $0x80, v43;
	v58 =	vld.idx.msk [tilespmem:v41+s1+$0x0], $0xffff;
	v18 =	vor.u32 $0x180, v18;
	[tilespmem:$0x1FF30] =	vst v3;
	v2 =	vmax.f32 v2, $0.0e+00  }
0x14f: {  	v4 =	vor.u32 $0x180, v19;
	[tilespmem:v47+s11+$0x0] =	vst.idx.add.f32.msk $0xffff, v2;
	v2 =	vor.u32 $0x100, v33;
	v1 =	vadd.f32 v9, v59  }
0x150: {  	v24 =	vor.u32 $0x80, v39;
	v23 =	vor.u32 $0x80, v25;
	v50 =	vld.idx.msk [tilespmem:v50+s1+$0x0], $0xffff;
	[tilespmem:$0x1FF40] =	vst v2;
	v2 =	vor.u32 $0x100, v46  }
0x151: {  	v26 =	vor.u32 $0x80, v47;
	v38 =	vmul.f32 v37, v5;
	v3 =	vld.idx.msk [tilespmem:v52+s1+$0x0], $0xffff;
	[tilespmem:$0x1FF50] =	vst v2;
	v1 =	vmax.f32 v1, $0.0e+00  }
0x152: {  	v34 =	vor.u32 $0x80, v42;
	v0 =	vadd.f32 v35, v32;
	v2 =	vmul.f32 v6, v5;
	[tilespmem:v10+s11+$0x0] =	vst.idx.add.f32.msk $0xffff, v1  }
0x153: {  	v22 =	vor.u32 $0x100, v27;
	v28 =	vor.u32 $0x100, v25;
	v32 =	vor.u32 $0x100, v39;
	v1 =	vld.idx.msk [tilespmem:v18+s1+$0x0], $0xffff  }
0x154: {  	v35 =	vor.u32 $0x100, v43;
	v11 =	vmul.f32 v7, v5;
	v0 =	vadd.f32 v0, v2;
	v19 =	vld.idx.msk [tilespmem:v4+s7+$0x0], $0xffff  }
0x155: {  	v51 =	vmul.f32 v14, v56;
	v53 =	vmul.f32 v15, v56;
	v36 =	vadd.f32 v36, v38;
	v2 =	vld.idx.msk [tilespmem:v20+s7+$0x0], $0xffff  }
0x156: {  	v48 =	vadd.f32 v60, v58;
	v58 =	vmul.f32 v6, v56;
	v57 =	vld.idx.msk [tilespmem:v57+s1+$0x0], $0xffff;
	v0 =	vmax.f32 v0, $0.0e+00  }
0x157: {  	v60 =	vor.u32 $0x100, v44;
	v8 =	vmax.f32 v36, $0.0e+00;
	[tilespmem:v40+s11+$0x0] =	vst.idx.add.f32.msk $0xffff, v0;
	v0 =	vmul.f32 v7, v63  }
0x158: {  	v12 =	vmul.f32 v16, v56;
	[tilespmem:v43+s11+$0x0] =	vst.idx.add.f32.msk $0xffff, v8;
	v9 =	vadd.f32 v48, v11;
	v18 =	vor.u32 $0x180, v27  }
0x159: {  	v27 =	vor.u32 $0x180, v25;
	[tilespmem:$0x1FF60] =	vst v0;
	v0 =	vld.idx.msk [tilespmem:v26+s7+$0x0], $0xffff;
	v25 =	vadd.f32 v19, v1;
	v1 =	vmul.f32 v13, v55  }
0x15a: {  	v8 =	vmax.f32 v9, $0.0e+00;
	v2 =	vadd.f32 v2, v3;
	v13 =	vld.idx.msk [tilespmem:v23+s7+$0x0], $0xffff;
	v19 =	vor.u32 $0x180, v39  }
0x15b: {  	v39 =	vld.idx.msk [tilespmem:v62+s1+$0x0], $0xffff;
	v62 =	vor.u32 $0x180, v43;
	v43 =	vor.u32 $0x180, v44;
	v44 =	vadd.f32 v25, v1  }
0x15c: {  	v38 =	vor.u32 $0x100, v42;
	v10 =	vmul.f32 v14, v63;
	[tilespmem:v42+s11+$0x0] =	vst.idx.add.f32.msk $0xffff, v8;
	v2 =	vadd.f32 v2, v51  }
0x15d: {  	v3 =	vld.idx.msk [tilespmem:v24+s7+$0x0], $0xffff;
	v25 =	vor.u32 $0x180, v42;
	v42 =	vmul.f32 v14, v55;
	v14 =	vmax.f32 v44, $0.0e+00  }
0x15e: {  	v59 =	vor.u32 $0x100, v41;
	v11 =	vmul.f32 v15, v63;
	v8 =	vmul.f32 v6, v63;
	[tilespmem:v4+s11+$0x0] =	vst.idx.add.f32.msk $0xffff, v14  }
0x15f: {  	v2 =	vmax.f32 v2, $0.0e+00;
	v1 =	vor.u32 $0x180, v41;
	v4 =	vadd.f32 v13, v50;
	v13 =	vld [tilespmem:$0x1FED0]  }
0x160: {  	v41 =	vmul.f32 v15, v55;
	v15 =	vmul.f32 v6, v55;
	v6 =	vld.idx.msk [tilespmem:v29+s7+$0x0], $0xffff;
	v0 =	vadd.f32 v0, v39  }
0x161: {  	[tilespmem:v20+s11+$0x0] =	vst.idx.add.f32.msk $0xffff, v2  }
0x162: {  	v2 =	vld [tilespmem:$0x1FF00];
	v0 =	vadd.f32 v0, v12  }
0x163: {  	v5 =	vmul.f32 v7, v56;
	v14 =	vmul.f32 v7, v55;
	v7 =	vld [tilespmem:$0x1FEE0]  }
0x164: {  	v12 =	vld [tilespmem:$0x1FEF0];
	v0 =	vmax.f32 v0, $0.0e+00  }
0x165: {  	v30 =	vor.u32 $0x80, v40;
	[tilespmem:v26+s11+$0x0] =	vst.idx.add.f32.msk $0xffff, v0  }
0x166: {  	v3 =	vadd.f32 v3, v57;
	v0 =	vld [tilespmem:$0x1FF10]  }
0x167: {  	v13 =	vld.idx.msk [tilespmem:v13+s1+$0x0], $0xffff  }
0x168: {  	v2 =	vadd.f32 v3, v2  }
0x169: {  	v57 =	vld.idx.msk [tilespmem:v34+s7+$0x0], $0xffff  }
0x16a: {  	v4 =	vadd.f32 v4, v53;
	v53 =	vld.idx.msk [tilespmem:v30+s7+$0x0], $0xffff;
	v2 =	vmax.f32 v2, $0.0e+00  }
0x16b: {  	[tilespmem:v24+s11+$0x0] =	vst.idx.add.f32.msk $0xffff, v2  }
0x16c: {  	v54 =	vmul.f32 v37, v56;
	v7 =	vld.idx.msk [tilespmem:v7+s1+$0x0], $0xffff;
	v3 =	vadd.f32 v6, v13  }
0x16d: {  	v2 =	vld.idx.msk [tilespmem:v22+s7+$0x0], $0xffff  }
0x16e: {  	v12 =	vld.idx.msk [tilespmem:v12+s1+$0x0], $0xffff;
	v3 =	vadd.f32 v3, v54  }
0x16f: {  	v4 =	vmax.f32 v4, $0.0e+00;
	v0 =	vld.idx.msk [tilespmem:v0+s1+$0x0], $0xffff  }
0x170: {  	[tilespmem:v23+s11+$0x0] =	vst.idx.add.f32.msk $0xffff, v4;
	v3 =	vmax.f32 v3, $0.0e+00  }
0x171: {  	v4 =	vadd.f32 v53, v7;
	[tilespmem:v29+s11+$0x0] =	vst.idx.add.f32.msk $0xffff, v3  }
0x172: {  	v3 =	vld [tilespmem:$0x1FF20]  }
0x173: {  	v4 =	vadd.f32 v4, v58  }
0x174: {  	v6 =	vadd.f32 v57, v12;
	v0 =	vadd.f32 v2, v0;
	v2 =	vld [tilespmem:$0x1FF30];
	_ =	sdelay $0x1  }
0x175: {  	v31 =	vor.u32 $0x100, v47;
	v4 =	vmax.f32 v4, $0.0e+00;
	v5 =	vadd.f32 v6, v5;
	v6 =	vld [tilespmem:$0x1FF40]  }
0x176: {  	[tilespmem:v30+s11+$0x0] =	vst.idx.add.f32.msk $0xffff, v4  }
0x177: {  	v4 =	vld.idx.msk [tilespmem:v28+s7+$0x0], $0xffff;
	v5 =	vmax.f32 v5, $0.0e+00  }
0x178: {  	[tilespmem:v34+s11+$0x0] =	vst.idx.add.f32.msk $0xffff, v5  }
0x179: {  	v3 =	vld.idx.msk [tilespmem:v3+s1+$0x0], $0xffff  }
0x17a: {  	v5 =	vld.idx.msk [tilespmem:v31+s7+$0x0], $0xffff  }
0x17b: {  	v2 =	vld.idx.msk [tilespmem:v2+s1+$0x0], $0xffff  }
0x17c: {  	v7 =	vld.idx.msk [tilespmem:v32+s7+$0x0], $0xffff  }
0x17d: {  	v6 =	vld.idx.msk [tilespmem:v6+s1+$0x0], $0xffff  }
0x17e: {  	v3 =	vadd.f32 v4, v3;
	v4 =	vld [tilespmem:$0x1FF50]  }
0x17f: {  	v36 =	vor.u32 $0x100, v40;
	v58 =	vld.idx.msk [tilespmem:v35+s7+$0x0], $0xffff;
	v0 =	vadd.f32 v0, v10  }
0x180: {  	v48 =	vmul.f32 v16, v63;
	v60 =	vld.idx.msk [tilespmem:v60+s1+$0x0], $0xffff;
	v2 =	vadd.f32 v5, v2  }
0x181: {  	v12 =	vld.idx.msk [tilespmem:v59+s1+$0x0], $0xffff;
	v0 =	vmax.f32 v0, $0.0e+00  }
0x182: {  	v61 =	vor.u32 $0x180, v49;
	[tilespmem:v22+s11+$0x0] =	vst.idx.add.f32.msk $0xffff, v0;
	v2 =	vadd.f32 v2, v48  }
0x183: {  	v9 =	vmul.f32 v17, v63;
	v6 =	vadd.f32 v7, v6;
	v7 =	vld.idx.msk [tilespmem:v38+s7+$0x0], $0xffff  }
0x184: {  	v5 =	vld.idx.msk [tilespmem:v36+s7+$0x0], $0xffff;
	v0 =	vmax.f32 v2, $0.0e+00  }
0x185: {  	v2 =	vadd.f32 v6, v9;
	[tilespmem:v31+s11+$0x0] =	vst.idx.add.f32.msk $0xffff, v0  }
0x186: {  	v4 =	vld.idx.msk [tilespmem:v4+s1+$0x0], $0xffff  }
0x187: {  	v0 =	vld.idx.msk [tilespmem:v61+s1+$0x0], $0xffff;
	v2 =	vmax.f32 v2, $0.0e+00  }
0x188: {  	v3 =	vadd.f32 v3, v11;
	[tilespmem:v32+s11+$0x0] =	vst.idx.add.f32.msk $0xffff, v2  }
0x189: {  	v45 =	vor.u32 $0x180, v45;
	v2 =	vld.idx.msk [tilespmem:v18+s7+$0x0], $0xffff  }
0x18a: {  	v3 =	vmax.f32 v3, $0.0e+00;
	v6 =	vld [tilespmem:$0x1FF60]  }
0x18b: {  	v49 =	vmul.f32 v37, v63;
	[tilespmem:v28+s11+$0x0] =	vst.idx.add.f32.msk $0xffff, v3;
	v3 =	vadd.f32 v58, v4  }
0x18c: {  	v52 =	vor.u32 $0x180, v21  }
0x18d: {  	v4 =	vadd.f32 v5, v60;
	v3 =	vadd.f32 v3, v49  }
0x18e: {  	v0 =	vadd.f32 v2, v0;
	v2 =	vld.idx.msk [tilespmem:v45+s1+$0x0], $0xffff;
	v5 =	vadd.f32 v7, v12  }
0x18f: {  	v21 =	vor.u32 $0x180, v47;
	v7 =	vld.idx.msk [tilespmem:v19+s7+$0x0], $0xffff;
	v4 =	vadd.f32 v4, v8;
	v3 =	vmax.f32 v3, $0.0e+00  }
0x190: {  	v5 =	vadd.f32 v5, v6;
	[tilespmem:v35+s11+$0x0] =	vst.idx.add.f32.msk $0xffff, v3  }
0x191: {  	v47 =	vor.u32 $0x180, v33;
	v4 =	vmax.f32 v4, $0.0e+00;
	v3 =	vld.idx.msk [tilespmem:v52+s1+$0x0], $0xffff  }
0x192: {  	v5 =	vmax.f32 v5, $0.0e+00;
	[tilespmem:v36+s11+$0x0] =	vst.idx.add.f32.msk $0xffff, v4  }
0x193: {  	[tilespmem:v38+s11+$0x0] =	vst.idx.add.f32.msk $0xffff, v5  }
0x194: {  	v5 =	vld.idx.msk [tilespmem:v21+s7+$0x0], $0xffff  }
0x195: {  	v4 =	vld.idx.msk [tilespmem:v27+s7+$0x0], $0xffff  }
0x196: {  	v46 =	vor.u32 $0x180, v46;
	v6 =	vld.idx.msk [tilespmem:v47+s1+$0x0], $0xffff;
	_ =	sdelay $0x1  }
0x197: {  	v33 =	vor.u32 $0x180, v40  }
0x198: {  	v40 =	vmul.f32 v16, v55;
	v0 =	vadd.f32 v0, v42;
	v2 =	vadd.f32 v5, v2  }
0x199: {  	v17 =	vmul.f32 v17, v55;
	v8 =	vld.idx.msk [tilespmem:v62+s7+$0x0], $0xffff;
	v3 =	vadd.f32 v4, v3  }
0x19a: {  	v0 =	vmax.f32 v0, $0.0e+00;
	v6 =	vadd.f32 v7, v6;
	v4 =	vld.idx.msk [tilespmem:v46+s1+$0x0], $0xffff;
	v2 =	vadd.f32 v2, v40  }
0x19b: {  	[tilespmem:v18+s11+$0x0] =	vst.idx.add.f32.msk $0xffff, v0;
	v3 =	vadd.f32 v3, v41  }
0x19c: {  	v0 =	vmax.f32 v2, $0.0e+00;
	v2 =	vadd.f32 v6, v17;
	v6 =	vld [tilespmem:$0x1FF80]  }
0x19d: {  	v3 =	vmax.f32 v3, $0.0e+00  }
0x19e: {  	[tilespmem:v27+s11+$0x0] =	vst.idx.add.f32.msk $0xffff, v3  }
0x19f: {  	v3 =	vadd.f32 v8, v4;
	v4 =	vld [tilespmem:$0x1FF70]  }
0x1a0: {  	v61 =	vld.idx.msk [tilespmem:v43+s1+$0x0], $0xffff  }
0x1a1: {  	v5 =	vld.idx.msk [tilespmem:v33+s7+$0x0], $0xffff  }
0x1a2: {  	v1 =	vld.idx.msk [tilespmem:v1+s1+$0x0], $0xffff  }
0x1a3: {  	v7 =	vld.idx.msk [tilespmem:v25+s7+$0x0], $0xffff  }
0x1a4: {  	v44 =	vmul.f32 v37, v55;
	[tilespmem:v6+s11+$0x0] =	vst.idx.add.f32.msk $0xffff, v4  }
0x1a5: {  	v4 =	vld [tilespmem:$0x1FFA0]  }
0x1a6: {  	[tilespmem:v21+s11+$0x0] =	vst.idx.add.f32.msk $0xffff, v0;
	v0 =	vmax.f32 v2, $0.0e+00;
	v2 =	vadd.f32 v3, v44;
	v3 =	vadd.f32 v5, v61  }
0x1a7: {  	s16 =	sadd.s32 $0x8, s16;
	[tilespmem:v19+s11+$0x0] =	vst.idx.add.f32.msk $0xffff, v0  }
0x1a8: {  	p0 =	slt.u32 s16, $0x38;
	v0 =	vadd.f32 v3, v15;
	v3 =	vld [tilespmem:$0x1FF90]  }
.Ltmp2:
0x1a9: {  	_ = 	snop;
	(pc) =	sbr.rel @p0 .LBB2_8-.Ltmp2, $4  }
0x1aa: {  	_ = 	snop  }
0x1ab: {  	v5 =	vld [tilespmem:$0x1FFB0];
	v2 =	vmax.f32 v2, $0.0e+00  }
0x1ac: {  	[tilespmem:v62+s11+$0x0] =	vst.idx.add.f32.msk $0xffff, v2  }
0x1ad: {  	s17 =	sadd.s32 $0x100, s17;
	v1 =	vadd.f32 v7, v1;
	v7 =	vmov v25;
	v6 =	vmov v33;
	[tilespmem:v4+s11+$0x0] =	vst.idx.add.f32.msk $0xffff, v3  }
0x1ae: {  	_ =	sdelay $0x1  }
0x1af: {  	v1 =	vadd.f32 v1, v14  }
0x1b0: {  	v0 =	vmax.f32 v0, $0.0e+00  }
0x1b1: {  	[tilespmem:v6+s11+$0x0] =	vst.idx.add.f32.msk $0xffff, v0;
	v1 =	vmax.f32 v1, $0.0e+00  }
0x1b2: {  	[tilespmem:v7+s11+$0x0] =	vst.idx.add.f32.msk $0xffff, v1  }
0x1b3: {  	p0 =	seq.s32 s13, $0x138  }
.Ltmp3:
0x1b4: {  	_ = 	snop;
	(pc) =	sbr.rel @!p0 .LBB2_5-.Ltmp3, $2  }
0x1b5: {  	_ =	sdelay $0x2  }
0x1b6: {  	s14 =	smov.u32 s13  }
0x1b7: {  	s13 =	rddreg [dreg:$0x5]  }
0x1b8: {  	[hbm4b:s13+s3] =	stream.linear.scatter [tilespmem:s11], [sflag:$0x3], $0x9E00, $0x38;
	[tilespmem:$0x1F280] =	vst v63  }
0x1b9: {  	_ =	swait.ge [sflag:s2], $0x9E00  }
0x1ba: {  	s12 =	sadd.s32 $0x1, s12;
	s19 =	rddreg [dreg:$0x6]  }
0x1bb: {  	p0 =	sne.s32 s12, s19  }
.Ltmp4:
0x1bc: {  	_ = 	snop;
	(pc) =	sbr.rel @p0 .LBB2_1-.Ltmp4, $3  }
0x1bd: {  	_ =	sdelay $0x1  }
0x1be: {  	[sflag:s2] =	ssyncset.done $0x0  }
0x1bf: {  	v0 =	vimm.f32 $0.0e+00;
	[sflag:s2] =	ssyncadd.s32 $0xFFFF6200  }
0x1c0: {  	_ =	sfence.sel $0x180000  }
0x1c1: {  	[bflag:$0x0] =	sbarrier.arrive $0xFFFF  }
0x1c2: {  	_ =	strace $0x90000050  }
0x1c3: {  	s0 =	stileid.u32;
	[bflag:$0x2] =	sbarrier.arrive $0xFFFF  }
0x1c4: {  	p0 =	sne.s32 s0, $0x0;
	s0 =	rddreg [dreg:$0x2]  }
0x1c5: {  	s0 =	sadd.s32 @!p0 $0x100000, s0  }
0x1c6: {  	[sflag:s0] =	ssyncadd.tile.s32 @!p0 $0x1;
	_ =	shalt  }
.Lfunc_end2:
_tile_overlayer_lowered:
.L_overlay_start_2:
0x1c7: {  	(tag) =	ssettag $0x2  }
0x1c8: {  	s0 =	rddreg [dreg:$0x0];
	s2 =	stileid.u32  }
0x1c9: {  	s1 =	rddreg [dreg:$0x1];
	p0 =	sne.s32 s2, $0x0  }
0x1ca: {  	s3 =	rddreg [dreg:$0x2];
	[bflag:$0x3] =	sbarrier.arrive $0xFFFF;
	s2 =	simm.s32 @!p0 $0x1C03  }
0x1cb: {  	[timem:s3], [sflag:s2] =	dma.local @!p0 [hbm:s0], s1  }
0x1cc: {  	s0 =	simm.s32 @!p0 $0x3  }
0x1cd: {  	_ =	swait.ge @!p0 [sflag:s0], s1  }
0x1ce: {  	s1 =	ssub.s32 @!p0 $0x0, s1;
	[sflag:s0] =	ssyncset.done @!p0 $0x0  }
0x1cf: {  	[sflag:s0] =	ssyncadd.s32 @!p0 s1  }
0x1d0: {  	[bflag:$0x3] =	sbarrier.arrive $0xFFFF  }
0x1d1: {  	_ =	shalt  }

</sc_bundles>
